<compile_context>
chip_gen: v7x
topology: tpu7x:2x2x1
jax: 0.10.2.dev20260603
libtpu: 0.0.44.dev20260713+nightly
codegen_flags: <defaults>
</compile_context>

<pallas_src>
import jax
import jax.numpy as jnp
import numpy as np
from jax import lax
from jax.experimental import pallas as pl
from jax.experimental.pallas import tpu as pltpu
from jax.experimental.pallas import tpu_sc as plsc

TBL = 1 << 19
TMASK = TBL - 1
D = 8
NPTS = 524288
M = 200000
MC = 200704
P1 = np.int32(-1640531535)
P2 = np.int32(805459861)
SENT = np.int32(0x7FFFFFFF)
BLK = 256
NB = (NPTS // 16) // BLK
NCOR = BLK * 8
RNG = 65536
BCH = 2048

_CORNERS = ((0, 0, 0), (0, 0, 1), (0, 1, 0), (0, 1, 1),
            (1, 0, 0), (1, 0, 1), (1, 1, 0), (1, 1, 1))

_DN = lax.GatherDimensionNumbers(offset_dims=(), collapsed_slice_dims=(0,),
                                 start_index_map=(0,))


def _body(px_hbm, py_hbm, pz_hbm, cx_hbm, cy_hbm, cz_hbm, f_hbm, out_hbm,
          fc, tab, cxA, cyA, czA, cxB, cyB, czB, win_v,
          rowsA, rowsB, idxA, idxB, wgtA, wgtB, pts_v, fch_v, out_v,
          semA, semB, semSA, semSB):
    cid = lax.axis_index("c")
    sid = lax.axis_index("s")
    iota = lax.iota(jnp.int32, 16)
    iota8 = iota * 8
    i3 = iota >> 3
    i7 = iota & 7
    perm = jnp.minimum(iota + 1, 15)
    zf16 = jnp.zeros((16,), jnp.float32)

    def zrow(j, c_):
        plsc.store_scatter(rowsA, [j * 2 + i3, i7], zf16)
        return c_
    lax.fori_loop(0, 352, zrow, 0, unroll=False)

    for lvlh in (0, 1):
        lvl = 2 * cid + lvlh

        @pl.when(sid == 0)
        def _(lvl=lvl):
            pltpu.sync_copy(rowsA.at[pl.ds(0, 704)], fc.at[lvl, pl.ds(M, 704)])

    for lvlh in (0, 1):
        lvl = 2 * cid + lvlh

        def repack(c, nrows, lvl=lvl):
            for ch in range(8):
                pltpu.sync_copy(
                    f_hbm.at[pl.ds((lvl * 8 + ch) * M + c * 512, 512)],
                    fch_v.at[ch])

            def rgrp(g, c2_):
                p16 = g * 16 + iota
                for ch in range(8):
                    v = fch_v[ch, pl.ds(g * 16, 16)]
                    plsc.store_scatter(rowsA, [p16, jnp.full((16,), ch, jnp.int32)], v)
                return c2_
            lax.fori_loop(0, nrows // 16, rgrp, 0, unroll=False)
            pltpu.sync_copy(rowsA.at[pl.ds(0, nrows)],
                            fc.at[lvl, pl.ds(c * 512, nrows)])

        def fchunk(k, c_, lvl=lvl):
            c = sid + k * 16

            @pl.when(c < 390)
            def _():
                repack(c, 512)

            @pl.when(c == 390)
            def _():
                repack(390, 320)
            return c_
        lax.fori_loop(0, 25, fchunk, 0, unroll=False)

    plsc.subcore_barrier()

    neg1 = jnp.full((16,), -1, jnp.int32)

    def winit(j, c_):
        win_v[pl.ds(j * 16, 16)] = neg1
        return c_
    lax.fori_loop(0, RNG // 16, winit, 0, unroll=False)

    lvl = 2 * cid + (sid >> 3)
    rng_id = sid & 7
    coff = lvl * MC

    def process_chunk(c, cxv, cyv, czv):
        base = c * 2048

        def grp(g, c2_):
            row = base + g * 16 + iota
            x = cxv[pl.ds(g * 16, 16)]
            y = cyv[pl.ds(g * 16, 16)]
            z = czv[pl.ds(g * 16, 16)]
            h = (x ^ (y * P1) ^ (z * P2)) & TMASK
            m = ((h >> 16) == rng_id) & (row < M)
            key = jnp.where(m, ((h & 65535) << 4) | iota, SENT)
            ks, vs = plsc.sort_key_val(key, row)
            loc = ks >> 4
            nxt = lax.gather(loc, perm[:, None], _DN, (1,),
                             mode=lax.GatherScatterMode.PROMISE_IN_BOUNDS)
            valid = ((loc != nxt) | (iota == 15)) & (ks != SENT)
            loc2 = jnp.where(valid, loc & 65535, 0)
            cur = plsc.load_gather(win_v, [loc2], mask=valid)
            plsc.store_scatter(win_v, [loc2], jnp.maximum(cur, vs), mask=valid)
            return c2_
        lax.fori_loop(0, 128, grp, 0, unroll=False)

    def cpair(cc, c_):
        c0 = cc * 2
        c1 = c0 + 1
        cpsA = [pltpu.async_copy(cx_hbm.at[pl.ds(coff + c0 * 2048, 2048)], cxA, semSA),
                pltpu.async_copy(cy_hbm.at[pl.ds(coff + c0 * 2048, 2048)], cyA, semSA),
                pltpu.async_copy(cz_hbm.at[pl.ds(coff + c0 * 2048, 2048)], czA, semSA)]
        cpsB = [pltpu.async_copy(cx_hbm.at[pl.ds(coff + c1 * 2048, 2048)], cxB, semSB),
                pltpu.async_copy(cy_hbm.at[pl.ds(coff + c1 * 2048, 2048)], cyB, semSB),
                pltpu.async_copy(cz_hbm.at[pl.ds(coff + c1 * 2048, 2048)], czB, semSB)]
        for cp in cpsA:
            cp.wait()
        process_chunk(c0, cxA, cyA, czA)
        for cp in cpsB:
            cp.wait()
        process_chunk(c1, cxB, cyB, czB)
        return c_
    lax.fori_loop(0, 49, cpair, 0, unroll=False)

    lo = rng_id * RNG

    def fidx_chunk(c, idxv):
        def fb(j, c2_):
            w = win_v[pl.ds(c * 2048 + j * 16, 16)]
            mm = w >= 0
            pos = (j * 16) & 511
            fidx = jnp.where(mm, w, M + (pos + iota))
            plsc.store_scatter(idxv, [j * 16 + iota], fidx)
            return c2_
        lax.fori_loop(0, 128, fb, 0, unroll=False)

    def bpair(cc, c_):
        c0 = cc * 2
        c1 = c0 + 1
        fidx_chunk(c0, idxA)
        cpA = pltpu.async_copy(fc.at[lvl].at[idxA], rowsA, semA)
        fidx_chunk(c1, idxB)
        cpB = pltpu.async_copy(fc.at[lvl].at[idxB], rowsB, semB)
        cpA.wait()
        pltpu.sync_copy(rowsA, tab.at[lvl, pl.ds(lo + c0 * 2048, 2048)])
        cpB.wait()
        pltpu.sync_copy(rowsB, tab.at[lvl, pl.ds(lo + c1 * 2048, 2048)])
        return c_
    lax.fori_loop(0, RNG // BCH // 2, bpair, 0, unroll=False)

    plsc.subcore_barrier()

    csel0 = jnp.full((16,), 0, jnp.int32) + cid

    def idx_phase(l2, idxv, wgtv):
        sc_lo = np.float32(10240.0 / (1 << l2))
        sc_hi = np.float32(10240.0 / (1 << (2 + l2)))
        scalev = jnp.where(csel0 == 0, jnp.full((16,), sc_lo),
                           jnp.full((16,), sc_hi))

        def idxg(g, c2_):
            fx = pts_v[pl.ds(g * 16, 16)] * scalev
            fy = pts_v[pl.ds(BLK + g * 16, 16)] * scalev
            fz = pts_v[pl.ds(2 * BLK + g * 16, 16)] * scalev
            tx = fx.astype(jnp.int32)
            ty = fy.astype(jnp.int32)
            tz = fz.astype(jnp.int32)
            x0 = jnp.where(fx < tx.astype(jnp.float32), tx - 1, tx)
            y0 = jnp.where(fy < ty.astype(jnp.float32), ty - 1, ty)
            z0 = jnp.where(fz < tz.astype(jnp.float32), tz - 1, tz)
            wx1 = fx - x0.astype(jnp.float32)
            wy1 = fy - y0.astype(jnp.float32)
            wz1 = fz - z0.astype(jnp.float32)
            wx = (1.0 - wx1, wx1)
            wy = (1.0 - wy1, wy1)
            wz = (1.0 - wz1, wz1)
            hx = (x0, x0 + 1)
            hy = (y0 * P1, y0 * P1 + P1)
            hz = (z0 * P2, z0 * P2 + P2)
            p16 = g * 16 + iota
            for k, (dx, dy, dz) in enumerate(_CORNERS):
                h = (hx[dx] ^ hy[dy] ^ hz[dz]) & TMASK
                plsc.store_scatter(idxv, [p16 + k * BLK], h)
                plsc.store_scatter(wgtv, [jnp.full((16,), k, jnp.int32), p16],
                                   (wx[dx] * wy[dy]) * wz[dz])
            return c2_
        lax.fori_loop(0, BLK // 16, idxg, 0, unroll=False)

    def interp_phase(l2, rowsv, wgtv):
        def interp(g, c2_):
            pcol = g * 16 + iota
            acc = [None] * D
            for k in range(8):
                wk = wgtv[k, pl.ds(g * 16, 16)]
                rv = pcol + k * BLK
                for ch in range(D):
                    v = plsc.load_gather(rowsv, [rv, jnp.full((16,), ch, jnp.int32)])
                    t = v * wk
                    acc[ch] = t if k == 0 else acc[ch] + t
            rr = (g & 7) * 16 + iota
            jrow = (g >> 3) * 8
            for ch in range(D):
                chl = l2 * D + ch
                rbase2 = (chl >> 3) * 16 + (chl & 7)
                plsc.store_scatter(out_v, [jnp.full((16,), rbase2, jnp.int32) + jrow,
                                           rr],
                                   acc[ch])
            return c2_
        lax.fori_loop(0, BLK // 16, interp, 0, unroll=False)

    def fire(idxv, rowsv, sem, l2):
        return pltpu.async_copy(tab.at[2 * cid + l2].at[idxv], rowsv, sem)

    def drain(idxv, rowsv, sem, l2):
        pltpu.make_async_copy(tab.at[2 * cid + l2].at[idxv], rowsv, sem).wait()

    def blk2(u, c_):
        pb = sid * (NPTS // 16) + u * BLK
        pltpu.sync_copy(px_hbm.at[pl.ds(pb, BLK)], pts_v.at[pl.ds(0, BLK)])
        pltpu.sync_copy(py_hbm.at[pl.ds(pb, BLK)], pts_v.at[pl.ds(BLK, BLK)])
        pltpu.sync_copy(pz_hbm.at[pl.ds(pb, BLK)], pts_v.at[pl.ds(2 * BLK, BLK)])
        idx_phase(0, idxA, wgtA)
        fire(idxA, rowsA, semA, 0)

        @pl.when(u > 0)
        def _():
            drain(idxB, rowsB, semB, 1)
            interp_phase(1, rowsB, wgtB)
            jb = (pb - BLK) // 128
            pltpu.sync_copy(out_v.at[pl.ds(0, 16)],
                            out_hbm.at[pl.ds((2 * cid * 4096 + jb) * 8, 16)])
            pltpu.sync_copy(out_v.at[pl.ds(16, 16)],
                            out_hbm.at[pl.ds(((2 * cid + 1) * 4096 + jb) * 8, 16)])

        idx_phase(1, idxB, wgtB)
        drain(idxA, rowsA, semA, 0)
        interp_phase(0, rowsA, wgtA)
        fire(idxB, rowsB, semB, 1)
        return c_
    lax.fori_loop(0, NB, blk2, 0, unroll=False)

    drain(idxB, rowsB, semB, 1)
    interp_phase(1, rowsB, wgtB)
    pb_last = sid * (NPTS // 16) + (NB - 1) * BLK
    jb_last = pb_last // 128
    pltpu.sync_copy(out_v.at[pl.ds(0, 16)],
                    out_hbm.at[pl.ds((2 * cid * 4096 + jb_last) * 8, 16)])
    pltpu.sync_copy(out_v.at[pl.ds(16, 16)],
                    out_hbm.at[pl.ds(((2 * cid + 1) * 4096 + jb_last) * 8, 16)])


def kernel(inputs, C0, F0, C1, F1, C2, F2, C3, F3, bound):
    px = inputs[:, 2] / bound
    py = inputs[:, 0] / bound
    pz = inputs[:, 1] / bound
    Cs = (C0, C1, C2, C3)
    pad = MC - M
    cx = jnp.concatenate([jnp.pad(C[:, 0], (0, pad)) for C in Cs])
    cy = jnp.concatenate([jnp.pad(C[:, 1], (0, pad)) for C in Cs])
    cz = jnp.concatenate([jnp.pad(C[:, 2], (0, pad)) for C in Cs])
    fcat = jnp.concatenate([F[:, ch] for F in (F0, F1, F2, F3)
                            for ch in range(8)])

    mesh = plsc.VectorSubcoreMesh(core_axis_name="c", subcore_axis_name="s")
    run = pl.kernel(
        _body,
        out_type=jax.ShapeDtypeStruct((131072, 128), jnp.float32),
        mesh=mesh,
        scratch_types=[
            pltpu.HBM((4, MC, D), jnp.float32),
            pltpu.HBM((4, TBL, D), jnp.float32),
            pltpu.VMEM((2048,), jnp.int32),
            pltpu.VMEM((2048,), jnp.int32),
            pltpu.VMEM((2048,), jnp.int32),
            pltpu.VMEM((2048,), jnp.int32),
            pltpu.VMEM((2048,), jnp.int32),
            pltpu.VMEM((2048,), jnp.int32),
            pltpu.VMEM((RNG,), jnp.int32),
            pltpu.VMEM((NCOR, D), jnp.float32),
            pltpu.VMEM((NCOR, D), jnp.float32),
            pltpu.VMEM((NCOR,), jnp.int32),
            pltpu.VMEM((NCOR,), jnp.int32),
            pltpu.VMEM((8, BLK), jnp.float32),
            pltpu.VMEM((8, BLK), jnp.float32),
            pltpu.VMEM((BLK * 3,), jnp.float32),
            pltpu.VMEM((8, 512), jnp.float32),
            pltpu.VMEM((32, 128), jnp.float32),
            pltpu.SemaphoreType.DMA,
            pltpu.SemaphoreType.DMA,
            pltpu.SemaphoreType.DMA,
            pltpu.SemaphoreType.DMA,
        ],
        compiler_params=pltpu.CompilerParams(needs_layout_passes=False,
                                             use_tc_tiling_on_sc=False),
    )
    a2 = run(px, py, pz, cx, cy, cz, fcat)
    return a2.reshape(4, 4096, 8, 128).transpose(1, 3, 0, 2).reshape(NPTS, 32)

# --- scband reference (transcript-rebuilt; emitter-appended) ---
"""Pipeline reference for scband-grid-encoder-minkowski-hierarchical-74706661147205 (READ-ONLY COPY).

The authoritative reference and input builder live on the scoring server;
editing this copy changes nothing except your own understanding.
"""

import jax, jax.numpy as jnp
import numpy as np

T = 1 << 19          # hash table size per level (log2_hashmap_size=19)
D = 8                # feature channels per level (net output channels)
STRIDES = (1, 2, 4, 8)   # hierarchical embedding strides
M = 200000           # occupied voxels per level
AABB = 128.0         # self.aabb_size
SCALE = 160.0        # self.scale
NPTS = 524288


def _hash3(c, table_size):
    c = c.astype(jnp.uint32)
    h = c[..., 0] ^ (c[..., 1] * jnp.uint32(2654435761)) ^ (c[..., 2] * jnp.uint32(805459861))
    return (h % jnp.uint32(table_size)).astype(jnp.int32)


def setup_inputs(seed: int = 0) -> dict:
    key = jax.random.key(seed)
    ks = jax.random.split(key, 1 + 2 * len(STRIDES))
    inp = {}
    inp["inputs"] = jax.random.uniform(ks[0], (NPTS, 3), jnp.float32, minval=-1.0, maxval=1.0)
    for i, s in enumerate(STRIDES):
        res = int(AABB * SCALE / s)
        inp[f"C{i}"] = jax.random.randint(ks[1 + 2 * i], (M, 3), -res // 2, res // 2, dtype=jnp.int32)
        inp[f"F{i}"] = jax.random.normal(ks[2 + 2 * i], (M, D), jnp.float32) * 0.01
    inp["bound"] = 1
    return inp


def _lookup_level(qxyz, C, F, stride):
    # build sparse voxel hash table (scatter-overwrite), then trilinear gather
    table = jnp.zeros((T, D), dtype=F.dtype).at[_hash3(C, T)].set(F)
    pos = qxyz / float(stride)
    p0 = jnp.floor(pos)
    w = pos - p0
    p0i = p0.astype(jnp.int32)
    feat = jnp.zeros((qxyz.shape[0], D), dtype=F.dtype)
    for dx in (0, 1):
        for dy in (0, 1):
            for dz in (0, 1):
                corner = p0i + jnp.array([dx, dy, dz], dtype=jnp.int32)
                wx = w[:, 0] if dx else (1.0 - w[:, 0])
                wy = w[:, 1] if dy else (1.0 - w[:, 1])
                wz = w[:, 2] if dz else (1.0 - w[:, 2])
                wgt = wx * wy * wz
                feat = feat + wgt[:, None] * table[_hash3(corner, T)]
    return feat


def reference(inputs, C0, F0, C1, F1, C2, F2, C3, F3, bound):
    prefix_shape = list(inputs.shape[:-1])
    x = inputs[..., jnp.array([2, 0, 1])]
    query = x / bound / 2.0 * AABB * SCALE
    query = jnp.concatenate([jnp.zeros(tuple(prefix_shape) + (1,), dtype=inputs.dtype), query], axis=-1)
    query = query.reshape(-1, 4)
    qxyz = query[:, 1:4]
    outputs = []
    for (C, F, s) in zip((C0, C1, C2, C3), (F0, F1, F2, F3), STRIDES):
        feat = _lookup_level(qxyz, C, F, s)
        outputs.append(feat.reshape(tuple(prefix_shape) + (-1,)))
    return jnp.concatenate(outputs, axis=-1)

if __name__ == "__main__":
    import jax
    _d = setup_inputs()
    print(jax.jit(kernel)(*tuple(_d.values())))

</pallas_src>

<mosaic_0001>
#map = affine_map<(d0, d1) -> (0)>
#map1 = affine_map<(d0, d1) -> (0, 0)>
module attributes {stable_mosaic.version = 14 : i64} {
  func.func @_body(%arg0: i32, %arg1: i32, %arg2: memref<524288xf32, #tpu.memory_space<hbm>>, %arg3: memref<524288xf32, #tpu.memory_space<hbm>>, %arg4: memref<524288xf32, #tpu.memory_space<hbm>>, %arg5: memref<802816xi32, #tpu.memory_space<hbm>>, %arg6: memref<802816xi32, #tpu.memory_space<hbm>>, %arg7: memref<802816xi32, #tpu.memory_space<hbm>>, %arg8: memref<6400000xf32, #tpu.memory_space<hbm>>, %arg9: memref<131072x128xf32, #tpu.memory_space<hbm>>, %arg10: memref<4x200704x8xf32, #tpu.memory_space<hbm>>, %arg11: memref<4x524288x8xf32, #tpu.memory_space<hbm>>, %arg12: memref<2048xi32, #tpu.memory_space<vmem>>, %arg13: memref<2048xi32, #tpu.memory_space<vmem>>, %arg14: memref<2048xi32, #tpu.memory_space<vmem>>, %arg15: memref<2048xi32, #tpu.memory_space<vmem>>, %arg16: memref<2048xi32, #tpu.memory_space<vmem>>, %arg17: memref<2048xi32, #tpu.memory_space<vmem>>, %arg18: memref<65536xi32, #tpu.memory_space<vmem>>, %arg19: memref<2048x8xf32, #tpu.memory_space<vmem>>, %arg20: memref<2048x8xf32, #tpu.memory_space<vmem>>, %arg21: memref<2048xi32, #tpu.memory_space<vmem>>, %arg22: memref<2048xi32, #tpu.memory_space<vmem>>, %arg23: memref<8x256xf32, #tpu.memory_space<vmem>>, %arg24: memref<8x256xf32, #tpu.memory_space<vmem>>, %arg25: memref<768xf32, #tpu.memory_space<vmem>>, %arg26: memref<8x512xf32, #tpu.memory_space<vmem>>, %arg27: memref<32x128xf32, #tpu.memory_space<vmem>>, %arg28: memref<!tpu.dma_semaphore, #tpu.memory_space<semaphore_mem>>, %arg29: memref<!tpu.dma_semaphore, #tpu.memory_space<semaphore_mem>>, %arg30: memref<!tpu.dma_semaphore, #tpu.memory_space<semaphore_mem>>, %arg31: memref<!tpu.dma_semaphore, #tpu.memory_space<semaphore_mem>>) attributes {dimension_semantics = [#tpu.dimension_semantics<core_parallel>, #tpu.dimension_semantics<subcore_parallel>], iteration_bounds = array<i64: 2, 16>, scalar_prefetch = 0 : i64, scratch_operands = 22 : i64, tpu.core_type = #tpu.core_type<sc_vector_subcore>, window_params = [{transform_indices = #map}, {transform_indices = #map}, {transform_indices = #map}, {transform_indices = #map}, {transform_indices = #map}, {transform_indices = #map}, {transform_indices = #map}, {transform_indices = #map1}]} {
    %iota3A = tpu.iota {dimensions = array<i32: 0>} : vector<16xi32>
    %mul3A = arith.constant 8 : i32
    %mul3A_0 = vector.broadcast %mul3A : i32 to vector<16xi32>
    %mul3A_1 = arith.muli %iota3A, %mul3A_0 : vector<16xi32>
    %shift_right_arithmetic3A = arith.constant 3 : i32
    %shift_right_arithmetic3A_2 = vector.broadcast %shift_right_arithmetic3A : i32 to vector<16xi32>
    %shift_right_arithmetic3A_3 = arith.shrsi %iota3A, %shift_right_arithmetic3A_2 : vector<16xi32>
    %and3A = arith.constant 7 : i32
    %and3A_4 = vector.broadcast %and3A : i32 to vector<16xi32>
    %and3A_5 = arith.andi %iota3A, %and3A_4 : vector<16xi32>
    %add3A = arith.constant 1 : i32
    %add3A_6 = vector.broadcast %add3A : i32 to vector<16xi32>
    %add3A_7 = arith.addi %iota3A, %add3A_6 : vector<16xi32>
    %min3A = arith.constant 15 : i32
    %min3A_8 = vector.broadcast %min3A : i32 to vector<16xi32>
    %min3A_9 = arith.minsi %add3A_7, %min3A_8 : vector<16xi32>
    %broadcast_in_dim3A = arith.constant 0.000000e+00 : f32
    %broadcast_in_dim3A_10 = vector.broadcast %broadcast_in_dim3A : f32 to vector<16xf32>
    %scan3A = arith.constant 0 : i32
    %scan3A_11 = arith.constant 0 : i32
    %scan3A_12 = arith.constant 352 : i32
    %scan3A_13 = arith.addi %scan3A_11, %scan3A_12 : i32
    %scan3A_14 = arith.constant 1 : i32
    scf.for %scan3A_146 = %scan3A_11 to %scan3A_13 step %scan3A_14  : i32 {
      %mul3A_147 = arith.constant 2 : i32
      %mul3A_148 = arith.muli %scan3A_146, %mul3A_147 : i32
      %add3A_149 = vector.broadcast %mul3A_148 : i32 to vector<16xi32>
      %add3A_150 = arith.addi %add3A_149, %shift_right_arithmetic3A_3 : vector<16xi32>
      tpu.vector_store_idx %arg19[%add3A_150, %and3A_5], %broadcast_in_dim3A_10 : memref<2048x8xf32, #tpu.memory_space<vmem>>[vector<16xi32>, vector<16xi32>], vector<16xf32>,
    }
    %scan3A_15 = arith.constant 352 : i32
    %mul3A_16 = arith.constant 2 : i32
    %mul3A_17 = arith.muli %mul3A_16, %arg0 : i32
    %add3A_18 = arith.constant 0 : i32
    %add3A_19 = arith.addi %mul3A_17, %add3A_18 : i32
    %eq3A = arith.constant 0 : i32
    %eq3A_20 = arith.cmpi eq, %arg1, %eq3A : i32
    %convert_element_type3A = arith.extui %eq3A_20 : i1 to i32
    %cond3A = arith.constant 0 : i32
    %cond3A_21 = arith.cmpi ne, %convert_element_type3A, %cond3A : i32
    scf.if %cond3A_21 {
      "tpu.region"() ({
        %run_scoped3A = tpu.sem_alloc : memref<!tpu.dma_semaphore, #tpu.memory_space<semaphore_mem>>
        %dma_start3A = arith.constant 0 : i32
        %dma_start3A_146 = arith.constant 0 : i32
        %dma_start3A_147 = tpu.memref_slice %arg19[%dma_start3A, %dma_start3A_146] : memref<2048x8xf32, #tpu.memory_space<vmem>> -> memref<704x8xf32, #tpu.memory_space<vmem>>
        %dma_start3A_148 = arith.constant 200000 : i32
        %dma_start3A_149 = arith.constant 0 : i32
        %dma_start3A_150 = tpu.memref_slice %arg10[%add3A_19, %dma_start3A_148, %dma_start3A_149] : memref<4x200704x8xf32, #tpu.memory_space<hbm>> -> memref<1x704x8xf32, #tpu.memory_space<hbm>>
        %dma_start3A_151 = tpu.memref_squeeze %dma_start3A_150 : memref<1x704x8xf32, #tpu.memory_space<hbm>> -> memref<704x8xf32, #tpu.memory_space<hbm>>
        %dma_start3A_152 = arith.constant 200000 : i32
        %dma_start3A_153 = arith.constant 0 : i32
        %dma_start3A_154 = tpu.memref_slice %arg10[%add3A_19, %dma_start3A_152, %dma_start3A_153] : memref<4x200704x8xf32, #tpu.memory_space<hbm>> -> memref<1x704x8xf32, #tpu.memory_space<hbm>>
        %dma_start3A_155 = tpu.memref_squeeze %dma_start3A_154 : memref<1x704x8xf32, #tpu.memory_space<hbm>> -> memref<704x8xf32, #tpu.memory_space<hbm>>
        %dma_start3A_156 = arith.constant 0 : i32
        %dma_start3A_157 = arith.constant 0 : i32
        %dma_start3A_158 = tpu.memref_slice %arg19[%dma_start3A_156, %dma_start3A_157] : memref<2048x8xf32, #tpu.memory_space<vmem>> -> memref<704x8xf32, #tpu.memory_space<vmem>>
        tpu.enqueue_dma source(%dma_start3A_158 : memref<704x8xf32, #tpu.memory_space<vmem>>) target(%dma_start3A_155 : memref<704x8xf32, #tpu.memory_space<hbm>>) target_semaphore(%run_scoped3A : memref<!tpu.dma_semaphore, #tpu.memory_space<semaphore_mem>>)
        %dma_wait3A_159 = arith.constant 0 : i32
        %dma_wait3A_160 = arith.constant 0 : i32
        %dma_wait3A_161 = tpu.memref_slice %arg19[%dma_wait3A_159, %dma_wait3A_160] : memref<2048x8xf32, #tpu.memory_space<vmem>> -> memref<704x8xf32, #tpu.memory_space<vmem>>
        %dma_wait3A_162 = arith.constant 200000 : i32
        %dma_wait3A_163 = arith.constant 0 : i32
        %dma_wait3A_164 = tpu.memref_slice %arg10[%add3A_19, %dma_wait3A_162, %dma_wait3A_163] : memref<4x200704x8xf32, #tpu.memory_space<hbm>> -> memref<1x704x8xf32, #tpu.memory_space<hbm>>
        %dma_wait3A_165 = tpu.memref_squeeze %dma_wait3A_164 : memref<1x704x8xf32, #tpu.memory_space<hbm>> -> memref<704x8xf32, #tpu.memory_space<hbm>>
        %dma_wait3A_166 = arith.constant 200000 : i32
        %dma_wait3A_167 = arith.constant 0 : i32
        %dma_wait3A_168 = tpu.memref_slice %arg10[%add3A_19, %dma_wait3A_166, %dma_wait3A_167] : memref<4x200704x8xf32, #tpu.memory_space<hbm>> -> memref<1x704x8xf32, #tpu.memory_space<hbm>>
        %dma_wait3A_169 = tpu.memref_squeeze %dma_wait3A_168 : memref<1x704x8xf32, #tpu.memory_space<hbm>> -> memref<704x8xf32, #tpu.memory_space<hbm>>
        %dma_wait3A_170 = arith.constant 0 : i32
        %dma_wait3A_171 = arith.constant 0 : i32
        %dma_wait3A_172 = tpu.memref_slice %arg19[%dma_wait3A_170, %dma_wait3A_171] : memref<2048x8xf32, #tpu.memory_space<vmem>> -> memref<704x8xf32, #tpu.memory_space<vmem>>
        tpu.wait_dma2 semaphore(%run_scoped3A : memref<!tpu.dma_semaphore, #tpu.memory_space<semaphore_mem>>) src(%dma_wait3A_172 : memref<704x8xf32, #tpu.memory_space<vmem>>) dst(%dma_wait3A_169 : memref<704x8xf32, #tpu.memory_space<hbm>>)
        tpu.yield
      }) : () -> ()
    } else {
    }
    %mul3A_22 = arith.constant 2 : i32
    %mul3A_23 = arith.muli %mul3A_22, %arg0 : i32
    %add3A_24 = arith.constant 1 : i32
    %add3A_25 = arith.addi %mul3A_23, %add3A_24 : i32
    %eq3A_26 = arith.constant 0 : i32
    %eq3A_27 = arith.cmpi eq, %arg1, %eq3A_26 : i32
    %convert_element_type3A_28 = arith.extui %eq3A_27 : i1 to i32
    %cond3A_29 = arith.constant 0 : i32
    %cond3A_30 = arith.cmpi ne, %convert_element_type3A_28, %cond3A_29 : i32
    scf.if %cond3A_30 {
      "tpu.region"() ({
        %run_scoped3A = tpu.sem_alloc : memref<!tpu.dma_semaphore, #tpu.memory_space<semaphore_mem>>
        %dma_start3A = arith.constant 0 : i32
        %dma_start3A_146 = arith.constant 0 : i32
        %dma_start3A_147 = tpu.memref_slice %arg19[%dma_start3A, %dma_start3A_146] : memref<2048x8xf32, #tpu.memory_space<vmem>> -> memref<704x8xf32, #tpu.memory_space<vmem>>
        %dma_start3A_148 = arith.constant 200000 : i32
        %dma_start3A_149 = arith.constant 0 : i32
        %dma_start3A_150 = tpu.memref_slice %arg10[%add3A_25, %dma_start3A_148, %dma_start3A_149] : memref<4x200704x8xf32, #tpu.memory_space<hbm>> -> memref<1x704x8xf32, #tpu.memory_space<hbm>>
        %dma_start3A_151 = tpu.memref_squeeze %dma_start3A_150 : memref<1x704x8xf32, #tpu.memory_space<hbm>> -> memref<704x8xf32, #tpu.memory_space<hbm>>
        %dma_start3A_152 = arith.constant 200000 : i32
        %dma_start3A_153 = arith.constant 0 : i32
        %dma_start3A_154 = tpu.memref_slice %arg10[%add3A_25, %dma_start3A_152, %dma_start3A_153] : memref<4x200704x8xf32, #tpu.memory_space<hbm>> -> memref<1x704x8xf32, #tpu.memory_space<hbm>>
        %dma_start3A_155 = tpu.memref_squeeze %dma_start3A_154 : memref<1x704x8xf32, #tpu.memory_space<hbm>> -> memref<704x8xf32, #tpu.memory_space<hbm>>
        %dma_start3A_156 = arith.constant 0 : i32
        %dma_start3A_157 = arith.constant 0 : i32
        %dma_start3A_158 = tpu.memref_slice %arg19[%dma_start3A_156, %dma_start3A_157] : memref<2048x8xf32, #tpu.memory_space<vmem>> -> memref<704x8xf32, #tpu.memory_space<vmem>>
        tpu.enqueue_dma source(%dma_start3A_158 : memref<704x8xf32, #tpu.memory_space<vmem>>) target(%dma_start3A_155 : memref<704x8xf32, #tpu.memory_space<hbm>>) target_semaphore(%run_scoped3A : memref<!tpu.dma_semaphore, #tpu.memory_space<semaphore_mem>>)
        %dma_wait3A_159 = arith.constant 0 : i32
        %dma_wait3A_160 = arith.constant 0 : i32
        %dma_wait3A_161 = tpu.memref_slice %arg19[%dma_wait3A_159, %dma_wait3A_160] : memref<2048x8xf32, #tpu.memory_space<vmem>> -> memref<704x8xf32, #tpu.memory_space<vmem>>
        %dma_wait3A_162 = arith.constant 200000 : i32
        %dma_wait3A_163 = arith.constant 0 : i32
        %dma_wait3A_164 = tpu.memref_slice %arg10[%add3A_25, %dma_wait3A_162, %dma_wait3A_163] : memref<4x200704x8xf32, #tpu.memory_space<hbm>> -> memref<1x704x8xf32, #tpu.memory_space<hbm>>
        %dma_wait3A_165 = tpu.memref_squeeze %dma_wait3A_164 : memref<1x704x8xf32, #tpu.memory_space<hbm>> -> memref<704x8xf32, #tpu.memory_space<hbm>>
        %dma_wait3A_166 = arith.constant 200000 : i32
        %dma_wait3A_167 = arith.constant 0 : i32
        %dma_wait3A_168 = tpu.memref_slice %arg10[%add3A_25, %dma_wait3A_166, %dma_wait3A_167] : memref<4x200704x8xf32, #tpu.memory_space<hbm>> -> memref<1x704x8xf32, #tpu.memory_space<hbm>>
        %dma_wait3A_169 = tpu.memref_squeeze %dma_wait3A_168 : memref<1x704x8xf32, #tpu.memory_space<hbm>> -> memref<704x8xf32, #tpu.memory_space<hbm>>
        %dma_wait3A_170 = arith.constant 0 : i32
        %dma_wait3A_171 = arith.constant 0 : i32
        %dma_wait3A_172 = tpu.memref_slice %arg19[%dma_wait3A_170, %dma_wait3A_171] : memref<2048x8xf32, #tpu.memory_space<vmem>> -> memref<704x8xf32, #tpu.memory_space<vmem>>
        tpu.wait_dma2 semaphore(%run_scoped3A : memref<!tpu.dma_semaphore, #tpu.memory_space<semaphore_mem>>) src(%dma_wait3A_172 : memref<704x8xf32, #tpu.memory_space<vmem>>) dst(%dma_wait3A_169 : memref<704x8xf32, #tpu.memory_space<hbm>>)
        tpu.yield
      }) : () -> ()
    } else {
    }
    %mul3A_31 = arith.constant 2 : i32
    %mul3A_32 = arith.muli %mul3A_31, %arg0 : i32
    %add3A_33 = arith.constant 0 : i32
    %add3A_34 = arith.addi %mul3A_32, %add3A_33 : i32
    %scan3A_35 = arith.constant 0 : i32
    %scan3A_36 = arith.constant 0 : i32
    %scan3A_37 = arith.constant 25 : i32
    %scan3A_38 = arith.addi %scan3A_36, %scan3A_37 : i32
    %scan3A_39 = arith.constant 1 : i32
    scf.for %scan3A_146 = %scan3A_36 to %scan3A_38 step %scan3A_39  : i32 {
      %mul3A_147 = arith.constant 16 : i32
      %mul3A_148 = arith.muli %scan3A_146, %mul3A_147 : i32
      %add3A_149 = arith.addi %arg1, %mul3A_148 : i32
      %lt3A = arith.constant 390 : i32
      %lt3A_150 = arith.cmpi slt, %add3A_149, %lt3A : i32
      %convert_element_type3A_151 = arith.extui %lt3A_150 : i1 to i32
      %cond3A_152 = arith.constant 0 : i32
      %cond3A_153 = arith.cmpi ne, %convert_element_type3A_151, %cond3A_152 : i32
      scf.if %cond3A_153 {
        %mul3A_159 = arith.constant 8 : i32
        %mul3A_160 = arith.muli %add3A_34, %mul3A_159 : i32
        %add3A_161 = arith.constant 0 : i32
        %add3A_162 = arith.addi %mul3A_160, %add3A_161 : i32
        %mul3A_163 = arith.constant 200000 : i32
        %mul3A_164 = arith.muli %add3A_162, %mul3A_163 : i32
        %mul3A_165 = arith.constant 512 : i32
        %mul3A_166 = arith.muli %add3A_149, %mul3A_165 : i32
        %add3A_167 = arith.addi %mul3A_164, %mul3A_166 : i32
        %run_scoped3A = arith.constant 0 : i32
        "tpu.region"() ({
          %run_scoped3A_246 = tpu.sem_alloc : memref<!tpu.dma_semaphore, #tpu.memory_space<semaphore_mem>>
          %dma_start3A = arith.constant 0 : i32
          %dma_start3A_247 = tpu.memref_slice %arg26[%run_scoped3A, %dma_start3A] : memref<8x512xf32, #tpu.memory_space<vmem>> -> memref<1x512xf32, #tpu.memory_space<vmem>>
          %dma_start3A_248 = tpu.memref_squeeze %dma_start3A_247 : memref<1x512xf32, #tpu.memory_space<vmem>> -> memref<512xf32, #tpu.memory_space<vmem>>
          %dma_start3A_249 = tpu.memref_slice %arg8[%add3A_167] : memref<6400000xf32, #tpu.memory_space<hbm>> -> memref<512xf32, #tpu.memory_space<hbm>>
          %dma_start3A_250 = arith.constant 0 : i32
          %dma_start3A_251 = tpu.memref_slice %arg26[%run_scoped3A, %dma_start3A_250] : memref<8x512xf32, #tpu.memory_space<vmem>> -> memref<1x512xf32, #tpu.memory_space<vmem>>
          %dma_start3A_252 = tpu.memref_squeeze %dma_start3A_251 : memref<1x512xf32, #tpu.memory_space<vmem>> -> memref<512xf32, #tpu.memory_space<vmem>>
          %dma_start3A_253 = tpu.memref_slice %arg8[%add3A_167] : memref<6400000xf32, #tpu.memory_space<hbm>> -> memref<512xf32, #tpu.memory_space<hbm>>
          tpu.enqueue_dma source(%dma_start3A_253 : memref<512xf32, #tpu.memory_space<hbm>>) target(%dma_start3A_252 : memref<512xf32, #tpu.memory_space<vmem>>) target_semaphore(%run_scoped3A_246 : memref<!tpu.dma_semaphore, #tpu.memory_space<semaphore_mem>>)
          %dma_wait3A_254 = arith.constant 0 : i32
          %dma_wait3A_255 = tpu.memref_slice %arg26[%run_scoped3A, %dma_wait3A_254] : memref<8x512xf32, #tpu.memory_space<vmem>> -> memref<1x512xf32, #tpu.memory_space<vmem>>
          %dma_wait3A_256 = tpu.memref_squeeze %dma_wait3A_255 : memref<1x512xf32, #tpu.memory_space<vmem>> -> memref<512xf32, #tpu.memory_space<vmem>>
          %dma_wait3A_257 = tpu.memref_slice %arg8[%add3A_167] : memref<6400000xf32, #tpu.memory_space<hbm>> -> memref<512xf32, #tpu.memory_space<hbm>>
          %dma_wait3A_258 = arith.constant 0 : i32
          %dma_wait3A_259 = tpu.memref_slice %arg26[%run_scoped3A, %dma_wait3A_258] : memref<8x512xf32, #tpu.memory_space<vmem>> -> memref<1x512xf32, #tpu.memory_space<vmem>>
          %dma_wait3A_260 = tpu.memref_squeeze %dma_wait3A_259 : memref<1x512xf32, #tpu.memory_space<vmem>> -> memref<512xf32, #tpu.memory_space<vmem>>
          %dma_wait3A_261 = tpu.memref_slice %arg8[%add3A_167] : memref<6400000xf32, #tpu.memory_space<hbm>> -> memref<512xf32, #tpu.memory_space<hbm>>
          tpu.wait_dma2 semaphore(%run_scoped3A_246 : memref<!tpu.dma_semaphore, #tpu.memory_space<semaphore_mem>>) src(%dma_wait3A_261 : memref<512xf32, #tpu.memory_space<hbm>>) dst(%dma_wait3A_260 : memref<512xf32, #tpu.memory_space<vmem>>)
          tpu.yield
        }) : () -> ()
        %mul3A_168 = arith.constant 8 : i32
        %mul3A_169 = arith.muli %add3A_34, %mul3A_168 : i32
        %add3A_170 = arith.constant 1 : i32
        %add3A_171 = arith.addi %mul3A_169, %add3A_170 : i32
        %mul3A_172 = arith.constant 200000 : i32
        %mul3A_173 = arith.muli %add3A_171, %mul3A_172 : i32
        %mul3A_174 = arith.constant 512 : i32
        %mul3A_175 = arith.muli %add3A_149, %mul3A_174 : i32
        %add3A_176 = arith.addi %mul3A_173, %mul3A_175 : i32
        %run_scoped3A_177 = arith.constant 1 : i32
        "tpu.region"() ({
          %run_scoped3A_246 = tpu.sem_alloc : memref<!tpu.dma_semaphore, #tpu.memory_space<semaphore_mem>>
          %dma_start3A = arith.constant 0 : i32
          %dma_start3A_247 = tpu.memref_slice %arg26[%run_scoped3A_177, %dma_start3A] : memref<8x512xf32, #tpu.memory_space<vmem>> -> memref<1x512xf32, #tpu.memory_space<vmem>>
          %dma_start3A_248 = tpu.memref_squeeze %dma_start3A_247 : memref<1x512xf32, #tpu.memory_space<vmem>> -> memref<512xf32, #tpu.memory_space<vmem>>
          %dma_start3A_249 = tpu.memref_slice %arg8[%add3A_176] : memref<6400000xf32, #tpu.memory_space<hbm>> -> memref<512xf32, #tpu.memory_space<hbm>>
          %dma_start3A_250 = arith.constant 0 : i32
          %dma_start3A_251 = tpu.memref_slice %arg26[%run_scoped3A_177, %dma_start3A_250] : memref<8x512xf32, #tpu.memory_space<vmem>> -> memref<1x512xf32, #tpu.memory_space<vmem>>
          %dma_start3A_252 = tpu.memref_squeeze %dma_start3A_251 : memref<1x512xf32, #tpu.memory_space<vmem>> -> memref<512xf32, #tpu.memory_space<vmem>>
          %dma_start3A_253 = tpu.memref_slice %arg8[%add3A_176] : memref<6400000xf32, #tpu.memory_space<hbm>> -> memref<512xf32, #tpu.memory_space<hbm>>
          tpu.enqueue_dma source(%dma_start3A_253 : memref<512xf32, #tpu.memory_space<hbm>>) target(%dma_start3A_252 : memref<512xf32, #tpu.memory_space<vmem>>) target_semaphore(%run_scoped3A_246 : memref<!tpu.dma_semaphore, #tpu.memory_space<semaphore_mem>>)
          %dma_wait3A_254 = arith.constant 0 : i32
          %dma_wait3A_255 = tpu.memref_slice %arg26[%run_scoped3A_177, %dma_wait3A_254] : memref<8x512xf32, #tpu.memory_space<vmem>> -> memref<1x512xf32, #tpu.memory_space<vmem>>
          %dma_wait3A_256 = tpu.memref_squeeze %dma_wait3A_255 : memref<1x512xf32, #tpu.memory_space<vmem>> -> memref<512xf32, #tpu.memory_space<vmem>>
          %dma_wait3A_257 = tpu.memref_slice %arg8[%add3A_176] : memref<6400000xf32, #tpu.memory_space<hbm>> -> memref<512xf32, #tpu.memory_space<hbm>>
          %dma_wait3A_258 = arith.constant 0 : i32
          %dma_wait3A_259 = tpu.memref_slice %arg26[%run_scoped3A_177, %dma_wait3A_258] : memref<8x512xf32, #tpu.memory_space<vmem>> -> memref<1x512xf32, #tpu.memory_space<vmem>>
          %dma_wait3A_260 = tpu.memref_squeeze %dma_wait3A_259 : memref<1x512xf32, #tpu.memory_space<vmem>> -> memref<512xf32, #tpu.memory_space<vmem>>
          %dma_wait3A_261 = tpu.memref_slice %arg8[%add3A_176] : memref<6400000xf32, #tpu.memory_space<hbm>> -> memref<512xf32, #tpu.memory_space<hbm>>
          tpu.wait_dma2 semaphore(%run_scoped3A_246 : memref<!tpu.dma_semaphore, #tpu.memory_space<semaphore_mem>>) src(%dma_wait3A_261 : memref<512xf32, #tpu.memory_space<hbm>>) dst(%dma_wait3A_260 : memref<512xf32, #tpu.memory_space<vmem>>)
          tpu.yield
        }) : () -> ()
        %mul3A_178 = arith.constant 8 : i32
        %mul3A_179 = arith.muli %add3A_34, %mul3A_178 : i32
        %add3A_180 = arith.constant 2 : i32
        %add3A_181 = arith.addi %mul3A_179, %add3A_180 : i32
        %mul3A_182 = arith.constant 200000 : i32
        %mul3A_183 = arith.muli %add3A_181, %mul3A_182 : i32
        %mul3A_184 = arith.constant 512 : i32
        %mul3A_185 = arith.muli %add3A_149, %mul3A_184 : i32
        %add3A_186 = arith.addi %mul3A_183, %mul3A_185 : i32
        %run_scoped3A_187 = arith.constant 2 : i32
        "tpu.region"() ({
          %run_scoped3A_246 = tpu.sem_alloc : memref<!tpu.dma_semaphore, #tpu.memory_space<semaphore_mem>>
          %dma_start3A = arith.constant 0 : i32
          %dma_start3A_247 = tpu.memref_slice %arg26[%run_scoped3A_187, %dma_start3A] : memref<8x512xf32, #tpu.memory_space<vmem>> -> memref<1x512xf32, #tpu.memory_space<vmem>>
          %dma_start3A_248 = tpu.memref_squeeze %dma_start3A_247 : memref<1x512xf32, #tpu.memory_space<vmem>> -> memref<512xf32, #tpu.memory_space<vmem>>
          %dma_start3A_249 = tpu.memref_slice %arg8[%add3A_186] : memref<6400000xf32, #tpu.memory_space<hbm>> -> memref<512xf32, #tpu.memory_space<hbm>>
          %dma_start3A_250 = arith.constant 0 : i32
          %dma_start3A_251 = tpu.memref_slice %arg26[%run_scoped3A_187, %dma_start3A_250] : memref<8x512xf32, #tpu.memory_space<vmem>> -> memref<1x512xf32, #tpu.memory_space<vmem>>
          %dma_start3A_252 = tpu.memref_squeeze %dma_start3A_251 : memref<1x512xf32, #tpu.memory_space<vmem>> -> memref<512xf32, #tpu.memory_space<vmem>>
          %dma_start3A_253 = tpu.memref_slice %arg8[%add3A_186] : memref<6400000xf32, #tpu.memory_space<hbm>> -> memref<512xf32, #tpu.memory_space<hbm>>
          tpu.enqueue_dma source(%dma_start3A_253 : memref<512xf32, #tpu.memory_space<hbm>>) target(%dma_start3A_252 : memref<512xf32, #tpu.memory_space<vmem>>) target_semaphore(%run_scoped3A_246 : memref<!tpu.dma_semaphore, #tpu.memory_space<semaphore_mem>>)
          %dma_wait3A_254 = arith.constant 0 : i32
          %dma_wait3A_255 = tpu.memref_slice %arg26[%run_scoped3A_187, %dma_wait3A_254] : memref<8x512xf32, #tpu.memory_space<vmem>> -> memref<1x512xf32, #tpu.memory_space<vmem>>
          %dma_wait3A_256 = tpu.memref_squeeze %dma_wait3A_255 : memref<1x512xf32, #tpu.memory_space<vmem>> -> memref<512xf32, #tpu.memory_space<vmem>>
          %dma_wait3A_257 = tpu.memref_slice %arg8[%add3A_186] : memref<6400000xf32, #tpu.memory_space<hbm>> -> memref<512xf32, #tpu.memory_space<hbm>>
          %dma_wait3A_258 = arith.constant 0 : i32
          %dma_wait3A_259 = tpu.memref_slice %arg26[%run_scoped3A_187, %dma_wait3A_258] : memref<8x512xf32, #tpu.memory_space<vmem>> -> memref<1x512xf32, #tpu.memory_space<vmem>>
          %dma_wait3A_260 = tpu.memref_squeeze %dma_wait3A_259 : memref<1x512xf32, #tpu.memory_space<vmem>> -> memref<512xf32, #tpu.memory_space<vmem>>
          %dma_wait3A_261 = tpu.memref_slice %arg8[%add3A_186] : memref<6400000xf32, #tpu.memory_space<hbm>> -> memref<512xf32, #tpu.memory_space<hbm>>
          tpu.wait_dma2 semaphore(%run_scoped3A_246 : memref<!tpu.dma_semaphore, #tpu.memory_space<semaphore_mem>>) src(%dma_wait3A_261 : memref<512xf32, #tpu.memory_space<hbm>>) dst(%dma_wait3A_260 : memref<512xf32, #tpu.memory_space<vmem>>)
          tpu.yield
        }) : () -> ()
        %mul3A_188 = arith.constant 8 : i32
        %mul3A_189 = arith.muli %add3A_34, %mul3A_188 : i32
        %add3A_190 = arith.constant 3 : i32
        %add3A_191 = arith.addi %mul3A_189, %add3A_190 : i32
        %mul3A_192 = arith.constant 200000 : i32
        %mul3A_193 = arith.muli %add3A_191, %mul3A_192 : i32
        %mul3A_194 = arith.constant 512 : i32
        %mul3A_195 = arith.muli %add3A_149, %mul3A_194 : i32
        %add3A_196 = arith.addi %mul3A_193, %mul3A_195 : i32
        %run_scoped3A_197 = arith.constant 3 : i32
        "tpu.region"() ({
          %run_scoped3A_246 = tpu.sem_alloc : memref<!tpu.dma_semaphore, #tpu.memory_space<semaphore_mem>>
          %dma_start3A = arith.constant 0 : i32
          %dma_start3A_247 = tpu.memref_slice %arg26[%run_scoped3A_197, %dma_start3A] : memref<8x512xf32, #tpu.memory_space<vmem>> -> memref<1x512xf32, #tpu.memory_space<vmem>>
          %dma_start3A_248 = tpu.memref_squeeze %dma_start3A_247 : memref<1x512xf32, #tpu.memory_space<vmem>> -> memref<512xf32, #tpu.memory_space<vmem>>
          %dma_start3A_249 = tpu.memref_slice %arg8[%add3A_196] : memref<6400000xf32, #tpu.memory_space<hbm>> -> memref<512xf32, #tpu.memory_space<hbm>>
          %dma_start3A_250 = arith.constant 0 : i32
          %dma_start3A_251 = tpu.memref_slice %arg26[%run_scoped3A_197, %dma_start3A_250] : memref<8x512xf32, #tpu.memory_space<vmem>> -> memref<1x512xf32, #tpu.memory_space<vmem>>
          %dma_start3A_252 = tpu.memref_squeeze %dma_start3A_251 : memref<1x512xf32, #tpu.memory_space<vmem>> -> memref<512xf32, #tpu.memory_space<vmem>>
          %dma_start3A_253 = tpu.memref_slice %arg8[%add3A_196] : memref<6400000xf32, #tpu.memory_space<hbm>> -> memref<512xf32, #tpu.memory_space<hbm>>
          tpu.enqueue_dma source(%dma_start3A_253 : memref<512xf32, #tpu.memory_space<hbm>>) target(%dma_start3A_252 : memref<512xf32, #tpu.memory_space<vmem>>) target_semaphore(%run_scoped3A_246 : memref<!tpu.dma_semaphore, #tpu.memory_space<semaphore_mem>>)
          %dma_wait3A_254 = arith.constant 0 : i32
          %dma_wait3A_255 = tpu.memref_slice %arg26[%run_scoped3A_197, %dma_wait3A_254] : memref<8x512xf32, #tpu.memory_space<vmem>> -> memref<1x512xf32, #tpu.memory_space<vmem>>
          %dma_wait3A_256 = tpu.memref_squeeze %dma_wait3A_255 : memref<1x512xf32, #tpu.memory_space<vmem>> -> memref<512xf32, #tpu.memory_space<vmem>>
          %dma_wait3A_257 = tpu.memref_slice %arg8[%add3A_196] : memref<6400000xf32, #tpu.memory_space<hbm>> -> memref<512xf32, #tpu.memory_space<hbm>>
          %dma_wait3A_258 = arith.constant 0 : i32
          %dma_wait3A_259 = tpu.memref_slice %arg26[%run_scoped3A_197, %dma_wait3A_258] : memref<8x512xf32, #tpu.memory_space<vmem>> -> memref<1x512xf32, #tpu.memory_space<vmem>>
          %dma_wait3A_260 = tpu.memref_squeeze %dma_wait3A_259 : memref<1x512xf32, #tpu.memory_space<vmem>> -> memref<512xf32, #tpu.memory_space<vmem>>
          %dma_wait3A_261 = tpu.memref_slice %arg8[%add3A_196] : memref<6400000xf32, #tpu.memory_space<hbm>> -> memref<512xf32, #tpu.memory_space<hbm>>
          tpu.wait_dma2 semaphore(%run_scoped3A_246 : memref<!tpu.dma_semaphore, #tpu.memory_space<semaphore_mem>>) src(%dma_wait3A_261 : memref<512xf32, #tpu.memory_space<hbm>>) dst(%dma_wait3A_260 : memref<512xf32, #tpu.memory_space<vmem>>)
          tpu.yield
        }) : () -> ()
        %mul3A_198 = arith.constant 8 : i32
        %mul3A_199 = arith.muli %add3A_34, %mul3A_198 : i32
        %add3A_200 = arith.constant 4 : i32
        %add3A_201 = arith.addi %mul3A_199, %add3A_200 : i32
        %mul3A_202 = arith.constant 200000 : i32
        %mul3A_203 = arith.muli %add3A_201, %mul3A_202 : i32
        %mul3A_204 = arith.constant 512 : i32
        %mul3A_205 = arith.muli %add3A_149, %mul3A_204 : i32
        %add3A_206 = arith.addi %mul3A_203, %mul3A_205 : i32
        %run_scoped3A_207 = arith.constant 4 : i32
        "tpu.region"() ({
          %run_scoped3A_246 = tpu.sem_alloc : memref<!tpu.dma_semaphore, #tpu.memory_space<semaphore_mem>>
          %dma_start3A = arith.constant 0 : i32
          %dma_start3A_247 = tpu.memref_slice %arg26[%run_scoped3A_207, %dma_start3A] : memref<8x512xf32, #tpu.memory_space<vmem>> -> memref<1x512xf32, #tpu.memory_space<vmem>>
          %dma_start3A_248 = tpu.memref_squeeze %dma_start3A_247 : memref<1x512xf32, #tpu.memory_space<vmem>> -> memref<512xf32, #tpu.memory_space<vmem>>
          %dma_start3A_249 = tpu.memref_slice %arg8[%add3A_206] : memref<6400000xf32, #tpu.memory_space<hbm>> -> memref<512xf32, #tpu.memory_space<hbm>>
          %dma_start3A_250 = arith.constant 0 : i32
          %dma_start3A_251 = tpu.memref_slice %arg26[%run_scoped3A_207, %dma_start3A_250] : memref<8x512xf32, #tpu.memory_space<vmem>> -> memref<1x512xf32, #tpu.memory_space<vmem>>
          %dma_start3A_252 = tpu.memref_squeeze %dma_start3A_251 : memref<1x512xf32, #tpu.memory_space<vmem>> -> memref<512xf32, #tpu.memory_space<vmem>>
          %dma_start3A_253 = tpu.memref_slice %arg8[%add3A_206] : memref<6400000xf32, #tpu.memory_space<hbm>> -> memref<512xf32, #tpu.memory_space<hbm>>
          tpu.enqueue_dma source(%dma_start3A_253 : memref<512xf32, #tpu.memory_space<hbm>>) target(%dma_start3A_252 : memref<512xf32, #tpu.memory_space<vmem>>) target_semaphore(%run_scoped3A_246 : memref<!tpu.dma_semaphore, #tpu.memory_space<semaphore_mem>>)
          %dma_wait3A_254 = arith.constant 0 : i32
          %dma_wait3A_255 = tpu.memref_slice %arg26[%run_scoped3A_207, %dma_wait3A_254] : memref<8x512xf32, #tpu.memory_space<vmem>> -> memref<1x512xf32, #tpu.memory_space<vmem>>
          %dma_wait3A_256 = tpu.memref_squeeze %dma_wait3A_255 : memref<1x512xf32, #tpu.memory_space<vmem>> -> memref<512xf32, #tpu.memory_space<vmem>>
          %dma_wait3A_257 = tpu.memref_slice %arg8[%add3A_206] : memref<6400000xf32, #tpu.memory_space<hbm>> -> memref<512xf32, #tpu.memory_space<hbm>>
          %dma_wait3A_258 = arith.constant 0 : i32
          %dma_wait3A_259 = tpu.memref_slice %arg26[%run_scoped3A_207, %dma_wait3A_258] : memref<8x512xf32, #tpu.memory_space<vmem>> -> memref<1x512xf32, #tpu.memory_space<vmem>>
          %dma_wait3A_260 = tpu.memref_squeeze %dma_wait3A_259 : memref<1x512xf32, #tpu.memory_space<vmem>> -> memref<512xf32, #tpu.memory_space<vmem>>
          %dma_wait3A_261 = tpu.memref_slice %arg8[%add3A_206] : memref<6400000xf32, #tpu.memory_space<hbm>> -> memref<512xf32, #tpu.memory_space<hbm>>
          tpu.wait_dma2 semaphore(%run_scoped3A_246 : memref<!tpu.dma_semaphore, #tpu.memory_space<semaphore_mem>>) src(%dma_wait3A_261 : memref<512xf32, #tpu.memory_space<hbm>>) dst(%dma_wait3A_260 : memref<512xf32, #tpu.memory_space<vmem>>)
          tpu.yield
        }) : () -> ()
        %mul3A_208 = arith.constant 8 : i32
        %mul3A_209 = arith.muli %add3A_34, %mul3A_208 : i32
        %add3A_210 = arith.constant 5 : i32
        %add3A_211 = arith.addi %mul3A_209, %add3A_210 : i32
        %mul3A_212 = arith.constant 200000 : i32
        %mul3A_213 = arith.muli %add3A_211, %mul3A_212 : i32
        %mul3A_214 = arith.constant 512 : i32
        %mul3A_215 = arith.muli %add3A_149, %mul3A_214 : i32
        %add3A_216 = arith.addi %mul3A_213, %mul3A_215 : i32
        %run_scoped3A_217 = arith.constant 5 : i32
        "tpu.region"() ({
          %run_scoped3A_246 = tpu.sem_alloc : memref<!tpu.dma_semaphore, #tpu.memory_space<semaphore_mem>>
          %dma_start3A = arith.constant 0 : i32
          %dma_start3A_247 = tpu.memref_slice %arg26[%run_scoped3A_217, %dma_start3A] : memref<8x512xf32, #tpu.memory_space<vmem>> -> memref<1x512xf32, #tpu.memory_space<vmem>>
          %dma_start3A_248 = tpu.memref_squeeze %dma_start3A_247 : memref<1x512xf32, #tpu.memory_space<vmem>> -> memref<512xf32, #tpu.memory_space<vmem>>
          %dma_start3A_249 = tpu.memref_slice %arg8[%add3A_216] : memref<6400000xf32, #tpu.memory_space<hbm>> -> memref<512xf32, #tpu.memory_space<hbm>>
          %dma_start3A_250 = arith.constant 0 : i32
          %dma_start3A_251 = tpu.memref_slice %arg26[%run_scoped3A_217, %dma_start3A_250] : memref<8x512xf32, #tpu.memory_space<vmem>> -> memref<1x512xf32, #tpu.memory_space<vmem>>
          %dma_start3A_252 = tpu.memref_squeeze %dma_start3A_251 : memref<1x512xf32, #tpu.memory_space<vmem>> -> memref<512xf32, #tpu.memory_space<vmem>>
          %dma_start3A_253 = tpu.memref_slice %arg8[%add3A_216] : memref<6400000xf32, #tpu.memory_space<hbm>> -> memref<512xf32, #tpu.memory_space<hbm>>
          tpu.enqueue_dma source(%dma_start3A_253 : memref<512xf32, #tpu.memory_space<hbm>>) target(%dma_start3A_252 : memref<512xf32, #tpu.memory_space<vmem>>) target_semaphore(%run_scoped3A_246 : memref<!tpu.dma_semaphore, #tpu.memory_space<semaphore_mem>>)
          %dma_wait3A_254 = arith.constant 0 : i32
          %dma_wait3A_255 = tpu.memref_slice %arg26[%run_scoped3A_217, %dma_wait3A_254] : memref<8x512xf32, #tpu.memory_space<vmem>> -> memref<1x512xf32, #tpu.memory_space<vmem>>
          %dma_wait3A_256 = tpu.memref_squeeze %dma_wait3A_255 : memref<1x512xf32, #tpu.memory_space<vmem>> -> memref<512xf32, #tpu.memory_space<vmem>>
          %dma_wait3A_257 = tpu.memref_slice %arg8[%add3A_216] : memref<6400000xf32, #tpu.memory_space<hbm>> -> memref<512xf32, #tpu.memory_space<hbm>>
          %dma_wait3A_258 = arith.constant 0 : i32
          %dma_wait3A_259 = tpu.memref_slice %arg26[%run_scoped3A_217, %dma_wait3A_258] : memref<8x512xf32, #tpu.memory_space<vmem>> -> memref<1x512xf32, #tpu.memory_space<vmem>>
          %dma_wait3A_260 = tpu.memref_squeeze %dma_wait3A_259 : memref<1x512xf32, #tpu.memory_space<vmem>> -> memref<512xf32, #tpu.memory_space<vmem>>
          %dma_wait3A_261 = tpu.memref_slice %arg8[%add3A_216] : memref<6400000xf32, #tpu.memory_space<hbm>> -> memref<512xf32, #tpu.memory_space<hbm>>
          tpu.wait_dma2 semaphore(%run_scoped3A_246 : memref<!tpu.dma_semaphore, #tpu.memory_space<semaphore_mem>>) src(%dma_wait3A_261 : memref<512xf32, #tpu.memory_space<hbm>>) dst(%dma_wait3A_260 : memref<512xf32, #tpu.memory_space<vmem>>)
          tpu.yield
        }) : () -> ()
        %mul3A_218 = arith.constant 8 : i32
        %mul3A_219 = arith.muli %add3A_34, %mul3A_218 : i32
        %add3A_220 = arith.constant 6 : i32
        %add3A_221 = arith.addi %mul3A_219, %add3A_220 : i32
        %mul3A_222 = arith.constant 200000 : i32
        %mul3A_223 = arith.muli %add3A_221, %mul3A_222 : i32
        %mul3A_224 = arith.constant 512 : i32
        %mul3A_225 = arith.muli %add3A_149, %mul3A_224 : i32
        %add3A_226 = arith.addi %mul3A_223, %mul3A_225 : i32
        %run_scoped3A_227 = arith.constant 6 : i32
        "tpu.region"() ({
          %run_scoped3A_246 = tpu.sem_alloc : memref<!tpu.dma_semaphore, #tpu.memory_space<semaphore_mem>>
          %dma_start3A = arith.constant 0 : i32
          %dma_start3A_247 = tpu.memref_slice %arg26[%run_scoped3A_227, %dma_start3A] : memref<8x512xf32, #tpu.memory_space<vmem>> -> memref<1x512xf32, #tpu.memory_space<vmem>>
          %dma_start3A_248 = tpu.memref_squeeze %dma_start3A_247 : memref<1x512xf32, #tpu.memory_space<vmem>> -> memref<512xf32, #tpu.memory_space<vmem>>
          %dma_start3A_249 = tpu.memref_slice %arg8[%add3A_226] : memref<6400000xf32, #tpu.memory_space<hbm>> -> memref<512xf32, #tpu.memory_space<hbm>>
          %dma_start3A_250 = arith.constant 0 : i32
          %dma_start3A_251 = tpu.memref_slice %arg26[%run_scoped3A_227, %dma_start3A_250] : memref<8x512xf32, #tpu.memory_space<vmem>> -> memref<1x512xf32, #tpu.memory_space<vmem>>
          %dma_start3A_252 = tpu.memref_squeeze %dma_start3A_251 : memref<1x512xf32, #tpu.memory_space<vmem>> -> memref<512xf32, #tpu.memory_space<vmem>>
          %dma_start3A_253 = tpu.memref_slice %arg8[%add3A_226] : memref<6400000xf32, #tpu.memory_space<hbm>> -> memref<512xf32, #tpu.memory_space<hbm>>
          tpu.enqueue_dma source(%dma_start3A_253 : memref<512xf32, #tpu.memory_space<hbm>>) target(%dma_start3A_252 : memref<512xf32, #tpu.memory_space<vmem>>) target_semaphore(%run_scoped3A_246 : memref<!tpu.dma_semaphore, #tpu.memory_space<semaphore_mem>>)
          %dma_wait3A_254 = arith.constant 0 : i32
          %dma_wait3A_255 = tpu.memref_slice %arg26[%run_scoped3A_227, %dma_wait3A_254] : memref<8x512xf32, #tpu.memory_space<vmem>> -> memref<1x512xf32, #tpu.memory_space<vmem>>
          %dma_wait3A_256 = tpu.memref_squeeze %dma_wait3A_255 : memref<1x512xf32, #tpu.memory_space<vmem>> -> memref<512xf32, #tpu.memory_space<vmem>>
          %dma_wait3A_257 = tpu.memref_slice %arg8[%add3A_226] : memref<6400000xf32, #tpu.memory_space<hbm>> -> memref<512xf32, #tpu.memory_space<hbm>>
          %dma_wait3A_258 = arith.constant 0 : i32
          %dma_wait3A_259 = tpu.memref_slice %arg26[%run_scoped3A_227, %dma_wait3A_258] : memref<8x512xf32, #tpu.memory_space<vmem>> -> memref<1x512xf32, #tpu.memory_space<vmem>>
          %dma_wait3A_260 = tpu.memref_squeeze %dma_wait3A_259 : memref<1x512xf32, #tpu.memory_space<vmem>> -> memref<512xf32, #tpu.memory_space<vmem>>
          %dma_wait3A_261 = tpu.memref_slice %arg8[%add3A_226] : memref<6400000xf32, #tpu.memory_space<hbm>> -> memref<512xf32, #tpu.memory_space<hbm>>
          tpu.wait_dma2 semaphore(%run_scoped3A_246 : memref<!tpu.dma_semaphore, #tpu.memory_space<semaphore_mem>>) src(%dma_wait3A_261 : memref<512xf32, #tpu.memory_space<hbm>>) dst(%dma_wait3A_260 : memref<512xf32, #tpu.memory_space<vmem>>)
          tpu.yield
        }) : () -> ()
        %mul3A_228 = arith.constant 8 : i32
        %mul3A_229 = arith.muli %add3A_34, %mul3A_228 : i32
        %add3A_230 = arith.constant 7 : i32
        %add3A_231 = arith.addi %mul3A_229, %add3A_230 : i32
        %mul3A_232 = arith.constant 200000 : i32
        %mul3A_233 = arith.muli %add3A_231, %mul3A_232 : i32
        %mul3A_234 = arith.constant 512 : i32
        %mul3A_235 = arith.muli %add3A_149, %mul3A_234 : i32
        %add3A_236 = arith.addi %mul3A_233, %mul3A_235 : i32
        %run_scoped3A_237 = arith.constant 7 : i32
        "tpu.region"() ({
          %run_scoped3A_246 = tpu.sem_alloc : memref<!tpu.dma_semaphore, #tpu.memory_space<semaphore_mem>>
          %dma_start3A = arith.constant 0 : i32
          %dma_start3A_247 = tpu.memref_slice %arg26[%run_scoped3A_237, %dma_start3A] : memref<8x512xf32, #tpu.memory_space<vmem>> -> memref<1x512xf32, #tpu.memory_space<vmem>>
          %dma_start3A_248 = tpu.memref_squeeze %dma_start3A_247 : memref<1x512xf32, #tpu.memory_space<vmem>> -> memref<512xf32, #tpu.memory_space<vmem>>
          %dma_start3A_249 = tpu.memref_slice %arg8[%add3A_236] : memref<6400000xf32, #tpu.memory_space<hbm>> -> memref<512xf32, #tpu.memory_space<hbm>>
          %dma_start3A_250 = arith.constant 0 : i32
          %dma_start3A_251 = tpu.memref_slice %arg26[%run_scoped3A_237, %dma_start3A_250] : memref<8x512xf32, #tpu.memory_space<vmem>> -> memref<1x512xf32, #tpu.memory_space<vmem>>
          %dma_start3A_252 = tpu.memref_squeeze %dma_start3A_251 : memref<1x512xf32, #tpu.memory_space<vmem>> -> memref<512xf32, #tpu.memory_space<vmem>>
          %dma_start3A_253 = tpu.memref_slice %arg8[%add3A_236] : memref<6400000xf32, #tpu.memory_space<hbm>> -> memref<512xf32, #tpu.memory_space<hbm>>
          tpu.enqueue_dma source(%dma_start3A_253 : memref<512xf32, #tpu.memory_space<hbm>>) target(%dma_start3A_252 : memref<512xf32, #tpu.memory_space<vmem>>) target_semaphore(%run_scoped3A_246 : memref<!tpu.dma_semaphore, #tpu.memory_space<semaphore_mem>>)
          %dma_wait3A_254 = arith.constant 0 : i32
          %dma_wait3A_255 = tpu.memref_slice %arg26[%run_scoped3A_237, %dma_wait3A_254] : memref<8x512xf32, #tpu.memory_space<vmem>> -> memref<1x512xf32, #tpu.memory_space<vmem>>
          %dma_wait3A_256 = tpu.memref_squeeze %dma_wait3A_255 : memref<1x512xf32, #tpu.memory_space<vmem>> -> memref<512xf32, #tpu.memory_space<vmem>>
          %dma_wait3A_257 = tpu.memref_slice %arg8[%add3A_236] : memref<6400000xf32, #tpu.memory_space<hbm>> -> memref<512xf32, #tpu.memory_space<hbm>>
          %dma_wait3A_258 = arith.constant 0 : i32
          %dma_wait3A_259 = tpu.memref_slice %arg26[%run_scoped3A_237, %dma_wait3A_258] : memref<8x512xf32, #tpu.memory_space<vmem>> -> memref<1x512xf32, #tpu.memory_space<vmem>>
          %dma_wait3A_260 = tpu.memref_squeeze %dma_wait3A_259 : memref<1x512xf32, #tpu.memory_space<vmem>> -> memref<512xf32, #tpu.memory_space<vmem>>
          %dma_wait3A_261 = tpu.memref_slice %arg8[%add3A_236] : memref<6400000xf32, #tpu.memory_space<hbm>> -> memref<512xf32, #tpu.memory_space<hbm>>
          tpu.wait_dma2 semaphore(%run_scoped3A_246 : memref<!tpu.dma_semaphore, #tpu.memory_space<semaphore_mem>>) src(%dma_wait3A_261 : memref<512xf32, #tpu.memory_space<hbm>>) dst(%dma_wait3A_260 : memref<512xf32, #tpu.memory_space<vmem>>)
          tpu.yield
        }) : () -> ()
        %scan3A_238 = arith.constant 0 : i32
        %scan3A_239 = arith.constant 0 : i32
        %scan3A_240 = arith.constant 32 : i32
        %scan3A_241 = arith.addi %scan3A_239, %scan3A_240 : i32
        %scan3A_242 = arith.constant 1 : i32
        scf.for %scan3A_246 = %scan3A_239 to %scan3A_241 step %scan3A_242  : i32 {
          %mul3A_247 = arith.constant 16 : i32
          %mul3A_248 = arith.muli %scan3A_246, %mul3A_247 : i32
          %add3A_249 = vector.broadcast %mul3A_248 : i32 to vector<16xi32>
          %add3A_250 = arith.addi %add3A_249, %iota3A : vector<16xi32>
          %mul3A_251 = arith.constant 16 : i32
          %mul3A_252 = arith.muli %scan3A_246, %mul3A_251 : i32
          %get3A = arith.constant 0 : i32
          %get3A_253 = arith.index_cast %get3A : i32 to index
          %get3A_254 = arith.index_cast %mul3A_252 : i32 to index
          %get3A_255 = tpu.vector_load %arg26[%get3A_253, %get3A_254] {strides = array<i32>} : memref<8x512xf32, #tpu.memory_space<vmem>>, vector<16xf32>,
          %broadcast_in_dim3A_256 = arith.constant 0 : i32
          %broadcast_in_dim3A_257 = vector.broadcast %broadcast_in_dim3A_256 : i32 to vector<16xi32>
          tpu.vector_store_idx %arg19[%add3A_250, %broadcast_in_dim3A_257], %get3A_255 : memref<2048x8xf32, #tpu.memory_space<vmem>>[vector<16xi32>, vector<16xi32>], vector<16xf32>,
          %mul3A_258 = arith.constant 16 : i32
          %mul3A_259 = arith.muli %scan3A_246, %mul3A_258 : i32
          %get3A_260 = arith.constant 1 : i32
          %get3A_261 = arith.index_cast %get3A_260 : i32 to index
          %get3A_262 = arith.index_cast %mul3A_259 : i32 to index
          %get3A_263 = tpu.vector_load %arg26[%get3A_261, %get3A_262] {strides = array<i32>} : memref<8x512xf32, #tpu.memory_space<vmem>>, vector<16xf32>,
          %broadcast_in_dim3A_264 = arith.constant 1 : i32
          %broadcast_in_dim3A_265 = vector.broadcast %broadcast_in_dim3A_264 : i32 to vector<16xi32>
          tpu.vector_store_idx %arg19[%add3A_250, %broadcast_in_dim3A_265], %get3A_263 : memref<2048x8xf32, #tpu.memory_space<vmem>>[vector<16xi32>, vector<16xi32>], vector<16xf32>,
          %mul3A_266 = arith.constant 16 : i32
          %mul3A_267 = arith.muli %scan3A_246, %mul3A_266 : i32
          %get3A_268 = arith.constant 2 : i32
          %get3A_269 = arith.index_cast %get3A_268 : i32 to index
          %get3A_270 = arith.index_cast %mul3A_267 : i32 to index
          %get3A_271 = tpu.vector_load %arg26[%get3A_269, %get3A_270] {strides = array<i32>} : memref<8x512xf32, #tpu.memory_space<vmem>>, vector<16xf32>,
          %broadcast_in_dim3A_272 = arith.constant 2 : i32
          %broadcast_in_dim3A_273 = vector.broadcast %broadcast_in_dim3A_272 : i32 to vector<16xi32>
          tpu.vector_store_idx %arg19[%add3A_250, %broadcast_in_dim3A_273], %get3A_271 : memref<2048x8xf32, #tpu.memory_space<vmem>>[vector<16xi32>, vector<16xi32>], vector<16xf32>,
          %mul3A_274 = arith.constant 16 : i32
          %mul3A_275 = arith.muli %scan3A_246, %mul3A_274 : i32
          %get3A_276 = arith.constant 3 : i32
          %get3A_277 = arith.index_cast %get3A_276 : i32 to index
          %get3A_278 = arith.index_cast %mul3A_275 : i32 to index
          %get3A_279 = tpu.vector_load %arg26[%get3A_277, %get3A_278] {strides = array<i32>} : memref<8x512xf32, #tpu.memory_space<vmem>>, vector<16xf32>,
          %broadcast_in_dim3A_280 = arith.constant 3 : i32
          %broadcast_in_dim3A_281 = vector.broadcast %broadcast_in_dim3A_280 : i32 to vector<16xi32>
          tpu.vector_store_idx %arg19[%add3A_250, %broadcast_in_dim3A_281], %get3A_279 : memref<2048x8xf32, #tpu.memory_space<vmem>>[vector<16xi32>, vector<16xi32>], vector<16xf32>,
          %mul3A_282 = arith.constant 16 : i32
          %mul3A_283 = arith.muli %scan3A_246, %mul3A_282 : i32
          %get3A_284 = arith.constant 4 : i32
          %get3A_285 = arith.index_cast %get3A_284 : i32 to index
          %get3A_286 = arith.index_cast %mul3A_283 : i32 to index
          %get3A_287 = tpu.vector_load %arg26[%get3A_285, %get3A_286] {strides = array<i32>} : memref<8x512xf32, #tpu.memory_space<vmem>>, vector<16xf32>,
          %broadcast_in_dim3A_288 = arith.constant 4 : i32
          %broadcast_in_dim3A_289 = vector.broadcast %broadcast_in_dim3A_288 : i32 to vector<16xi32>
          tpu.vector_store_idx %arg19[%add3A_250, %broadcast_in_dim3A_289], %get3A_287 : memref<2048x8xf32, #tpu.memory_space<vmem>>[vector<16xi32>, vector<16xi32>], vector<16xf32>,
          %mul3A_290 = arith.constant 16 : i32
          %mul3A_291 = arith.muli %scan3A_246, %mul3A_290 : i32
          %get3A_292 = arith.constant 5 : i32
          %get3A_293 = arith.index_cast %get3A_292 : i32 to index
          %get3A_294 = arith.index_cast %mul3A_291 : i32 to index
          %get3A_295 = tpu.vector_load %arg26[%get3A_293, %get3A_294] {strides = array<i32>} : memref<8x512xf32, #tpu.memory_space<vmem>>, vector<16xf32>,
          %broadcast_in_dim3A_296 = arith.constant 5 : i32
          %broadcast_in_dim3A_297 = vector.broadcast %broadcast_in_dim3A_296 : i32 to vector<16xi32>
          tpu.vector_store_idx %arg19[%add3A_250, %broadcast_in_dim3A_297], %get3A_295 : memref<2048x8xf32, #tpu.memory_space<vmem>>[vector<16xi32>, vector<16xi32>], vector<16xf32>,
          %mul3A_298 = arith.constant 16 : i32
          %mul3A_299 = arith.muli %scan3A_246, %mul3A_298 : i32
          %get3A_300 = arith.constant 6 : i32
          %get3A_301 = arith.index_cast %get3A_300 : i32 to index
          %get3A_302 = arith.index_cast %mul3A_299 : i32 to index
          %get3A_303 = tpu.vector_load %arg26[%get3A_301, %get3A_302] {strides = array<i32>} : memref<8x512xf32, #tpu.memory_space<vmem>>, vector<16xf32>,
          %broadcast_in_dim3A_304 = arith.constant 6 : i32
          %broadcast_in_dim3A_305 = vector.broadcast %broadcast_in_dim3A_304 : i32 to vector<16xi32>
          tpu.vector_store_idx %arg19[%add3A_250, %broadcast_in_dim3A_305], %get3A_303 : memref<2048x8xf32, #tpu.memory_space<vmem>>[vector<16xi32>, vector<16xi32>], vector<16xf32>,
          %mul3A_306 = arith.constant 16 : i32
          %mul3A_307 = arith.muli %scan3A_246, %mul3A_306 : i32
          %get3A_308 = arith.constant 7 : i32
          %get3A_309 = arith.index_cast %get3A_308 : i32 to index
          %get3A_310 = arith.index_cast %mul3A_307 : i32 to index
          %get3A_311 = tpu.vector_load %arg26[%get3A_309, %get3A_310] {strides = array<i32>} : memref<8x512xf32, #tpu.memory_space<vmem>>, vector<16xf32>,
          %broadcast_in_dim3A_312 = arith.constant 7 : i32
          %broadcast_in_dim3A_313 = vector.broadcast %broadcast_in_dim3A_312 : i32 to vector<16xi32>
          tpu.vector_store_idx %arg19[%add3A_250, %broadcast_in_dim3A_313], %get3A_311 : memref<2048x8xf32, #tpu.memory_space<vmem>>[vector<16xi32>, vector<16xi32>], vector<16xf32>,
        }
        %scan3A_243 = arith.constant 32 : i32
        %mul3A_244 = arith.constant 512 : i32
        %mul3A_245 = arith.muli %add3A_149, %mul3A_244 : i32
        "tpu.region"() ({
          %run_scoped3A_246 = tpu.sem_alloc : memref<!tpu.dma_semaphore, #tpu.memory_space<semaphore_mem>>
          %dma_start3A = arith.constant 0 : i32
          %dma_start3A_247 = arith.constant 0 : i32
          %dma_start3A_248 = tpu.memref_slice %arg19[%dma_start3A, %dma_start3A_247] : memref<2048x8xf32, #tpu.memory_space<vmem>> -> memref<512x8xf32, #tpu.memory_space<vmem>>
          %dma_start3A_249 = arith.constant 0 : i32
          %dma_start3A_250 = tpu.memref_slice %arg10[%add3A_34, %mul3A_245, %dma_start3A_249] : memref<4x200704x8xf32, #tpu.memory_space<hbm>> -> memref<1x512x8xf32, #tpu.memory_space<hbm>>
          %dma_start3A_251 = tpu.memref_squeeze %dma_start3A_250 : memref<1x512x8xf32, #tpu.memory_space<hbm>> -> memref<512x8xf32, #tpu.memory_space<hbm>>
          %dma_start3A_252 = arith.constant 0 : i32
          %dma_start3A_253 = tpu.memref_slice %arg10[%add3A_34, %mul3A_245, %dma_start3A_252] : memref<4x200704x8xf32, #tpu.memory_space<hbm>> -> memref<1x512x8xf32, #tpu.memory_space<hbm>>
          %dma_start3A_254 = tpu.memref_squeeze %dma_start3A_253 : memref<1x512x8xf32, #tpu.memory_space<hbm>> -> memref<512x8xf32, #tpu.memory_space<hbm>>
          %dma_start3A_255 = arith.constant 0 : i32
          %dma_start3A_256 = arith.constant 0 : i32
          %dma_start3A_257 = tpu.memref_slice %arg19[%dma_start3A_255, %dma_start3A_256] : memref<2048x8xf32, #tpu.memory_space<vmem>> -> memref<512x8xf32, #tpu.memory_space<vmem>>
          tpu.enqueue_dma source(%dma_start3A_257 : memref<512x8xf32, #tpu.memory_space<vmem>>) target(%dma_start3A_254 : memref<512x8xf32, #tpu.memory_space<hbm>>) target_semaphore(%run_scoped3A_246 : memref<!tpu.dma_semaphore, #tpu.memory_space<semaphore_mem>>)
          %dma_wait3A_258 = arith.constant 0 : i32
          %dma_wait3A_259 = arith.constant 0 : i32
          %dma_wait3A_260 = tpu.memref_slice %arg19[%dma_wait3A_258, %dma_wait3A_259] : memref<2048x8xf32, #tpu.memory_space<vmem>> -> memref<512x8xf32, #tpu.memory_space<vmem>>
          %dma_wait3A_261 = arith.constant 0 : i32
          %dma_wait3A_262 = tpu.memref_slice %arg10[%add3A_34, %mul3A_245, %dma_wait3A_261] : memref<4x200704x8xf32, #tpu.memory_space<hbm>> -> memref<1x512x8xf32, #tpu.memory_space<hbm>>
          %dma_wait3A_263 = tpu.memref_squeeze %dma_wait3A_262 : memref<1x512x8xf32, #tpu.memory_space<hbm>> -> memref<512x8xf32, #tpu.memory_space<hbm>>
          %dma_wait3A_264 = arith.constant 0 : i32
          %dma_wait3A_265 = tpu.memref_slice %arg10[%add3A_34, %mul3A_245, %dma_wait3A_264] : memref<4x200704x8xf32, #tpu.memory_space<hbm>> -> memref<1x512x8xf32, #tpu.memory_space<hbm>>
          %dma_wait3A_266 = tpu.memref_squeeze %dma_wait3A_265 : memref<1x512x8xf32, #tpu.memory_space<hbm>> -> memref<512x8xf32, #tpu.memory_space<hbm>>
          %dma_wait3A_267 = arith.constant 0 : i32
          %dma_wait3A_268 = arith.constant 0 : i32
          %dma_wait3A_269 = tpu.memref_slice %arg19[%dma_wait3A_267, %dma_wait3A_268] : memref<2048x8xf32, #tpu.memory_space<vmem>> -> memref<512x8xf32, #tpu.memory_space<vmem>>
          tpu.wait_dma2 semaphore(%run_scoped3A_246 : memref<!tpu.dma_semaphore, #tpu.memory_space<semaphore_mem>>) src(%dma_wait3A_269 : memref<512x8xf32, #tpu.memory_space<vmem>>) dst(%dma_wait3A_266 : memref<512x8xf32, #tpu.memory_space<hbm>>)
          tpu.yield
        }) : () -> ()
      } else {
      }
      %eq3A_154 = arith.constant 390 : i32
      %eq3A_155 = arith.cmpi eq, %add3A_149, %eq3A_154 : i32
      %convert_element_type3A_156 = arith.extui %eq3A_155 : i1 to i32
      %cond3A_157 = arith.constant 0 : i32
      %cond3A_158 = arith.cmpi ne, %convert_element_type3A_156, %cond3A_157 : i32
      scf.if %cond3A_158 {
        %mul3A_159 = arith.constant 8 : i32
        %mul3A_160 = arith.muli %add3A_34, %mul3A_159 : i32
        %add3A_161 = arith.constant 0 : i32
        %add3A_162 = arith.addi %mul3A_160, %add3A_161 : i32
        %mul3A_163 = arith.constant 200000 : i32
        %mul3A_164 = arith.muli %add3A_162, %mul3A_163 : i32
        %add3A_165 = arith.constant 199680 : i32
        %add3A_166 = arith.addi %mul3A_164, %add3A_165 : i32
        %run_scoped3A = arith.constant 0 : i32
        "tpu.region"() ({
          %run_scoped3A_236 = tpu.sem_alloc : memref<!tpu.dma_semaphore, #tpu.memory_space<semaphore_mem>>
          %dma_start3A = arith.constant 0 : i32
          %dma_start3A_237 = tpu.memref_slice %arg26[%run_scoped3A, %dma_start3A] : memref<8x512xf32, #tpu.memory_space<vmem>> -> memref<1x512xf32, #tpu.memory_space<vmem>>
          %dma_start3A_238 = tpu.memref_squeeze %dma_start3A_237 : memref<1x512xf32, #tpu.memory_space<vmem>> -> memref<512xf32, #tpu.memory_space<vmem>>
          %dma_start3A_239 = tpu.memref_slice %arg8[%add3A_166] : memref<6400000xf32, #tpu.memory_space<hbm>> -> memref<512xf32, #tpu.memory_space<hbm>>
          %dma_start3A_240 = arith.constant 0 : i32
          %dma_start3A_241 = tpu.memref_slice %arg26[%run_scoped3A, %dma_start3A_240] : memref<8x512xf32, #tpu.memory_space<vmem>> -> memref<1x512xf32, #tpu.memory_space<vmem>>
          %dma_start3A_242 = tpu.memref_squeeze %dma_start3A_241 : memref<1x512xf32, #tpu.memory_space<vmem>> -> memref<512xf32, #tpu.memory_space<vmem>>
          %dma_start3A_243 = tpu.memref_slice %arg8[%add3A_166] : memref<6400000xf32, #tpu.memory_space<hbm>> -> memref<512xf32, #tpu.memory_space<hbm>>
          tpu.enqueue_dma source(%dma_start3A_243 : memref<512xf32, #tpu.memory_space<hbm>>) target(%dma_start3A_242 : memref<512xf32, #tpu.memory_space<vmem>>) target_semaphore(%run_scoped3A_236 : memref<!tpu.dma_semaphore, #tpu.memory_space<semaphore_mem>>)
          %dma_wait3A_244 = arith.constant 0 : i32
          %dma_wait3A_245 = tpu.memref_slice %arg26[%run_scoped3A, %dma_wait3A_244] : memref<8x512xf32, #tpu.memory_space<vmem>> -> memref<1x512xf32, #tpu.memory_space<vmem>>
          %dma_wait3A_246 = tpu.memref_squeeze %dma_wait3A_245 : memref<1x512xf32, #tpu.memory_space<vmem>> -> memref<512xf32, #tpu.memory_space<vmem>>
          %dma_wait3A_247 = tpu.memref_slice %arg8[%add3A_166] : memref<6400000xf32, #tpu.memory_space<hbm>> -> memref<512xf32, #tpu.memory_space<hbm>>
          %dma_wait3A_248 = arith.constant 0 : i32
          %dma_wait3A_249 = tpu.memref_slice %arg26[%run_scoped3A, %dma_wait3A_248] : memref<8x512xf32, #tpu.memory_space<vmem>> -> memref<1x512xf32, #tpu.memory_space<vmem>>
          %dma_wait3A_250 = tpu.memref_squeeze %dma_wait3A_249 : memref<1x512xf32, #tpu.memory_space<vmem>> -> memref<512xf32, #tpu.memory_space<vmem>>
          %dma_wait3A_251 = tpu.memref_slice %arg8[%add3A_166] : memref<6400000xf32, #tpu.memory_space<hbm>> -> memref<512xf32, #tpu.memory_space<hbm>>
          tpu.wait_dma2 semaphore(%run_scoped3A_236 : memref<!tpu.dma_semaphore, #tpu.memory_space<semaphore_mem>>) src(%dma_wait3A_251 : memref<512xf32, #tpu.memory_space<hbm>>) dst(%dma_wait3A_250 : memref<512xf32, #tpu.memory_space<vmem>>)
          tpu.yield
        }) : () -> ()
        %mul3A_167 = arith.constant 8 : i32
        %mul3A_168 = arith.muli %add3A_34, %mul3A_167 : i32
        %add3A_169 = arith.constant 1 : i32
        %add3A_170 = arith.addi %mul3A_168, %add3A_169 : i32
        %mul3A_171 = arith.constant 200000 : i32
        %mul3A_172 = arith.muli %add3A_170, %mul3A_171 : i32
        %add3A_173 = arith.constant 199680 : i32
        %add3A_174 = arith.addi %mul3A_172, %add3A_173 : i32
        %run_scoped3A_175 = arith.constant 1 : i32
        "tpu.region"() ({
          %run_scoped3A_236 = tpu.sem_alloc : memref<!tpu.dma_semaphore, #tpu.memory_space<semaphore_mem>>
          %dma_start3A = arith.constant 0 : i32
          %dma_start3A_237 = tpu.memref_slice %arg26[%run_scoped3A_175, %dma_start3A] : memref<8x512xf32, #tpu.memory_space<vmem>> -> memref<1x512xf32, #tpu.memory_space<vmem>>
          %dma_start3A_238 = tpu.memref_squeeze %dma_start3A_237 : memref<1x512xf32, #tpu.memory_space<vmem>> -> memref<512xf32, #tpu.memory_space<vmem>>
          %dma_start3A_239 = tpu.memref_slice %arg8[%add3A_174] : memref<6400000xf32, #tpu.memory_space<hbm>> -> memref<512xf32, #tpu.memory_space<hbm>>
          %dma_start3A_240 = arith.constant 0 : i32
          %dma_start3A_241 = tpu.memref_slice %arg26[%run_scoped3A_175, %dma_start3A_240] : memref<8x512xf32, #tpu.memory_space<vmem>> -> memref<1x512xf32, #tpu.memory_space<vmem>>
          %dma_start3A_242 = tpu.memref_squeeze %dma_start3A_241 : memref<1x512xf32, #tpu.memory_space<vmem>> -> memref<512xf32, #tpu.memory_space<vmem>>
          %dma_start3A_243 = tpu.memref_slice %arg8[%add3A_174] : memref<6400000xf32, #tpu.memory_space<hbm>> -> memref<512xf32, #tpu.memory_space<hbm>>
          tpu.enqueue_dma source(%dma_start3A_243 : memref<512xf32, #tpu.memory_space<hbm>>) target(%dma_start3A_242 : memref<512xf32, #tpu.memory_space<vmem>>) target_semaphore(%run_scoped3A_236 : memref<!tpu.dma_semaphore, #tpu.memory_space<semaphore_mem>>)
          %dma_wait3A_244 = arith.constant 0 : i32
          %dma_wait3A_245 = tpu.memref_slice %arg26[%run_scoped3A_175, %dma_wait3A_244] : memref<8x512xf32, #tpu.memory_space<vmem>> -> memref<1x512xf32, #tpu.memory_space<vmem>>
          %dma_wait3A_246 = tpu.memref_squeeze %dma_wait3A_245 : memref<1x512xf32, #tpu.memory_space<vmem>> -> memref<512xf32, #tpu.memory_space<vmem>>
          %dma_wait3A_247 = tpu.memref_slice %arg8[%add3A_174] : memref<6400000xf32, #tpu.memory_space<hbm>> -> memref<512xf32, #tpu.memory_space<hbm>>
          %dma_wait3A_248 = arith.constant 0 : i32
          %dma_wait3A_249 = tpu.memref_slice %arg26[%run_scoped3A_175, %dma_wait3A_248] : memref<8x512xf32, #tpu.memory_space<vmem>> -> memref<1x512xf32, #tpu.memory_space<vmem>>
          %dma_wait3A_250 = tpu.memref_squeeze %dma_wait3A_249 : memref<1x512xf32, #tpu.memory_space<vmem>> -> memref<512xf32, #tpu.memory_space<vmem>>
          %dma_wait3A_251 = tpu.memref_slice %arg8[%add3A_174] : memref<6400000xf32, #tpu.memory_space<hbm>> -> memref<512xf32, #tpu.memory_space<hbm>>
          tpu.wait_dma2 semaphore(%run_scoped3A_236 : memref<!tpu.dma_semaphore, #tpu.memory_space<semaphore_mem>>) src(%dma_wait3A_251 : memref<512xf32, #tpu.memory_space<hbm>>) dst(%dma_wait3A_250 : memref<512xf32, #tpu.memory_space<vmem>>)
          tpu.yield
        }) : () -> ()
        %mul3A_176 = arith.constant 8 : i32
        %mul3A_177 = arith.muli %add3A_34, %mul3A_176 : i32
        %add3A_178 = arith.constant 2 : i32
        %add3A_179 = arith.addi %mul3A_177, %add3A_178 : i32
        %mul3A_180 = arith.constant 200000 : i32
        %mul3A_181 = arith.muli %add3A_179, %mul3A_180 : i32
        %add3A_182 = arith.constant 199680 : i32
        %add3A_183 = arith.addi %mul3A_181, %add3A_182 : i32
        %run_scoped3A_184 = arith.constant 2 : i32
        "tpu.region"() ({
          %run_scoped3A_236 = tpu.sem_alloc : memref<!tpu.dma_semaphore, #tpu.memory_space<semaphore_mem>>
          %dma_start3A = arith.constant 0 : i32
          %dma_start3A_237 = tpu.memref_slice %arg26[%run_scoped3A_184, %dma_start3A] : memref<8x512xf32, #tpu.memory_space<vmem>> -> memref<1x512xf32, #tpu.memory_space<vmem>>
          %dma_start3A_238 = tpu.memref_squeeze %dma_start3A_237 : memref<1x512xf32, #tpu.memory_space<vmem>> -> memref<512xf32, #tpu.memory_space<vmem>>
          %dma_start3A_239 = tpu.memref_slice %arg8[%add3A_183] : memref<6400000xf32, #tpu.memory_space<hbm>> -> memref<512xf32, #tpu.memory_space<hbm>>
          %dma_start3A_240 = arith.constant 0 : i32
          %dma_start3A_241 = tpu.memref_slice %arg26[%run_scoped3A_184, %dma_start3A_240] : memref<8x512xf32, #tpu.memory_space<vmem>> -> memref<1x512xf32, #tpu.memory_space<vmem>>
          %dma_start3A_242 = tpu.memref_squeeze %dma_start3A_241 : memref<1x512xf32, #tpu.memory_space<vmem>> -> memref<512xf32, #tpu.memory_space<vmem>>
          %dma_start3A_243 = tpu.memref_slice %arg8[%add3A_183] : memref<6400000xf32, #tpu.memory_space<hbm>> -> memref<512xf32, #tpu.memory_space<hbm>>
          tpu.enqueue_dma source(%dma_start3A_243 : memref<512xf32, #tpu.memory_space<hbm>>) target(%dma_start3A_242 : memref<512xf32, #tpu.memory_space<vmem>>) target_semaphore(%run_scoped3A_236 : memref<!tpu.dma_semaphore, #tpu.memory_space<semaphore_mem>>)
          %dma_wait3A_244 = arith.constant 0 : i32
          %dma_wait3A_245 = tpu.memref_slice %arg26[%run_scoped3A_184, %dma_wait3A_244] : memref<8x512xf32, #tpu.memory_space<vmem>> -> memref<1x512xf32, #tpu.memory_space<vmem>>
          %dma_wait3A_246 = tpu.memref_squeeze %dma_wait3A_245 : memref<1x512xf32, #tpu.memory_space<vmem>> -> memref<512xf32, #tpu.memory_space<vmem>>
          %dma_wait3A_247 = tpu.memref_slice %arg8[%add3A_183] : memref<6400000xf32, #tpu.memory_space<hbm>> -> memref<512xf32, #tpu.memory_space<hbm>>
          %dma_wait3A_248 = arith.constant 0 : i32
          %dma_wait3A_249 = tpu.memref_slice %arg26[%run_scoped3A_184, %dma_wait3A_248] : memref<8x512xf32, #tpu.memory_space<vmem>> -> memref<1x512xf32, #tpu.memory_space<vmem>>
          %dma_wait3A_250 = tpu.memref_squeeze %dma_wait3A_249 : memref<1x512xf32, #tpu.memory_space<vmem>> -> memref<512xf32, #tpu.memory_space<vmem>>
          %dma_wait3A_251 = tpu.memref_slice %arg8[%add3A_183] : memref<6400000xf32, #tpu.memory_space<hbm>> -> memref<512xf32, #tpu.memory_space<hbm>>
          tpu.wait_dma2 semaphore(%run_scoped3A_236 : memref<!tpu.dma_semaphore, #tpu.memory_space<semaphore_mem>>) src(%dma_wait3A_251 : memref<512xf32, #tpu.memory_space<hbm>>) dst(%dma_wait3A_250 : memref<512xf32, #tpu.memory_space<vmem>>)
          tpu.yield
        }) : () -> ()
        %mul3A_185 = arith.constant 8 : i32
        %mul3A_186 = arith.muli %add3A_34, %mul3A_185 : i32
        %add3A_187 = arith.constant 3 : i32
        %add3A_188 = arith.addi %mul3A_186, %add3A_187 : i32
        %mul3A_189 = arith.constant 200000 : i32
        %mul3A_190 = arith.muli %add3A_188, %mul3A_189 : i32
        %add3A_191 = arith.constant 199680 : i32
        %add3A_192 = arith.addi %mul3A_190, %add3A_191 : i32
        %run_scoped3A_193 = arith.constant 3 : i32
        "tpu.region"() ({
          %run_scoped3A_236 = tpu.sem_alloc : memref<!tpu.dma_semaphore, #tpu.memory_space<semaphore_mem>>
          %dma_start3A = arith.constant 0 : i32
          %dma_start3A_237 = tpu.memref_slice %arg26[%run_scoped3A_193, %dma_start3A] : memref<8x512xf32, #tpu.memory_space<vmem>> -> memref<1x512xf32, #tpu.memory_space<vmem>>
          %dma_start3A_238 = tpu.memref_squeeze %dma_start3A_237 : memref<1x512xf32, #tpu.memory_space<vmem>> -> memref<512xf32, #tpu.memory_space<vmem>>
          %dma_start3A_239 = tpu.memref_slice %arg8[%add3A_192] : memref<6400000xf32, #tpu.memory_space<hbm>> -> memref<512xf32, #tpu.memory_space<hbm>>
          %dma_start3A_240 = arith.constant 0 : i32
          %dma_start3A_241 = tpu.memref_slice %arg26[%run_scoped3A_193, %dma_start3A_240] : memref<8x512xf32, #tpu.memory_space<vmem>> -> memref<1x512xf32, #tpu.memory_space<vmem>>
          %dma_start3A_242 = tpu.memref_squeeze %dma_start3A_241 : memref<1x512xf32, #tpu.memory_space<vmem>> -> memref<512xf32, #tpu.memory_space<vmem>>
          %dma_start3A_243 = tpu.memref_slice %arg8[%add3A_192] : memref<6400000xf32, #tpu.memory_space<hbm>> -> memref<512xf32, #tpu.memory_space<hbm>>
          tpu.enqueue_dma source(%dma_start3A_243 : memref<512xf32, #tpu.memory_space<hbm>>) target(%dma_start3A_242 : memref<512xf32, #tpu.memory_space<vmem>>) target_semaphore(%run_scoped3A_236 : memref<!tpu.dma_semaphore, #tpu.memory_space<semaphore_mem>>)
          %dma_wait3A_244 = arith.constant 0 : i32
          %dma_wait3A_245 = tpu.memref_slice %arg26[%run_scoped3A_193, %dma_wait3A_244] : memref<8x512xf32, #tpu.memory_space<vmem>> -> memref<1x512xf32, #tpu.memory_space<vmem>>
          %dma_wait3A_246 = tpu.memref_squeeze %dma_wait3A_245 : memref<1x512xf32, #tpu.memory_space<vmem>> -> memref<512xf32, #tpu.memory_space<vmem>>
          %dma_wait3A_247 = tpu.memref_slice %arg8[%add3A_192] : memref<6400000xf32, #tpu.memory_space<hbm>> -> memref<512xf32, #tpu.memory_space<hbm>>
          %dma_wait3A_248 = arith.constant 0 : i32
          %dma_wait3A_249 = tpu.memref_slice %arg26[%run_scoped3A_193, %dma_wait3A_248] : memref<8x512xf32, #tpu.memory_space<vmem>> -> memref<1x512xf32, #tpu.memory_space<vmem>>
          %dma_wait3A_250 = tpu.memref_squeeze %dma_wait3A_249 : memref<1x512xf32, #tpu.memory_space<vmem>> -> memref<512xf32, #tpu.memory_space<vmem>>
          %dma_wait3A_251 = tpu.memref_slice %arg8[%add3A_192] : memref<6400000xf32, #tpu.memory_space<hbm>> -> memref<512xf32, #tpu.memory_space<hbm>>
          tpu.wait_dma2 semaphore(%run_scoped3A_236 : memref<!tpu.dma_semaphore, #tpu.memory_space<semaphore_mem>>) src(%dma_wait3A_251 : memref<512xf32, #tpu.memory_space<hbm>>) dst(%dma_wait3A_250 : memref<512xf32, #tpu.memory_space<vmem>>)
          tpu.yield
        }) : () -> ()
        %mul3A_194 = arith.constant 8 : i32
        %mul3A_195 = arith.muli %add3A_34, %mul3A_194 : i32
        %add3A_196 = arith.constant 4 : i32
        %add3A_197 = arith.addi %mul3A_195, %add3A_196 : i32
        %mul3A_198 = arith.constant 200000 : i32
        %mul3A_199 = arith.muli %add3A_197, %mul3A_198 : i32
        %add3A_200 = arith.constant 199680 : i32
        %add3A_201 = arith.addi %mul3A_199, %add3A_200 : i32
        %run_scoped3A_202 = arith.constant 4 : i32
        "tpu.region"() ({
          %run_scoped3A_236 = tpu.sem_alloc : memref<!tpu.dma_semaphore, #tpu.memory_space<semaphore_mem>>
          %dma_start3A = arith.constant 0 : i32
          %dma_start3A_237 = tpu.memref_slice %arg26[%run_scoped3A_202, %dma_start3A] : memref<8x512xf32, #tpu.memory_space<vmem>> -> memref<1x512xf32, #tpu.memory_space<vmem>>
          %dma_start3A_238 = tpu.memref_squeeze %dma_start3A_237 : memref<1x512xf32, #tpu.memory_space<vmem>> -> memref<512xf32, #tpu.memory_space<vmem>>
          %dma_start3A_239 = tpu.memref_slice %arg8[%add3A_201] : memref<6400000xf32, #tpu.memory_space<hbm>> -> memref<512xf32, #tpu.memory_space<hbm>>
          %dma_start3A_240 = arith.constant 0 : i32
          %dma_start3A_241 = tpu.memref_slice %arg26[%run_scoped3A_202, %dma_start3A_240] : memref<8x512xf32, #tpu.memory_space<vmem>> -> memref<1x512xf32, #tpu.memory_space<vmem>>
          %dma_start3A_242 = tpu.memref_squeeze %dma_start3A_241 : memref<1x512xf32, #tpu.memory_space<vmem>> -> memref<512xf32, #tpu.memory_space<vmem>>
          %dma_start3A_243 = tpu.memref_slice %arg8[%add3A_201] : memref<6400000xf32, #tpu.memory_space<hbm>> -> memref<512xf32, #tpu.memory_space<hbm>>
          tpu.enqueue_dma source(%dma_start3A_243 : memref<512xf32, #tpu.memory_space<hbm>>) target(%dma_start3A_242 : memref<512xf32, #tpu.memory_space<vmem>>) target_semaphore(%run_scoped3A_236 : memref<!tpu.dma_semaphore, #tpu.memory_space<semaphore_mem>>)
          %dma_wait3A_244 = arith.constant 0 : i32
          %dma_wait3A_245 = tpu.memref_slice %arg26[%run_scoped3A_202, %dma_wait3A_244] : memref<8x512xf32, #tpu.memory_space<vmem>> -> memref<1x512xf32, #tpu.memory_space<vmem>>
          %dma_wait3A_246 = tpu.memref_squeeze %dma_wait3A_245 : memref<1x512xf32, #tpu.memory_space<vmem>> -> memref<512xf32, #tpu.memory_space<vmem>>
          %dma_wait3A_247 = tpu.memref_slice %arg8[%add3A_201] : memref<6400000xf32, #tpu.memory_space<hbm>> -> memref<512xf32, #tpu.memory_space<hbm>>
          %dma_wait3A_248 = arith.constant 0 : i32
          %dma_wait3A_249 = tpu.memref_slice %arg26[%run_scoped3A_202, %dma_wait3A_248] : memref<8x512xf32, #tpu.memory_space<vmem>> -> memref<1x512xf32, #tpu.memory_space<vmem>>
          %dma_wait3A_250 = tpu.memref_squeeze %dma_wait3A_249 : memref<1x512xf32, #tpu.memory_space<vmem>> -> memref<512xf32, #tpu.memory_space<vmem>>
          %dma_wait3A_251 = tpu.memref_slice %arg8[%add3A_201] : memref<6400000xf32, #tpu.memory_space<hbm>> -> memref<512xf32, #tpu.memory_space<hbm>>
          tpu.wait_dma2 semaphore(%run_scoped3A_236 : memref<!tpu.dma_semaphore, #tpu.memory_space<semaphore_mem>>) src(%dma_wait3A_251 : memref<512xf32, #tpu.memory_space<hbm>>) dst(%dma_wait3A_250 : memref<512xf32, #tpu.memory_space<vmem>>)
          tpu.yield
        }) : () -> ()
        %mul3A_203 = arith.constant 8 : i32
        %mul3A_204 = arith.muli %add3A_34, %mul3A_203 : i32
        %add3A_205 = arith.constant 5 : i32
        %add3A_206 = arith.addi %mul3A_204, %add3A_205 : i32
        %mul3A_207 = arith.constant 200000 : i32
        %mul3A_208 = arith.muli %add3A_206, %mul3A_207 : i32
        %add3A_209 = arith.constant 199680 : i32
        %add3A_210 = arith.addi %mul3A_208, %add3A_209 : i32
        %run_scoped3A_211 = arith.constant 5 : i32
        "tpu.region"() ({
          %run_scoped3A_236 = tpu.sem_alloc : memref<!tpu.dma_semaphore, #tpu.memory_space<semaphore_mem>>
          %dma_start3A = arith.constant 0 : i32
          %dma_start3A_237 = tpu.memref_slice %arg26[%run_scoped3A_211, %dma_start3A] : memref<8x512xf32, #tpu.memory_space<vmem>> -> memref<1x512xf32, #tpu.memory_space<vmem>>
          %dma_start3A_238 = tpu.memref_squeeze %dma_start3A_237 : memref<1x512xf32, #tpu.memory_space<vmem>> -> memref<512xf32, #tpu.memory_space<vmem>>
          %dma_start3A_239 = tpu.memref_slice %arg8[%add3A_210] : memref<6400000xf32, #tpu.memory_space<hbm>> -> memref<512xf32, #tpu.memory_space<hbm>>
          %dma_start3A_240 = arith.constant 0 : i32
          %dma_start3A_241 = tpu.memref_slice %arg26[%run_scoped3A_211, %dma_start3A_240] : memref<8x512xf32, #tpu.memory_space<vmem>> -> memref<1x512xf32, #tpu.memory_space<vmem>>
          %dma_start3A_242 = tpu.memref_squeeze %dma_start3A_241 : memref<1x512xf32, #tpu.memory_space<vmem>> -> memref<512xf32, #tpu.memory_space<vmem>>
          %dma_start3A_243 = tpu.memref_slice %arg8[%add3A_210] : memref<6400000xf32, #tpu.memory_space<hbm>> -> memref<512xf32, #tpu.memory_space<hbm>>
          tpu.enqueue_dma source(%dma_start3A_243 : memref<512xf32, #tpu.memory_space<hbm>>) target(%dma_start3A_242 : memref<512xf32, #tpu.memory_space<vmem>>) target_semaphore(%run_scoped3A_236 : memref<!tpu.dma_semaphore, #tpu.memory_space<semaphore_mem>>)
          %dma_wait3A_244 = arith.constant 0 : i32
          %dma_wait3A_245 = tpu.memref_slice %arg26[%run_scoped3A_211, %dma_wait3A_244] : memref<8x512xf32, #tpu.memory_space<vmem>> -> memref<1x512xf32, #tpu.memory_space<vmem>>
          %dma_wait3A_246 = tpu.memref_squeeze %dma_wait3A_245 : memref<1x512xf32, #tpu.memory_space<vmem>> -> memref<512xf32, #tpu.memory_space<vmem>>
          %dma_wait3A_247 = tpu.memref_slice %arg8[%add3A_210] : memref<6400000xf32, #tpu.memory_space<hbm>> -> memref<512xf32, #tpu.memory_space<hbm>>
          %dma_wait3A_248 = arith.constant 0 : i32
          %dma_wait3A_249 = tpu.memref_slice %arg26[%run_scoped3A_211, %dma_wait3A_248] : memref<8x512xf32, #tpu.memory_space<vmem>> -> memref<1x512xf32, #tpu.memory_space<vmem>>
          %dma_wait3A_250 = tpu.memref_squeeze %dma_wait3A_249 : memref<1x512xf32, #tpu.memory_space<vmem>> -> memref<512xf32, #tpu.memory_space<vmem>>
          %dma_wait3A_251 = tpu.memref_slice %arg8[%add3A_210] : memref<6400000xf32, #tpu.memory_space<hbm>> -> memref<512xf32, #tpu.memory_space<hbm>>
          tpu.wait_dma2 semaphore(%run_scoped3A_236 : memref<!tpu.dma_semaphore, #tpu.memory_space<semaphore_mem>>) src(%dma_wait3A_251 : memref<512xf32, #tpu.memory_space<hbm>>) dst(%dma_wait3A_250 : memref<512xf32, #tpu.memory_space<vmem>>)
          tpu.yield
        }) : () -> ()
        %mul3A_212 = arith.constant 8 : i32
        %mul3A_213 = arith.muli %add3A_34, %mul3A_212 : i32
        %add3A_214 = arith.constant 6 : i32
        %add3A_215 = arith.addi %mul3A_213, %add3A_214 : i32
        %mul3A_216 = arith.constant 200000 : i32
        %mul3A_217 = arith.muli %add3A_215, %mul3A_216 : i32
        %add3A_218 = arith.constant 199680 : i32
        %add3A_219 = arith.addi %mul3A_217, %add3A_218 : i32
        %run_scoped3A_220 = arith.constant 6 : i32
        "tpu.region"() ({
          %run_scoped3A_236 = tpu.sem_alloc : memref<!tpu.dma_semaphore, #tpu.memory_space<semaphore_mem>>
          %dma_start3A = arith.constant 0 : i32
          %dma_start3A_237 = tpu.memref_slice %arg26[%run_scoped3A_220, %dma_start3A] : memref<8x512xf32, #tpu.memory_space<vmem>> -> memref<1x512xf32, #tpu.memory_space<vmem>>
          %dma_start3A_238 = tpu.memref_squeeze %dma_start3A_237 : memref<1x512xf32, #tpu.memory_space<vmem>> -> memref<512xf32, #tpu.memory_space<vmem>>
          %dma_start3A_239 = tpu.memref_slice %arg8[%add3A_219] : memref<6400000xf32, #tpu.memory_space<hbm>> -> memref<512xf32, #tpu.memory_space<hbm>>
          %dma_start3A_240 = arith.constant 0 : i32
          %dma_start3A_241 = tpu.memref_slice %arg26[%run_scoped3A_220, %dma_start3A_240] : memref<8x512xf32, #tpu.memory_space<vmem>> -> memref<1x512xf32, #tpu.memory_space<vmem>>
          %dma_start3A_242 = tpu.memref_squeeze %dma_start3A_241 : memref<1x512xf32, #tpu.memory_space<vmem>> -> memref<512xf32, #tpu.memory_space<vmem>>
          %dma_start3A_243 = tpu.memref_slice %arg8[%add3A_219] : memref<6400000xf32, #tpu.memory_space<hbm>> -> memref<512xf32, #tpu.memory_space<hbm>>
          tpu.enqueue_dma source(%dma_start3A_243 : memref<512xf32, #tpu.memory_space<hbm>>) target(%dma_start3A_242 : memref<512xf32, #tpu.memory_space<vmem>>) target_semaphore(%run_scoped3A_236 : memref<!tpu.dma_semaphore, #tpu.memory_space<semaphore_mem>>)
          %dma_wait3A_244 = arith.constant 0 : i32
          %dma_wait3A_245 = tpu.memref_slice %arg26[%run_scoped3A_220, %dma_wait3A_244] : memref<8x512xf32, #tpu.memory_space<vmem>> -> memref<1x512xf32, #tpu.memory_space<vmem>>
          %dma_wait3A_246 = tpu.memref_squeeze %dma_wait3A_245 : memref<1x512xf32, #tpu.memory_space<vmem>> -> memref<512xf32, #tpu.memory_space<vmem>>
          %dma_wait3A_247 = tpu.memref_slice %arg8[%add3A_219] : memref<6400000xf32, #tpu.memory_space<hbm>> -> memref<512xf32, #tpu.memory_space<hbm>>
          %dma_wait3A_248 = arith.constant 0 : i32
          %dma_wait3A_249 = tpu.memref_slice %arg26[%run_scoped3A_220, %dma_wait3A_248] : memref<8x512xf32, #tpu.memory_space<vmem>> -> memref<1x512xf32, #tpu.memory_space<vmem>>
          %dma_wait3A_250 = tpu.memref_squeeze %dma_wait3A_249 : memref<1x512xf32, #tpu.memory_space<vmem>> -> memref<512xf32, #tpu.memory_space<vmem>>
          %dma_wait3A_251 = tpu.memref_slice %arg8[%add3A_219] : memref<6400000xf32, #tpu.memory_space<hbm>> -> memref<512xf32, #tpu.memory_space<hbm>>
          tpu.wait_dma2 semaphore(%run_scoped3A_236 : memref<!tpu.dma_semaphore, #tpu.memory_space<semaphore_mem>>) src(%dma_wait3A_251 : memref<512xf32, #tpu.memory_space<hbm>>) dst(%dma_wait3A_250 : memref<512xf32, #tpu.memory_space<vmem>>)
          tpu.yield
        }) : () -> ()
        %mul3A_221 = arith.constant 8 : i32
        %mul3A_222 = arith.muli %add3A_34, %mul3A_221 : i32
        %add3A_223 = arith.constant 7 : i32
        %add3A_224 = arith.addi %mul3A_222, %add3A_223 : i32
        %mul3A_225 = arith.constant 200000 : i32
        %mul3A_226 = arith.muli %add3A_224, %mul3A_225 : i32
        %add3A_227 = arith.constant 199680 : i32
        %add3A_228 = arith.addi %mul3A_226, %add3A_227 : i32
        %run_scoped3A_229 = arith.constant 7 : i32
        "tpu.region"() ({
          %run_scoped3A_236 = tpu.sem_alloc : memref<!tpu.dma_semaphore, #tpu.memory_space<semaphore_mem>>
          %dma_start3A = arith.constant 0 : i32
          %dma_start3A_237 = tpu.memref_slice %arg26[%run_scoped3A_229, %dma_start3A] : memref<8x512xf32, #tpu.memory_space<vmem>> -> memref<1x512xf32, #tpu.memory_space<vmem>>
          %dma_start3A_238 = tpu.memref_squeeze %dma_start3A_237 : memref<1x512xf32, #tpu.memory_space<vmem>> -> memref<512xf32, #tpu.memory_space<vmem>>
          %dma_start3A_239 = tpu.memref_slice %arg8[%add3A_228] : memref<6400000xf32, #tpu.memory_space<hbm>> -> memref<512xf32, #tpu.memory_space<hbm>>
          %dma_start3A_240 = arith.constant 0 : i32
          %dma_start3A_241 = tpu.memref_slice %arg26[%run_scoped3A_229, %dma_start3A_240] : memref<8x512xf32, #tpu.memory_space<vmem>> -> memref<1x512xf32, #tpu.memory_space<vmem>>
          %dma_start3A_242 = tpu.memref_squeeze %dma_start3A_241 : memref<1x512xf32, #tpu.memory_space<vmem>> -> memref<512xf32, #tpu.memory_space<vmem>>
          %dma_start3A_243 = tpu.memref_slice %arg8[%add3A_228] : memref<6400000xf32, #tpu.memory_space<hbm>> -> memref<512xf32, #tpu.memory_space<hbm>>
          tpu.enqueue_dma source(%dma_start3A_243 : memref<512xf32, #tpu.memory_space<hbm>>) target(%dma_start3A_242 : memref<512xf32, #tpu.memory_space<vmem>>) target_semaphore(%run_scoped3A_236 : memref<!tpu.dma_semaphore, #tpu.memory_space<semaphore_mem>>)
          %dma_wait3A_244 = arith.constant 0 : i32
          %dma_wait3A_245 = tpu.memref_slice %arg26[%run_scoped3A_229, %dma_wait3A_244] : memref<8x512xf32, #tpu.memory_space<vmem>> -> memref<1x512xf32, #tpu.memory_space<vmem>>
          %dma_wait3A_246 = tpu.memref_squeeze %dma_wait3A_245 : memref<1x512xf32, #tpu.memory_space<vmem>> -> memref<512xf32, #tpu.memory_space<vmem>>
          %dma_wait3A_247 = tpu.memref_slice %arg8[%add3A_228] : memref<6400000xf32, #tpu.memory_space<hbm>> -> memref<512xf32, #tpu.memory_space<hbm>>
          %dma_wait3A_248 = arith.constant 0 : i32
          %dma_wait3A_249 = tpu.memref_slice %arg26[%run_scoped3A_229, %dma_wait3A_248] : memref<8x512xf32, #tpu.memory_space<vmem>> -> memref<1x512xf32, #tpu.memory_space<vmem>>
          %dma_wait3A_250 = tpu.memref_squeeze %dma_wait3A_249 : memref<1x512xf32, #tpu.memory_space<vmem>> -> memref<512xf32, #tpu.memory_space<vmem>>
          %dma_wait3A_251 = tpu.memref_slice %arg8[%add3A_228] : memref<6400000xf32, #tpu.memory_space<hbm>> -> memref<512xf32, #tpu.memory_space<hbm>>
          tpu.wait_dma2 semaphore(%run_scoped3A_236 : memref<!tpu.dma_semaphore, #tpu.memory_space<semaphore_mem>>) src(%dma_wait3A_251 : memref<512xf32, #tpu.memory_space<hbm>>) dst(%dma_wait3A_250 : memref<512xf32, #tpu.memory_space<vmem>>)
          tpu.yield
        }) : () -> ()
        %scan3A_230 = arith.constant 0 : i32
        %scan3A_231 = arith.constant 0 : i32
        %scan3A_232 = arith.constant 20 : i32
        %scan3A_233 = arith.addi %scan3A_231, %scan3A_232 : i32
        %scan3A_234 = arith.constant 1 : i32
        scf.for %scan3A_236 = %scan3A_231 to %scan3A_233 step %scan3A_234  : i32 {
          %mul3A_237 = arith.constant 16 : i32
          %mul3A_238 = arith.muli %scan3A_236, %mul3A_237 : i32
          %add3A_239 = vector.broadcast %mul3A_238 : i32 to vector<16xi32>
          %add3A_240 = arith.addi %add3A_239, %iota3A : vector<16xi32>
          %mul3A_241 = arith.constant 16 : i32
          %mul3A_242 = arith.muli %scan3A_236, %mul3A_241 : i32
          %get3A = arith.constant 0 : i32
          %get3A_243 = arith.index_cast %get3A : i32 to index
          %get3A_244 = arith.index_cast %mul3A_242 : i32 to index
          %get3A_245 = tpu.vector_load %arg26[%get3A_243, %get3A_244] {strides = array<i32>} : memref<8x512xf32, #tpu.memory_space<vmem>>, vector<16xf32>,
          %broadcast_in_dim3A_246 = arith.constant 0 : i32
          %broadcast_in_dim3A_247 = vector.broadcast %broadcast_in_dim3A_246 : i32 to vector<16xi32>
          tpu.vector_store_idx %arg19[%add3A_240, %broadcast_in_dim3A_247], %get3A_245 : memref<2048x8xf32, #tpu.memory_space<vmem>>[vector<16xi32>, vector<16xi32>], vector<16xf32>,
          %mul3A_248 = arith.constant 16 : i32
          %mul3A_249 = arith.muli %scan3A_236, %mul3A_248 : i32
          %get3A_250 = arith.constant 1 : i32
          %get3A_251 = arith.index_cast %get3A_250 : i32 to index
          %get3A_252 = arith.index_cast %mul3A_249 : i32 to index
          %get3A_253 = tpu.vector_load %arg26[%get3A_251, %get3A_252] {strides = array<i32>} : memref<8x512xf32, #tpu.memory_space<vmem>>, vector<16xf32>,
          %broadcast_in_dim3A_254 = arith.constant 1 : i32
          %broadcast_in_dim3A_255 = vector.broadcast %broadcast_in_dim3A_254 : i32 to vector<16xi32>
          tpu.vector_store_idx %arg19[%add3A_240, %broadcast_in_dim3A_255], %get3A_253 : memref<2048x8xf32, #tpu.memory_space<vmem>>[vector<16xi32>, vector<16xi32>], vector<16xf32>,
          %mul3A_256 = arith.constant 16 : i32
          %mul3A_257 = arith.muli %scan3A_236, %mul3A_256 : i32
          %get3A_258 = arith.constant 2 : i32
          %get3A_259 = arith.index_cast %get3A_258 : i32 to index
          %get3A_260 = arith.index_cast %mul3A_257 : i32 to index
          %get3A_261 = tpu.vector_load %arg26[%get3A_259, %get3A_260] {strides = array<i32>} : memref<8x512xf32, #tpu.memory_space<vmem>>, vector<16xf32>,
          %broadcast_in_dim3A_262 = arith.constant 2 : i32
          %broadcast_in_dim3A_263 = vector.broadcast %broadcast_in_dim3A_262 : i32 to vector<16xi32>
          tpu.vector_store_idx %arg19[%add3A_240, %broadcast_in_dim3A_263], %get3A_261 : memref<2048x8xf32, #tpu.memory_space<vmem>>[vector<16xi32>, vector<16xi32>], vector<16xf32>,
          %mul3A_264 = arith.constant 16 : i32
          %mul3A_265 = arith.muli %scan3A_236, %mul3A_264 : i32
          %get3A_266 = arith.constant 3 : i32
          %get3A_267 = arith.index_cast %get3A_266 : i32 to index
          %get3A_268 = arith.index_cast %mul3A_265 : i32 to index
          %get3A_269 = tpu.vector_load %arg26[%get3A_267, %get3A_268] {strides = array<i32>} : memref<8x512xf32, #tpu.memory_space<vmem>>, vector<16xf32>,
          %broadcast_in_dim3A_270 = arith.constant 3 : i32
          %broadcast_in_dim3A_271 = vector.broadcast %broadcast_in_dim3A_270 : i32 to vector<16xi32>
          tpu.vector_store_idx %arg19[%add3A_240, %broadcast_in_dim3A_271], %get3A_269 : memref<2048x8xf32, #tpu.memory_space<vmem>>[vector<16xi32>, vector<16xi32>], vector<16xf32>,
          %mul3A_272 = arith.constant 16 : i32
          %mul3A_273 = arith.muli %scan3A_236, %mul3A_272 : i32
          %get3A_274 = arith.constant 4 : i32
          %get3A_275 = arith.index_cast %get3A_274 : i32 to index
          %get3A_276 = arith.index_cast %mul3A_273 : i32 to index
          %get3A_277 = tpu.vector_load %arg26[%get3A_275, %get3A_276] {strides = array<i32>} : memref<8x512xf32, #tpu.memory_space<vmem>>, vector<16xf32>,
          %broadcast_in_dim3A_278 = arith.constant 4 : i32
          %broadcast_in_dim3A_279 = vector.broadcast %broadcast_in_dim3A_278 : i32 to vector<16xi32>
          tpu.vector_store_idx %arg19[%add3A_240, %broadcast_in_dim3A_279], %get3A_277 : memref<2048x8xf32, #tpu.memory_space<vmem>>[vector<16xi32>, vector<16xi32>], vector<16xf32>,
          %mul3A_280 = arith.constant 16 : i32
          %mul3A_281 = arith.muli %scan3A_236, %mul3A_280 : i32
          %get3A_282 = arith.constant 5 : i32
          %get3A_283 = arith.index_cast %get3A_282 : i32 to index
          %get3A_284 = arith.index_cast %mul3A_281 : i32 to index
          %get3A_285 = tpu.vector_load %arg26[%get3A_283, %get3A_284] {strides = array<i32>} : memref<8x512xf32, #tpu.memory_space<vmem>>, vector<16xf32>,
          %broadcast_in_dim3A_286 = arith.constant 5 : i32
          %broadcast_in_dim3A_287 = vector.broadcast %broadcast_in_dim3A_286 : i32 to vector<16xi32>
          tpu.vector_store_idx %arg19[%add3A_240, %broadcast_in_dim3A_287], %get3A_285 : memref<2048x8xf32, #tpu.memory_space<vmem>>[vector<16xi32>, vector<16xi32>], vector<16xf32>,
          %mul3A_288 = arith.constant 16 : i32
          %mul3A_289 = arith.muli %scan3A_236, %mul3A_288 : i32
          %get3A_290 = arith.constant 6 : i32
          %get3A_291 = arith.index_cast %get3A_290 : i32 to index
          %get3A_292 = arith.index_cast %mul3A_289 : i32 to index
          %get3A_293 = tpu.vector_load %arg26[%get3A_291, %get3A_292] {strides = array<i32>} : memref<8x512xf32, #tpu.memory_space<vmem>>, vector<16xf32>,
          %broadcast_in_dim3A_294 = arith.constant 6 : i32
          %broadcast_in_dim3A_295 = vector.broadcast %broadcast_in_dim3A_294 : i32 to vector<16xi32>
          tpu.vector_store_idx %arg19[%add3A_240, %broadcast_in_dim3A_295], %get3A_293 : memref<2048x8xf32, #tpu.memory_space<vmem>>[vector<16xi32>, vector<16xi32>], vector<16xf32>,
          %mul3A_296 = arith.constant 16 : i32
          %mul3A_297 = arith.muli %scan3A_236, %mul3A_296 : i32
          %get3A_298 = arith.constant 7 : i32
          %get3A_299 = arith.index_cast %get3A_298 : i32 to index
          %get3A_300 = arith.index_cast %mul3A_297 : i32 to index
          %get3A_301 = tpu.vector_load %arg26[%get3A_299, %get3A_300] {strides = array<i32>} : memref<8x512xf32, #tpu.memory_space<vmem>>, vector<16xf32>,
          %broadcast_in_dim3A_302 = arith.constant 7 : i32
          %broadcast_in_dim3A_303 = vector.broadcast %broadcast_in_dim3A_302 : i32 to vector<16xi32>
          tpu.vector_store_idx %arg19[%add3A_240, %broadcast_in_dim3A_303], %get3A_301 : memref<2048x8xf32, #tpu.memory_space<vmem>>[vector<16xi32>, vector<16xi32>], vector<16xf32>,
        }
        %scan3A_235 = arith.constant 20 : i32
        "tpu.region"() ({
          %run_scoped3A_236 = tpu.sem_alloc : memref<!tpu.dma_semaphore, #tpu.memory_space<semaphore_mem>>
          %dma_start3A = arith.constant 0 : i32
          %dma_start3A_237 = arith.constant 0 : i32
          %dma_start3A_238 = tpu.memref_slice %arg19[%dma_start3A, %dma_start3A_237] : memref<2048x8xf32, #tpu.memory_space<vmem>> -> memref<320x8xf32, #tpu.memory_space<vmem>>
          %dma_start3A_239 = arith.constant 199680 : i32
          %dma_start3A_240 = arith.constant 0 : i32
          %dma_start3A_241 = tpu.memref_slice %arg10[%add3A_34, %dma_start3A_239, %dma_start3A_240] : memref<4x200704x8xf32, #tpu.memory_space<hbm>> -> memref<1x320x8xf32, #tpu.memory_space<hbm>>
          %dma_start3A_242 = tpu.memref_squeeze %dma_start3A_241 : memref<1x320x8xf32, #tpu.memory_space<hbm>> -> memref<320x8xf32, #tpu.memory_space<hbm>>
          %dma_start3A_243 = arith.constant 199680 : i32
          %dma_start3A_244 = arith.constant 0 : i32
          %dma_start3A_245 = tpu.memref_slice %arg10[%add3A_34, %dma_start3A_243, %dma_start3A_244] : memref<4x200704x8xf32, #tpu.memory_space<hbm>> -> memref<1x320x8xf32, #tpu.memory_space<hbm>>
          %dma_start3A_246 = tpu.memref_squeeze %dma_start3A_245 : memref<1x320x8xf32, #tpu.memory_space<hbm>> -> memref<320x8xf32, #tpu.memory_space<hbm>>
          %dma_start3A_247 = arith.constant 0 : i32
          %dma_start3A_248 = arith.constant 0 : i32
          %dma_start3A_249 = tpu.memref_slice %arg19[%dma_start3A_247, %dma_start3A_248] : memref<2048x8xf32, #tpu.memory_space<vmem>> -> memref<320x8xf32, #tpu.memory_space<vmem>>
          tpu.enqueue_dma source(%dma_start3A_249 : memref<320x8xf32, #tpu.memory_space<vmem>>) target(%dma_start3A_246 : memref<320x8xf32, #tpu.memory_space<hbm>>) target_semaphore(%run_scoped3A_236 : memref<!tpu.dma_semaphore, #tpu.memory_space<semaphore_mem>>)
          %dma_wait3A_250 = arith.constant 0 : i32
          %dma_wait3A_251 = arith.constant 0 : i32
          %dma_wait3A_252 = tpu.memref_slice %arg19[%dma_wait3A_250, %dma_wait3A_251] : memref<2048x8xf32, #tpu.memory_space<vmem>> -> memref<320x8xf32, #tpu.memory_space<vmem>>
          %dma_wait3A_253 = arith.constant 199680 : i32
          %dma_wait3A_254 = arith.constant 0 : i32
          %dma_wait3A_255 = tpu.memref_slice %arg10[%add3A_34, %dma_wait3A_253, %dma_wait3A_254] : memref<4x200704x8xf32, #tpu.memory_space<hbm>> -> memref<1x320x8xf32, #tpu.memory_space<hbm>>
          %dma_wait3A_256 = tpu.memref_squeeze %dma_wait3A_255 : memref<1x320x8xf32, #tpu.memory_space<hbm>> -> memref<320x8xf32, #tpu.memory_space<hbm>>
          %dma_wait3A_257 = arith.constant 199680 : i32
          %dma_wait3A_258 = arith.constant 0 : i32
          %dma_wait3A_259 = tpu.memref_slice %arg10[%add3A_34, %dma_wait3A_257, %dma_wait3A_258] : memref<4x200704x8xf32, #tpu.memory_space<hbm>> -> memref<1x320x8xf32, #tpu.memory_space<hbm>>
          %dma_wait3A_260 = tpu.memref_squeeze %dma_wait3A_259 : memref<1x320x8xf32, #tpu.memory_space<hbm>> -> memref<320x8xf32, #tpu.memory_space<hbm>>
          %dma_wait3A_261 = arith.constant 0 : i32
          %dma_wait3A_262 = arith.constant 0 : i32
          %dma_wait3A_263 = tpu.memref_slice %arg19[%dma_wait3A_261, %dma_wait3A_262] : memref<2048x8xf32, #tpu.memory_space<vmem>> -> memref<320x8xf32, #tpu.memory_space<vmem>>
          tpu.wait_dma2 semaphore(%run_scoped3A_236 : memref<!tpu.dma_semaphore, #tpu.memory_space<semaphore_mem>>) src(%dma_wait3A_263 : memref<320x8xf32, #tpu.memory_space<vmem>>) dst(%dma_wait3A_260 : memref<320x8xf32, #tpu.memory_space<hbm>>)
          tpu.yield
        }) : () -> ()
      } else {
      }
    }
    %scan3A_40 = arith.constant 25 : i32
    %mul3A_41 = arith.constant 2 : i32
    %mul3A_42 = arith.muli %mul3A_41, %arg0 : i32
    %add3A_43 = arith.constant 1 : i32
    %add3A_44 = arith.addi %mul3A_42, %add3A_43 : i32
    %scan3A_45 = arith.constant 0 : i32
    %scan3A_46 = arith.constant 0 : i32
    %scan3A_47 = arith.constant 25 : i32
    %scan3A_48 = arith.addi %scan3A_46, %scan3A_47 : i32
    %scan3A_49 = arith.constant 1 : i32
    scf.for %scan3A_146 = %scan3A_46 to %scan3A_48 step %scan3A_49  : i32 {
      %mul3A_147 = arith.constant 16 : i32
      %mul3A_148 = arith.muli %scan3A_146, %mul3A_147 : i32
      %add3A_149 = arith.addi %arg1, %mul3A_148 : i32
      %lt3A = arith.constant 390 : i32
      %lt3A_150 = arith.cmpi slt, %add3A_149, %lt3A : i32
      %convert_element_type3A_151 = arith.extui %lt3A_150 : i1 to i32
      %cond3A_152 = arith.constant 0 : i32
      %cond3A_153 = arith.cmpi ne, %convert_element_type3A_151, %cond3A_152 : i32
      scf.if %cond3A_153 {
        %mul3A_159 = arith.constant 8 : i32
        %mul3A_160 = arith.muli %add3A_44, %mul3A_159 : i32
        %add3A_161 = arith.constant 0 : i32
        %add3A_162 = arith.addi %mul3A_160, %add3A_161 : i32
        %mul3A_163 = arith.constant 200000 : i32
        %mul3A_164 = arith.muli %add3A_162, %mul3A_163 : i32
        %mul3A_165 = arith.constant 512 : i32
        %mul3A_166 = arith.muli %add3A_149, %mul3A_165 : i32
        %add3A_167 = arith.addi %mul3A_164, %mul3A_166 : i32
        %run_scoped3A = arith.constant 0 : i32
        "tpu.region"() ({
          %run_scoped3A_246 = tpu.sem_alloc : memref<!tpu.dma_semaphore, #tpu.memory_space<semaphore_mem>>
          %dma_start3A = arith.constant 0 : i32
          %dma_start3A_247 = tpu.memref_slice %arg26[%run_scoped3A, %dma_start3A] : memref<8x512xf32, #tpu.memory_space<vmem>> -> memref<1x512xf32, #tpu.memory_space<vmem>>
          %dma_start3A_248 = tpu.memref_squeeze %dma_start3A_247 : memref<1x512xf32, #tpu.memory_space<vmem>> -> memref<512xf32, #tpu.memory_space<vmem>>
          %dma_start3A_249 = tpu.memref_slice %arg8[%add3A_167] : memref<6400000xf32, #tpu.memory_space<hbm>> -> memref<512xf32, #tpu.memory_space<hbm>>
          %dma_start3A_250 = arith.constant 0 : i32
          %dma_start3A_251 = tpu.memref_slice %arg26[%run_scoped3A, %dma_start3A_250] : memref<8x512xf32, #tpu.memory_space<vmem>> -> memref<1x512xf32, #tpu.memory_space<vmem>>
          %dma_start3A_252 = tpu.memref_squeeze %dma_start3A_251 : memref<1x512xf32, #tpu.memory_space<vmem>> -> memref<512xf32, #tpu.memory_space<vmem>>
          %dma_start3A_253 = tpu.memref_slice %arg8[%add3A_167] : memref<6400000xf32, #tpu.memory_space<hbm>> -> memref<512xf32, #tpu.memory_space<hbm>>
          tpu.enqueue_dma source(%dma_start3A_253 : memref<512xf32, #tpu.memory_space<hbm>>) target(%dma_start3A_252 : memref<512xf32, #tpu.memory_space<vmem>>) target_semaphore(%run_scoped3A_246 : memref<!tpu.dma_semaphore, #tpu.memory_space<semaphore_mem>>)
          %dma_wait3A_254 = arith.constant 0 : i32
          %dma_wait3A_255 = tpu.memref_slice %arg26[%run_scoped3A, %dma_wait3A_254] : memref<8x512xf32, #tpu.memory_space<vmem>> -> memref<1x512xf32, #tpu.memory_space<vmem>>
          %dma_wait3A_256 = tpu.memref_squeeze %dma_wait3A_255 : memref<1x512xf32, #tpu.memory_space<vmem>> -> memref<512xf32, #tpu.memory_space<vmem>>
          %dma_wait3A_257 = tpu.memref_slice %arg8[%add3A_167] : memref<6400000xf32, #tpu.memory_space<hbm>> -> memref<512xf32, #tpu.memory_space<hbm>>
          %dma_wait3A_258 = arith.constant 0 : i32
          %dma_wait3A_259 = tpu.memref_slice %arg26[%run_scoped3A, %dma_wait3A_258] : memref<8x512xf32, #tpu.memory_space<vmem>> -> memref<1x512xf32, #tpu.memory_space<vmem>>
          %dma_wait3A_260 = tpu.memref_squeeze %dma_wait3A_259 : memref<1x512xf32, #tpu.memory_space<vmem>> -> memref<512xf32, #tpu.memory_space<vmem>>
          %dma_wait3A_261 = tpu.memref_slice %arg8[%add3A_167] : memref<6400000xf32, #tpu.memory_space<hbm>> -> memref<512xf32, #tpu.memory_space<hbm>>
          tpu.wait_dma2 semaphore(%run_scoped3A_246 : memref<!tpu.dma_semaphore, #tpu.memory_space<semaphore_mem>>) src(%dma_wait3A_261 : memref<512xf32, #tpu.memory_space<hbm>>) dst(%dma_wait3A_260 : memref<512xf32, #tpu.memory_space<vmem>>)
          tpu.yield
        }) : () -> ()
        %mul3A_168 = arith.constant 8 : i32
        %mul3A_169 = arith.muli %add3A_44, %mul3A_168 : i32
        %add3A_170 = arith.constant 1 : i32
        %add3A_171 = arith.addi %mul3A_169, %add3A_170 : i32
        %mul3A_172 = arith.constant 200000 : i32
        %mul3A_173 = arith.muli %add3A_171, %mul3A_172 : i32
        %mul3A_174 = arith.constant 512 : i32
        %mul3A_175 = arith.muli %add3A_149, %mul3A_174 : i32
        %add3A_176 = arith.addi %mul3A_173, %mul3A_175 : i32
        %run_scoped3A_177 = arith.constant 1 : i32
        "tpu.region"() ({
          %run_scoped3A_246 = tpu.sem_alloc : memref<!tpu.dma_semaphore, #tpu.memory_space<semaphore_mem>>
          %dma_start3A = arith.constant 0 : i32
          %dma_start3A_247 = tpu.memref_slice %arg26[%run_scoped3A_177, %dma_start3A] : memref<8x512xf32, #tpu.memory_space<vmem>> -> memref<1x512xf32, #tpu.memory_space<vmem>>
          %dma_start3A_248 = tpu.memref_squeeze %dma_start3A_247 : memref<1x512xf32, #tpu.memory_space<vmem>> -> memref<512xf32, #tpu.memory_space<vmem>>
          %dma_start3A_249 = tpu.memref_slice %arg8[%add3A_176] : memref<6400000xf32, #tpu.memory_space<hbm>> -> memref<512xf32, #tpu.memory_space<hbm>>
          %dma_start3A_250 = arith.constant 0 : i32
          %dma_start3A_251 = tpu.memref_slice %arg26[%run_scoped3A_177, %dma_start3A_250] : memref<8x512xf32, #tpu.memory_space<vmem>> -> memref<1x512xf32, #tpu.memory_space<vmem>>
          %dma_start3A_252 = tpu.memref_squeeze %dma_start3A_251 : memref<1x512xf32, #tpu.memory_space<vmem>> -> memref<512xf32, #tpu.memory_space<vmem>>
          %dma_start3A_253 = tpu.memref_slice %arg8[%add3A_176] : memref<6400000xf32, #tpu.memory_space<hbm>> -> memref<512xf32, #tpu.memory_space<hbm>>
          tpu.enqueue_dma source(%dma_start3A_253 : memref<512xf32, #tpu.memory_space<hbm>>) target(%dma_start3A_252 : memref<512xf32, #tpu.memory_space<vmem>>) target_semaphore(%run_scoped3A_246 : memref<!tpu.dma_semaphore, #tpu.memory_space<semaphore_mem>>)
          %dma_wait3A_254 = arith.constant 0 : i32
          %dma_wait3A_255 = tpu.memref_slice %arg26[%run_scoped3A_177, %dma_wait3A_254] : memref<8x512xf32, #tpu.memory_space<vmem>> -> memref<1x512xf32, #tpu.memory_space<vmem>>
          %dma_wait3A_256 = tpu.memref_squeeze %dma_wait3A_255 : memref<1x512xf32, #tpu.memory_space<vmem>> -> memref<512xf32, #tpu.memory_space<vmem>>
          %dma_wait3A_257 = tpu.memref_slice %arg8[%add3A_176] : memref<6400000xf32, #tpu.memory_space<hbm>> -> memref<512xf32, #tpu.memory_space<hbm>>
          %dma_wait3A_258 = arith.constant 0 : i32
          %dma_wait3A_259 = tpu.memref_slice %arg26[%run_scoped3A_177, %dma_wait3A_258] : memref<8x512xf32, #tpu.memory_space<vmem>> -> memref<1x512xf32, #tpu.memory_space<vmem>>
          %dma_wait3A_260 = tpu.memref_squeeze %dma_wait3A_259 : memref<1x512xf32, #tpu.memory_space<vmem>> -> memref<512xf32, #tpu.memory_space<vmem>>
          %dma_wait3A_261 = tpu.memref_slice %arg8[%add3A_176] : memref<6400000xf32, #tpu.memory_space<hbm>> -> memref<512xf32, #tpu.memory_space<hbm>>
          tpu.wait_dma2 semaphore(%run_scoped3A_246 : memref<!tpu.dma_semaphore, #tpu.memory_space<semaphore_mem>>) src(%dma_wait3A_261 : memref<512xf32, #tpu.memory_space<hbm>>) dst(%dma_wait3A_260 : memref<512xf32, #tpu.memory_space<vmem>>)
          tpu.yield
        }) : () -> ()
        %mul3A_178 = arith.constant 8 : i32
        %mul3A_179 = arith.muli %add3A_44, %mul3A_178 : i32
        %add3A_180 = arith.constant 2 : i32
        %add3A_181 = arith.addi %mul3A_179, %add3A_180 : i32
        %mul3A_182 = arith.constant 200000 : i32
        %mul3A_183 = arith.muli %add3A_181, %mul3A_182 : i32
        %mul3A_184 = arith.constant 512 : i32
        %mul3A_185 = arith.muli %add3A_149, %mul3A_184 : i32
        %add3A_186 = arith.addi %mul3A_183, %mul3A_185 : i32
        %run_scoped3A_187 = arith.constant 2 : i32
        "tpu.region"() ({
          %run_scoped3A_246 = tpu.sem_alloc : memref<!tpu.dma_semaphore, #tpu.memory_space<semaphore_mem>>
          %dma_start3A = arith.constant 0 : i32
          %dma_start3A_247 = tpu.memref_slice %arg26[%run_scoped3A_187, %dma_start3A] : memref<8x512xf32, #tpu.memory_space<vmem>> -> memref<1x512xf32, #tpu.memory_space<vmem>>
          %dma_start3A_248 = tpu.memref_squeeze %dma_start3A_247 : memref<1x512xf32, #tpu.memory_space<vmem>> -> memref<512xf32, #tpu.memory_space<vmem>>
          %dma_start3A_249 = tpu.memref_slice %arg8[%add3A_186] : memref<6400000xf32, #tpu.memory_space<hbm>> -> memref<512xf32, #tpu.memory_space<hbm>>
          %dma_start3A_250 = arith.constant 0 : i32
          %dma_start3A_251 = tpu.memref_slice %arg26[%run_scoped3A_187, %dma_start3A_250] : memref<8x512xf32, #tpu.memory_space<vmem>> -> memref<1x512xf32, #tpu.memory_space<vmem>>
          %dma_start3A_252 = tpu.memref_squeeze %dma_start3A_251 : memref<1x512xf32, #tpu.memory_space<vmem>> -> memref<512xf32, #tpu.memory_space<vmem>>
          %dma_start3A_253 = tpu.memref_slice %arg8[%add3A_186] : memref<6400000xf32, #tpu.memory_space<hbm>> -> memref<512xf32, #tpu.memory_space<hbm>>
          tpu.enqueue_dma source(%dma_start3A_253 : memref<512xf32, #tpu.memory_space<hbm>>) target(%dma_start3A_252 : memref<512xf32, #tpu.memory_space<vmem>>) target_semaphore(%run_scoped3A_246 : memref<!tpu.dma_semaphore, #tpu.memory_space<semaphore_mem>>)
          %dma_wait3A_254 = arith.constant 0 : i32
          %dma_wait3A_255 = tpu.memref_slice %arg26[%run_scoped3A_187, %dma_wait3A_254] : memref<8x512xf32, #tpu.memory_space<vmem>> -> memref<1x512xf32, #tpu.memory_space<vmem>>
          %dma_wait3A_256 = tpu.memref_squeeze %dma_wait3A_255 : memref<1x512xf32, #tpu.memory_space<vmem>> -> memref<512xf32, #tpu.memory_space<vmem>>
          %dma_wait3A_257 = tpu.memref_slice %arg8[%add3A_186] : memref<6400000xf32, #tpu.memory_space<hbm>> -> memref<512xf32, #tpu.memory_space<hbm>>
          %dma_wait3A_258 = arith.constant 0 : i32
          %dma_wait3A_259 = tpu.memref_slice %arg26[%run_scoped3A_187, %dma_wait3A_258] : memref<8x512xf32, #tpu.memory_space<vmem>> -> memref<1x512xf32, #tpu.memory_space<vmem>>
          %dma_wait3A_260 = tpu.memref_squeeze %dma_wait3A_259 : memref<1x512xf32, #tpu.memory_space<vmem>> -> memref<512xf32, #tpu.memory_space<vmem>>
          %dma_wait3A_261 = tpu.memref_slice %arg8[%add3A_186] : memref<6400000xf32, #tpu.memory_space<hbm>> -> memref<512xf32, #tpu.memory_space<hbm>>
          tpu.wait_dma2 semaphore(%run_scoped3A_246 : memref<!tpu.dma_semaphore, #tpu.memory_space<semaphore_mem>>) src(%dma_wait3A_261 : memref<512xf32, #tpu.memory_space<hbm>>) dst(%dma_wait3A_260 : memref<512xf32, #tpu.memory_space<vmem>>)
          tpu.yield
        }) : () -> ()
        %mul3A_188 = arith.constant 8 : i32
        %mul3A_189 = arith.muli %add3A_44, %mul3A_188 : i32
        %add3A_190 = arith.constant 3 : i32
        %add3A_191 = arith.addi %mul3A_189, %add3A_190 : i32
        %mul3A_192 = arith.constant 200000 : i32
        %mul3A_193 = arith.muli %add3A_191, %mul3A_192 : i32
        %mul3A_194 = arith.constant 512 : i32
        %mul3A_195 = arith.muli %add3A_149, %mul3A_194 : i32
        %add3A_196 = arith.addi %mul3A_193, %mul3A_195 : i32
        %run_scoped3A_197 = arith.constant 3 : i32
        "tpu.region"() ({
          %run_scoped3A_246 = tpu.sem_alloc : memref<!tpu.dma_semaphore, #tpu.memory_space<semaphore_mem>>
          %dma_start3A = arith.constant 0 : i32
          %dma_start3A_247 = tpu.memref_slice %arg26[%run_scoped3A_197, %dma_start3A] : memref<8x512xf32, #tpu.memory_space<vmem>> -> memref<1x512xf32, #tpu.memory_space<vmem>>
          %dma_start3A_248 = tpu.memref_squeeze %dma_start3A_247 : memref<1x512xf32, #tpu.memory_space<vmem>> -> memref<512xf32, #tpu.memory_space<vmem>>
          %dma_start3A_249 = tpu.memref_slice %arg8[%add3A_196] : memref<6400000xf32, #tpu.memory_space<hbm>> -> memref<512xf32, #tpu.memory_space<hbm>>
          %dma_start3A_250 = arith.constant 0 : i32
          %dma_start3A_251 = tpu.memref_slice %arg26[%run_scoped3A_197, %dma_start3A_250] : memref<8x512xf32, #tpu.memory_space<vmem>> -> memref<1x512xf32, #tpu.memory_space<vmem>>
          %dma_start3A_252 = tpu.memref_squeeze %dma_start3A_251 : memref<1x512xf32, #tpu.memory_space<vmem>> -> memref<512xf32, #tpu.memory_space<vmem>>
          %dma_start3A_253 = tpu.memref_slice %arg8[%add3A_196] : memref<6400000xf32, #tpu.memory_space<hbm>> -> memref<512xf32, #tpu.memory_space<hbm>>
          tpu.enqueue_dma source(%dma_start3A_253 : memref<512xf32, #tpu.memory_space<hbm>>) target(%dma_start3A_252 : memref<512xf32, #tpu.memory_space<vmem>>) target_semaphore(%run_scoped3A_246 : memref<!tpu.dma_semaphore, #tpu.memory_space<semaphore_mem>>)
          %dma_wait3A_254 = arith.constant 0 : i32
          %dma_wait3A_255 = tpu.memref_slice %arg26[%run_scoped3A_197, %dma_wait3A_254] : memref<8x512xf32, #tpu.memory_space<vmem>> -> memref<1x512xf32, #tpu.memory_space<vmem>>
          %dma_wait3A_256 = tpu.memref_squeeze %dma_wait3A_255 : memref<1x512xf32, #tpu.memory_space<vmem>> -> memref<512xf32, #tpu.memory_space<vmem>>
          %dma_wait3A_257 = tpu.memref_slice %arg8[%add3A_196] : memref<6400000xf32, #tpu.memory_space<hbm>> -> memref<512xf32, #tpu.memory_space<hbm>>
          %dma_wait3A_258 = arith.constant 0 : i32
          %dma_wait3A_259 = tpu.memref_slice %arg26[%run_scoped3A_197, %dma_wait3A_258] : memref<8x512xf32, #tpu.memory_space<vmem>> -> memref<1x512xf32, #tpu.memory_space<vmem>>
          %dma_wait3A_260 = tpu.memref_squeeze %dma_wait3A_259 : memref<1x512xf32, #tpu.memory_space<vmem>> -> memref<512xf32, #tpu.memory_space<vmem>>
          %dma_wait3A_261 = tpu.memref_slice %arg8[%add3A_196] : memref<6400000xf32, #tpu.memory_space<hbm>> -> memref<512xf32, #tpu.memory_space<hbm>>
          tpu.wait_dma2 semaphore(%run_scoped3A_246 : memref<!tpu.dma_semaphore, #tpu.memory_space<semaphore_mem>>) src(%dma_wait3A_261 : memref<512xf32, #tpu.memory_space<hbm>>) dst(%dma_wait3A_260 : memref<512xf32, #tpu.memory_space<vmem>>)
          tpu.yield
        }) : () -> ()
        %mul3A_198 = arith.constant 8 : i32
        %mul3A_199 = arith.muli %add3A_44, %mul3A_198 : i32
        %add3A_200 = arith.constant 4 : i32
        %add3A_201 = arith.addi %mul3A_199, %add3A_200 : i32
        %mul3A_202 = arith.constant 200000 : i32
        %mul3A_203 = arith.muli %add3A_201, %mul3A_202 : i32
        %mul3A_204 = arith.constant 512 : i32
        %mul3A_205 = arith.muli %add3A_149, %mul3A_204 : i32
        %add3A_206 = arith.addi %mul3A_203, %mul3A_205 : i32
        %run_scoped3A_207 = arith.constant 4 : i32
        "tpu.region"() ({
          %run_scoped3A_246 = tpu.sem_alloc : memref<!tpu.dma_semaphore, #tpu.memory_space<semaphore_mem>>
          %dma_start3A = arith.constant 0 : i32
          %dma_start3A_247 = tpu.memref_slice %arg26[%run_scoped3A_207, %dma_start3A] : memref<8x512xf32, #tpu.memory_space<vmem>> -> memref<1x512xf32, #tpu.memory_space<vmem>>
          %dma_start3A_248 = tpu.memref_squeeze %dma_start3A_247 : memref<1x512xf32, #tpu.memory_space<vmem>> -> memref<512xf32, #tpu.memory_space<vmem>>
          %dma_start3A_249 = tpu.memref_slice %arg8[%add3A_206] : memref<6400000xf32, #tpu.memory_space<hbm>> -> memref<512xf32, #tpu.memory_space<hbm>>
          %dma_start3A_250 = arith.constant 0 : i32
          %dma_start3A_251 = tpu.memref_slice %arg26[%run_scoped3A_207, %dma_start3A_250] : memref<8x512xf32, #tpu.memory_space<vmem>> -> memref<1x512xf32, #tpu.memory_space<vmem>>
          %dma_start3A_252 = tpu.memref_squeeze %dma_start3A_251 : memref<1x512xf32, #tpu.memory_space<vmem>> -> memref<512xf32, #tpu.memory_space<vmem>>
          %dma_start3A_253 = tpu.memref_slice %arg8[%add3A_206] : memref<6400000xf32, #tpu.memory_space<hbm>> -> memref<512xf32, #tpu.memory_space<hbm>>
          tpu.enqueue_dma source(%dma_start3A_253 : memref<512xf32, #tpu.memory_space<hbm>>) target(%dma_start3A_252 : memref<512xf32, #tpu.memory_space<vmem>>) target_semaphore(%run_scoped3A_246 : memref<!tpu.dma_semaphore, #tpu.memory_space<semaphore_mem>>)
          %dma_wait3A_254 = arith.constant 0 : i32
          %dma_wait3A_255 = tpu.memref_slice %arg26[%run_scoped3A_207, %dma_wait3A_254] : memref<8x512xf32, #tpu.memory_space<vmem>> -> memref<1x512xf32, #tpu.memory_space<vmem>>
          %dma_wait3A_256 = tpu.memref_squeeze %dma_wait3A_255 : memref<1x512xf32, #tpu.memory_space<vmem>> -> memref<512xf32, #tpu.memory_space<vmem>>
          %dma_wait3A_257 = tpu.memref_slice %arg8[%add3A_206] : memref<6400000xf32, #tpu.memory_space<hbm>> -> memref<512xf32, #tpu.memory_space<hbm>>
          %dma_wait3A_258 = arith.constant 0 : i32
          %dma_wait3A_259 = tpu.memref_slice %arg26[%run_scoped3A_207, %dma_wait3A_258] : memref<8x512xf32, #tpu.memory_space<vmem>> -> memref<1x512xf32, #tpu.memory_space<vmem>>
          %dma_wait3A_260 = tpu.memref_squeeze %dma_wait3A_259 : memref<1x512xf32, #tpu.memory_space<vmem>> -> memref<512xf32, #tpu.memory_space<vmem>>
          %dma_wait3A_261 = tpu.memref_slice %arg8[%add3A_206] : memref<6400000xf32, #tpu.memory_space<hbm>> -> memref<512xf32, #tpu.memory_space<hbm>>
          tpu.wait_dma2 semaphore(%run_scoped3A_246 : memref<!tpu.dma_semaphore, #tpu.memory_space<semaphore_mem>>) src(%dma_wait3A_261 : memref<512xf32, #tpu.memory_space<hbm>>) dst(%dma_wait3A_260 : memref<512xf32, #tpu.memory_space<vmem>>)
          tpu.yield
        }) : () -> ()
        %mul3A_208 = arith.constant 8 : i32
        %mul3A_209 = arith.muli %add3A_44, %mul3A_208 : i32
        %add3A_210 = arith.constant 5 : i32
        %add3A_211 = arith.addi %mul3A_209, %add3A_210 : i32
        %mul3A_212 = arith.constant 200000 : i32
        %mul3A_213 = arith.muli %add3A_211, %mul3A_212 : i32
        %mul3A_214 = arith.constant 512 : i32
        %mul3A_215 = arith.muli %add3A_149, %mul3A_214 : i32
        %add3A_216 = arith.addi %mul3A_213, %mul3A_215 : i32
        %run_scoped3A_217 = arith.constant 5 : i32
        "tpu.region"() ({
          %run_scoped3A_246 = tpu.sem_alloc : memref<!tpu.dma_semaphore, #tpu.memory_space<semaphore_mem>>
          %dma_start3A = arith.constant 0 : i32
          %dma_start3A_247 = tpu.memref_slice %arg26[%run_scoped3A_217, %dma_start3A] : memref<8x512xf32, #tpu.memory_space<vmem>> -> memref<1x512xf32, #tpu.memory_space<vmem>>
          %dma_start3A_248 = tpu.memref_squeeze %dma_start3A_247 : memref<1x512xf32, #tpu.memory_space<vmem>> -> memref<512xf32, #tpu.memory_space<vmem>>
          %dma_start3A_249 = tpu.memref_slice %arg8[%add3A_216] : memref<6400000xf32, #tpu.memory_space<hbm>> -> memref<512xf32, #tpu.memory_space<hbm>>
          %dma_start3A_250 = arith.constant 0 : i32
          %dma_start3A_251 = tpu.memref_slice %arg26[%run_scoped3A_217, %dma_start3A_250] : memref<8x512xf32, #tpu.memory_space<vmem>> -> memref<1x512xf32, #tpu.memory_space<vmem>>
          %dma_start3A_252 = tpu.memref_squeeze %dma_start3A_251 : memref<1x512xf32, #tpu.memory_space<vmem>> -> memref<512xf32, #tpu.memory_space<vmem>>
          %dma_start3A_253 = tpu.memref_slice %arg8[%add3A_216] : memref<6400000xf32, #tpu.memory_space<hbm>> -> memref<512xf32, #tpu.memory_space<hbm>>
          tpu.enqueue_dma source(%dma_start3A_253 : memref<512xf32, #tpu.memory_space<hbm>>) target(%dma_start3A_252 : memref<512xf32, #tpu.memory_space<vmem>>) target_semaphore(%run_scoped3A_246 : memref<!tpu.dma_semaphore, #tpu.memory_space<semaphore_mem>>)
          %dma_wait3A_254 = arith.constant 0 : i32
          %dma_wait3A_255 = tpu.memref_slice %arg26[%run_scoped3A_217, %dma_wait3A_254] : memref<8x512xf32, #tpu.memory_space<vmem>> -> memref<1x512xf32, #tpu.memory_space<vmem>>
          %dma_wait3A_256 = tpu.memref_squeeze %dma_wait3A_255 : memref<1x512xf32, #tpu.memory_space<vmem>> -> memref<512xf32, #tpu.memory_space<vmem>>
          %dma_wait3A_257 = tpu.memref_slice %arg8[%add3A_216] : memref<6400000xf32, #tpu.memory_space<hbm>> -> memref<512xf32, #tpu.memory_space<hbm>>
          %dma_wait3A_258 = arith.constant 0 : i32
          %dma_wait3A_259 = tpu.memref_slice %arg26[%run_scoped3A_217, %dma_wait3A_258] : memref<8x512xf32, #tpu.memory_space<vmem>> -> memref<1x512xf32, #tpu.memory_space<vmem>>
          %dma_wait3A_260 = tpu.memref_squeeze %dma_wait3A_259 : memref<1x512xf32, #tpu.memory_space<vmem>> -> memref<512xf32, #tpu.memory_space<vmem>>
          %dma_wait3A_261 = tpu.memref_slice %arg8[%add3A_216] : memref<6400000xf32, #tpu.memory_space<hbm>> -> memref<512xf32, #tpu.memory_space<hbm>>
          tpu.wait_dma2 semaphore(%run_scoped3A_246 : memref<!tpu.dma_semaphore, #tpu.memory_space<semaphore_mem>>) src(%dma_wait3A_261 : memref<512xf32, #tpu.memory_space<hbm>>) dst(%dma_wait3A_260 : memref<512xf32, #tpu.memory_space<vmem>>)
          tpu.yield
        }) : () -> ()
        %mul3A_218 = arith.constant 8 : i32
        %mul3A_219 = arith.muli %add3A_44, %mul3A_218 : i32
        %add3A_220 = arith.constant 6 : i32
        %add3A_221 = arith.addi %mul3A_219, %add3A_220 : i32
        %mul3A_222 = arith.constant 200000 : i32
        %mul3A_223 = arith.muli %add3A_221, %mul3A_222 : i32
        %mul3A_224 = arith.constant 512 : i32
        %mul3A_225 = arith.muli %add3A_149, %mul3A_224 : i32
        %add3A_226 = arith.addi %mul3A_223, %mul3A_225 : i32
        %run_scoped3A_227 = arith.constant 6 : i32
        "tpu.region"() ({
          %run_scoped3A_246 = tpu.sem_alloc : memref<!tpu.dma_semaphore, #tpu.memory_space<semaphore_mem>>
          %dma_start3A = arith.constant 0 : i32
          %dma_start3A_247 = tpu.memref_slice %arg26[%run_scoped3A_227, %dma_start3A] : memref<8x512xf32, #tpu.memory_space<vmem>> -> memref<1x512xf32, #tpu.memory_space<vmem>>
          %dma_start3A_248 = tpu.memref_squeeze %dma_start3A_247 : memref<1x512xf32, #tpu.memory_space<vmem>> -> memref<512xf32, #tpu.memory_space<vmem>>
          %dma_start3A_249 = tpu.memref_slice %arg8[%add3A_226] : memref<6400000xf32, #tpu.memory_space<hbm>> -> memref<512xf32, #tpu.memory_space<hbm>>
          %dma_start3A_250 = arith.constant 0 : i32
          %dma_start3A_251 = tpu.memref_slice %arg26[%run_scoped3A_227, %dma_start3A_250] : memref<8x512xf32, #tpu.memory_space<vmem>> -> memref<1x512xf32, #tpu.memory_space<vmem>>
          %dma_start3A_252 = tpu.memref_squeeze %dma_start3A_251 : memref<1x512xf32, #tpu.memory_space<vmem>> -> memref<512xf32, #tpu.memory_space<vmem>>
          %dma_start3A_253 = tpu.memref_slice %arg8[%add3A_226] : memref<6400000xf32, #tpu.memory_space<hbm>> -> memref<512xf32, #tpu.memory_space<hbm>>
          tpu.enqueue_dma source(%dma_start3A_253 : memref<512xf32, #tpu.memory_space<hbm>>) target(%dma_start3A_252 : memref<512xf32, #tpu.memory_space<vmem>>) target_semaphore(%run_scoped3A_246 : memref<!tpu.dma_semaphore, #tpu.memory_space<semaphore_mem>>)
          %dma_wait3A_254 = arith.constant 0 : i32
          %dma_wait3A_255 = tpu.memref_slice %arg26[%run_scoped3A_227, %dma_wait3A_254] : memref<8x512xf32, #tpu.memory_space<vmem>> -> memref<1x512xf32, #tpu.memory_space<vmem>>
          %dma_wait3A_256 = tpu.memref_squeeze %dma_wait3A_255 : memref<1x512xf32, #tpu.memory_space<vmem>> -> memref<512xf32, #tpu.memory_space<vmem>>
          %dma_wait3A_257 = tpu.memref_slice %arg8[%add3A_226] : memref<6400000xf32, #tpu.memory_space<hbm>> -> memref<512xf32, #tpu.memory_space<hbm>>
          %dma_wait3A_258 = arith.constant 0 : i32
          %dma_wait3A_259 = tpu.memref_slice %arg26[%run_scoped3A_227, %dma_wait3A_258] : memref<8x512xf32, #tpu.memory_space<vmem>> -> memref<1x512xf32, #tpu.memory_space<vmem>>
          %dma_wait3A_260 = tpu.memref_squeeze %dma_wait3A_259 : memref<1x512xf32, #tpu.memory_space<vmem>> -> memref<512xf32, #tpu.memory_space<vmem>>
          %dma_wait3A_261 = tpu.memref_slice %arg8[%add3A_226] : memref<6400000xf32, #tpu.memory_space<hbm>> -> memref<512xf32, #tpu.memory_space<hbm>>
          tpu.wait_dma2 semaphore(%run_scoped3A_246 : memref<!tpu.dma_semaphore, #tpu.memory_space<semaphore_mem>>) src(%dma_wait3A_261 : memref<512xf32, #tpu.memory_space<hbm>>) dst(%dma_wait3A_260 : memref<512xf32, #tpu.memory_space<vmem>>)
          tpu.yield
        }) : () -> ()
        %mul3A_228 = arith.constant 8 : i32
        %mul3A_229 = arith.muli %add3A_44, %mul3A_228 : i32
        %add3A_230 = arith.constant 7 : i32
        %add3A_231 = arith.addi %mul3A_229, %add3A_230 : i32
        %mul3A_232 = arith.constant 200000 : i32
        %mul3A_233 = arith.muli %add3A_231, %mul3A_232 : i32
        %mul3A_234 = arith.constant 512 : i32
        %mul3A_235 = arith.muli %add3A_149, %mul3A_234 : i32
        %add3A_236 = arith.addi %mul3A_233, %mul3A_235 : i32
        %run_scoped3A_237 = arith.constant 7 : i32
        "tpu.region"() ({
          %run_scoped3A_246 = tpu.sem_alloc : memref<!tpu.dma_semaphore, #tpu.memory_space<semaphore_mem>>
          %dma_start3A = arith.constant 0 : i32
          %dma_start3A_247 = tpu.memref_slice %arg26[%run_scoped3A_237, %dma_start3A] : memref<8x512xf32, #tpu.memory_space<vmem>> -> memref<1x512xf32, #tpu.memory_space<vmem>>
          %dma_start3A_248 = tpu.memref_squeeze %dma_start3A_247 : memref<1x512xf32, #tpu.memory_space<vmem>> -> memref<512xf32, #tpu.memory_space<vmem>>
          %dma_start3A_249 = tpu.memref_slice %arg8[%add3A_236] : memref<6400000xf32, #tpu.memory_space<hbm>> -> memref<512xf32, #tpu.memory_space<hbm>>
          %dma_start3A_250 = arith.constant 0 : i32
          %dma_start3A_251 = tpu.memref_slice %arg26[%run_scoped3A_237, %dma_start3A_250] : memref<8x512xf32, #tpu.memory_space<vmem>> -> memref<1x512xf32, #tpu.memory_space<vmem>>
          %dma_start3A_252 = tpu.memref_squeeze %dma_start3A_251 : memref<1x512xf32, #tpu.memory_space<vmem>> -> memref<512xf32, #tpu.memory_space<vmem>>
          %dma_start3A_253 = tpu.memref_slice %arg8[%add3A_236] : memref<6400000xf32, #tpu.memory_space<hbm>> -> memref<512xf32, #tpu.memory_space<hbm>>
          tpu.enqueue_dma source(%dma_start3A_253 : memref<512xf32, #tpu.memory_space<hbm>>) target(%dma_start3A_252 : memref<512xf32, #tpu.memory_space<vmem>>) target_semaphore(%run_scoped3A_246 : memref<!tpu.dma_semaphore, #tpu.memory_space<semaphore_mem>>)
          %dma_wait3A_254 = arith.constant 0 : i32
          %dma_wait3A_255 = tpu.memref_slice %arg26[%run_scoped3A_237, %dma_wait3A_254] : memref<8x512xf32, #tpu.memory_space<vmem>> -> memref<1x512xf32, #tpu.memory_space<vmem>>
          %dma_wait3A_256 = tpu.memref_squeeze %dma_wait3A_255 : memref<1x512xf32, #tpu.memory_space<vmem>> -> memref<512xf32, #tpu.memory_space<vmem>>
          %dma_wait3A_257 = tpu.memref_slice %arg8[%add3A_236] : memref<6400000xf32, #tpu.memory_space<hbm>> -> memref<512xf32, #tpu.memory_space<hbm>>
          %dma_wait3A_258 = arith.constant 0 : i32
          %dma_wait3A_259 = tpu.memref_slice %arg26[%run_scoped3A_237, %dma_wait3A_258] : memref<8x512xf32, #tpu.memory_space<vmem>> -> memref<1x512xf32, #tpu.memory_space<vmem>>
          %dma_wait3A_260 = tpu.memref_squeeze %dma_wait3A_259 : memref<1x512xf32, #tpu.memory_space<vmem>> -> memref<512xf32, #tpu.memory_space<vmem>>
          %dma_wait3A_261 = tpu.memref_slice %arg8[%add3A_236] : memref<6400000xf32, #tpu.memory_space<hbm>> -> memref<512xf32, #tpu.memory_space<hbm>>
          tpu.wait_dma2 semaphore(%run_scoped3A_246 : memref<!tpu.dma_semaphore, #tpu.memory_space<semaphore_mem>>) src(%dma_wait3A_261 : memref<512xf32, #tpu.memory_space<hbm>>) dst(%dma_wait3A_260 : memref<512xf32, #tpu.memory_space<vmem>>)
          tpu.yield
        }) : () -> ()
        %scan3A_238 = arith.constant 0 : i32
        %scan3A_239 = arith.constant 0 : i32
        %scan3A_240 = arith.constant 32 : i32
        %scan3A_241 = arith.addi %scan3A_239, %scan3A_240 : i32
        %scan3A_242 = arith.constant 1 : i32
        scf.for %scan3A_246 = %scan3A_239 to %scan3A_241 step %scan3A_242  : i32 {
          %mul3A_247 = arith.constant 16 : i32
          %mul3A_248 = arith.muli %scan3A_246, %mul3A_247 : i32
          %add3A_249 = vector.broadcast %mul3A_248 : i32 to vector<16xi32>
          %add3A_250 = arith.addi %add3A_249, %iota3A : vector<16xi32>
          %mul3A_251 = arith.constant 16 : i32
          %mul3A_252 = arith.muli %scan3A_246, %mul3A_251 : i32
          %get3A = arith.constant 0 : i32
          %get3A_253 = arith.index_cast %get3A : i32 to index
          %get3A_254 = arith.index_cast %mul3A_252 : i32 to index
          %get3A_255 = tpu.vector_load %arg26[%get3A_253, %get3A_254] {strides = array<i32>} : memref<8x512xf32, #tpu.memory_space<vmem>>, vector<16xf32>,
          %broadcast_in_dim3A_256 = arith.constant 0 : i32
          %broadcast_in_dim3A_257 = vector.broadcast %broadcast_in_dim3A_256 : i32 to vector<16xi32>
          tpu.vector_store_idx %arg19[%add3A_250, %broadcast_in_dim3A_257], %get3A_255 : memref<2048x8xf32, #tpu.memory_space<vmem>>[vector<16xi32>, vector<16xi32>], vector<16xf32>,
          %mul3A_258 = arith.constant 16 : i32
          %mul3A_259 = arith.muli %scan3A_246, %mul3A_258 : i32
          %get3A_260 = arith.constant 1 : i32
          %get3A_261 = arith.index_cast %get3A_260 : i32 to index
          %get3A_262 = arith.index_cast %mul3A_259 : i32 to index
          %get3A_263 = tpu.vector_load %arg26[%get3A_261, %get3A_262] {strides = array<i32>} : memref<8x512xf32, #tpu.memory_space<vmem>>, vector<16xf32>,
          %broadcast_in_dim3A_264 = arith.constant 1 : i32
          %broadcast_in_dim3A_265 = vector.broadcast %broadcast_in_dim3A_264 : i32 to vector<16xi32>
          tpu.vector_store_idx %arg19[%add3A_250, %broadcast_in_dim3A_265], %get3A_263 : memref<2048x8xf32, #tpu.memory_space<vmem>>[vector<16xi32>, vector<16xi32>], vector<16xf32>,
          %mul3A_266 = arith.constant 16 : i32
          %mul3A_267 = arith.muli %scan3A_246, %mul3A_266 : i32
          %get3A_268 = arith.constant 2 : i32
          %get3A_269 = arith.index_cast %get3A_268 : i32 to index
          %get3A_270 = arith.index_cast %mul3A_267 : i32 to index
          %get3A_271 = tpu.vector_load %arg26[%get3A_269, %get3A_270] {strides = array<i32>} : memref<8x512xf32, #tpu.memory_space<vmem>>, vector<16xf32>,
          %broadcast_in_dim3A_272 = arith.constant 2 : i32
          %broadcast_in_dim3A_273 = vector.broadcast %broadcast_in_dim3A_272 : i32 to vector<16xi32>
          tpu.vector_store_idx %arg19[%add3A_250, %broadcast_in_dim3A_273], %get3A_271 : memref<2048x8xf32, #tpu.memory_space<vmem>>[vector<16xi32>, vector<16xi32>], vector<16xf32>,
          %mul3A_274 = arith.constant 16 : i32
          %mul3A_275 = arith.muli %scan3A_246, %mul3A_274 : i32
          %get3A_276 = arith.constant 3 : i32
          %get3A_277 = arith.index_cast %get3A_276 : i32 to index
          %get3A_278 = arith.index_cast %mul3A_275 : i32 to index
          %get3A_279 = tpu.vector_load %arg26[%get3A_277, %get3A_278] {strides = array<i32>} : memref<8x512xf32, #tpu.memory_space<vmem>>, vector<16xf32>,
          %broadcast_in_dim3A_280 = arith.constant 3 : i32
          %broadcast_in_dim3A_281 = vector.broadcast %broadcast_in_dim3A_280 : i32 to vector<16xi32>
          tpu.vector_store_idx %arg19[%add3A_250, %broadcast_in_dim3A_281], %get3A_279 : memref<2048x8xf32, #tpu.memory_space<vmem>>[vector<16xi32>, vector<16xi32>], vector<16xf32>,
          %mul3A_282 = arith.constant 16 : i32
          %mul3A_283 = arith.muli %scan3A_246, %mul3A_282 : i32
          %get3A_284 = arith.constant 4 : i32
          %get3A_285 = arith.index_cast %get3A_284 : i32 to index
          %get3A_286 = arith.index_cast %mul3A_283 : i32 to index
          %get3A_287 = tpu.vector_load %arg26[%get3A_285, %get3A_286] {strides = array<i32>} : memref<8x512xf32, #tpu.memory_space<vmem>>, vector<16xf32>,
          %broadcast_in_dim3A_288 = arith.constant 4 : i32
          %broadcast_in_dim3A_289 = vector.broadcast %broadcast_in_dim3A_288 : i32 to vector<16xi32>
          tpu.vector_store_idx %arg19[%add3A_250, %broadcast_in_dim3A_289], %get3A_287 : memref<2048x8xf32, #tpu.memory_space<vmem>>[vector<16xi32>, vector<16xi32>], vector<16xf32>,
          %mul3A_290 = arith.constant 16 : i32
          %mul3A_291 = arith.muli %scan3A_246, %mul3A_290 : i32
          %get3A_292 = arith.constant 5 : i32
          %get3A_293 = arith.index_cast %get3A_292 : i32 to index
          %get3A_294 = arith.index_cast %mul3A_291 : i32 to index
          %get3A_295 = tpu.vector_load %arg26[%get3A_293, %get3A_294] {strides = array<i32>} : memref<8x512xf32, #tpu.memory_space<vmem>>, vector<16xf32>,
          %broadcast_in_dim3A_296 = arith.constant 5 : i32
          %broadcast_in_dim3A_297 = vector.broadcast %broadcast_in_dim3A_296 : i32 to vector<16xi32>
          tpu.vector_store_idx %arg19[%add3A_250, %broadcast_in_dim3A_297], %get3A_295 : memref<2048x8xf32, #tpu.memory_space<vmem>>[vector<16xi32>, vector<16xi32>], vector<16xf32>,
          %mul3A_298 = arith.constant 16 : i32
          %mul3A_299 = arith.muli %scan3A_246, %mul3A_298 : i32
          %get3A_300 = arith.constant 6 : i32
          %get3A_301 = arith.index_cast %get3A_300 : i32 to index
          %get3A_302 = arith.index_cast %mul3A_299 : i32 to index
          %get3A_303 = tpu.vector_load %arg26[%get3A_301, %get3A_302] {strides = array<i32>} : memref<8x512xf32, #tpu.memory_space<vmem>>, vector<16xf32>,
          %broadcast_in_dim3A_304 = arith.constant 6 : i32
          %broadcast_in_dim3A_305 = vector.broadcast %broadcast_in_dim3A_304 : i32 to vector<16xi32>
          tpu.vector_store_idx %arg19[%add3A_250, %broadcast_in_dim3A_305], %get3A_303 : memref<2048x8xf32, #tpu.memory_space<vmem>>[vector<16xi32>, vector<16xi32>], vector<16xf32>,
          %mul3A_306 = arith.constant 16 : i32
          %mul3A_307 = arith.muli %scan3A_246, %mul3A_306 : i32
          %get3A_308 = arith.constant 7 : i32
          %get3A_309 = arith.index_cast %get3A_308 : i32 to index
          %get3A_310 = arith.index_cast %mul3A_307 : i32 to index
          %get3A_311 = tpu.vector_load %arg26[%get3A_309, %get3A_310] {strides = array<i32>} : memref<8x512xf32, #tpu.memory_space<vmem>>, vector<16xf32>,
          %broadcast_in_dim3A_312 = arith.constant 7 : i32
          %broadcast_in_dim3A_313 = vector.broadcast %broadcast_in_dim3A_312 : i32 to vector<16xi32>
          tpu.vector_store_idx %arg19[%add3A_250, %broadcast_in_dim3A_313], %get3A_311 : memref<2048x8xf32, #tpu.memory_space<vmem>>[vector<16xi32>, vector<16xi32>], vector<16xf32>,
        }
        %scan3A_243 = arith.constant 32 : i32
        %mul3A_244 = arith.constant 512 : i32
        %mul3A_245 = arith.muli %add3A_149, %mul3A_244 : i32
        "tpu.region"() ({
          %run_scoped3A_246 = tpu.sem_alloc : memref<!tpu.dma_semaphore, #tpu.memory_space<semaphore_mem>>
          %dma_start3A = arith.constant 0 : i32
          %dma_start3A_247 = arith.constant 0 : i32
          %dma_start3A_248 = tpu.memref_slice %arg19[%dma_start3A, %dma_start3A_247] : memref<2048x8xf32, #tpu.memory_space<vmem>> -> memref<512x8xf32, #tpu.memory_space<vmem>>
          %dma_start3A_249 = arith.constant 0 : i32
          %dma_start3A_250 = tpu.memref_slice %arg10[%add3A_44, %mul3A_245, %dma_start3A_249] : memref<4x200704x8xf32, #tpu.memory_space<hbm>> -> memref<1x512x8xf32, #tpu.memory_space<hbm>>
          %dma_start3A_251 = tpu.memref_squeeze %dma_start3A_250 : memref<1x512x8xf32, #tpu.memory_space<hbm>> -> memref<512x8xf32, #tpu.memory_space<hbm>>
          %dma_start3A_252 = arith.constant 0 : i32
          %dma_start3A_253 = tpu.memref_slice %arg10[%add3A_44, %mul3A_245, %dma_start3A_252] : memref<4x200704x8xf32, #tpu.memory_space<hbm>> -> memref<1x512x8xf32, #tpu.memory_space<hbm>>
          %dma_start3A_254 = tpu.memref_squeeze %dma_start3A_253 : memref<1x512x8xf32, #tpu.memory_space<hbm>> -> memref<512x8xf32, #tpu.memory_space<hbm>>
          %dma_start3A_255 = arith.constant 0 : i32
          %dma_start3A_256 = arith.constant 0 : i32
          %dma_start3A_257 = tpu.memref_slice %arg19[%dma_start3A_255, %dma_start3A_256] : memref<2048x8xf32, #tpu.memory_space<vmem>> -> memref<512x8xf32, #tpu.memory_space<vmem>>
          tpu.enqueue_dma source(%dma_start3A_257 : memref<512x8xf32, #tpu.memory_space<vmem>>) target(%dma_start3A_254 : memref<512x8xf32, #tpu.memory_space<hbm>>) target_semaphore(%run_scoped3A_246 : memref<!tpu.dma_semaphore, #tpu.memory_space<semaphore_mem>>)
          %dma_wait3A_258 = arith.constant 0 : i32
          %dma_wait3A_259 = arith.constant 0 : i32
          %dma_wait3A_260 = tpu.memref_slice %arg19[%dma_wait3A_258, %dma_wait3A_259] : memref<2048x8xf32, #tpu.memory_space<vmem>> -> memref<512x8xf32, #tpu.memory_space<vmem>>
          %dma_wait3A_261 = arith.constant 0 : i32
          %dma_wait3A_262 = tpu.memref_slice %arg10[%add3A_44, %mul3A_245, %dma_wait3A_261] : memref<4x200704x8xf32, #tpu.memory_space<hbm>> -> memref<1x512x8xf32, #tpu.memory_space<hbm>>
          %dma_wait3A_263 = tpu.memref_squeeze %dma_wait3A_262 : memref<1x512x8xf32, #tpu.memory_space<hbm>> -> memref<512x8xf32, #tpu.memory_space<hbm>>
          %dma_wait3A_264 = arith.constant 0 : i32
          %dma_wait3A_265 = tpu.memref_slice %arg10[%add3A_44, %mul3A_245, %dma_wait3A_264] : memref<4x200704x8xf32, #tpu.memory_space<hbm>> -> memref<1x512x8xf32, #tpu.memory_space<hbm>>
          %dma_wait3A_266 = tpu.memref_squeeze %dma_wait3A_265 : memref<1x512x8xf32, #tpu.memory_space<hbm>> -> memref<512x8xf32, #tpu.memory_space<hbm>>
          %dma_wait3A_267 = arith.constant 0 : i32
          %dma_wait3A_268 = arith.constant 0 : i32
          %dma_wait3A_269 = tpu.memref_slice %arg19[%dma_wait3A_267, %dma_wait3A_268] : memref<2048x8xf32, #tpu.memory_space<vmem>> -> memref<512x8xf32, #tpu.memory_space<vmem>>
          tpu.wait_dma2 semaphore(%run_scoped3A_246 : memref<!tpu.dma_semaphore, #tpu.memory_space<semaphore_mem>>) src(%dma_wait3A_269 : memref<512x8xf32, #tpu.memory_space<vmem>>) dst(%dma_wait3A_266 : memref<512x8xf32, #tpu.memory_space<hbm>>)
          tpu.yield
        }) : () -> ()
      } else {
      }
      %eq3A_154 = arith.constant 390 : i32
      %eq3A_155 = arith.cmpi eq, %add3A_149, %eq3A_154 : i32
      %convert_element_type3A_156 = arith.extui %eq3A_155 : i1 to i32
      %cond3A_157 = arith.constant 0 : i32
      %cond3A_158 = arith.cmpi ne, %convert_element_type3A_156, %cond3A_157 : i32
      scf.if %cond3A_158 {
        %mul3A_159 = arith.constant 8 : i32
        %mul3A_160 = arith.muli %add3A_44, %mul3A_159 : i32
        %add3A_161 = arith.constant 0 : i32
        %add3A_162 = arith.addi %mul3A_160, %add3A_161 : i32
        %mul3A_163 = arith.constant 200000 : i32
        %mul3A_164 = arith.muli %add3A_162, %mul3A_163 : i32
        %add3A_165 = arith.constant 199680 : i32
        %add3A_166 = arith.addi %mul3A_164, %add3A_165 : i32
        %run_scoped3A = arith.constant 0 : i32
        "tpu.region"() ({
          %run_scoped3A_236 = tpu.sem_alloc : memref<!tpu.dma_semaphore, #tpu.memory_space<semaphore_mem>>
          %dma_start3A = arith.constant 0 : i32
          %dma_start3A_237 = tpu.memref_slice %arg26[%run_scoped3A, %dma_start3A] : memref<8x512xf32, #tpu.memory_space<vmem>> -> memref<1x512xf32, #tpu.memory_space<vmem>>
          %dma_start3A_238 = tpu.memref_squeeze %dma_start3A_237 : memref<1x512xf32, #tpu.memory_space<vmem>> -> memref<512xf32, #tpu.memory_space<vmem>>
          %dma_start3A_239 = tpu.memref_slice %arg8[%add3A_166] : memref<6400000xf32, #tpu.memory_space<hbm>> -> memref<512xf32, #tpu.memory_space<hbm>>
          %dma_start3A_240 = arith.constant 0 : i32
          %dma_start3A_241 = tpu.memref_slice %arg26[%run_scoped3A, %dma_start3A_240] : memref<8x512xf32, #tpu.memory_space<vmem>> -> memref<1x512xf32, #tpu.memory_space<vmem>>
          %dma_start3A_242 = tpu.memref_squeeze %dma_start3A_241 : memref<1x512xf32, #tpu.memory_space<vmem>> -> memref<512xf32, #tpu.memory_space<vmem>>
          %dma_start3A_243 = tpu.memref_slice %arg8[%add3A_166] : memref<6400000xf32, #tpu.memory_space<hbm>> -> memref<512xf32, #tpu.memory_space<hbm>>
          tpu.enqueue_dma source(%dma_start3A_243 : memref<512xf32, #tpu.memory_space<hbm>>) target(%dma_start3A_242 : memref<512xf32, #tpu.memory_space<vmem>>) target_semaphore(%run_scoped3A_236 : memref<!tpu.dma_semaphore, #tpu.memory_space<semaphore_mem>>)
          %dma_wait3A_244 = arith.constant 0 : i32
          %dma_wait3A_245 = tpu.memref_slice %arg26[%run_scoped3A, %dma_wait3A_244] : memref<8x512xf32, #tpu.memory_space<vmem>> -> memref<1x512xf32, #tpu.memory_space<vmem>>
          %dma_wait3A_246 = tpu.memref_squeeze %dma_wait3A_245 : memref<1x512xf32, #tpu.memory_space<vmem>> -> memref<512xf32, #tpu.memory_space<vmem>>
          %dma_wait3A_247 = tpu.memref_slice %arg8[%add3A_166] : memref<6400000xf32, #tpu.memory_space<hbm>> -> memref<512xf32, #tpu.memory_space<hbm>>
          %dma_wait3A_248 = arith.constant 0 : i32
          %dma_wait3A_249 = tpu.memref_slice %arg26[%run_scoped3A, %dma_wait3A_248] : memref<8x512xf32, #tpu.memory_space<vmem>> -> memref<1x512xf32, #tpu.memory_space<vmem>>
          %dma_wait3A_250 = tpu.memref_squeeze %dma_wait3A_249 : memref<1x512xf32, #tpu.memory_space<vmem>> -> memref<512xf32, #tpu.memory_space<vmem>>
          %dma_wait3A_251 = tpu.memref_slice %arg8[%add3A_166] : memref<6400000xf32, #tpu.memory_space<hbm>> -> memref<512xf32, #tpu.memory_space<hbm>>
          tpu.wait_dma2 semaphore(%run_scoped3A_236 : memref<!tpu.dma_semaphore, #tpu.memory_space<semaphore_mem>>) src(%dma_wait3A_251 : memref<512xf32, #tpu.memory_space<hbm>>) dst(%dma_wait3A_250 : memref<512xf32, #tpu.memory_space<vmem>>)
          tpu.yield
        }) : () -> ()
        %mul3A_167 = arith.constant 8 : i32
        %mul3A_168 = arith.muli %add3A_44, %mul3A_167 : i32
        %add3A_169 = arith.constant 1 : i32
        %add3A_170 = arith.addi %mul3A_168, %add3A_169 : i32
        %mul3A_171 = arith.constant 200000 : i32
        %mul3A_172 = arith.muli %add3A_170, %mul3A_171 : i32
        %add3A_173 = arith.constant 199680 : i32
        %add3A_174 = arith.addi %mul3A_172, %add3A_173 : i32
        %run_scoped3A_175 = arith.constant 1 : i32
        "tpu.region"() ({
          %run_scoped3A_236 = tpu.sem_alloc : memref<!tpu.dma_semaphore, #tpu.memory_space<semaphore_mem>>
          %dma_start3A = arith.constant 0 : i32
          %dma_start3A_237 = tpu.memref_slice %arg26[%run_scoped3A_175, %dma_start3A] : memref<8x512xf32, #tpu.memory_space<vmem>> -> memref<1x512xf32, #tpu.memory_space<vmem>>
          %dma_start3A_238 = tpu.memref_squeeze %dma_start3A_237 : memref<1x512xf32, #tpu.memory_space<vmem>> -> memref<512xf32, #tpu.memory_space<vmem>>
          %dma_start3A_239 = tpu.memref_slice %arg8[%add3A_174] : memref<6400000xf32, #tpu.memory_space<hbm>> -> memref<512xf32, #tpu.memory_space<hbm>>
          %dma_start3A_240 = arith.constant 0 : i32
          %dma_start3A_241 = tpu.memref_slice %arg26[%run_scoped3A_175, %dma_start3A_240] : memref<8x512xf32, #tpu.memory_space<vmem>> -> memref<1x512xf32, #tpu.memory_space<vmem>>
          %dma_start3A_242 = tpu.memref_squeeze %dma_start3A_241 : memref<1x512xf32, #tpu.memory_space<vmem>> -> memref<512xf32, #tpu.memory_space<vmem>>
          %dma_start3A_243 = tpu.memref_slice %arg8[%add3A_174] : memref<6400000xf32, #tpu.memory_space<hbm>> -> memref<512xf32, #tpu.memory_space<hbm>>
          tpu.enqueue_dma source(%dma_start3A_243 : memref<512xf32, #tpu.memory_space<hbm>>) target(%dma_start3A_242 : memref<512xf32, #tpu.memory_space<vmem>>) target_semaphore(%run_scoped3A_236 : memref<!tpu.dma_semaphore, #tpu.memory_space<semaphore_mem>>)
          %dma_wait3A_244 = arith.constant 0 : i32
          %dma_wait3A_245 = tpu.memref_slice %arg26[%run_scoped3A_175, %dma_wait3A_244] : memref<8x512xf32, #tpu.memory_space<vmem>> -> memref<1x512xf32, #tpu.memory_space<vmem>>
          %dma_wait3A_246 = tpu.memref_squeeze %dma_wait3A_245 : memref<1x512xf32, #tpu.memory_space<vmem>> -> memref<512xf32, #tpu.memory_space<vmem>>
          %dma_wait3A_247 = tpu.memref_slice %arg8[%add3A_174] : memref<6400000xf32, #tpu.memory_space<hbm>> -> memref<512xf32, #tpu.memory_space<hbm>>
          %dma_wait3A_248 = arith.constant 0 : i32
          %dma_wait3A_249 = tpu.memref_slice %arg26[%run_scoped3A_175, %dma_wait3A_248] : memref<8x512xf32, #tpu.memory_space<vmem>> -> memref<1x512xf32, #tpu.memory_space<vmem>>
          %dma_wait3A_250 = tpu.memref_squeeze %dma_wait3A_249 : memref<1x512xf32, #tpu.memory_space<vmem>> -> memref<512xf32, #tpu.memory_space<vmem>>
          %dma_wait3A_251 = tpu.memref_slice %arg8[%add3A_174] : memref<6400000xf32, #tpu.memory_space<hbm>> -> memref<512xf32, #tpu.memory_space<hbm>>
          tpu.wait_dma2 semaphore(%run_scoped3A_236 : memref<!tpu.dma_semaphore, #tpu.memory_space<semaphore_mem>>) src(%dma_wait3A_251 : memref<512xf32, #tpu.memory_space<hbm>>) dst(%dma_wait3A_250 : memref<512xf32, #tpu.memory_space<vmem>>)
          tpu.yield
        }) : () -> ()
        %mul3A_176 = arith.constant 8 : i32
        %mul3A_177 = arith.muli %add3A_44, %mul3A_176 : i32
        %add3A_178 = arith.constant 2 : i32
        %add3A_179 = arith.addi %mul3A_177, %add3A_178 : i32
        %mul3A_180 = arith.constant 200000 : i32
        %mul3A_181 = arith.muli %add3A_179, %mul3A_180 : i32
        %add3A_182 = arith.constant 199680 : i32
        %add3A_183 = arith.addi %mul3A_181, %add3A_182 : i32
        %run_scoped3A_184 = arith.constant 2 : i32
        "tpu.region"() ({
          %run_scoped3A_236 = tpu.sem_alloc : memref<!tpu.dma_semaphore, #tpu.memory_space<semaphore_mem>>
          %dma_start3A = arith.constant 0 : i32
          %dma_start3A_237 = tpu.memref_slice %arg26[%run_scoped3A_184, %dma_start3A] : memref<8x512xf32, #tpu.memory_space<vmem>> -> memref<1x512xf32, #tpu.memory_space<vmem>>
          %dma_start3A_238 = tpu.memref_squeeze %dma_start3A_237 : memref<1x512xf32, #tpu.memory_space<vmem>> -> memref<512xf32, #tpu.memory_space<vmem>>
          %dma_start3A_239 = tpu.memref_slice %arg8[%add3A_183] : memref<6400000xf32, #tpu.memory_space<hbm>> -> memref<512xf32, #tpu.memory_space<hbm>>
          %dma_start3A_240 = arith.constant 0 : i32
          %dma_start3A_241 = tpu.memref_slice %arg26[%run_scoped3A_184, %dma_start3A_240] : memref<8x512xf32, #tpu.memory_space<vmem>> -> memref<1x512xf32, #tpu.memory_space<vmem>>
          %dma_start3A_242 = tpu.memref_squeeze %dma_start3A_241 : memref<1x512xf32, #tpu.memory_space<vmem>> -> memref<512xf32, #tpu.memory_space<vmem>>
          %dma_start3A_243 = tpu.memref_slice %arg8[%add3A_183] : memref<6400000xf32, #tpu.memory_space<hbm>> -> memref<512xf32, #tpu.memory_space<hbm>>
          tpu.enqueue_dma source(%dma_start3A_243 : memref<512xf32, #tpu.memory_space<hbm>>) target(%dma_start3A_242 : memref<512xf32, #tpu.memory_space<vmem>>) target_semaphore(%run_scoped3A_236 : memref<!tpu.dma_semaphore, #tpu.memory_space<semaphore_mem>>)
          %dma_wait3A_244 = arith.constant 0 : i32
          %dma_wait3A_245 = tpu.memref_slice %arg26[%run_scoped3A_184, %dma_wait3A_244] : memref<8x512xf32, #tpu.memory_space<vmem>> -> memref<1x512xf32, #tpu.memory_space<vmem>>
          %dma_wait3A_246 = tpu.memref_squeeze %dma_wait3A_245 : memref<1x512xf32, #tpu.memory_space<vmem>> -> memref<512xf32, #tpu.memory_space<vmem>>
          %dma_wait3A_247 = tpu.memref_slice %arg8[%add3A_183] : memref<6400000xf32, #tpu.memory_space<hbm>> -> memref<512xf32, #tpu.memory_space<hbm>>
          %dma_wait3A_248 = arith.constant 0 : i32
          %dma_wait3A_249 = tpu.memref_slice %arg26[%run_scoped3A_184, %dma_wait3A_248] : memref<8x512xf32, #tpu.memory_space<vmem>> -> memref<1x512xf32, #tpu.memory_space<vmem>>
          %dma_wait3A_250 = tpu.memref_squeeze %dma_wait3A_249 : memref<1x512xf32, #tpu.memory_space<vmem>> -> memref<512xf32, #tpu.memory_space<vmem>>
          %dma_wait3A_251 = tpu.memref_slice %arg8[%add3A_183] : memref<6400000xf32, #tpu.memory_space<hbm>> -> memref<512xf32, #tpu.memory_space<hbm>>
          tpu.wait_dma2 semaphore(%run_scoped3A_236 : memref<!tpu.dma_semaphore, #tpu.memory_space<semaphore_mem>>) src(%dma_wait3A_251 : memref<512xf32, #tpu.memory_space<hbm>>) dst(%dma_wait3A_250 : memref<512xf32, #tpu.memory_space<vmem>>)
          tpu.yield
        }) : () -> ()
        %mul3A_185 = arith.constant 8 : i32
        %mul3A_186 = arith.muli %add3A_44, %mul3A_185 : i32
        %add3A_187 = arith.constant 3 : i32
        %add3A_188 = arith.addi %mul3A_186, %add3A_187 : i32
        %mul3A_189 = arith.constant 200000 : i32
        %mul3A_190 = arith.muli %add3A_188, %mul3A_189 : i32
        %add3A_191 = arith.constant 199680 : i32
        %add3A_192 = arith.addi %mul3A_190, %add3A_191 : i32
        %run_scoped3A_193 = arith.constant 3 : i32
        "tpu.region"() ({
          %run_scoped3A_236 = tpu.sem_alloc : memref<!tpu.dma_semaphore, #tpu.memory_space<semaphore_mem>>
          %dma_start3A = arith.constant 0 : i32
          %dma_start3A_237 = tpu.memref_slice %arg26[%run_scoped3A_193, %dma_start3A] : memref<8x512xf32, #tpu.memory_space<vmem>> -> memref<1x512xf32, #tpu.memory_space<vmem>>
          %dma_start3A_238 = tpu.memref_squeeze %dma_start3A_237 : memref<1x512xf32, #tpu.memory_space<vmem>> -> memref<512xf32, #tpu.memory_space<vmem>>
          %dma_start3A_239 = tpu.memref_slice %arg8[%add3A_192] : memref<6400000xf32, #tpu.memory_space<hbm>> -> memref<512xf32, #tpu.memory_space<hbm>>
          %dma_start3A_240 = arith.constant 0 : i32
          %dma_start3A_241 = tpu.memref_slice %arg26[%run_scoped3A_193, %dma_start3A_240] : memref<8x512xf32, #tpu.memory_space<vmem>> -> memref<1x512xf32, #tpu.memory_space<vmem>>
          %dma_start3A_242 = tpu.memref_squeeze %dma_start3A_241 : memref<1x512xf32, #tpu.memory_space<vmem>> -> memref<512xf32, #tpu.memory_space<vmem>>
          %dma_start3A_243 = tpu.memref_slice %arg8[%add3A_192] : memref<6400000xf32, #tpu.memory_space<hbm>> -> memref<512xf32, #tpu.memory_space<hbm>>
          tpu.enqueue_dma source(%dma_start3A_243 : memref<512xf32, #tpu.memory_space<hbm>>) target(%dma_start3A_242 : memref<512xf32, #tpu.memory_space<vmem>>) target_semaphore(%run_scoped3A_236 : memref<!tpu.dma_semaphore, #tpu.memory_space<semaphore_mem>>)
          %dma_wait3A_244 = arith.constant 0 : i32
          %dma_wait3A_245 = tpu.memref_slice %arg26[%run_scoped3A_193, %dma_wait3A_244] : memref<8x512xf32, #tpu.memory_space<vmem>> -> memref<1x512xf32, #tpu.memory_space<vmem>>
          %dma_wait3A_246 = tpu.memref_squeeze %dma_wait3A_245 : memref<1x512xf32, #tpu.memory_space<vmem>> -> memref<512xf32, #tpu.memory_space<vmem>>
          %dma_wait3A_247 = tpu.memref_slice %arg8[%add3A_192] : memref<6400000xf32, #tpu.memory_space<hbm>> -> memref<512xf32, #tpu.memory_space<hbm>>
          %dma_wait3A_248 = arith.constant 0 : i32
          %dma_wait3A_249 = tpu.memref_slice %arg26[%run_scoped3A_193, %dma_wait3A_248] : memref<8x512xf32, #tpu.memory_space<vmem>> -> memref<1x512xf32, #tpu.memory_space<vmem>>
          %dma_wait3A_250 = tpu.memref_squeeze %dma_wait3A_249 : memref<1x512xf32, #tpu.memory_space<vmem>> -> memref<512xf32, #tpu.memory_space<vmem>>
          %dma_wait3A_251 = tpu.memref_slice %arg8[%add3A_192] : memref<6400000xf32, #tpu.memory_space<hbm>> -> memref<512xf32, #tpu.memory_space<hbm>>
          tpu.wait_dma2 semaphore(%run_scoped3A_236 : memref<!tpu.dma_semaphore, #tpu.memory_space<semaphore_mem>>) src(%dma_wait3A_251 : memref<512xf32, #tpu.memory_space<hbm>>) dst(%dma_wait3A_250 : memref<512xf32, #tpu.memory_space<vmem>>)
          tpu.yield
        }) : () -> ()
        %mul3A_194 = arith.constant 8 : i32
        %mul3A_195 = arith.muli %add3A_44, %mul3A_194 : i32
        %add3A_196 = arith.constant 4 : i32
        %add3A_197 = arith.addi %mul3A_195, %add3A_196 : i32
        %mul3A_198 = arith.constant 200000 : i32
        %mul3A_199 = arith.muli %add3A_197, %mul3A_198 : i32
        %add3A_200 = arith.constant 199680 : i32
        %add3A_201 = arith.addi %mul3A_199, %add3A_200 : i32
        %run_scoped3A_202 = arith.constant 4 : i32
        "tpu.region"() ({
          %run_scoped3A_236 = tpu.sem_alloc : memref<!tpu.dma_semaphore, #tpu.memory_space<semaphore_mem>>
          %dma_start3A = arith.constant 0 : i32
          %dma_start3A_237 = tpu.memref_slice %arg26[%run_scoped3A_202, %dma_start3A] : memref<8x512xf32, #tpu.memory_space<vmem>> -> memref<1x512xf32, #tpu.memory_space<vmem>>
          %dma_start3A_238 = tpu.memref_squeeze %dma_start3A_237 : memref<1x512xf32, #tpu.memory_space<vmem>> -> memref<512xf32, #tpu.memory_space<vmem>>
          %dma_start3A_239 = tpu.memref_slice %arg8[%add3A_201] : memref<6400000xf32, #tpu.memory_space<hbm>> -> memref<512xf32, #tpu.memory_space<hbm>>
          %dma_start3A_240 = arith.constant 0 : i32
          %dma_start3A_241 = tpu.memref_slice %arg26[%run_scoped3A_202, %dma_start3A_240] : memref<8x512xf32, #tpu.memory_space<vmem>> -> memref<1x512xf32, #tpu.memory_space<vmem>>
          %dma_start3A_242 = tpu.memref_squeeze %dma_start3A_241 : memref<1x512xf32, #tpu.memory_space<vmem>> -> memref<512xf32, #tpu.memory_space<vmem>>
          %dma_start3A_243 = tpu.memref_slice %arg8[%add3A_201] : memref<6400000xf32, #tpu.memory_space<hbm>> -> memref<512xf32, #tpu.memory_space<hbm>>
          tpu.enqueue_dma source(%dma_start3A_243 : memref<512xf32, #tpu.memory_space<hbm>>) target(%dma_start3A_242 : memref<512xf32, #tpu.memory_space<vmem>>) target_semaphore(%run_scoped3A_236 : memref<!tpu.dma_semaphore, #tpu.memory_space<semaphore_mem>>)
          %dma_wait3A_244 = arith.constant 0 : i32
          %dma_wait3A_245 = tpu.memref_slice %arg26[%run_scoped3A_202, %dma_wait3A_244] : memref<8x512xf32, #tpu.memory_space<vmem>> -> memref<1x512xf32, #tpu.memory_space<vmem>>
          %dma_wait3A_246 = tpu.memref_squeeze %dma_wait3A_245 : memref<1x512xf32, #tpu.memory_space<vmem>> -> memref<512xf32, #tpu.memory_space<vmem>>
          %dma_wait3A_247 = tpu.memref_slice %arg8[%add3A_201] : memref<6400000xf32, #tpu.memory_space<hbm>> -> memref<512xf32, #tpu.memory_space<hbm>>
          %dma_wait3A_248 = arith.constant 0 : i32
          %dma_wait3A_249 = tpu.memref_slice %arg26[%run_scoped3A_202, %dma_wait3A_248] : memref<8x512xf32, #tpu.memory_space<vmem>> -> memref<1x512xf32, #tpu.memory_space<vmem>>
          %dma_wait3A_250 = tpu.memref_squeeze %dma_wait3A_249 : memref<1x512xf32, #tpu.memory_space<vmem>> -> memref<512xf32, #tpu.memory_space<vmem>>
          %dma_wait3A_251 = tpu.memref_slice %arg8[%add3A_201] : memref<6400000xf32, #tpu.memory_space<hbm>> -> memref<512xf32, #tpu.memory_space<hbm>>
          tpu.wait_dma2 semaphore(%run_scoped3A_236 : memref<!tpu.dma_semaphore, #tpu.memory_space<semaphore_mem>>) src(%dma_wait3A_251 : memref<512xf32, #tpu.memory_space<hbm>>) dst(%dma_wait3A_250 : memref<512xf32, #tpu.memory_space<vmem>>)
          tpu.yield
        }) : () -> ()
        %mul3A_203 = arith.constant 8 : i32
        %mul3A_204 = arith.muli %add3A_44, %mul3A_203 : i32
        %add3A_205 = arith.constant 5 : i32
        %add3A_206 = arith.addi %mul3A_204, %add3A_205 : i32
        %mul3A_207 = arith.constant 200000 : i32
        %mul3A_208 = arith.muli %add3A_206, %mul3A_207 : i32
        %add3A_209 = arith.constant 199680 : i32
        %add3A_210 = arith.addi %mul3A_208, %add3A_209 : i32
        %run_scoped3A_211 = arith.constant 5 : i32
        "tpu.region"() ({
          %run_scoped3A_236 = tpu.sem_alloc : memref<!tpu.dma_semaphore, #tpu.memory_space<semaphore_mem>>
          %dma_start3A = arith.constant 0 : i32
          %dma_start3A_237 = tpu.memref_slice %arg26[%run_scoped3A_211, %dma_start3A] : memref<8x512xf32, #tpu.memory_space<vmem>> -> memref<1x512xf32, #tpu.memory_space<vmem>>
          %dma_start3A_238 = tpu.memref_squeeze %dma_start3A_237 : memref<1x512xf32, #tpu.memory_space<vmem>> -> memref<512xf32, #tpu.memory_space<vmem>>
          %dma_start3A_239 = tpu.memref_slice %arg8[%add3A_210] : memref<6400000xf32, #tpu.memory_space<hbm>> -> memref<512xf32, #tpu.memory_space<hbm>>
          %dma_start3A_240 = arith.constant 0 : i32
          %dma_start3A_241 = tpu.memref_slice %arg26[%run_scoped3A_211, %dma_start3A_240] : memref<8x512xf32, #tpu.memory_space<vmem>> -> memref<1x512xf32, #tpu.memory_space<vmem>>
          %dma_start3A_242 = tpu.memref_squeeze %dma_start3A_241 : memref<1x512xf32, #tpu.memory_space<vmem>> -> memref<512xf32, #tpu.memory_space<vmem>>
          %dma_start3A_243 = tpu.memref_slice %arg8[%add3A_210] : memref<6400000xf32, #tpu.memory_space<hbm>> -> memref<512xf32, #tpu.memory_space<hbm>>
          tpu.enqueue_dma source(%dma_start3A_243 : memref<512xf32, #tpu.memory_space<hbm>>) target(%dma_start3A_242 : memref<512xf32, #tpu.memory_space<vmem>>) target_semaphore(%run_scoped3A_236 : memref<!tpu.dma_semaphore, #tpu.memory_space<semaphore_mem>>)
          %dma_wait3A_244 = arith.constant 0 : i32
          %dma_wait3A_245 = tpu.memref_slice %arg26[%run_scoped3A_211, %dma_wait3A_244] : memref<8x512xf32, #tpu.memory_space<vmem>> -> memref<1x512xf32, #tpu.memory_space<vmem>>
          %dma_wait3A_246 = tpu.memref_squeeze %dma_wait3A_245 : memref<1x512xf32, #tpu.memory_space<vmem>> -> memref<512xf32, #tpu.memory_space<vmem>>
          %dma_wait3A_247 = tpu.memref_slice %arg8[%add3A_210] : memref<6400000xf32, #tpu.memory_space<hbm>> -> memref<512xf32, #tpu.memory_space<hbm>>
          %dma_wait3A_248 = arith.constant 0 : i32
          %dma_wait3A_249 = tpu.memref_slice %arg26[%run_scoped3A_211, %dma_wait3A_248] : memref<8x512xf32, #tpu.memory_space<vmem>> -> memref<1x512xf32, #tpu.memory_space<vmem>>
          %dma_wait3A_250 = tpu.memref_squeeze %dma_wait3A_249 : memref<1x512xf32, #tpu.memory_space<vmem>> -> memref<512xf32, #tpu.memory_space<vmem>>
          %dma_wait3A_251 = tpu.memref_slice %arg8[%add3A_210] : memref<6400000xf32, #tpu.memory_space<hbm>> -> memref<512xf32, #tpu.memory_space<hbm>>
          tpu.wait_dma2 semaphore(%run_scoped3A_236 : memref<!tpu.dma_semaphore, #tpu.memory_space<semaphore_mem>>) src(%dma_wait3A_251 : memref<512xf32, #tpu.memory_space<hbm>>) dst(%dma_wait3A_250 : memref<512xf32, #tpu.memory_space<vmem>>)
          tpu.yield
        }) : () -> ()
        %mul3A_212 = arith.constant 8 : i32
        %mul3A_213 = arith.muli %add3A_44, %mul3A_212 : i32
        %add3A_214 = arith.constant 6 : i32
        %add3A_215 = arith.addi %mul3A_213, %add3A_214 : i32
        %mul3A_216 = arith.constant 200000 : i32
        %mul3A_217 = arith.muli %add3A_215, %mul3A_216 : i32
        %add3A_218 = arith.constant 199680 : i32
        %add3A_219 = arith.addi %mul3A_217, %add3A_218 : i32
        %run_scoped3A_220 = arith.constant 6 : i32
        "tpu.region"() ({
          %run_scoped3A_236 = tpu.sem_alloc : memref<!tpu.dma_semaphore, #tpu.memory_space<semaphore_mem>>
          %dma_start3A = arith.constant 0 : i32
          %dma_start3A_237 = tpu.memref_slice %arg26[%run_scoped3A_220, %dma_start3A] : memref<8x512xf32, #tpu.memory_space<vmem>> -> memref<1x512xf32, #tpu.memory_space<vmem>>
          %dma_start3A_238 = tpu.memref_squeeze %dma_start3A_237 : memref<1x512xf32, #tpu.memory_space<vmem>> -> memref<512xf32, #tpu.memory_space<vmem>>
          %dma_start3A_239 = tpu.memref_slice %arg8[%add3A_219] : memref<6400000xf32, #tpu.memory_space<hbm>> -> memref<512xf32, #tpu.memory_space<hbm>>
          %dma_start3A_240 = arith.constant 0 : i32
          %dma_start3A_241 = tpu.memref_slice %arg26[%run_scoped3A_220, %dma_start3A_240] : memref<8x512xf32, #tpu.memory_space<vmem>> -> memref<1x512xf32, #tpu.memory_space<vmem>>
          %dma_start3A_242 = tpu.memref_squeeze %dma_start3A_241 : memref<1x512xf32, #tpu.memory_space<vmem>> -> memref<512xf32, #tpu.memory_space<vmem>>
          %dma_start3A_243 = tpu.memref_slice %arg8[%add3A_219] : memref<6400000xf32, #tpu.memory_space<hbm>> -> memref<512xf32, #tpu.memory_space<hbm>>
          tpu.enqueue_dma source(%dma_start3A_243 : memref<512xf32, #tpu.memory_space<hbm>>) target(%dma_start3A_242 : memref<512xf32, #tpu.memory_space<vmem>>) target_semaphore(%run_scoped3A_236 : memref<!tpu.dma_semaphore, #tpu.memory_space<semaphore_mem>>)
          %dma_wait3A_244 = arith.constant 0 : i32
          %dma_wait3A_245 = tpu.memref_slice %arg26[%run_scoped3A_220, %dma_wait3A_244] : memref<8x512xf32, #tpu.memory_space<vmem>> -> memref<1x512xf32, #tpu.memory_space<vmem>>
          %dma_wait3A_246 = tpu.memref_squeeze %dma_wait3A_245 : memref<1x512xf32, #tpu.memory_space<vmem>> -> memref<512xf32, #tpu.memory_space<vmem>>
          %dma_wait3A_247 = tpu.memref_slice %arg8[%add3A_219] : memref<6400000xf32, #tpu.memory_space<hbm>> -> memref<512xf32, #tpu.memory_space<hbm>>
          %dma_wait3A_248 = arith.constant 0 : i32
          %dma_wait3A_249 = tpu.memref_slice %arg26[%run_scoped3A_220, %dma_wait3A_248] : memref<8x512xf32, #tpu.memory_space<vmem>> -> memref<1x512xf32, #tpu.memory_space<vmem>>
          %dma_wait3A_250 = tpu.memref_squeeze %dma_wait3A_249 : memref<1x512xf32, #tpu.memory_space<vmem>> -> memref<512xf32, #tpu.memory_space<vmem>>
          %dma_wait3A_251 = tpu.memref_slice %arg8[%add3A_219] : memref<6400000xf32, #tpu.memory_space<hbm>> -> memref<512xf32, #tpu.memory_space<hbm>>
          tpu.wait_dma2 semaphore(%run_scoped3A_236 : memref<!tpu.dma_semaphore, #tpu.memory_space<semaphore_mem>>) src(%dma_wait3A_251 : memref<512xf32, #tpu.memory_space<hbm>>) dst(%dma_wait3A_250 : memref<512xf32, #tpu.memory_space<vmem>>)
          tpu.yield
        }) : () -> ()
        %mul3A_221 = arith.constant 8 : i32
        %mul3A_222 = arith.muli %add3A_44, %mul3A_221 : i32
        %add3A_223 = arith.constant 7 : i32
        %add3A_224 = arith.addi %mul3A_222, %add3A_223 : i32
        %mul3A_225 = arith.constant 200000 : i32
        %mul3A_226 = arith.muli %add3A_224, %mul3A_225 : i32
        %add3A_227 = arith.constant 199680 : i32
        %add3A_228 = arith.addi %mul3A_226, %add3A_227 : i32
        %run_scoped3A_229 = arith.constant 7 : i32
        "tpu.region"() ({
          %run_scoped3A_236 = tpu.sem_alloc : memref<!tpu.dma_semaphore, #tpu.memory_space<semaphore_mem>>
          %dma_start3A = arith.constant 0 : i32
          %dma_start3A_237 = tpu.memref_slice %arg26[%run_scoped3A_229, %dma_start3A] : memref<8x512xf32, #tpu.memory_space<vmem>> -> memref<1x512xf32, #tpu.memory_space<vmem>>
          %dma_start3A_238 = tpu.memref_squeeze %dma_start3A_237 : memref<1x512xf32, #tpu.memory_space<vmem>> -> memref<512xf32, #tpu.memory_space<vmem>>
          %dma_start3A_239 = tpu.memref_slice %arg8[%add3A_228] : memref<6400000xf32, #tpu.memory_space<hbm>> -> memref<512xf32, #tpu.memory_space<hbm>>
          %dma_start3A_240 = arith.constant 0 : i32
          %dma_start3A_241 = tpu.memref_slice %arg26[%run_scoped3A_229, %dma_start3A_240] : memref<8x512xf32, #tpu.memory_space<vmem>> -> memref<1x512xf32, #tpu.memory_space<vmem>>
          %dma_start3A_242 = tpu.memref_squeeze %dma_start3A_241 : memref<1x512xf32, #tpu.memory_space<vmem>> -> memref<512xf32, #tpu.memory_space<vmem>>
          %dma_start3A_243 = tpu.memref_slice %arg8[%add3A_228] : memref<6400000xf32, #tpu.memory_space<hbm>> -> memref<512xf32, #tpu.memory_space<hbm>>
          tpu.enqueue_dma source(%dma_start3A_243 : memref<512xf32, #tpu.memory_space<hbm>>) target(%dma_start3A_242 : memref<512xf32, #tpu.memory_space<vmem>>) target_semaphore(%run_scoped3A_236 : memref<!tpu.dma_semaphore, #tpu.memory_space<semaphore_mem>>)
          %dma_wait3A_244 = arith.constant 0 : i32
          %dma_wait3A_245 = tpu.memref_slice %arg26[%run_scoped3A_229, %dma_wait3A_244] : memref<8x512xf32, #tpu.memory_space<vmem>> -> memref<1x512xf32, #tpu.memory_space<vmem>>
          %dma_wait3A_246 = tpu.memref_squeeze %dma_wait3A_245 : memref<1x512xf32, #tpu.memory_space<vmem>> -> memref<512xf32, #tpu.memory_space<vmem>>
          %dma_wait3A_247 = tpu.memref_slice %arg8[%add3A_228] : memref<6400000xf32, #tpu.memory_space<hbm>> -> memref<512xf32, #tpu.memory_space<hbm>>
          %dma_wait3A_248 = arith.constant 0 : i32
          %dma_wait3A_249 = tpu.memref_slice %arg26[%run_scoped3A_229, %dma_wait3A_248] : memref<8x512xf32, #tpu.memory_space<vmem>> -> memref<1x512xf32, #tpu.memory_space<vmem>>
          %dma_wait3A_250 = tpu.memref_squeeze %dma_wait3A_249 : memref<1x512xf32, #tpu.memory_space<vmem>> -> memref<512xf32, #tpu.memory_space<vmem>>
          %dma_wait3A_251 = tpu.memref_slice %arg8[%add3A_228] : memref<6400000xf32, #tpu.memory_space<hbm>> -> memref<512xf32, #tpu.memory_space<hbm>>
          tpu.wait_dma2 semaphore(%run_scoped3A_236 : memref<!tpu.dma_semaphore, #tpu.memory_space<semaphore_mem>>) src(%dma_wait3A_251 : memref<512xf32, #tpu.memory_space<hbm>>) dst(%dma_wait3A_250 : memref<512xf32, #tpu.memory_space<vmem>>)
          tpu.yield
        }) : () -> ()
        %scan3A_230 = arith.constant 0 : i32
        %scan3A_231 = arith.constant 0 : i32
        %scan3A_232 = arith.constant 20 : i32
        %scan3A_233 = arith.addi %scan3A_231, %scan3A_232 : i32
        %scan3A_234 = arith.constant 1 : i32
        scf.for %scan3A_236 = %scan3A_231 to %scan3A_233 step %scan3A_234  : i32 {
          %mul3A_237 = arith.constant 16 : i32
          %mul3A_238 = arith.muli %scan3A_236, %mul3A_237 : i32
          %add3A_239 = vector.broadcast %mul3A_238 : i32 to vector<16xi32>
          %add3A_240 = arith.addi %add3A_239, %iota3A : vector<16xi32>
          %mul3A_241 = arith.constant 16 : i32
          %mul3A_242 = arith.muli %scan3A_236, %mul3A_241 : i32
          %get3A = arith.constant 0 : i32
          %get3A_243 = arith.index_cast %get3A : i32 to index
          %get3A_244 = arith.index_cast %mul3A_242 : i32 to index
          %get3A_245 = tpu.vector_load %arg26[%get3A_243, %get3A_244] {strides = array<i32>} : memref<8x512xf32, #tpu.memory_space<vmem>>, vector<16xf32>,
          %broadcast_in_dim3A_246 = arith.constant 0 : i32
          %broadcast_in_dim3A_247 = vector.broadcast %broadcast_in_dim3A_246 : i32 to vector<16xi32>
          tpu.vector_store_idx %arg19[%add3A_240, %broadcast_in_dim3A_247], %get3A_245 : memref<2048x8xf32, #tpu.memory_space<vmem>>[vector<16xi32>, vector<16xi32>], vector<16xf32>,
          %mul3A_248 = arith.constant 16 : i32
          %mul3A_249 = arith.muli %scan3A_236, %mul3A_248 : i32
          %get3A_250 = arith.constant 1 : i32
          %get3A_251 = arith.index_cast %get3A_250 : i32 to index
          %get3A_252 = arith.index_cast %mul3A_249 : i32 to index
          %get3A_253 = tpu.vector_load %arg26[%get3A_251, %get3A_252] {strides = array<i32>} : memref<8x512xf32, #tpu.memory_space<vmem>>, vector<16xf32>,
          %broadcast_in_dim3A_254 = arith.constant 1 : i32
          %broadcast_in_dim3A_255 = vector.broadcast %broadcast_in_dim3A_254 : i32 to vector<16xi32>
          tpu.vector_store_idx %arg19[%add3A_240, %broadcast_in_dim3A_255], %get3A_253 : memref<2048x8xf32, #tpu.memory_space<vmem>>[vector<16xi32>, vector<16xi32>], vector<16xf32>,
          %mul3A_256 = arith.constant 16 : i32
          %mul3A_257 = arith.muli %scan3A_236, %mul3A_256 : i32
          %get3A_258 = arith.constant 2 : i32
          %get3A_259 = arith.index_cast %get3A_258 : i32 to index
          %get3A_260 = arith.index_cast %mul3A_257 : i32 to index
          %get3A_261 = tpu.vector_load %arg26[%get3A_259, %get3A_260] {strides = array<i32>} : memref<8x512xf32, #tpu.memory_space<vmem>>, vector<16xf32>,
          %broadcast_in_dim3A_262 = arith.constant 2 : i32
          %broadcast_in_dim3A_263 = vector.broadcast %broadcast_in_dim3A_262 : i32 to vector<16xi32>
          tpu.vector_store_idx %arg19[%add3A_240, %broadcast_in_dim3A_263], %get3A_261 : memref<2048x8xf32, #tpu.memory_space<vmem>>[vector<16xi32>, vector<16xi32>], vector<16xf32>,
          %mul3A_264 = arith.constant 16 : i32
          %mul3A_265 = arith.muli %scan3A_236, %mul3A_264 : i32
          %get3A_266 = arith.constant 3 : i32
          %get3A_267 = arith.index_cast %get3A_266 : i32 to index
          %get3A_268 = arith.index_cast %mul3A_265 : i32 to index
          %get3A_269 = tpu.vector_load %arg26[%get3A_267, %get3A_268] {strides = array<i32>} : memref<8x512xf32, #tpu.memory_space<vmem>>, vector<16xf32>,
          %broadcast_in_dim3A_270 = arith.constant 3 : i32
          %broadcast_in_dim3A_271 = vector.broadcast %broadcast_in_dim3A_270 : i32 to vector<16xi32>
          tpu.vector_store_idx %arg19[%add3A_240, %broadcast_in_dim3A_271], %get3A_269 : memref<2048x8xf32, #tpu.memory_space<vmem>>[vector<16xi32>, vector<16xi32>], vector<16xf32>,
          %mul3A_272 = arith.constant 16 : i32
          %mul3A_273 = arith.muli %scan3A_236, %mul3A_272 : i32
          %get3A_274 = arith.constant 4 : i32
          %get3A_275 = arith.index_cast %get3A_274 : i32 to index
          %get3A_276 = arith.index_cast %mul3A_273 : i32 to index
          %get3A_277 = tpu.vector_load %arg26[%get3A_275, %get3A_276] {strides = array<i32>} : memref<8x512xf32, #tpu.memory_space<vmem>>, vector<16xf32>,
          %broadcast_in_dim3A_278 = arith.constant 4 : i32
          %broadcast_in_dim3A_279 = vector.broadcast %broadcast_in_dim3A_278 : i32 to vector<16xi32>
          tpu.vector_store_idx %arg19[%add3A_240, %broadcast_in_dim3A_279], %get3A_277 : memref<2048x8xf32, #tpu.memory_space<vmem>>[vector<16xi32>, vector<16xi32>], vector<16xf32>,
          %mul3A_280 = arith.constant 16 : i32
          %mul3A_281 = arith.muli %scan3A_236, %mul3A_280 : i32
          %get3A_282 = arith.constant 5 : i32
          %get3A_283 = arith.index_cast %get3A_282 : i32 to index
          %get3A_284 = arith.index_cast %mul3A_281 : i32 to index
          %get3A_285 = tpu.vector_load %arg26[%get3A_283, %get3A_284] {strides = array<i32>} : memref<8x512xf32, #tpu.memory_space<vmem>>, vector<16xf32>,
          %broadcast_in_dim3A_286 = arith.constant 5 : i32
          %broadcast_in_dim3A_287 = vector.broadcast %broadcast_in_dim3A_286 : i32 to vector<16xi32>
          tpu.vector_store_idx %arg19[%add3A_240, %broadcast_in_dim3A_287], %get3A_285 : memref<2048x8xf32, #tpu.memory_space<vmem>>[vector<16xi32>, vector<16xi32>], vector<16xf32>,
          %mul3A_288 = arith.constant 16 : i32
          %mul3A_289 = arith.muli %scan3A_236, %mul3A_288 : i32
          %get3A_290 = arith.constant 6 : i32
          %get3A_291 = arith.index_cast %get3A_290 : i32 to index
          %get3A_292 = arith.index_cast %mul3A_289 : i32 to index
          %get3A_293 = tpu.vector_load %arg26[%get3A_291, %get3A_292] {strides = array<i32>} : memref<8x512xf32, #tpu.memory_space<vmem>>, vector<16xf32>,
          %broadcast_in_dim3A_294 = arith.constant 6 : i32
          %broadcast_in_dim3A_295 = vector.broadcast %broadcast_in_dim3A_294 : i32 to vector<16xi32>
          tpu.vector_store_idx %arg19[%add3A_240, %broadcast_in_dim3A_295], %get3A_293 : memref<2048x8xf32, #tpu.memory_space<vmem>>[vector<16xi32>, vector<16xi32>], vector<16xf32>,
          %mul3A_296 = arith.constant 16 : i32
          %mul3A_297 = arith.muli %scan3A_236, %mul3A_296 : i32
          %get3A_298 = arith.constant 7 : i32
          %get3A_299 = arith.index_cast %get3A_298 : i32 to index
          %get3A_300 = arith.index_cast %mul3A_297 : i32 to index
          %get3A_301 = tpu.vector_load %arg26[%get3A_299, %get3A_300] {strides = array<i32>} : memref<8x512xf32, #tpu.memory_space<vmem>>, vector<16xf32>,
          %broadcast_in_dim3A_302 = arith.constant 7 : i32
          %broadcast_in_dim3A_303 = vector.broadcast %broadcast_in_dim3A_302 : i32 to vector<16xi32>
          tpu.vector_store_idx %arg19[%add3A_240, %broadcast_in_dim3A_303], %get3A_301 : memref<2048x8xf32, #tpu.memory_space<vmem>>[vector<16xi32>, vector<16xi32>], vector<16xf32>,
        }
        %scan3A_235 = arith.constant 20 : i32
        "tpu.region"() ({
          %run_scoped3A_236 = tpu.sem_alloc : memref<!tpu.dma_semaphore, #tpu.memory_space<semaphore_mem>>
          %dma_start3A = arith.constant 0 : i32
          %dma_start3A_237 = arith.constant 0 : i32
          %dma_start3A_238 = tpu.memref_slice %arg19[%dma_start3A, %dma_start3A_237] : memref<2048x8xf32, #tpu.memory_space<vmem>> -> memref<320x8xf32, #tpu.memory_space<vmem>>
          %dma_start3A_239 = arith.constant 199680 : i32
          %dma_start3A_240 = arith.constant 0 : i32
          %dma_start3A_241 = tpu.memref_slice %arg10[%add3A_44, %dma_start3A_239, %dma_start3A_240] : memref<4x200704x8xf32, #tpu.memory_space<hbm>> -> memref<1x320x8xf32, #tpu.memory_space<hbm>>
          %dma_start3A_242 = tpu.memref_squeeze %dma_start3A_241 : memref<1x320x8xf32, #tpu.memory_space<hbm>> -> memref<320x8xf32, #tpu.memory_space<hbm>>
          %dma_start3A_243 = arith.constant 199680 : i32
          %dma_start3A_244 = arith.constant 0 : i32
          %dma_start3A_245 = tpu.memref_slice %arg10[%add3A_44, %dma_start3A_243, %dma_start3A_244] : memref<4x200704x8xf32, #tpu.memory_space<hbm>> -> memref<1x320x8xf32, #tpu.memory_space<hbm>>
          %dma_start3A_246 = tpu.memref_squeeze %dma_start3A_245 : memref<1x320x8xf32, #tpu.memory_space<hbm>> -> memref<320x8xf32, #tpu.memory_space<hbm>>
          %dma_start3A_247 = arith.constant 0 : i32
          %dma_start3A_248 = arith.constant 0 : i32
          %dma_start3A_249 = tpu.memref_slice %arg19[%dma_start3A_247, %dma_start3A_248] : memref<2048x8xf32, #tpu.memory_space<vmem>> -> memref<320x8xf32, #tpu.memory_space<vmem>>
          tpu.enqueue_dma source(%dma_start3A_249 : memref<320x8xf32, #tpu.memory_space<vmem>>) target(%dma_start3A_246 : memref<320x8xf32, #tpu.memory_space<hbm>>) target_semaphore(%run_scoped3A_236 : memref<!tpu.dma_semaphore, #tpu.memory_space<semaphore_mem>>)
          %dma_wait3A_250 = arith.constant 0 : i32
          %dma_wait3A_251 = arith.constant 0 : i32
          %dma_wait3A_252 = tpu.memref_slice %arg19[%dma_wait3A_250, %dma_wait3A_251] : memref<2048x8xf32, #tpu.memory_space<vmem>> -> memref<320x8xf32, #tpu.memory_space<vmem>>
          %dma_wait3A_253 = arith.constant 199680 : i32
          %dma_wait3A_254 = arith.constant 0 : i32
          %dma_wait3A_255 = tpu.memref_slice %arg10[%add3A_44, %dma_wait3A_253, %dma_wait3A_254] : memref<4x200704x8xf32, #tpu.memory_space<hbm>> -> memref<1x320x8xf32, #tpu.memory_space<hbm>>
          %dma_wait3A_256 = tpu.memref_squeeze %dma_wait3A_255 : memref<1x320x8xf32, #tpu.memory_space<hbm>> -> memref<320x8xf32, #tpu.memory_space<hbm>>
          %dma_wait3A_257 = arith.constant 199680 : i32
          %dma_wait3A_258 = arith.constant 0 : i32
          %dma_wait3A_259 = tpu.memref_slice %arg10[%add3A_44, %dma_wait3A_257, %dma_wait3A_258] : memref<4x200704x8xf32, #tpu.memory_space<hbm>> -> memref<1x320x8xf32, #tpu.memory_space<hbm>>
          %dma_wait3A_260 = tpu.memref_squeeze %dma_wait3A_259 : memref<1x320x8xf32, #tpu.memory_space<hbm>> -> memref<320x8xf32, #tpu.memory_space<hbm>>
          %dma_wait3A_261 = arith.constant 0 : i32
          %dma_wait3A_262 = arith.constant 0 : i32
          %dma_wait3A_263 = tpu.memref_slice %arg19[%dma_wait3A_261, %dma_wait3A_262] : memref<2048x8xf32, #tpu.memory_space<vmem>> -> memref<320x8xf32, #tpu.memory_space<vmem>>
          tpu.wait_dma2 semaphore(%run_scoped3A_236 : memref<!tpu.dma_semaphore, #tpu.memory_space<semaphore_mem>>) src(%dma_wait3A_263 : memref<320x8xf32, #tpu.memory_space<vmem>>) dst(%dma_wait3A_260 : memref<320x8xf32, #tpu.memory_space<hbm>>)
          tpu.yield
        }) : () -> ()
      } else {
      }
    }
    %scan3A_50 = arith.constant 25 : i32
    %barrier3A = arith.constant 0 : index
    tpu.barrier barrier_id(%barrier3A)
    %broadcast_in_dim3A_51 = arith.constant -1 : i32
    %broadcast_in_dim3A_52 = vector.broadcast %broadcast_in_dim3A_51 : i32 to vector<16xi32>
    %scan3A_53 = arith.constant 0 : i32
    %scan3A_54 = arith.constant 0 : i32
    %scan3A_55 = arith.constant 4096 : i32
    %scan3A_56 = arith.addi %scan3A_54, %scan3A_55 : i32
    %scan3A_57 = arith.constant 1 : i32
    scf.for %scan3A_146 = %scan3A_54 to %scan3A_56 step %scan3A_57  : i32 {
      %mul3A_147 = arith.constant 16 : i32
      %mul3A_148 = arith.muli %scan3A_146, %mul3A_147 : i32
      %swap3A = arith.index_cast %mul3A_148 : i32 to index
      %swap3A_149 = tpu.vector_load %arg18[%swap3A] {strides = array<i32>} : memref<65536xi32, #tpu.memory_space<vmem>>, vector<16xi32>,
      tpu.vector_store %arg18[%swap3A], %broadcast_in_dim3A_52 {strides = array<i32>} : memref<65536xi32, #tpu.memory_space<vmem>>, vector<16xi32>,
    }
    %scan3A_58 = arith.constant 4096 : i32
    %mul3A_59 = arith.constant 2 : i32
    %mul3A_60 = arith.muli %mul3A_59, %arg0 : i32
    %shift_right_arithmetic3A_61 = arith.constant 3 : i32
    %shift_right_arithmetic3A_62 = arith.shrsi %arg1, %shift_right_arithmetic3A_61 : i32
    %add3A_63 = arith.addi %mul3A_60, %shift_right_arithmetic3A_62 : i32
    %and3A_64 = arith.constant 7 : i32
    %and3A_65 = arith.andi %arg1, %and3A_64 : i32
    %mul3A_66 = arith.constant 200704 : i32
    %mul3A_67 = arith.muli %add3A_63, %mul3A_66 : i32
    %scan3A_68 = arith.constant 0 : i32
    %scan3A_69 = arith.constant 0 : i32
    %scan3A_70 = arith.constant 49 : i32
    %scan3A_71 = arith.addi %scan3A_69, %scan3A_70 : i32
    %scan3A_72 = arith.constant 1 : i32
    scf.for %scan3A_146 = %scan3A_69 to %scan3A_71 step %scan3A_72  : i32 {
      %mul3A_147 = arith.constant 2 : i32
      %mul3A_148 = arith.muli %scan3A_146, %mul3A_147 : i32
      %add3A_149 = arith.constant 1 : i32
      %add3A_150 = arith.addi %mul3A_148, %add3A_149 : i32
      %mul3A_151 = arith.constant 2048 : i32
      %mul3A_152 = arith.muli %mul3A_148, %mul3A_151 : i32
      %add3A_153 = arith.addi %mul3A_67, %mul3A_152 : i32
      %dma_start3A = tpu.memref_slice %arg5[%add3A_153] : memref<802816xi32, #tpu.memory_space<hbm>> -> memref<2048xi32, #tpu.memory_space<hbm>>
      %dma_start3A_154 = tpu.memref_slice %arg5[%add3A_153] : memref<802816xi32, #tpu.memory_space<hbm>> -> memref<2048xi32, #tpu.memory_space<hbm>>
      tpu.enqueue_dma source(%dma_start3A_154 : memref<2048xi32, #tpu.memory_space<hbm>>) target(%arg12 : memref<2048xi32, #tpu.memory_space<vmem>>) target_semaphore(%arg30 : memref<!tpu.dma_semaphore, #tpu.memory_space<semaphore_mem>>)
      %mul3A_155 = arith.constant 2048 : i32
      %mul3A_156 = arith.muli %mul3A_148, %mul3A_155 : i32
      %add3A_157 = arith.addi %mul3A_67, %mul3A_156 : i32
      %dma_start3A_158 = tpu.memref_slice %arg6[%add3A_157] : memref<802816xi32, #tpu.memory_space<hbm>> -> memref<2048xi32, #tpu.memory_space<hbm>>
      %dma_start3A_159 = tpu.memref_slice %arg6[%add3A_157] : memref<802816xi32, #tpu.memory_space<hbm>> -> memref<2048xi32, #tpu.memory_space<hbm>>
      tpu.enqueue_dma source(%dma_start3A_159 : memref<2048xi32, #tpu.memory_space<hbm>>) target(%arg13 : memref<2048xi32, #tpu.memory_space<vmem>>) target_semaphore(%arg30 : memref<!tpu.dma_semaphore, #tpu.memory_space<semaphore_mem>>)
      %mul3A_160 = arith.constant 2048 : i32
      %mul3A_161 = arith.muli %mul3A_148, %mul3A_160 : i32
      %add3A_162 = arith.addi %mul3A_67, %mul3A_161 : i32
      %dma_start3A_163 = tpu.memref_slice %arg7[%add3A_162] : memref<802816xi32, #tpu.memory_space<hbm>> -> memref<2048xi32, #tpu.memory_space<hbm>>
      %dma_start3A_164 = tpu.memref_slice %arg7[%add3A_162] : memref<802816xi32, #tpu.memory_space<hbm>> -> memref<2048xi32, #tpu.memory_space<hbm>>
      tpu.enqueue_dma source(%dma_start3A_164 : memref<2048xi32, #tpu.memory_space<hbm>>) target(%arg14 : memref<2048xi32, #tpu.memory_space<vmem>>) target_semaphore(%arg30 : memref<!tpu.dma_semaphore, #tpu.memory_space<semaphore_mem>>)
      %mul3A_165 = arith.constant 2048 : i32
      %mul3A_166 = arith.muli %add3A_150, %mul3A_165 : i32
      %add3A_167 = arith.addi %mul3A_67, %mul3A_166 : i32
      %dma_start3A_168 = tpu.memref_slice %arg5[%add3A_167] : memref<802816xi32, #tpu.memory_space<hbm>> -> memref<2048xi32, #tpu.memory_space<hbm>>
      %dma_start3A_169 = tpu.memref_slice %arg5[%add3A_167] : memref<802816xi32, #tpu.memory_space<hbm>> -> memref<2048xi32, #tpu.memory_space<hbm>>
      tpu.enqueue_dma source(%dma_start3A_169 : memref<2048xi32, #tpu.memory_space<hbm>>) target(%arg15 : memref<2048xi32, #tpu.memory_space<vmem>>) target_semaphore(%arg31 : memref<!tpu.dma_semaphore, #tpu.memory_space<semaphore_mem>>)
      %mul3A_170 = arith.constant 2048 : i32
      %mul3A_171 = arith.muli %add3A_150, %mul3A_170 : i32
      %add3A_172 = arith.addi %mul3A_67, %mul3A_171 : i32
      %dma_start3A_173 = tpu.memref_slice %arg6[%add3A_172] : memref<802816xi32, #tpu.memory_space<hbm>> -> memref<2048xi32, #tpu.memory_space<hbm>>
      %dma_start3A_174 = tpu.memref_slice %arg6[%add3A_172] : memref<802816xi32, #tpu.memory_space<hbm>> -> memref<2048xi32, #tpu.memory_space<hbm>>
      tpu.enqueue_dma source(%dma_start3A_174 : memref<2048xi32, #tpu.memory_space<hbm>>) target(%arg16 : memref<2048xi32, #tpu.memory_space<vmem>>) target_semaphore(%arg31 : memref<!tpu.dma_semaphore, #tpu.memory_space<semaphore_mem>>)
      %mul3A_175 = arith.constant 2048 : i32
      %mul3A_176 = arith.muli %add3A_150, %mul3A_175 : i32
      %add3A_177 = arith.addi %mul3A_67, %mul3A_176 : i32
      %dma_start3A_178 = tpu.memref_slice %arg7[%add3A_177] : memref<802816xi32, #tpu.memory_space<hbm>> -> memref<2048xi32, #tpu.memory_space<hbm>>
      %dma_start3A_179 = tpu.memref_slice %arg7[%add3A_177] : memref<802816xi32, #tpu.memory_space<hbm>> -> memref<2048xi32, #tpu.memory_space<hbm>>
      tpu.enqueue_dma source(%dma_start3A_179 : memref<2048xi32, #tpu.memory_space<hbm>>) target(%arg17 : memref<2048xi32, #tpu.memory_space<vmem>>) target_semaphore(%arg31 : memref<!tpu.dma_semaphore, #tpu.memory_space<semaphore_mem>>)
      %dma_wait3A_180 = tpu.memref_slice %arg5[%add3A_153] : memref<802816xi32, #tpu.memory_space<hbm>> -> memref<2048xi32, #tpu.memory_space<hbm>>
      %dma_wait3A_181 = tpu.memref_slice %arg5[%add3A_153] : memref<802816xi32, #tpu.memory_space<hbm>> -> memref<2048xi32, #tpu.memory_space<hbm>>
      tpu.wait_dma2 semaphore(%arg30 : memref<!tpu.dma_semaphore, #tpu.memory_space<semaphore_mem>>) src(%dma_wait3A_181 : memref<2048xi32, #tpu.memory_space<hbm>>) dst(%arg12 : memref<2048xi32, #tpu.memory_space<vmem>>)
      %dma_wait3A_182 = tpu.memref_slice %arg6[%add3A_157] : memref<802816xi32, #tpu.memory_space<hbm>> -> memref<2048xi32, #tpu.memory_space<hbm>>
      %dma_wait3A_183 = tpu.memref_slice %arg6[%add3A_157] : memref<802816xi32, #tpu.memory_space<hbm>> -> memref<2048xi32, #tpu.memory_space<hbm>>
      tpu.wait_dma2 semaphore(%arg30 : memref<!tpu.dma_semaphore, #tpu.memory_space<semaphore_mem>>) src(%dma_wait3A_183 : memref<2048xi32, #tpu.memory_space<hbm>>) dst(%arg13 : memref<2048xi32, #tpu.memory_space<vmem>>)
      %dma_wait3A_184 = tpu.memref_slice %arg7[%add3A_162] : memref<802816xi32, #tpu.memory_space<hbm>> -> memref<2048xi32, #tpu.memory_space<hbm>>
      %dma_wait3A_185 = tpu.memref_slice %arg7[%add3A_162] : memref<802816xi32, #tpu.memory_space<hbm>> -> memref<2048xi32, #tpu.memory_space<hbm>>
      tpu.wait_dma2 semaphore(%arg30 : memref<!tpu.dma_semaphore, #tpu.memory_space<semaphore_mem>>) src(%dma_wait3A_185 : memref<2048xi32, #tpu.memory_space<hbm>>) dst(%arg14 : memref<2048xi32, #tpu.memory_space<vmem>>)
      %mul3A_186 = arith.constant 2048 : i32
      %mul3A_187 = arith.muli %mul3A_148, %mul3A_186 : i32
      %scan3A_188 = arith.constant 0 : i32
      %scan3A_189 = arith.constant 0 : i32
      %scan3A_190 = arith.constant 128 : i32
      %scan3A_191 = arith.addi %scan3A_189, %scan3A_190 : i32
      %scan3A_192 = arith.constant 1 : i32
      scf.for %scan3A_208 = %scan3A_189 to %scan3A_191 step %scan3A_192  : i32 {
        %mul3A_209 = arith.constant 16 : i32
        %mul3A_210 = arith.muli %scan3A_208, %mul3A_209 : i32
        %add3A_211 = arith.addi %mul3A_187, %mul3A_210 : i32
        %add3A_212 = vector.broadcast %add3A_211 : i32 to vector<16xi32>
        %add3A_213 = arith.addi %add3A_212, %iota3A : vector<16xi32>
        %mul3A_214 = arith.constant 16 : i32
        %mul3A_215 = arith.muli %scan3A_208, %mul3A_214 : i32
        %get3A = arith.index_cast %mul3A_215 : i32 to index
        %get3A_216 = tpu.vector_load %arg12[%get3A] {strides = array<i32>} : memref<2048xi32, #tpu.memory_space<vmem>>, vector<16xi32>,
        %mul3A_217 = arith.constant 16 : i32
        %mul3A_218 = arith.muli %scan3A_208, %mul3A_217 : i32
        %get3A_219 = arith.index_cast %mul3A_218 : i32 to index
        %get3A_220 = tpu.vector_load %arg13[%get3A_219] {strides = array<i32>} : memref<2048xi32, #tpu.memory_space<vmem>>, vector<16xi32>,
        %mul3A_221 = arith.constant 16 : i32
        %mul3A_222 = arith.muli %scan3A_208, %mul3A_221 : i32
        %get3A_223 = arith.index_cast %mul3A_222 : i32 to index
        %get3A_224 = tpu.vector_load %arg14[%get3A_223] {strides = array<i32>} : memref<2048xi32, #tpu.memory_space<vmem>>, vector<16xi32>,
        %mul3A_225 = arith.constant -1640531535 : i32
        %mul3A_226 = vector.broadcast %mul3A_225 : i32 to vector<16xi32>
        %mul3A_227 = arith.muli %get3A_220, %mul3A_226 : vector<16xi32>
        %xor3A = arith.xori %get3A_216, %mul3A_227 : vector<16xi32>
        %mul3A_228 = arith.constant 805459861 : i32
        %mul3A_229 = vector.broadcast %mul3A_228 : i32 to vector<16xi32>
        %mul3A_230 = arith.muli %get3A_224, %mul3A_229 : vector<16xi32>
        %xor3A_231 = arith.xori %xor3A, %mul3A_230 : vector<16xi32>
        %and3A_232 = arith.constant 524287 : i32
        %and3A_233 = vector.broadcast %and3A_232 : i32 to vector<16xi32>
        %and3A_234 = arith.andi %xor3A_231, %and3A_233 : vector<16xi32>
        %shift_right_arithmetic3A_235 = arith.constant 16 : i32
        %shift_right_arithmetic3A_236 = vector.broadcast %shift_right_arithmetic3A_235 : i32 to vector<16xi32>
        %shift_right_arithmetic3A_237 = arith.shrsi %and3A_234, %shift_right_arithmetic3A_236 : vector<16xi32>
        %eq3A_238 = vector.broadcast %and3A_65 : i32 to vector<16xi32>
        %eq3A_239 = arith.cmpi eq, %shift_right_arithmetic3A_237, %eq3A_238 : vector<16xi32>
        %lt3A = arith.constant 200000 : i32
        %lt3A_240 = vector.broadcast %lt3A : i32 to vector<16xi32>
        %lt3A_241 = arith.cmpi slt, %add3A_213, %lt3A_240 : vector<16xi32>
        %and3A_242 = arith.andi %eq3A_239, %lt3A_241 : vector<16xi1>
        %and3A_243 = arith.constant 65535 : i32
        %and3A_244 = vector.broadcast %and3A_243 : i32 to vector<16xi32>
        %and3A_245 = arith.andi %and3A_234, %and3A_244 : vector<16xi32>
        %shift_left3A = arith.constant 4 : i32
        %shift_left3A_246 = vector.broadcast %shift_left3A : i32 to vector<16xi32>
        %shift_left3A_247 = arith.shli %and3A_245, %shift_left3A_246 : vector<16xi32>
        %or3A = arith.ori %shift_left3A_247, %iota3A : vector<16xi32>
        %jit3A_248 = arith.constant 2147483647 : i32
        %broadcast_in_dim3A_249 = vector.broadcast %jit3A_248 : i32 to vector<16xi32>
        %select_n3A_250 = arith.select %and3A_242, %or3A, %broadcast_in_dim3A_249 : vector<16xi1>, vector<16xi32>
        %masked_sort3A = arith.constant dense<true> : vector<16xi1>
        %masked_sort3A_251 = arith.constant -2147483648 : i32
        %masked_sort3A_252 = vector.broadcast %masked_sort3A_251 : i32 to vector<16xi32>
        %masked_sort3A_253 = arith.xori %select_n3A_250, %masked_sort3A_252 : vector<16xi32>
        %masked_sort3A_254, %masked_sort3A_255, %masked_sort3A_256 = tpu.sort %masked_sort3A_253, %add3A_213 masked %masked_sort3A : (vector<16xi32>, vector<16xi32>, vector<16xi1>) -> (vector<16xi1>, vector<16xi32>, vector<16xi32>)
        %masked_sort3A_257 = arith.xori %masked_sort3A_255, %masked_sort3A_252 : vector<16xi32>
        %shift_right_arithmetic3A_258 = arith.constant 4 : i32
        %shift_right_arithmetic3A_259 = vector.broadcast %shift_right_arithmetic3A_258 : i32 to vector<16xi32>
        %shift_right_arithmetic3A_260 = arith.shrsi %masked_sort3A_257, %shift_right_arithmetic3A_259 : vector<16xi32>
        %broadcast_in_dim3A_261 = vector.shape_cast %min3A_9 : vector<16xi32> to vector<16x1xi32>
        %gather3A = vector.shape_cast %broadcast_in_dim3A_261 : vector<16x1xi32> to vector<16xi32>
        %gather3A_262 = tpu.dynamic_gather %shift_right_arithmetic3A_260[%gather3A] in [0] : vector<16xi32>, vector<16xi32> -> vector<16xi32>
        %ne3A_263 = arith.cmpi ne, %shift_right_arithmetic3A_260, %gather3A_262 : vector<16xi32>
        %eq3A_264 = arith.constant 15 : i32
        %eq3A_265 = vector.broadcast %eq3A_264 : i32 to vector<16xi32>
        %eq3A_266 = arith.cmpi eq, %iota3A, %eq3A_265 : vector<16xi32>
        %or3A_267 = arith.ori %ne3A_263, %eq3A_266 : vector<16xi1>
        %ne3A_268 = arith.constant 2147483647 : i32
        %ne3A_269 = vector.broadcast %ne3A_268 : i32 to vector<16xi32>
        %ne3A_270 = arith.cmpi ne, %masked_sort3A_257, %ne3A_269 : vector<16xi32>
        %and3A_271 = arith.andi %or3A_267, %ne3A_270 : vector<16xi1>
        %and3A_272 = arith.constant 65535 : i32
        %and3A_273 = vector.broadcast %and3A_272 : i32 to vector<16xi32>
        %and3A_274 = arith.andi %shift_right_arithmetic3A_260, %and3A_273 : vector<16xi32>
        %jit3A_275 = arith.constant 0 : i32
        %broadcast_in_dim3A_276 = vector.broadcast %jit3A_275 : i32 to vector<16xi32>
        %select_n3A_277 = arith.select %and3A_271, %and3A_274, %broadcast_in_dim3A_276 : vector<16xi1>, vector<16xi32>
        %gather3A_278 = tpu.vector_load_idx %arg18[%select_n3A_277] masked %and3A_271 : memref<65536xi32, #tpu.memory_space<vmem>>[vector<16xi32>], vector<16xi32>, vector<16xi1>
        %max3A = arith.maxsi %gather3A_278, %masked_sort3A_256 : vector<16xi32>
        tpu.vector_store_idx %arg18[%select_n3A_277], %max3A masked %and3A_271 : memref<65536xi32, #tpu.memory_space<vmem>>[vector<16xi32>], vector<16xi32>, vector<16xi1>
      }
      %scan3A_193 = arith.constant 128 : i32
      %dma_wait3A_194 = tpu.memref_slice %arg5[%add3A_167] : memref<802816xi32, #tpu.memory_space<hbm>> -> memref<2048xi32, #tpu.memory_space<hbm>>
      %dma_wait3A_195 = tpu.memref_slice %arg5[%add3A_167] : memref<802816xi32, #tpu.memory_space<hbm>> -> memref<2048xi32, #tpu.memory_space<hbm>>
      tpu.wait_dma2 semaphore(%arg31 : memref<!tpu.dma_semaphore, #tpu.memory_space<semaphore_mem>>) src(%dma_wait3A_195 : memref<2048xi32, #tpu.memory_space<hbm>>) dst(%arg15 : memref<2048xi32, #tpu.memory_space<vmem>>)
      %dma_wait3A_196 = tpu.memref_slice %arg6[%add3A_172] : memref<802816xi32, #tpu.memory_space<hbm>> -> memref<2048xi32, #tpu.memory_space<hbm>>
      %dma_wait3A_197 = tpu.memref_slice %arg6[%add3A_172] : memref<802816xi32, #tpu.memory_space<hbm>> -> memref<2048xi32, #tpu.memory_space<hbm>>
      tpu.wait_dma2 semaphore(%arg31 : memref<!tpu.dma_semaphore, #tpu.memory_space<semaphore_mem>>) src(%dma_wait3A_197 : memref<2048xi32, #tpu.memory_space<hbm>>) dst(%arg16 : memref<2048xi32, #tpu.memory_space<vmem>>)
      %dma_wait3A_198 = tpu.memref_slice %arg7[%add3A_177] : memref<802816xi32, #tpu.memory_space<hbm>> -> memref<2048xi32, #tpu.memory_space<hbm>>
      %dma_wait3A_199 = tpu.memref_slice %arg7[%add3A_177] : memref<802816xi32, #tpu.memory_space<hbm>> -> memref<2048xi32, #tpu.memory_space<hbm>>
      tpu.wait_dma2 semaphore(%arg31 : memref<!tpu.dma_semaphore, #tpu.memory_space<semaphore_mem>>) src(%dma_wait3A_199 : memref<2048xi32, #tpu.memory_space<hbm>>) dst(%arg17 : memref<2048xi32, #tpu.memory_space<vmem>>)
      %mul3A_200 = arith.constant 2048 : i32
      %mul3A_201 = arith.muli %add3A_150, %mul3A_200 : i32
      %scan3A_202 = arith.constant 0 : i32
      %scan3A_203 = arith.constant 0 : i32
      %scan3A_204 = arith.constant 128 : i32
      %scan3A_205 = arith.addi %scan3A_203, %scan3A_204 : i32
      %scan3A_206 = arith.constant 1 : i32
      scf.for %scan3A_208 = %scan3A_203 to %scan3A_205 step %scan3A_206  : i32 {
        %mul3A_209 = arith.constant 16 : i32
        %mul3A_210 = arith.muli %scan3A_208, %mul3A_209 : i32
        %add3A_211 = arith.addi %mul3A_201, %mul3A_210 : i32
        %add3A_212 = vector.broadcast %add3A_211 : i32 to vector<16xi32>
        %add3A_213 = arith.addi %add3A_212, %iota3A : vector<16xi32>
        %mul3A_214 = arith.constant 16 : i32
        %mul3A_215 = arith.muli %scan3A_208, %mul3A_214 : i32
        %get3A = arith.index_cast %mul3A_215 : i32 to index
        %get3A_216 = tpu.vector_load %arg15[%get3A] {strides = array<i32>} : memref<2048xi32, #tpu.memory_space<vmem>>, vector<16xi32>,
        %mul3A_217 = arith.constant 16 : i32
        %mul3A_218 = arith.muli %scan3A_208, %mul3A_217 : i32
        %get3A_219 = arith.index_cast %mul3A_218 : i32 to index
        %get3A_220 = tpu.vector_load %arg16[%get3A_219] {strides = array<i32>} : memref<2048xi32, #tpu.memory_space<vmem>>, vector<16xi32>,
        %mul3A_221 = arith.constant 16 : i32
        %mul3A_222 = arith.muli %scan3A_208, %mul3A_221 : i32
        %get3A_223 = arith.index_cast %mul3A_222 : i32 to index
        %get3A_224 = tpu.vector_load %arg17[%get3A_223] {strides = array<i32>} : memref<2048xi32, #tpu.memory_space<vmem>>, vector<16xi32>,
        %mul3A_225 = arith.constant -1640531535 : i32
        %mul3A_226 = vector.broadcast %mul3A_225 : i32 to vector<16xi32>
        %mul3A_227 = arith.muli %get3A_220, %mul3A_226 : vector<16xi32>
        %xor3A = arith.xori %get3A_216, %mul3A_227 : vector<16xi32>
        %mul3A_228 = arith.constant 805459861 : i32
        %mul3A_229 = vector.broadcast %mul3A_228 : i32 to vector<16xi32>
        %mul3A_230 = arith.muli %get3A_224, %mul3A_229 : vector<16xi32>
        %xor3A_231 = arith.xori %xor3A, %mul3A_230 : vector<16xi32>
        %and3A_232 = arith.constant 524287 : i32
        %and3A_233 = vector.broadcast %and3A_232 : i32 to vector<16xi32>
        %and3A_234 = arith.andi %xor3A_231, %and3A_233 : vector<16xi32>
        %shift_right_arithmetic3A_235 = arith.constant 16 : i32
        %shift_right_arithmetic3A_236 = vector.broadcast %shift_right_arithmetic3A_235 : i32 to vector<16xi32>
        %shift_right_arithmetic3A_237 = arith.shrsi %and3A_234, %shift_right_arithmetic3A_236 : vector<16xi32>
        %eq3A_238 = vector.broadcast %and3A_65 : i32 to vector<16xi32>
        %eq3A_239 = arith.cmpi eq, %shift_right_arithmetic3A_237, %eq3A_238 : vector<16xi32>
        %lt3A = arith.constant 200000 : i32
        %lt3A_240 = vector.broadcast %lt3A : i32 to vector<16xi32>
        %lt3A_241 = arith.cmpi slt, %add3A_213, %lt3A_240 : vector<16xi32>
        %and3A_242 = arith.andi %eq3A_239, %lt3A_241 : vector<16xi1>
        %and3A_243 = arith.constant 65535 : i32
        %and3A_244 = vector.broadcast %and3A_243 : i32 to vector<16xi32>
        %and3A_245 = arith.andi %and3A_234, %and3A_244 : vector<16xi32>
        %shift_left3A = arith.constant 4 : i32
        %shift_left3A_246 = vector.broadcast %shift_left3A : i32 to vector<16xi32>
        %shift_left3A_247 = arith.shli %and3A_245, %shift_left3A_246 : vector<16xi32>
        %or3A = arith.ori %shift_left3A_247, %iota3A : vector<16xi32>
        %jit3A_248 = arith.constant 2147483647 : i32
        %broadcast_in_dim3A_249 = vector.broadcast %jit3A_248 : i32 to vector<16xi32>
        %select_n3A_250 = arith.select %and3A_242, %or3A, %broadcast_in_dim3A_249 : vector<16xi1>, vector<16xi32>
        %masked_sort3A = arith.constant dense<true> : vector<16xi1>
        %masked_sort3A_251 = arith.constant -2147483648 : i32
        %masked_sort3A_252 = vector.broadcast %masked_sort3A_251 : i32 to vector<16xi32>
        %masked_sort3A_253 = arith.xori %select_n3A_250, %masked_sort3A_252 : vector<16xi32>
        %masked_sort3A_254, %masked_sort3A_255, %masked_sort3A_256 = tpu.sort %masked_sort3A_253, %add3A_213 masked %masked_sort3A : (vector<16xi32>, vector<16xi32>, vector<16xi1>) -> (vector<16xi1>, vector<16xi32>, vector<16xi32>)
        %masked_sort3A_257 = arith.xori %masked_sort3A_255, %masked_sort3A_252 : vector<16xi32>
        %shift_right_arithmetic3A_258 = arith.constant 4 : i32
        %shift_right_arithmetic3A_259 = vector.broadcast %shift_right_arithmetic3A_258 : i32 to vector<16xi32>
        %shift_right_arithmetic3A_260 = arith.shrsi %masked_sort3A_257, %shift_right_arithmetic3A_259 : vector<16xi32>
        %broadcast_in_dim3A_261 = vector.shape_cast %min3A_9 : vector<16xi32> to vector<16x1xi32>
        %gather3A = vector.shape_cast %broadcast_in_dim3A_261 : vector<16x1xi32> to vector<16xi32>
        %gather3A_262 = tpu.dynamic_gather %shift_right_arithmetic3A_260[%gather3A] in [0] : vector<16xi32>, vector<16xi32> -> vector<16xi32>
        %ne3A_263 = arith.cmpi ne, %shift_right_arithmetic3A_260, %gather3A_262 : vector<16xi32>
        %eq3A_264 = arith.constant 15 : i32
        %eq3A_265 = vector.broadcast %eq3A_264 : i32 to vector<16xi32>
        %eq3A_266 = arith.cmpi eq, %iota3A, %eq3A_265 : vector<16xi32>
        %or3A_267 = arith.ori %ne3A_263, %eq3A_266 : vector<16xi1>
        %ne3A_268 = arith.constant 2147483647 : i32
        %ne3A_269 = vector.broadcast %ne3A_268 : i32 to vector<16xi32>
        %ne3A_270 = arith.cmpi ne, %masked_sort3A_257, %ne3A_269 : vector<16xi32>
        %and3A_271 = arith.andi %or3A_267, %ne3A_270 : vector<16xi1>
        %and3A_272 = arith.constant 65535 : i32
        %and3A_273 = vector.broadcast %and3A_272 : i32 to vector<16xi32>
        %and3A_274 = arith.andi %shift_right_arithmetic3A_260, %and3A_273 : vector<16xi32>
        %jit3A_275 = arith.constant 0 : i32
        %broadcast_in_dim3A_276 = vector.broadcast %jit3A_275 : i32 to vector<16xi32>
        %select_n3A_277 = arith.select %and3A_271, %and3A_274, %broadcast_in_dim3A_276 : vector<16xi1>, vector<16xi32>
        %gather3A_278 = tpu.vector_load_idx %arg18[%select_n3A_277] masked %and3A_271 : memref<65536xi32, #tpu.memory_space<vmem>>[vector<16xi32>], vector<16xi32>, vector<16xi1>
        %max3A = arith.maxsi %gather3A_278, %masked_sort3A_256 : vector<16xi32>
        tpu.vector_store_idx %arg18[%select_n3A_277], %max3A masked %and3A_271 : memref<65536xi32, #tpu.memory_space<vmem>>[vector<16xi32>], vector<16xi32>, vector<16xi1>
      }
      %scan3A_207 = arith.constant 128 : i32
    }
    %scan3A_73 = arith.constant 49 : i32
    %mul3A_74 = arith.constant 65536 : i32
    %mul3A_75 = arith.muli %and3A_65, %mul3A_74 : i32
    %scan3A_76 = arith.constant 0 : i32
    %scan3A_77 = arith.constant 0 : i32
    %scan3A_78 = arith.constant 16 : i32
    %scan3A_79 = arith.addi %scan3A_77, %scan3A_78 : i32
    %scan3A_80 = arith.constant 1 : i32
    scf.for %scan3A_146 = %scan3A_77 to %scan3A_79 step %scan3A_80  : i32 {
      %mul3A_147 = arith.constant 2 : i32
      %mul3A_148 = arith.muli %scan3A_146, %mul3A_147 : i32
      %add3A_149 = arith.constant 1 : i32
      %add3A_150 = arith.addi %mul3A_148, %add3A_149 : i32
      %scan3A_151 = arith.constant 0 : i32
      %scan3A_152 = arith.constant 0 : i32
      %scan3A_153 = arith.constant 128 : i32
      %scan3A_154 = arith.addi %scan3A_152, %scan3A_153 : i32
      %scan3A_155 = arith.constant 1 : i32
      scf.for %scan3A_196 = %scan3A_152 to %scan3A_154 step %scan3A_155  : i32 {
        %mul3A_197 = arith.constant 2048 : i32
        %mul3A_198 = arith.muli %mul3A_148, %mul3A_197 : i32
        %mul3A_199 = arith.constant 16 : i32
        %mul3A_200 = arith.muli %scan3A_196, %mul3A_199 : i32
        %add3A_201 = arith.addi %mul3A_198, %mul3A_200 : i32
        %get3A = arith.index_cast %add3A_201 : i32 to index
        %get3A_202 = tpu.vector_load %arg18[%get3A] {strides = array<i32>} : memref<65536xi32, #tpu.memory_space<vmem>>, vector<16xi32>,
        %ge3A = arith.constant 0 : i32
        %ge3A_203 = vector.broadcast %ge3A : i32 to vector<16xi32>
        %ge3A_204 = arith.cmpi sge, %get3A_202, %ge3A_203 : vector<16xi32>
        %mul3A_205 = arith.constant 16 : i32
        %mul3A_206 = arith.muli %scan3A_196, %mul3A_205 : i32
        %and3A_207 = arith.constant 511 : i32
        %and3A_208 = arith.andi %mul3A_206, %and3A_207 : i32
        %add3A_209 = vector.broadcast %and3A_208 : i32 to vector<16xi32>
        %add3A_210 = arith.addi %add3A_209, %iota3A : vector<16xi32>
        %add3A_211 = arith.constant 200000 : i32
        %add3A_212 = vector.broadcast %add3A_211 : i32 to vector<16xi32>
        %add3A_213 = arith.addi %add3A_212, %add3A_210 : vector<16xi32>
        %select_n3A_214 = arith.select %ge3A_204, %get3A_202, %add3A_213 : vector<16xi1>, vector<16xi32>
        %mul3A_215 = arith.constant 16 : i32
        %mul3A_216 = arith.muli %scan3A_196, %mul3A_215 : i32
        %add3A_217 = vector.broadcast %mul3A_216 : i32 to vector<16xi32>
        %add3A_218 = arith.addi %add3A_217, %iota3A : vector<16xi32>
        tpu.vector_store_idx %arg21[%add3A_218], %select_n3A_214 : memref<2048xi32, #tpu.memory_space<vmem>>[vector<16xi32>], vector<16xi32>,
      }
      %scan3A_156 = arith.constant 128 : i32
      %dma_start3A = arith.constant 0 : i32
      %dma_start3A_157 = arith.constant 0 : i32
      %dma_start3A_158 = tpu.memref_slice %arg10[%add3A_63, %dma_start3A, %dma_start3A_157] : memref<4x200704x8xf32, #tpu.memory_space<hbm>> -> memref<1x200704x8xf32, #tpu.memory_space<hbm>>
      %dma_start3A_159 = tpu.memref_squeeze %dma_start3A_158 : memref<1x200704x8xf32, #tpu.memory_space<hbm>> -> memref<200704x8xf32, #tpu.memory_space<hbm>>
      %dma_start3A_160 = arith.constant 0 : i32
      %dma_start3A_161 = arith.constant 0 : i32
      %dma_start3A_162 = tpu.memref_slice %dma_start3A_159[%dma_start3A_160, %dma_start3A_161] : memref<200704x8xf32, #tpu.memory_space<hbm>> -> memref<200704x8xf32, #tpu.memory_space<hbm>>
      tpu.enqueue_indirect_dma source(%dma_start3A_162 : memref<200704x8xf32, #tpu.memory_space<hbm>>) target(%arg19 : memref<2048x8xf32, #tpu.memory_space<vmem>>) offsets(%arg21 : memref<2048xi32, #tpu.memory_space<vmem>>) semaphore(%arg28 : memref<!tpu.dma_semaphore, #tpu.memory_space<semaphore_mem>>)
      %scan3A_163 = arith.constant 0 : i32
      %scan3A_164 = arith.constant 0 : i32
      %scan3A_165 = arith.constant 128 : i32
      %scan3A_166 = arith.addi %scan3A_164, %scan3A_165 : i32
      %scan3A_167 = arith.constant 1 : i32
      scf.for %scan3A_196 = %scan3A_164 to %scan3A_166 step %scan3A_167  : i32 {
        %mul3A_197 = arith.constant 2048 : i32
        %mul3A_198 = arith.muli %add3A_150, %mul3A_197 : i32
        %mul3A_199 = arith.constant 16 : i32
        %mul3A_200 = arith.muli %scan3A_196, %mul3A_199 : i32
        %add3A_201 = arith.addi %mul3A_198, %mul3A_200 : i32
        %get3A = arith.index_cast %add3A_201 : i32 to index
        %get3A_202 = tpu.vector_load %arg18[%get3A] {strides = array<i32>} : memref<65536xi32, #tpu.memory_space<vmem>>, vector<16xi32>,
        %ge3A = arith.constant 0 : i32
        %ge3A_203 = vector.broadcast %ge3A : i32 to vector<16xi32>
        %ge3A_204 = arith.cmpi sge, %get3A_202, %ge3A_203 : vector<16xi32>
        %mul3A_205 = arith.constant 16 : i32
        %mul3A_206 = arith.muli %scan3A_196, %mul3A_205 : i32
        %and3A_207 = arith.constant 511 : i32
        %and3A_208 = arith.andi %mul3A_206, %and3A_207 : i32
        %add3A_209 = vector.broadcast %and3A_208 : i32 to vector<16xi32>
        %add3A_210 = arith.addi %add3A_209, %iota3A : vector<16xi32>
        %add3A_211 = arith.constant 200000 : i32
        %add3A_212 = vector.broadcast %add3A_211 : i32 to vector<16xi32>
        %add3A_213 = arith.addi %add3A_212, %add3A_210 : vector<16xi32>
        %select_n3A_214 = arith.select %ge3A_204, %get3A_202, %add3A_213 : vector<16xi1>, vector<16xi32>
        %mul3A_215 = arith.constant 16 : i32
        %mul3A_216 = arith.muli %scan3A_196, %mul3A_215 : i32
        %add3A_217 = vector.broadcast %mul3A_216 : i32 to vector<16xi32>
        %add3A_218 = arith.addi %add3A_217, %iota3A : vector<16xi32>
        tpu.vector_store_idx %arg22[%add3A_218], %select_n3A_214 : memref<2048xi32, #tpu.memory_space<vmem>>[vector<16xi32>], vector<16xi32>,
      }
      %scan3A_168 = arith.constant 128 : i32
      %dma_start3A_169 = arith.constant 0 : i32
      %dma_start3A_170 = arith.constant 0 : i32
      %dma_start3A_171 = tpu.memref_slice %arg10[%add3A_63, %dma_start3A_169, %dma_start3A_170] : memref<4x200704x8xf32, #tpu.memory_space<hbm>> -> memref<1x200704x8xf32, #tpu.memory_space<hbm>>
      %dma_start3A_172 = tpu.memref_squeeze %dma_start3A_171 : memref<1x200704x8xf32, #tpu.memory_space<hbm>> -> memref<200704x8xf32, #tpu.memory_space<hbm>>
      %dma_start3A_173 = arith.constant 0 : i32
      %dma_start3A_174 = arith.constant 0 : i32
      %dma_start3A_175 = tpu.memref_slice %dma_start3A_172[%dma_start3A_173, %dma_start3A_174] : memref<200704x8xf32, #tpu.memory_space<hbm>> -> memref<200704x8xf32, #tpu.memory_space<hbm>>
      tpu.enqueue_indirect_dma source(%dma_start3A_175 : memref<200704x8xf32, #tpu.memory_space<hbm>>) target(%arg20 : memref<2048x8xf32, #tpu.memory_space<vmem>>) offsets(%arg22 : memref<2048xi32, #tpu.memory_space<vmem>>) semaphore(%arg29 : memref<!tpu.dma_semaphore, #tpu.memory_space<semaphore_mem>>)
      %dma_wait3A_176 = arith.constant 0 : i32
      %dma_wait3A_177 = arith.constant 0 : i32
      %dma_wait3A_178 = tpu.memref_slice %arg10[%add3A_63, %dma_wait3A_176, %dma_wait3A_177] : memref<4x200704x8xf32, #tpu.memory_space<hbm>> -> memref<1x200704x8xf32, #tpu.memory_space<hbm>>
      %dma_wait3A_179 = tpu.memref_squeeze %dma_wait3A_178 : memref<1x200704x8xf32, #tpu.memory_space<hbm>> -> memref<200704x8xf32, #tpu.memory_space<hbm>>
      %dma_wait3A_180 = arith.constant 0 : i32
      %dma_wait3A_181 = arith.constant 0 : i32
      %dma_wait3A_182 = tpu.memref_slice %dma_wait3A_179[%dma_wait3A_180, %dma_wait3A_181] : memref<200704x8xf32, #tpu.memory_space<hbm>> -> memref<200704x8xf32, #tpu.memory_space<hbm>>
      tpu.wait_indirect_dma semaphore(%arg28 : memref<!tpu.dma_semaphore, #tpu.memory_space<semaphore_mem>>) src(%dma_wait3A_182 : memref<200704x8xf32, #tpu.memory_space<hbm>>) dst(%arg19 : memref<2048x8xf32, #tpu.memory_space<vmem>>)
      %mul3A_183 = arith.constant 2048 : i32
      %mul3A_184 = arith.muli %mul3A_148, %mul3A_183 : i32
      %add3A_185 = arith.addi %mul3A_75, %mul3A_184 : i32
      "tpu.region"() ({
        %run_scoped3A = tpu.sem_alloc : memref<!tpu.dma_semaphore, #tpu.memory_space<semaphore_mem>>
        %dma_start3A_196 = arith.constant 0 : i32
        %dma_start3A_197 = tpu.memref_slice %arg11[%add3A_63, %add3A_185, %dma_start3A_196] : memref<4x524288x8xf32, #tpu.memory_space<hbm>> -> memref<1x2048x8xf32, #tpu.memory_space<hbm>>
        %dma_start3A_198 = tpu.memref_squeeze %dma_start3A_197 : memref<1x2048x8xf32, #tpu.memory_space<hbm>> -> memref<2048x8xf32, #tpu.memory_space<hbm>>
        %dma_start3A_199 = arith.constant 0 : i32
        %dma_start3A_200 = tpu.memref_slice %arg11[%add3A_63, %add3A_185, %dma_start3A_199] : memref<4x524288x8xf32, #tpu.memory_space<hbm>> -> memref<1x2048x8xf32, #tpu.memory_space<hbm>>
        %dma_start3A_201 = tpu.memref_squeeze %dma_start3A_200 : memref<1x2048x8xf32, #tpu.memory_space<hbm>> -> memref<2048x8xf32, #tpu.memory_space<hbm>>
        tpu.enqueue_dma source(%arg19 : memref<2048x8xf32, #tpu.memory_space<vmem>>) target(%dma_start3A_201 : memref<2048x8xf32, #tpu.memory_space<hbm>>) target_semaphore(%run_scoped3A : memref<!tpu.dma_semaphore, #tpu.memory_space<semaphore_mem>>)
        %dma_wait3A_202 = arith.constant 0 : i32
        %dma_wait3A_203 = tpu.memref_slice %arg11[%add3A_63, %add3A_185, %dma_wait3A_202] : memref<4x524288x8xf32, #tpu.memory_space<hbm>> -> memref<1x2048x8xf32, #tpu.memory_space<hbm>>
        %dma_wait3A_204 = tpu.memref_squeeze %dma_wait3A_203 : memref<1x2048x8xf32, #tpu.memory_space<hbm>> -> memref<2048x8xf32, #tpu.memory_space<hbm>>
        %dma_wait3A_205 = arith.constant 0 : i32
        %dma_wait3A_206 = tpu.memref_slice %arg11[%add3A_63, %add3A_185, %dma_wait3A_205] : memref<4x524288x8xf32, #tpu.memory_space<hbm>> -> memref<1x2048x8xf32, #tpu.memory_space<hbm>>
        %dma_wait3A_207 = tpu.memref_squeeze %dma_wait3A_206 : memref<1x2048x8xf32, #tpu.memory_space<hbm>> -> memref<2048x8xf32, #tpu.memory_space<hbm>>
        tpu.wait_dma2 semaphore(%run_scoped3A : memref<!tpu.dma_semaphore, #tpu.memory_space<semaphore_mem>>) src(%arg19 : memref<2048x8xf32, #tpu.memory_space<vmem>>) dst(%dma_wait3A_207 : memref<2048x8xf32, #tpu.memory_space<hbm>>)
        tpu.yield
      }) : () -> ()
      %dma_wait3A_186 = arith.constant 0 : i32
      %dma_wait3A_187 = arith.constant 0 : i32
      %dma_wait3A_188 = tpu.memref_slice %arg10[%add3A_63, %dma_wait3A_186, %dma_wait3A_187] : memref<4x200704x8xf32, #tpu.memory_space<hbm>> -> memref<1x200704x8xf32, #tpu.memory_space<hbm>>
      %dma_wait3A_189 = tpu.memref_squeeze %dma_wait3A_188 : memref<1x200704x8xf32, #tpu.memory_space<hbm>> -> memref<200704x8xf32, #tpu.memory_space<hbm>>
      %dma_wait3A_190 = arith.constant 0 : i32
      %dma_wait3A_191 = arith.constant 0 : i32
      %dma_wait3A_192 = tpu.memref_slice %dma_wait3A_189[%dma_wait3A_190, %dma_wait3A_191] : memref<200704x8xf32, #tpu.memory_space<hbm>> -> memref<200704x8xf32, #tpu.memory_space<hbm>>
      tpu.wait_indirect_dma semaphore(%arg29 : memref<!tpu.dma_semaphore, #tpu.memory_space<semaphore_mem>>) src(%dma_wait3A_192 : memref<200704x8xf32, #tpu.memory_space<hbm>>) dst(%arg20 : memref<2048x8xf32, #tpu.memory_space<vmem>>)
      %mul3A_193 = arith.constant 2048 : i32
      %mul3A_194 = arith.muli %add3A_150, %mul3A_193 : i32
      %add3A_195 = arith.addi %mul3A_75, %mul3A_194 : i32
      "tpu.region"() ({
        %run_scoped3A = tpu.sem_alloc : memref<!tpu.dma_semaphore, #tpu.memory_space<semaphore_mem>>
        %dma_start3A_196 = arith.constant 0 : i32
        %dma_start3A_197 = tpu.memref_slice %arg11[%add3A_63, %add3A_195, %dma_start3A_196] : memref<4x524288x8xf32, #tpu.memory_space<hbm>> -> memref<1x2048x8xf32, #tpu.memory_space<hbm>>
        %dma_start3A_198 = tpu.memref_squeeze %dma_start3A_197 : memref<1x2048x8xf32, #tpu.memory_space<hbm>> -> memref<2048x8xf32, #tpu.memory_space<hbm>>
        %dma_start3A_199 = arith.constant 0 : i32
        %dma_start3A_200 = tpu.memref_slice %arg11[%add3A_63, %add3A_195, %dma_start3A_199] : memref<4x524288x8xf32, #tpu.memory_space<hbm>> -> memref<1x2048x8xf32, #tpu.memory_space<hbm>>
        %dma_start3A_201 = tpu.memref_squeeze %dma_start3A_200 : memref<1x2048x8xf32, #tpu.memory_space<hbm>> -> memref<2048x8xf32, #tpu.memory_space<hbm>>
        tpu.enqueue_dma source(%arg20 : memref<2048x8xf32, #tpu.memory_space<vmem>>) target(%dma_start3A_201 : memref<2048x8xf32, #tpu.memory_space<hbm>>) target_semaphore(%run_scoped3A : memref<!tpu.dma_semaphore, #tpu.memory_space<semaphore_mem>>)
        %dma_wait3A_202 = arith.constant 0 : i32
        %dma_wait3A_203 = tpu.memref_slice %arg11[%add3A_63, %add3A_195, %dma_wait3A_202] : memref<4x524288x8xf32, #tpu.memory_space<hbm>> -> memref<1x2048x8xf32, #tpu.memory_space<hbm>>
        %dma_wait3A_204 = tpu.memref_squeeze %dma_wait3A_203 : memref<1x2048x8xf32, #tpu.memory_space<hbm>> -> memref<2048x8xf32, #tpu.memory_space<hbm>>
        %dma_wait3A_205 = arith.constant 0 : i32
        %dma_wait3A_206 = tpu.memref_slice %arg11[%add3A_63, %add3A_195, %dma_wait3A_205] : memref<4x524288x8xf32, #tpu.memory_space<hbm>> -> memref<1x2048x8xf32, #tpu.memory_space<hbm>>
        %dma_wait3A_207 = tpu.memref_squeeze %dma_wait3A_206 : memref<1x2048x8xf32, #tpu.memory_space<hbm>> -> memref<2048x8xf32, #tpu.memory_space<hbm>>
        tpu.wait_dma2 semaphore(%run_scoped3A : memref<!tpu.dma_semaphore, #tpu.memory_space<semaphore_mem>>) src(%arg20 : memref<2048x8xf32, #tpu.memory_space<vmem>>) dst(%dma_wait3A_207 : memref<2048x8xf32, #tpu.memory_space<hbm>>)
        tpu.yield
      }) : () -> ()
    }
    %scan3A_81 = arith.constant 16 : i32
    %barrier3A_82 = arith.constant 0 : index
    tpu.barrier barrier_id(%barrier3A_82)
    %broadcast_in_dim3A_83 = arith.constant 0 : i32
    %broadcast_in_dim3A_84 = vector.broadcast %broadcast_in_dim3A_83 : i32 to vector<16xi32>
    %add3A_85 = vector.broadcast %arg0 : i32 to vector<16xi32>
    %add3A_86 = arith.addi %broadcast_in_dim3A_84, %add3A_85 : vector<16xi32>
    %scan3A_87 = arith.constant 0 : i32
    %scan3A_88 = arith.constant 0 : i32
    %scan3A_89 = arith.constant 128 : i32
    %scan3A_90 = arith.addi %scan3A_88, %scan3A_89 : i32
    %scan3A_91 = arith.constant 1 : i32
    scf.for %scan3A_146 = %scan3A_88 to %scan3A_90 step %scan3A_91  : i32 {
      %mul3A_147 = arith.constant 32768 : i32
      %mul3A_148 = arith.muli %arg1, %mul3A_147 : i32
      %mul3A_149 = arith.constant 256 : i32
      %mul3A_150 = arith.muli %scan3A_146, %mul3A_149 : i32
      %add3A_151 = arith.addi %mul3A_148, %mul3A_150 : i32
      "tpu.region"() ({
        %run_scoped3A = tpu.sem_alloc : memref<!tpu.dma_semaphore, #tpu.memory_space<semaphore_mem>>
        %dma_start3A_222 = arith.constant 0 : i32
        %dma_start3A_223 = tpu.memref_slice %arg25[%dma_start3A_222] : memref<768xf32, #tpu.memory_space<vmem>> -> memref<256xf32, #tpu.memory_space<vmem>>
        %dma_start3A_224 = tpu.memref_slice %arg2[%add3A_151] : memref<524288xf32, #tpu.memory_space<hbm>> -> memref<256xf32, #tpu.memory_space<hbm>>
        %dma_start3A_225 = arith.constant 0 : i32
        %dma_start3A_226 = tpu.memref_slice %arg25[%dma_start3A_225] : memref<768xf32, #tpu.memory_space<vmem>> -> memref<256xf32, #tpu.memory_space<vmem>>
        %dma_start3A_227 = tpu.memref_slice %arg2[%add3A_151] : memref<524288xf32, #tpu.memory_space<hbm>> -> memref<256xf32, #tpu.memory_space<hbm>>
        tpu.enqueue_dma source(%dma_start3A_227 : memref<256xf32, #tpu.memory_space<hbm>>) target(%dma_start3A_226 : memref<256xf32, #tpu.memory_space<vmem>>) target_semaphore(%run_scoped3A : memref<!tpu.dma_semaphore, #tpu.memory_space<semaphore_mem>>)
        %dma_wait3A_228 = arith.constant 0 : i32
        %dma_wait3A_229 = tpu.memref_slice %arg25[%dma_wait3A_228] : memref<768xf32, #tpu.memory_space<vmem>> -> memref<256xf32, #tpu.memory_space<vmem>>
        %dma_wait3A_230 = tpu.memref_slice %arg2[%add3A_151] : memref<524288xf32, #tpu.memory_space<hbm>> -> memref<256xf32, #tpu.memory_space<hbm>>
        %dma_wait3A_231 = arith.constant 0 : i32
        %dma_wait3A_232 = tpu.memref_slice %arg25[%dma_wait3A_231] : memref<768xf32, #tpu.memory_space<vmem>> -> memref<256xf32, #tpu.memory_space<vmem>>
        %dma_wait3A_233 = tpu.memref_slice %arg2[%add3A_151] : memref<524288xf32, #tpu.memory_space<hbm>> -> memref<256xf32, #tpu.memory_space<hbm>>
        tpu.wait_dma2 semaphore(%run_scoped3A : memref<!tpu.dma_semaphore, #tpu.memory_space<semaphore_mem>>) src(%dma_wait3A_233 : memref<256xf32, #tpu.memory_space<hbm>>) dst(%dma_wait3A_232 : memref<256xf32, #tpu.memory_space<vmem>>)
        tpu.yield
      }) : () -> ()
      "tpu.region"() ({
        %run_scoped3A = tpu.sem_alloc : memref<!tpu.dma_semaphore, #tpu.memory_space<semaphore_mem>>
        %dma_start3A_222 = arith.constant 256 : i32
        %dma_start3A_223 = tpu.memref_slice %arg25[%dma_start3A_222] : memref<768xf32, #tpu.memory_space<vmem>> -> memref<256xf32, #tpu.memory_space<vmem>>
        %dma_start3A_224 = tpu.memref_slice %arg3[%add3A_151] : memref<524288xf32, #tpu.memory_space<hbm>> -> memref<256xf32, #tpu.memory_space<hbm>>
        %dma_start3A_225 = arith.constant 256 : i32
        %dma_start3A_226 = tpu.memref_slice %arg25[%dma_start3A_225] : memref<768xf32, #tpu.memory_space<vmem>> -> memref<256xf32, #tpu.memory_space<vmem>>
        %dma_start3A_227 = tpu.memref_slice %arg3[%add3A_151] : memref<524288xf32, #tpu.memory_space<hbm>> -> memref<256xf32, #tpu.memory_space<hbm>>
        tpu.enqueue_dma source(%dma_start3A_227 : memref<256xf32, #tpu.memory_space<hbm>>) target(%dma_start3A_226 : memref<256xf32, #tpu.memory_space<vmem>>) target_semaphore(%run_scoped3A : memref<!tpu.dma_semaphore, #tpu.memory_space<semaphore_mem>>)
        %dma_wait3A_228 = arith.constant 256 : i32
        %dma_wait3A_229 = tpu.memref_slice %arg25[%dma_wait3A_228] : memref<768xf32, #tpu.memory_space<vmem>> -> memref<256xf32, #tpu.memory_space<vmem>>
        %dma_wait3A_230 = tpu.memref_slice %arg3[%add3A_151] : memref<524288xf32, #tpu.memory_space<hbm>> -> memref<256xf32, #tpu.memory_space<hbm>>
        %dma_wait3A_231 = arith.constant 256 : i32
        %dma_wait3A_232 = tpu.memref_slice %arg25[%dma_wait3A_231] : memref<768xf32, #tpu.memory_space<vmem>> -> memref<256xf32, #tpu.memory_space<vmem>>
        %dma_wait3A_233 = tpu.memref_slice %arg3[%add3A_151] : memref<524288xf32, #tpu.memory_space<hbm>> -> memref<256xf32, #tpu.memory_space<hbm>>
        tpu.wait_dma2 semaphore(%run_scoped3A : memref<!tpu.dma_semaphore, #tpu.memory_space<semaphore_mem>>) src(%dma_wait3A_233 : memref<256xf32, #tpu.memory_space<hbm>>) dst(%dma_wait3A_232 : memref<256xf32, #tpu.memory_space<vmem>>)
        tpu.yield
      }) : () -> ()
      "tpu.region"() ({
        %run_scoped3A = tpu.sem_alloc : memref<!tpu.dma_semaphore, #tpu.memory_space<semaphore_mem>>
        %dma_start3A_222 = arith.constant 512 : i32
        %dma_start3A_223 = tpu.memref_slice %arg25[%dma_start3A_222] : memref<768xf32, #tpu.memory_space<vmem>> -> memref<256xf32, #tpu.memory_space<vmem>>
        %dma_start3A_224 = tpu.memref_slice %arg4[%add3A_151] : memref<524288xf32, #tpu.memory_space<hbm>> -> memref<256xf32, #tpu.memory_space<hbm>>
        %dma_start3A_225 = arith.constant 512 : i32
        %dma_start3A_226 = tpu.memref_slice %arg25[%dma_start3A_225] : memref<768xf32, #tpu.memory_space<vmem>> -> memref<256xf32, #tpu.memory_space<vmem>>
        %dma_start3A_227 = tpu.memref_slice %arg4[%add3A_151] : memref<524288xf32, #tpu.memory_space<hbm>> -> memref<256xf32, #tpu.memory_space<hbm>>
        tpu.enqueue_dma source(%dma_start3A_227 : memref<256xf32, #tpu.memory_space<hbm>>) target(%dma_start3A_226 : memref<256xf32, #tpu.memory_space<vmem>>) target_semaphore(%run_scoped3A : memref<!tpu.dma_semaphore, #tpu.memory_space<semaphore_mem>>)
        %dma_wait3A_228 = arith.constant 512 : i32
        %dma_wait3A_229 = tpu.memref_slice %arg25[%dma_wait3A_228] : memref<768xf32, #tpu.memory_space<vmem>> -> memref<256xf32, #tpu.memory_space<vmem>>
        %dma_wait3A_230 = tpu.memref_slice %arg4[%add3A_151] : memref<524288xf32, #tpu.memory_space<hbm>> -> memref<256xf32, #tpu.memory_space<hbm>>
        %dma_wait3A_231 = arith.constant 512 : i32
        %dma_wait3A_232 = tpu.memref_slice %arg25[%dma_wait3A_231] : memref<768xf32, #tpu.memory_space<vmem>> -> memref<256xf32, #tpu.memory_space<vmem>>
        %dma_wait3A_233 = tpu.memref_slice %arg4[%add3A_151] : memref<524288xf32, #tpu.memory_space<hbm>> -> memref<256xf32, #tpu.memory_space<hbm>>
        tpu.wait_dma2 semaphore(%run_scoped3A : memref<!tpu.dma_semaphore, #tpu.memory_space<semaphore_mem>>) src(%dma_wait3A_233 : memref<256xf32, #tpu.memory_space<hbm>>) dst(%dma_wait3A_232 : memref<256xf32, #tpu.memory_space<vmem>>)
        tpu.yield
      }) : () -> ()
      %eq3A_152 = arith.constant 0 : i32
      %eq3A_153 = vector.broadcast %eq3A_152 : i32 to vector<16xi32>
      %eq3A_154 = arith.cmpi eq, %add3A_86, %eq3A_153 : vector<16xi32>
      %broadcast_in_dim3A_155 = arith.constant 1.024000e+04 : f32
      %broadcast_in_dim3A_156 = vector.broadcast %broadcast_in_dim3A_155 : f32 to vector<16xf32>
      %broadcast_in_dim3A_157 = arith.constant 2.560000e+03 : f32
      %broadcast_in_dim3A_158 = vector.broadcast %broadcast_in_dim3A_157 : f32 to vector<16xf32>
      %select_n3A_159 = arith.select %eq3A_154, %broadcast_in_dim3A_156, %broadcast_in_dim3A_158 : vector<16xi1>, vector<16xf32>
      %scan3A_160 = arith.constant 0 : i32
      %scan3A_161 = arith.constant 0 : i32
      %scan3A_162 = arith.constant 16 : i32
      %scan3A_163 = arith.addi %scan3A_161, %scan3A_162 : i32
      %scan3A_164 = arith.constant 1 : i32
      scf.for %scan3A_222 = %scan3A_161 to %scan3A_163 step %scan3A_164  : i32 {
        %mul3A_223 = arith.constant 16 : i32
        %mul3A_224 = arith.muli %scan3A_222, %mul3A_223 : i32
        %get3A = arith.index_cast %mul3A_224 : i32 to index
        %get3A_225 = tpu.vector_load %arg25[%get3A] {strides = array<i32>} : memref<768xf32, #tpu.memory_space<vmem>>, vector<16xf32>,
        %mul3A_226 = arith.mulf %get3A_225, %select_n3A_159 : vector<16xf32>
        %mul3A_227 = arith.constant 16 : i32
        %mul3A_228 = arith.muli %scan3A_222, %mul3A_227 : i32
        %add3A_229 = arith.constant 256 : i32
        %add3A_230 = arith.addi %add3A_229, %mul3A_228 : i32
        %get3A_231 = arith.index_cast %add3A_230 : i32 to index
        %get3A_232 = tpu.vector_load %arg25[%get3A_231] {strides = array<i32>} : memref<768xf32, #tpu.memory_space<vmem>>, vector<16xf32>,
        %mul3A_233 = arith.mulf %get3A_232, %select_n3A_159 : vector<16xf32>
        %mul3A_234 = arith.constant 16 : i32
        %mul3A_235 = arith.muli %scan3A_222, %mul3A_234 : i32
        %add3A_236 = arith.constant 512 : i32
        %add3A_237 = arith.addi %add3A_236, %mul3A_235 : i32
        %get3A_238 = arith.index_cast %add3A_237 : i32 to index
        %get3A_239 = tpu.vector_load %arg25[%get3A_238] {strides = array<i32>} : memref<768xf32, #tpu.memory_space<vmem>>, vector<16xf32>,
        %mul3A_240 = arith.mulf %get3A_239, %select_n3A_159 : vector<16xf32>
        %convert_element_type3A_241 = arith.fptosi %mul3A_226 : vector<16xf32> to vector<16xi32>
        %convert_element_type3A_242 = arith.fptosi %mul3A_233 : vector<16xf32> to vector<16xi32>
        %convert_element_type3A_243 = arith.fptosi %mul3A_240 : vector<16xf32> to vector<16xi32>
        %convert_element_type3A_244 = arith.sitofp %convert_element_type3A_241 : vector<16xi32> to vector<16xf32>
        %lt3A = arith.cmpf olt, %mul3A_226, %convert_element_type3A_244 : vector<16xf32>
        %sub3A_245 = arith.constant 1 : i32
        %sub3A_246 = vector.broadcast %sub3A_245 : i32 to vector<16xi32>
        %sub3A_247 = arith.subi %convert_element_type3A_241, %sub3A_246 : vector<16xi32>
        %select_n3A_248 = arith.select %lt3A, %sub3A_247, %convert_element_type3A_241 : vector<16xi1>, vector<16xi32>
        %convert_element_type3A_249 = arith.sitofp %convert_element_type3A_242 : vector<16xi32> to vector<16xf32>
        %lt3A_250 = arith.cmpf olt, %mul3A_233, %convert_element_type3A_249 : vector<16xf32>
        %sub3A_251 = arith.constant 1 : i32
        %sub3A_252 = vector.broadcast %sub3A_251 : i32 to vector<16xi32>
        %sub3A_253 = arith.subi %convert_element_type3A_242, %sub3A_252 : vector<16xi32>
        %select_n3A_254 = arith.select %lt3A_250, %sub3A_253, %convert_element_type3A_242 : vector<16xi1>, vector<16xi32>
        %convert_element_type3A_255 = arith.sitofp %convert_element_type3A_243 : vector<16xi32> to vector<16xf32>
        %lt3A_256 = arith.cmpf olt, %mul3A_240, %convert_element_type3A_255 : vector<16xf32>
        %sub3A_257 = arith.constant 1 : i32
        %sub3A_258 = vector.broadcast %sub3A_257 : i32 to vector<16xi32>
        %sub3A_259 = arith.subi %convert_element_type3A_243, %sub3A_258 : vector<16xi32>
        %select_n3A_260 = arith.select %lt3A_256, %sub3A_259, %convert_element_type3A_243 : vector<16xi1>, vector<16xi32>
        %convert_element_type3A_261 = arith.sitofp %select_n3A_248 : vector<16xi32> to vector<16xf32>
        %sub3A_262 = arith.subf %mul3A_226, %convert_element_type3A_261 : vector<16xf32>
        %convert_element_type3A_263 = arith.sitofp %select_n3A_254 : vector<16xi32> to vector<16xf32>
        %sub3A_264 = arith.subf %mul3A_233, %convert_element_type3A_263 : vector<16xf32>
        %convert_element_type3A_265 = arith.sitofp %select_n3A_260 : vector<16xi32> to vector<16xf32>
        %sub3A_266 = arith.subf %mul3A_240, %convert_element_type3A_265 : vector<16xf32>
        %sub3A_267 = arith.constant 1.000000e+00 : f32
        %sub3A_268 = vector.broadcast %sub3A_267 : f32 to vector<16xf32>
        %sub3A_269 = arith.subf %sub3A_268, %sub3A_262 : vector<16xf32>
        %sub3A_270 = arith.constant 1.000000e+00 : f32
        %sub3A_271 = vector.broadcast %sub3A_270 : f32 to vector<16xf32>
        %sub3A_272 = arith.subf %sub3A_271, %sub3A_264 : vector<16xf32>
        %sub3A_273 = arith.constant 1.000000e+00 : f32
        %sub3A_274 = vector.broadcast %sub3A_273 : f32 to vector<16xf32>
        %sub3A_275 = arith.subf %sub3A_274, %sub3A_266 : vector<16xf32>
        %add3A_276 = arith.constant 1 : i32
        %add3A_277 = vector.broadcast %add3A_276 : i32 to vector<16xi32>
        %add3A_278 = arith.addi %select_n3A_248, %add3A_277 : vector<16xi32>
        %mul3A_279 = arith.constant -1640531535 : i32
        %mul3A_280 = vector.broadcast %mul3A_279 : i32 to vector<16xi32>
        %mul3A_281 = arith.muli %select_n3A_254, %mul3A_280 : vector<16xi32>
        %mul3A_282 = arith.constant -1640531535 : i32
        %mul3A_283 = vector.broadcast %mul3A_282 : i32 to vector<16xi32>
        %mul3A_284 = arith.muli %select_n3A_254, %mul3A_283 : vector<16xi32>
        %add3A_285 = arith.constant -1640531535 : i32
        %add3A_286 = vector.broadcast %add3A_285 : i32 to vector<16xi32>
        %add3A_287 = arith.addi %mul3A_284, %add3A_286 : vector<16xi32>
        %mul3A_288 = arith.constant 805459861 : i32
        %mul3A_289 = vector.broadcast %mul3A_288 : i32 to vector<16xi32>
        %mul3A_290 = arith.muli %select_n3A_260, %mul3A_289 : vector<16xi32>
        %mul3A_291 = arith.constant 805459861 : i32
        %mul3A_292 = vector.broadcast %mul3A_291 : i32 to vector<16xi32>
        %mul3A_293 = arith.muli %select_n3A_260, %mul3A_292 : vector<16xi32>
        %add3A_294 = arith.constant 805459861 : i32
        %add3A_295 = vector.broadcast %add3A_294 : i32 to vector<16xi32>
        %add3A_296 = arith.addi %mul3A_293, %add3A_295 : vector<16xi32>
        %mul3A_297 = arith.constant 16 : i32
        %mul3A_298 = arith.muli %scan3A_222, %mul3A_297 : i32
        %add3A_299 = vector.broadcast %mul3A_298 : i32 to vector<16xi32>
        %add3A_300 = arith.addi %add3A_299, %iota3A : vector<16xi32>
        %xor3A = arith.xori %select_n3A_248, %mul3A_281 : vector<16xi32>
        %xor3A_301 = arith.xori %xor3A, %mul3A_290 : vector<16xi32>
        %and3A_302 = arith.constant 524287 : i32
        %and3A_303 = vector.broadcast %and3A_302 : i32 to vector<16xi32>
        %and3A_304 = arith.andi %xor3A_301, %and3A_303 : vector<16xi32>
        %add3A_305 = arith.constant 0 : i32
        %add3A_306 = vector.broadcast %add3A_305 : i32 to vector<16xi32>
        %add3A_307 = arith.addi %add3A_300, %add3A_306 : vector<16xi32>
        tpu.vector_store_idx %arg21[%add3A_307], %and3A_304 : memref<2048xi32, #tpu.memory_space<vmem>>[vector<16xi32>], vector<16xi32>,
        %broadcast_in_dim3A_308 = arith.constant 0 : i32
        %broadcast_in_dim3A_309 = vector.broadcast %broadcast_in_dim3A_308 : i32 to vector<16xi32>
        %mul3A_310 = arith.mulf %sub3A_269, %sub3A_272 : vector<16xf32>
        %mul3A_311 = arith.mulf %mul3A_310, %sub3A_275 : vector<16xf32>
        tpu.vector_store_idx %arg23[%broadcast_in_dim3A_309, %add3A_300], %mul3A_311 : memref<8x256xf32, #tpu.memory_space<vmem>>[vector<16xi32>, vector<16xi32>], vector<16xf32>,
        %xor3A_312 = arith.xori %select_n3A_248, %mul3A_281 : vector<16xi32>
        %xor3A_313 = arith.xori %xor3A_312, %add3A_296 : vector<16xi32>
        %and3A_314 = arith.constant 524287 : i32
        %and3A_315 = vector.broadcast %and3A_314 : i32 to vector<16xi32>
        %and3A_316 = arith.andi %xor3A_313, %and3A_315 : vector<16xi32>
        %add3A_317 = arith.constant 256 : i32
        %add3A_318 = vector.broadcast %add3A_317 : i32 to vector<16xi32>
        %add3A_319 = arith.addi %add3A_300, %add3A_318 : vector<16xi32>
        tpu.vector_store_idx %arg21[%add3A_319], %and3A_316 : memref<2048xi32, #tpu.memory_space<vmem>>[vector<16xi32>], vector<16xi32>,
        %broadcast_in_dim3A_320 = arith.constant 1 : i32
        %broadcast_in_dim3A_321 = vector.broadcast %broadcast_in_dim3A_320 : i32 to vector<16xi32>
        %mul3A_322 = arith.mulf %sub3A_269, %sub3A_272 : vector<16xf32>
        %mul3A_323 = arith.mulf %mul3A_322, %sub3A_266 : vector<16xf32>
        tpu.vector_store_idx %arg23[%broadcast_in_dim3A_321, %add3A_300], %mul3A_323 : memref<8x256xf32, #tpu.memory_space<vmem>>[vector<16xi32>, vector<16xi32>], vector<16xf32>,
        %xor3A_324 = arith.xori %select_n3A_248, %add3A_287 : vector<16xi32>
        %xor3A_325 = arith.xori %xor3A_324, %mul3A_290 : vector<16xi32>
        %and3A_326 = arith.constant 524287 : i32
        %and3A_327 = vector.broadcast %and3A_326 : i32 to vector<16xi32>
        %and3A_328 = arith.andi %xor3A_325, %and3A_327 : vector<16xi32>
        %add3A_329 = arith.constant 512 : i32
        %add3A_330 = vector.broadcast %add3A_329 : i32 to vector<16xi32>
        %add3A_331 = arith.addi %add3A_300, %add3A_330 : vector<16xi32>
        tpu.vector_store_idx %arg21[%add3A_331], %and3A_328 : memref<2048xi32, #tpu.memory_space<vmem>>[vector<16xi32>], vector<16xi32>,
        %broadcast_in_dim3A_332 = arith.constant 2 : i32
        %broadcast_in_dim3A_333 = vector.broadcast %broadcast_in_dim3A_332 : i32 to vector<16xi32>
        %mul3A_334 = arith.mulf %sub3A_269, %sub3A_264 : vector<16xf32>
        %mul3A_335 = arith.mulf %mul3A_334, %sub3A_275 : vector<16xf32>
        tpu.vector_store_idx %arg23[%broadcast_in_dim3A_333, %add3A_300], %mul3A_335 : memref<8x256xf32, #tpu.memory_space<vmem>>[vector<16xi32>, vector<16xi32>], vector<16xf32>,
        %xor3A_336 = arith.xori %select_n3A_248, %add3A_287 : vector<16xi32>
        %xor3A_337 = arith.xori %xor3A_336, %add3A_296 : vector<16xi32>
        %and3A_338 = arith.constant 524287 : i32
        %and3A_339 = vector.broadcast %and3A_338 : i32 to vector<16xi32>
        %and3A_340 = arith.andi %xor3A_337, %and3A_339 : vector<16xi32>
        %add3A_341 = arith.constant 768 : i32
        %add3A_342 = vector.broadcast %add3A_341 : i32 to vector<16xi32>
        %add3A_343 = arith.addi %add3A_300, %add3A_342 : vector<16xi32>
        tpu.vector_store_idx %arg21[%add3A_343], %and3A_340 : memref<2048xi32, #tpu.memory_space<vmem>>[vector<16xi32>], vector<16xi32>,
        %broadcast_in_dim3A_344 = arith.constant 3 : i32
        %broadcast_in_dim3A_345 = vector.broadcast %broadcast_in_dim3A_344 : i32 to vector<16xi32>
        %mul3A_346 = arith.mulf %sub3A_269, %sub3A_264 : vector<16xf32>
        %mul3A_347 = arith.mulf %mul3A_346, %sub3A_266 : vector<16xf32>
        tpu.vector_store_idx %arg23[%broadcast_in_dim3A_345, %add3A_300], %mul3A_347 : memref<8x256xf32, #tpu.memory_space<vmem>>[vector<16xi32>, vector<16xi32>], vector<16xf32>,
        %xor3A_348 = arith.xori %add3A_278, %mul3A_281 : vector<16xi32>
        %xor3A_349 = arith.xori %xor3A_348, %mul3A_290 : vector<16xi32>
        %and3A_350 = arith.constant 524287 : i32
        %and3A_351 = vector.broadcast %and3A_350 : i32 to vector<16xi32>
        %and3A_352 = arith.andi %xor3A_349, %and3A_351 : vector<16xi32>
        %add3A_353 = arith.constant 1024 : i32
        %add3A_354 = vector.broadcast %add3A_353 : i32 to vector<16xi32>
        %add3A_355 = arith.addi %add3A_300, %add3A_354 : vector<16xi32>
        tpu.vector_store_idx %arg21[%add3A_355], %and3A_352 : memref<2048xi32, #tpu.memory_space<vmem>>[vector<16xi32>], vector<16xi32>,
        %broadcast_in_dim3A_356 = arith.constant 4 : i32
        %broadcast_in_dim3A_357 = vector.broadcast %broadcast_in_dim3A_356 : i32 to vector<16xi32>
        %mul3A_358 = arith.mulf %sub3A_262, %sub3A_272 : vector<16xf32>
        %mul3A_359 = arith.mulf %mul3A_358, %sub3A_275 : vector<16xf32>
        tpu.vector_store_idx %arg23[%broadcast_in_dim3A_357, %add3A_300], %mul3A_359 : memref<8x256xf32, #tpu.memory_space<vmem>>[vector<16xi32>, vector<16xi32>], vector<16xf32>,
        %xor3A_360 = arith.xori %add3A_278, %mul3A_281 : vector<16xi32>
        %xor3A_361 = arith.xori %xor3A_360, %add3A_296 : vector<16xi32>
        %and3A_362 = arith.constant 524287 : i32
        %and3A_363 = vector.broadcast %and3A_362 : i32 to vector<16xi32>
        %and3A_364 = arith.andi %xor3A_361, %and3A_363 : vector<16xi32>
        %add3A_365 = arith.constant 1280 : i32
        %add3A_366 = vector.broadcast %add3A_365 : i32 to vector<16xi32>
        %add3A_367 = arith.addi %add3A_300, %add3A_366 : vector<16xi32>
        tpu.vector_store_idx %arg21[%add3A_367], %and3A_364 : memref<2048xi32, #tpu.memory_space<vmem>>[vector<16xi32>], vector<16xi32>,
        %broadcast_in_dim3A_368 = arith.constant 5 : i32
        %broadcast_in_dim3A_369 = vector.broadcast %broadcast_in_dim3A_368 : i32 to vector<16xi32>
        %mul3A_370 = arith.mulf %sub3A_262, %sub3A_272 : vector<16xf32>
        %mul3A_371 = arith.mulf %mul3A_370, %sub3A_266 : vector<16xf32>
        tpu.vector_store_idx %arg23[%broadcast_in_dim3A_369, %add3A_300], %mul3A_371 : memref<8x256xf32, #tpu.memory_space<vmem>>[vector<16xi32>, vector<16xi32>], vector<16xf32>,
        %xor3A_372 = arith.xori %add3A_278, %add3A_287 : vector<16xi32>
        %xor3A_373 = arith.xori %xor3A_372, %mul3A_290 : vector<16xi32>
        %and3A_374 = arith.constant 524287 : i32
        %and3A_375 = vector.broadcast %and3A_374 : i32 to vector<16xi32>
        %and3A_376 = arith.andi %xor3A_373, %and3A_375 : vector<16xi32>
        %add3A_377 = arith.constant 1536 : i32
        %add3A_378 = vector.broadcast %add3A_377 : i32 to vector<16xi32>
        %add3A_379 = arith.addi %add3A_300, %add3A_378 : vector<16xi32>
        tpu.vector_store_idx %arg21[%add3A_379], %and3A_376 : memref<2048xi32, #tpu.memory_space<vmem>>[vector<16xi32>], vector<16xi32>,
        %broadcast_in_dim3A_380 = arith.constant 6 : i32
        %broadcast_in_dim3A_381 = vector.broadcast %broadcast_in_dim3A_380 : i32 to vector<16xi32>
        %mul3A_382 = arith.mulf %sub3A_262, %sub3A_264 : vector<16xf32>
        %mul3A_383 = arith.mulf %mul3A_382, %sub3A_275 : vector<16xf32>
        tpu.vector_store_idx %arg23[%broadcast_in_dim3A_381, %add3A_300], %mul3A_383 : memref<8x256xf32, #tpu.memory_space<vmem>>[vector<16xi32>, vector<16xi32>], vector<16xf32>,
        %xor3A_384 = arith.xori %add3A_278, %add3A_287 : vector<16xi32>
        %xor3A_385 = arith.xori %xor3A_384, %add3A_296 : vector<16xi32>
        %and3A_386 = arith.constant 524287 : i32
        %and3A_387 = vector.broadcast %and3A_386 : i32 to vector<16xi32>
        %and3A_388 = arith.andi %xor3A_385, %and3A_387 : vector<16xi32>
        %add3A_389 = arith.constant 1792 : i32
        %add3A_390 = vector.broadcast %add3A_389 : i32 to vector<16xi32>
        %add3A_391 = arith.addi %add3A_300, %add3A_390 : vector<16xi32>
        tpu.vector_store_idx %arg21[%add3A_391], %and3A_388 : memref<2048xi32, #tpu.memory_space<vmem>>[vector<16xi32>], vector<16xi32>,
        %broadcast_in_dim3A_392 = arith.constant 7 : i32
        %broadcast_in_dim3A_393 = vector.broadcast %broadcast_in_dim3A_392 : i32 to vector<16xi32>
        %mul3A_394 = arith.mulf %sub3A_262, %sub3A_264 : vector<16xf32>
        %mul3A_395 = arith.mulf %mul3A_394, %sub3A_266 : vector<16xf32>
        tpu.vector_store_idx %arg23[%broadcast_in_dim3A_393, %add3A_300], %mul3A_395 : memref<8x256xf32, #tpu.memory_space<vmem>>[vector<16xi32>, vector<16xi32>], vector<16xf32>,
      }
      %scan3A_165 = arith.constant 16 : i32
      %mul3A_166 = arith.constant 2 : i32
      %mul3A_167 = arith.muli %mul3A_166, %arg0 : i32
      %add3A_168 = arith.constant 0 : i32
      %add3A_169 = arith.addi %mul3A_167, %add3A_168 : i32
      %dma_start3A = arith.constant 0 : i32
      %dma_start3A_170 = arith.constant 0 : i32
      %dma_start3A_171 = tpu.memref_slice %arg11[%add3A_169, %dma_start3A, %dma_start3A_170] : memref<4x524288x8xf32, #tpu.memory_space<hbm>> -> memref<1x524288x8xf32, #tpu.memory_space<hbm>>
      %dma_start3A_172 = tpu.memref_squeeze %dma_start3A_171 : memref<1x524288x8xf32, #tpu.memory_space<hbm>> -> memref<524288x8xf32, #tpu.memory_space<hbm>>
      %dma_start3A_173 = arith.constant 0 : i32
      %dma_start3A_174 = arith.constant 0 : i32
      %dma_start3A_175 = tpu.memref_slice %dma_start3A_172[%dma_start3A_173, %dma_start3A_174] : memref<524288x8xf32, #tpu.memory_space<hbm>> -> memref<524288x8xf32, #tpu.memory_space<hbm>>
      tpu.enqueue_indirect_dma source(%dma_start3A_175 : memref<524288x8xf32, #tpu.memory_space<hbm>>) target(%arg19 : memref<2048x8xf32, #tpu.memory_space<vmem>>) offsets(%arg21 : memref<2048xi32, #tpu.memory_space<vmem>>) semaphore(%arg28 : memref<!tpu.dma_semaphore, #tpu.memory_space<semaphore_mem>>)
      %gt3A = arith.constant 0 : i32
      %gt3A_176 = arith.cmpi sgt, %scan3A_146, %gt3A : i32
      %convert_element_type3A_177 = arith.extui %gt3A_176 : i1 to i32
      %cond3A_178 = arith.constant 0 : i32
      %cond3A_179 = arith.cmpi ne, %convert_element_type3A_177, %cond3A_178 : i32
      scf.if %cond3A_179 {
        %mul3A_222 = arith.constant 2 : i32
        %mul3A_223 = arith.muli %mul3A_222, %arg0 : i32
        %add3A_224 = arith.constant 1 : i32
        %add3A_225 = arith.addi %mul3A_223, %add3A_224 : i32
        %dma_wait3A_226 = arith.constant 0 : i32
        %dma_wait3A_227 = arith.constant 0 : i32
        %dma_wait3A_228 = tpu.memref_slice %arg11[%add3A_225, %dma_wait3A_226, %dma_wait3A_227] : memref<4x524288x8xf32, #tpu.memory_space<hbm>> -> memref<1x524288x8xf32, #tpu.memory_space<hbm>>
        %dma_wait3A_229 = tpu.memref_squeeze %dma_wait3A_228 : memref<1x524288x8xf32, #tpu.memory_space<hbm>> -> memref<524288x8xf32, #tpu.memory_space<hbm>>
        %dma_wait3A_230 = arith.constant 0 : i32
        %dma_wait3A_231 = arith.constant 0 : i32
        %dma_wait3A_232 = tpu.memref_slice %dma_wait3A_229[%dma_wait3A_230, %dma_wait3A_231] : memref<524288x8xf32, #tpu.memory_space<hbm>> -> memref<524288x8xf32, #tpu.memory_space<hbm>>
        tpu.wait_indirect_dma semaphore(%arg29 : memref<!tpu.dma_semaphore, #tpu.memory_space<semaphore_mem>>) src(%dma_wait3A_232 : memref<524288x8xf32, #tpu.memory_space<hbm>>) dst(%arg20 : memref<2048x8xf32, #tpu.memory_space<vmem>>)
        %scan3A_233 = arith.constant 0 : i32
        %scan3A_234 = arith.constant 0 : i32
        %scan3A_235 = arith.constant 16 : i32
        %scan3A_236 = arith.addi %scan3A_234, %scan3A_235 : i32
        %scan3A_237 = arith.constant 1 : i32
        scf.for %scan3A_281 = %scan3A_234 to %scan3A_236 step %scan3A_237  : i32 {
          %mul3A_282 = arith.constant 16 : i32
          %mul3A_283 = arith.muli %scan3A_281, %mul3A_282 : i32
          %add3A_284 = vector.broadcast %mul3A_283 : i32 to vector<16xi32>
          %add3A_285 = arith.addi %add3A_284, %iota3A : vector<16xi32>
          %mul3A_286 = arith.constant 16 : i32
          %mul3A_287 = arith.muli %scan3A_281, %mul3A_286 : i32
          %get3A = arith.constant 0 : i32
          %get3A_288 = arith.index_cast %get3A : i32 to index
          %get3A_289 = arith.index_cast %mul3A_287 : i32 to index
          %get3A_290 = tpu.vector_load %arg24[%get3A_288, %get3A_289] {strides = array<i32>} : memref<8x256xf32, #tpu.memory_space<vmem>>, vector<16xf32>,
          %add3A_291 = arith.constant 0 : i32
          %add3A_292 = vector.broadcast %add3A_291 : i32 to vector<16xi32>
          %add3A_293 = arith.addi %add3A_285, %add3A_292 : vector<16xi32>
          %broadcast_in_dim3A_294 = arith.constant 0 : i32
          %broadcast_in_dim3A_295 = vector.broadcast %broadcast_in_dim3A_294 : i32 to vector<16xi32>
          %gather3A = tpu.vector_load_idx %arg20[%add3A_293, %broadcast_in_dim3A_295] : memref<2048x8xf32, #tpu.memory_space<vmem>>[vector<16xi32>, vector<16xi32>], vector<16xf32>,
          %mul3A_296 = arith.mulf %gather3A, %get3A_290 : vector<16xf32>
          %broadcast_in_dim3A_297 = arith.constant 1 : i32
          %broadcast_in_dim3A_298 = vector.broadcast %broadcast_in_dim3A_297 : i32 to vector<16xi32>
          %gather3A_299 = tpu.vector_load_idx %arg20[%add3A_293, %broadcast_in_dim3A_298] : memref<2048x8xf32, #tpu.memory_space<vmem>>[vector<16xi32>, vector<16xi32>], vector<16xf32>,
          %mul3A_300 = arith.mulf %gather3A_299, %get3A_290 : vector<16xf32>
          %broadcast_in_dim3A_301 = arith.constant 2 : i32
          %broadcast_in_dim3A_302 = vector.broadcast %broadcast_in_dim3A_301 : i32 to vector<16xi32>
          %gather3A_303 = tpu.vector_load_idx %arg20[%add3A_293, %broadcast_in_dim3A_302] : memref<2048x8xf32, #tpu.memory_space<vmem>>[vector<16xi32>, vector<16xi32>], vector<16xf32>,
          %mul3A_304 = arith.mulf %gather3A_303, %get3A_290 : vector<16xf32>
          %broadcast_in_dim3A_305 = arith.constant 3 : i32
          %broadcast_in_dim3A_306 = vector.broadcast %broadcast_in_dim3A_305 : i32 to vector<16xi32>
          %gather3A_307 = tpu.vector_load_idx %arg20[%add3A_293, %broadcast_in_dim3A_306] : memref<2048x8xf32, #tpu.memory_space<vmem>>[vector<16xi32>, vector<16xi32>], vector<16xf32>,
          %mul3A_308 = arith.mulf %gather3A_307, %get3A_290 : vector<16xf32>
          %broadcast_in_dim3A_309 = arith.constant 4 : i32
          %broadcast_in_dim3A_310 = vector.broadcast %broadcast_in_dim3A_309 : i32 to vector<16xi32>
          %gather3A_311 = tpu.vector_load_idx %arg20[%add3A_293, %broadcast_in_dim3A_310] : memref<2048x8xf32, #tpu.memory_space<vmem>>[vector<16xi32>, vector<16xi32>], vector<16xf32>,
          %mul3A_312 = arith.mulf %gather3A_311, %get3A_290 : vector<16xf32>
          %broadcast_in_dim3A_313 = arith.constant 5 : i32
          %broadcast_in_dim3A_314 = vector.broadcast %broadcast_in_dim3A_313 : i32 to vector<16xi32>
          %gather3A_315 = tpu.vector_load_idx %arg20[%add3A_293, %broadcast_in_dim3A_314] : memref<2048x8xf32, #tpu.memory_space<vmem>>[vector<16xi32>, vector<16xi32>], vector<16xf32>,
          %mul3A_316 = arith.mulf %gather3A_315, %get3A_290 : vector<16xf32>
          %broadcast_in_dim3A_317 = arith.constant 6 : i32
          %broadcast_in_dim3A_318 = vector.broadcast %broadcast_in_dim3A_317 : i32 to vector<16xi32>
          %gather3A_319 = tpu.vector_load_idx %arg20[%add3A_293, %broadcast_in_dim3A_318] : memref<2048x8xf32, #tpu.memory_space<vmem>>[vector<16xi32>, vector<16xi32>], vector<16xf32>,
          %mul3A_320 = arith.mulf %gather3A_319, %get3A_290 : vector<16xf32>
          %broadcast_in_dim3A_321 = arith.constant 7 : i32
          %broadcast_in_dim3A_322 = vector.broadcast %broadcast_in_dim3A_321 : i32 to vector<16xi32>
          %gather3A_323 = tpu.vector_load_idx %arg20[%add3A_293, %broadcast_in_dim3A_322] : memref<2048x8xf32, #tpu.memory_space<vmem>>[vector<16xi32>, vector<16xi32>], vector<16xf32>,
          %mul3A_324 = arith.mulf %gather3A_323, %get3A_290 : vector<16xf32>
          %mul3A_325 = arith.constant 16 : i32
          %mul3A_326 = arith.muli %scan3A_281, %mul3A_325 : i32
          %get3A_327 = arith.constant 1 : i32
          %get3A_328 = arith.index_cast %get3A_327 : i32 to index
          %get3A_329 = arith.index_cast %mul3A_326 : i32 to index
          %get3A_330 = tpu.vector_load %arg24[%get3A_328, %get3A_329] {strides = array<i32>} : memref<8x256xf32, #tpu.memory_space<vmem>>, vector<16xf32>,
          %add3A_331 = arith.constant 256 : i32
          %add3A_332 = vector.broadcast %add3A_331 : i32 to vector<16xi32>
          %add3A_333 = arith.addi %add3A_285, %add3A_332 : vector<16xi32>
          %broadcast_in_dim3A_334 = arith.constant 0 : i32
          %broadcast_in_dim3A_335 = vector.broadcast %broadcast_in_dim3A_334 : i32 to vector<16xi32>
          %gather3A_336 = tpu.vector_load_idx %arg20[%add3A_333, %broadcast_in_dim3A_335] : memref<2048x8xf32, #tpu.memory_space<vmem>>[vector<16xi32>, vector<16xi32>], vector<16xf32>,
          %mul3A_337 = arith.mulf %gather3A_336, %get3A_330 : vector<16xf32>
          %add3A_338 = arith.addf %mul3A_296, %mul3A_337 : vector<16xf32>
          %broadcast_in_dim3A_339 = arith.constant 1 : i32
          %broadcast_in_dim3A_340 = vector.broadcast %broadcast_in_dim3A_339 : i32 to vector<16xi32>
          %gather3A_341 = tpu.vector_load_idx %arg20[%add3A_333, %broadcast_in_dim3A_340] : memref<2048x8xf32, #tpu.memory_space<vmem>>[vector<16xi32>, vector<16xi32>], vector<16xf32>,
          %mul3A_342 = arith.mulf %gather3A_341, %get3A_330 : vector<16xf32>
          %add3A_343 = arith.addf %mul3A_300, %mul3A_342 : vector<16xf32>
          %broadcast_in_dim3A_344 = arith.constant 2 : i32
          %broadcast_in_dim3A_345 = vector.broadcast %broadcast_in_dim3A_344 : i32 to vector<16xi32>
          %gather3A_346 = tpu.vector_load_idx %arg20[%add3A_333, %broadcast_in_dim3A_345] : memref<2048x8xf32, #tpu.memory_space<vmem>>[vector<16xi32>, vector<16xi32>], vector<16xf32>,
          %mul3A_347 = arith.mulf %gather3A_346, %get3A_330 : vector<16xf32>
          %add3A_348 = arith.addf %mul3A_304, %mul3A_347 : vector<16xf32>
          %broadcast_in_dim3A_349 = arith.constant 3 : i32
          %broadcast_in_dim3A_350 = vector.broadcast %broadcast_in_dim3A_349 : i32 to vector<16xi32>
          %gather3A_351 = tpu.vector_load_idx %arg20[%add3A_333, %broadcast_in_dim3A_350] : memref<2048x8xf32, #tpu.memory_space<vmem>>[vector<16xi32>, vector<16xi32>], vector<16xf32>,
          %mul3A_352 = arith.mulf %gather3A_351, %get3A_330 : vector<16xf32>
          %add3A_353 = arith.addf %mul3A_308, %mul3A_352 : vector<16xf32>
          %broadcast_in_dim3A_354 = arith.constant 4 : i32
          %broadcast_in_dim3A_355 = vector.broadcast %broadcast_in_dim3A_354 : i32 to vector<16xi32>
          %gather3A_356 = tpu.vector_load_idx %arg20[%add3A_333, %broadcast_in_dim3A_355] : memref<2048x8xf32, #tpu.memory_space<vmem>>[vector<16xi32>, vector<16xi32>], vector<16xf32>,
          %mul3A_357 = arith.mulf %gather3A_356, %get3A_330 : vector<16xf32>
          %add3A_358 = arith.addf %mul3A_312, %mul3A_357 : vector<16xf32>
          %broadcast_in_dim3A_359 = arith.constant 5 : i32
          %broadcast_in_dim3A_360 = vector.broadcast %broadcast_in_dim3A_359 : i32 to vector<16xi32>
          %gather3A_361 = tpu.vector_load_idx %arg20[%add3A_333, %broadcast_in_dim3A_360] : memref<2048x8xf32, #tpu.memory_space<vmem>>[vector<16xi32>, vector<16xi32>], vector<16xf32>,
          %mul3A_362 = arith.mulf %gather3A_361, %get3A_330 : vector<16xf32>
          %add3A_363 = arith.addf %mul3A_316, %mul3A_362 : vector<16xf32>
          %broadcast_in_dim3A_364 = arith.constant 6 : i32
          %broadcast_in_dim3A_365 = vector.broadcast %broadcast_in_dim3A_364 : i32 to vector<16xi32>
          %gather3A_366 = tpu.vector_load_idx %arg20[%add3A_333, %broadcast_in_dim3A_365] : memref<2048x8xf32, #tpu.memory_space<vmem>>[vector<16xi32>, vector<16xi32>], vector<16xf32>,
          %mul3A_367 = arith.mulf %gather3A_366, %get3A_330 : vector<16xf32>
          %add3A_368 = arith.addf %mul3A_320, %mul3A_367 : vector<16xf32>
          %broadcast_in_dim3A_369 = arith.constant 7 : i32
          %broadcast_in_dim3A_370 = vector.broadcast %broadcast_in_dim3A_369 : i32 to vector<16xi32>
          %gather3A_371 = tpu.vector_load_idx %arg20[%add3A_333, %broadcast_in_dim3A_370] : memref<2048x8xf32, #tpu.memory_space<vmem>>[vector<16xi32>, vector<16xi32>], vector<16xf32>,
          %mul3A_372 = arith.mulf %gather3A_371, %get3A_330 : vector<16xf32>
          %add3A_373 = arith.addf %mul3A_324, %mul3A_372 : vector<16xf32>
          %mul3A_374 = arith.constant 16 : i32
          %mul3A_375 = arith.muli %scan3A_281, %mul3A_374 : i32
          %get3A_376 = arith.constant 2 : i32
          %get3A_377 = arith.index_cast %get3A_376 : i32 to index
          %get3A_378 = arith.index_cast %mul3A_375 : i32 to index
          %get3A_379 = tpu.vector_load %arg24[%get3A_377, %get3A_378] {strides = array<i32>} : memref<8x256xf32, #tpu.memory_space<vmem>>, vector<16xf32>,
          %add3A_380 = arith.constant 512 : i32
          %add3A_381 = vector.broadcast %add3A_380 : i32 to vector<16xi32>
          %add3A_382 = arith.addi %add3A_285, %add3A_381 : vector<16xi32>
          %broadcast_in_dim3A_383 = arith.constant 0 : i32
          %broadcast_in_dim3A_384 = vector.broadcast %broadcast_in_dim3A_383 : i32 to vector<16xi32>
          %gather3A_385 = tpu.vector_load_idx %arg20[%add3A_382, %broadcast_in_dim3A_384] : memref<2048x8xf32, #tpu.memory_space<vmem>>[vector<16xi32>, vector<16xi32>], vector<16xf32>,
          %mul3A_386 = arith.mulf %gather3A_385, %get3A_379 : vector<16xf32>
          %add3A_387 = arith.addf %add3A_338, %mul3A_386 : vector<16xf32>
          %broadcast_in_dim3A_388 = arith.constant 1 : i32
          %broadcast_in_dim3A_389 = vector.broadcast %broadcast_in_dim3A_388 : i32 to vector<16xi32>
          %gather3A_390 = tpu.vector_load_idx %arg20[%add3A_382, %broadcast_in_dim3A_389] : memref<2048x8xf32, #tpu.memory_space<vmem>>[vector<16xi32>, vector<16xi32>], vector<16xf32>,
          %mul3A_391 = arith.mulf %gather3A_390, %get3A_379 : vector<16xf32>
          %add3A_392 = arith.addf %add3A_343, %mul3A_391 : vector<16xf32>
          %broadcast_in_dim3A_393 = arith.constant 2 : i32
          %broadcast_in_dim3A_394 = vector.broadcast %broadcast_in_dim3A_393 : i32 to vector<16xi32>
          %gather3A_395 = tpu.vector_load_idx %arg20[%add3A_382, %broadcast_in_dim3A_394] : memref<2048x8xf32, #tpu.memory_space<vmem>>[vector<16xi32>, vector<16xi32>], vector<16xf32>,
          %mul3A_396 = arith.mulf %gather3A_395, %get3A_379 : vector<16xf32>
          %add3A_397 = arith.addf %add3A_348, %mul3A_396 : vector<16xf32>
          %broadcast_in_dim3A_398 = arith.constant 3 : i32
          %broadcast_in_dim3A_399 = vector.broadcast %broadcast_in_dim3A_398 : i32 to vector<16xi32>
          %gather3A_400 = tpu.vector_load_idx %arg20[%add3A_382, %broadcast_in_dim3A_399] : memref<2048x8xf32, #tpu.memory_space<vmem>>[vector<16xi32>, vector<16xi32>], vector<16xf32>,
          %mul3A_401 = arith.mulf %gather3A_400, %get3A_379 : vector<16xf32>
          %add3A_402 = arith.addf %add3A_353, %mul3A_401 : vector<16xf32>
          %broadcast_in_dim3A_403 = arith.constant 4 : i32
          %broadcast_in_dim3A_404 = vector.broadcast %broadcast_in_dim3A_403 : i32 to vector<16xi32>
          %gather3A_405 = tpu.vector_load_idx %arg20[%add3A_382, %broadcast_in_dim3A_404] : memref<2048x8xf32, #tpu.memory_space<vmem>>[vector<16xi32>, vector<16xi32>], vector<16xf32>,
          %mul3A_406 = arith.mulf %gather3A_405, %get3A_379 : vector<16xf32>
          %add3A_407 = arith.addf %add3A_358, %mul3A_406 : vector<16xf32>
          %broadcast_in_dim3A_408 = arith.constant 5 : i32
          %broadcast_in_dim3A_409 = vector.broadcast %broadcast_in_dim3A_408 : i32 to vector<16xi32>
          %gather3A_410 = tpu.vector_load_idx %arg20[%add3A_382, %broadcast_in_dim3A_409] : memref<2048x8xf32, #tpu.memory_space<vmem>>[vector<16xi32>, vector<16xi32>], vector<16xf32>,
          %mul3A_411 = arith.mulf %gather3A_410, %get3A_379 : vector<16xf32>
          %add3A_412 = arith.addf %add3A_363, %mul3A_411 : vector<16xf32>
          %broadcast_in_dim3A_413 = arith.constant 6 : i32
          %broadcast_in_dim3A_414 = vector.broadcast %broadcast_in_dim3A_413 : i32 to vector<16xi32>
          %gather3A_415 = tpu.vector_load_idx %arg20[%add3A_382, %broadcast_in_dim3A_414] : memref<2048x8xf32, #tpu.memory_space<vmem>>[vector<16xi32>, vector<16xi32>], vector<16xf32>,
          %mul3A_416 = arith.mulf %gather3A_415, %get3A_379 : vector<16xf32>
          %add3A_417 = arith.addf %add3A_368, %mul3A_416 : vector<16xf32>
          %broadcast_in_dim3A_418 = arith.constant 7 : i32
          %broadcast_in_dim3A_419 = vector.broadcast %broadcast_in_dim3A_418 : i32 to vector<16xi32>
          %gather3A_420 = tpu.vector_load_idx %arg20[%add3A_382, %broadcast_in_dim3A_419] : memref<2048x8xf32, #tpu.memory_space<vmem>>[vector<16xi32>, vector<16xi32>], vector<16xf32>,
          %mul3A_421 = arith.mulf %gather3A_420, %get3A_379 : vector<16xf32>
          %add3A_422 = arith.addf %add3A_373, %mul3A_421 : vector<16xf32>
          %mul3A_423 = arith.constant 16 : i32
          %mul3A_424 = arith.muli %scan3A_281, %mul3A_423 : i32
          %get3A_425 = arith.constant 3 : i32
          %get3A_426 = arith.index_cast %get3A_425 : i32 to index
          %get3A_427 = arith.index_cast %mul3A_424 : i32 to index
          %get3A_428 = tpu.vector_load %arg24[%get3A_426, %get3A_427] {strides = array<i32>} : memref<8x256xf32, #tpu.memory_space<vmem>>, vector<16xf32>,
          %add3A_429 = arith.constant 768 : i32
          %add3A_430 = vector.broadcast %add3A_429 : i32 to vector<16xi32>
          %add3A_431 = arith.addi %add3A_285, %add3A_430 : vector<16xi32>
          %broadcast_in_dim3A_432 = arith.constant 0 : i32
          %broadcast_in_dim3A_433 = vector.broadcast %broadcast_in_dim3A_432 : i32 to vector<16xi32>
          %gather3A_434 = tpu.vector_load_idx %arg20[%add3A_431, %broadcast_in_dim3A_433] : memref<2048x8xf32, #tpu.memory_space<vmem>>[vector<16xi32>, vector<16xi32>], vector<16xf32>,
          %mul3A_435 = arith.mulf %gather3A_434, %get3A_428 : vector<16xf32>
          %add3A_436 = arith.addf %add3A_387, %mul3A_435 : vector<16xf32>
          %broadcast_in_dim3A_437 = arith.constant 1 : i32
          %broadcast_in_dim3A_438 = vector.broadcast %broadcast_in_dim3A_437 : i32 to vector<16xi32>
          %gather3A_439 = tpu.vector_load_idx %arg20[%add3A_431, %broadcast_in_dim3A_438] : memref<2048x8xf32, #tpu.memory_space<vmem>>[vector<16xi32>, vector<16xi32>], vector<16xf32>,
          %mul3A_440 = arith.mulf %gather3A_439, %get3A_428 : vector<16xf32>
          %add3A_441 = arith.addf %add3A_392, %mul3A_440 : vector<16xf32>
          %broadcast_in_dim3A_442 = arith.constant 2 : i32
          %broadcast_in_dim3A_443 = vector.broadcast %broadcast_in_dim3A_442 : i32 to vector<16xi32>
          %gather3A_444 = tpu.vector_load_idx %arg20[%add3A_431, %broadcast_in_dim3A_443] : memref<2048x8xf32, #tpu.memory_space<vmem>>[vector<16xi32>, vector<16xi32>], vector<16xf32>,
          %mul3A_445 = arith.mulf %gather3A_444, %get3A_428 : vector<16xf32>
          %add3A_446 = arith.addf %add3A_397, %mul3A_445 : vector<16xf32>
          %broadcast_in_dim3A_447 = arith.constant 3 : i32
          %broadcast_in_dim3A_448 = vector.broadcast %broadcast_in_dim3A_447 : i32 to vector<16xi32>
          %gather3A_449 = tpu.vector_load_idx %arg20[%add3A_431, %broadcast_in_dim3A_448] : memref<2048x8xf32, #tpu.memory_space<vmem>>[vector<16xi32>, vector<16xi32>], vector<16xf32>,
          %mul3A_450 = arith.mulf %gather3A_449, %get3A_428 : vector<16xf32>
          %add3A_451 = arith.addf %add3A_402, %mul3A_450 : vector<16xf32>
          %broadcast_in_dim3A_452 = arith.constant 4 : i32
          %broadcast_in_dim3A_453 = vector.broadcast %broadcast_in_dim3A_452 : i32 to vector<16xi32>
          %gather3A_454 = tpu.vector_load_idx %arg20[%add3A_431, %broadcast_in_dim3A_453] : memref<2048x8xf32, #tpu.memory_space<vmem>>[vector<16xi32>, vector<16xi32>], vector<16xf32>,
          %mul3A_455 = arith.mulf %gather3A_454, %get3A_428 : vector<16xf32>
          %add3A_456 = arith.addf %add3A_407, %mul3A_455 : vector<16xf32>
          %broadcast_in_dim3A_457 = arith.constant 5 : i32
          %broadcast_in_dim3A_458 = vector.broadcast %broadcast_in_dim3A_457 : i32 to vector<16xi32>
          %gather3A_459 = tpu.vector_load_idx %arg20[%add3A_431, %broadcast_in_dim3A_458] : memref<2048x8xf32, #tpu.memory_space<vmem>>[vector<16xi32>, vector<16xi32>], vector<16xf32>,
          %mul3A_460 = arith.mulf %gather3A_459, %get3A_428 : vector<16xf32>
          %add3A_461 = arith.addf %add3A_412, %mul3A_460 : vector<16xf32>
          %broadcast_in_dim3A_462 = arith.constant 6 : i32
          %broadcast_in_dim3A_463 = vector.broadcast %broadcast_in_dim3A_462 : i32 to vector<16xi32>
          %gather3A_464 = tpu.vector_load_idx %arg20[%add3A_431, %broadcast_in_dim3A_463] : memref<2048x8xf32, #tpu.memory_space<vmem>>[vector<16xi32>, vector<16xi32>], vector<16xf32>,
          %mul3A_465 = arith.mulf %gather3A_464, %get3A_428 : vector<16xf32>
          %add3A_466 = arith.addf %add3A_417, %mul3A_465 : vector<16xf32>
          %broadcast_in_dim3A_467 = arith.constant 7 : i32
          %broadcast_in_dim3A_468 = vector.broadcast %broadcast_in_dim3A_467 : i32 to vector<16xi32>
          %gather3A_469 = tpu.vector_load_idx %arg20[%add3A_431, %broadcast_in_dim3A_468] : memref<2048x8xf32, #tpu.memory_space<vmem>>[vector<16xi32>, vector<16xi32>], vector<16xf32>,
          %mul3A_470 = arith.mulf %gather3A_469, %get3A_428 : vector<16xf32>
          %add3A_471 = arith.addf %add3A_422, %mul3A_470 : vector<16xf32>
          %mul3A_472 = arith.constant 16 : i32
          %mul3A_473 = arith.muli %scan3A_281, %mul3A_472 : i32
          %get3A_474 = arith.constant 4 : i32
          %get3A_475 = arith.index_cast %get3A_474 : i32 to index
          %get3A_476 = arith.index_cast %mul3A_473 : i32 to index
          %get3A_477 = tpu.vector_load %arg24[%get3A_475, %get3A_476] {strides = array<i32>} : memref<8x256xf32, #tpu.memory_space<vmem>>, vector<16xf32>,
          %add3A_478 = arith.constant 1024 : i32
          %add3A_479 = vector.broadcast %add3A_478 : i32 to vector<16xi32>
          %add3A_480 = arith.addi %add3A_285, %add3A_479 : vector<16xi32>
          %broadcast_in_dim3A_481 = arith.constant 0 : i32
          %broadcast_in_dim3A_482 = vector.broadcast %broadcast_in_dim3A_481 : i32 to vector<16xi32>
          %gather3A_483 = tpu.vector_load_idx %arg20[%add3A_480, %broadcast_in_dim3A_482] : memref<2048x8xf32, #tpu.memory_space<vmem>>[vector<16xi32>, vector<16xi32>], vector<16xf32>,
          %mul3A_484 = arith.mulf %gather3A_483, %get3A_477 : vector<16xf32>
          %add3A_485 = arith.addf %add3A_436, %mul3A_484 : vector<16xf32>
          %broadcast_in_dim3A_486 = arith.constant 1 : i32
          %broadcast_in_dim3A_487 = vector.broadcast %broadcast_in_dim3A_486 : i32 to vector<16xi32>
          %gather3A_488 = tpu.vector_load_idx %arg20[%add3A_480, %broadcast_in_dim3A_487] : memref<2048x8xf32, #tpu.memory_space<vmem>>[vector<16xi32>, vector<16xi32>], vector<16xf32>,
          %mul3A_489 = arith.mulf %gather3A_488, %get3A_477 : vector<16xf32>
          %add3A_490 = arith.addf %add3A_441, %mul3A_489 : vector<16xf32>
          %broadcast_in_dim3A_491 = arith.constant 2 : i32
          %broadcast_in_dim3A_492 = vector.broadcast %broadcast_in_dim3A_491 : i32 to vector<16xi32>
          %gather3A_493 = tpu.vector_load_idx %arg20[%add3A_480, %broadcast_in_dim3A_492] : memref<2048x8xf32, #tpu.memory_space<vmem>>[vector<16xi32>, vector<16xi32>], vector<16xf32>,
          %mul3A_494 = arith.mulf %gather3A_493, %get3A_477 : vector<16xf32>
          %add3A_495 = arith.addf %add3A_446, %mul3A_494 : vector<16xf32>
          %broadcast_in_dim3A_496 = arith.constant 3 : i32
          %broadcast_in_dim3A_497 = vector.broadcast %broadcast_in_dim3A_496 : i32 to vector<16xi32>
          %gather3A_498 = tpu.vector_load_idx %arg20[%add3A_480, %broadcast_in_dim3A_497] : memref<2048x8xf32, #tpu.memory_space<vmem>>[vector<16xi32>, vector<16xi32>], vector<16xf32>,
          %mul3A_499 = arith.mulf %gather3A_498, %get3A_477 : vector<16xf32>
          %add3A_500 = arith.addf %add3A_451, %mul3A_499 : vector<16xf32>
          %broadcast_in_dim3A_501 = arith.constant 4 : i32
          %broadcast_in_dim3A_502 = vector.broadcast %broadcast_in_dim3A_501 : i32 to vector<16xi32>
          %gather3A_503 = tpu.vector_load_idx %arg20[%add3A_480, %broadcast_in_dim3A_502] : memref<2048x8xf32, #tpu.memory_space<vmem>>[vector<16xi32>, vector<16xi32>], vector<16xf32>,
          %mul3A_504 = arith.mulf %gather3A_503, %get3A_477 : vector<16xf32>
          %add3A_505 = arith.addf %add3A_456, %mul3A_504 : vector<16xf32>
          %broadcast_in_dim3A_506 = arith.constant 5 : i32
          %broadcast_in_dim3A_507 = vector.broadcast %broadcast_in_dim3A_506 : i32 to vector<16xi32>
          %gather3A_508 = tpu.vector_load_idx %arg20[%add3A_480, %broadcast_in_dim3A_507] : memref<2048x8xf32, #tpu.memory_space<vmem>>[vector<16xi32>, vector<16xi32>], vector<16xf32>,
          %mul3A_509 = arith.mulf %gather3A_508, %get3A_477 : vector<16xf32>
          %add3A_510 = arith.addf %add3A_461, %mul3A_509 : vector<16xf32>
          %broadcast_in_dim3A_511 = arith.constant 6 : i32
          %broadcast_in_dim3A_512 = vector.broadcast %broadcast_in_dim3A_511 : i32 to vector<16xi32>
          %gather3A_513 = tpu.vector_load_idx %arg20[%add3A_480, %broadcast_in_dim3A_512] : memref<2048x8xf32, #tpu.memory_space<vmem>>[vector<16xi32>, vector<16xi32>], vector<16xf32>,
          %mul3A_514 = arith.mulf %gather3A_513, %get3A_477 : vector<16xf32>
          %add3A_515 = arith.addf %add3A_466, %mul3A_514 : vector<16xf32>
          %broadcast_in_dim3A_516 = arith.constant 7 : i32
          %broadcast_in_dim3A_517 = vector.broadcast %broadcast_in_dim3A_516 : i32 to vector<16xi32>
          %gather3A_518 = tpu.vector_load_idx %arg20[%add3A_480, %broadcast_in_dim3A_517] : memref<2048x8xf32, #tpu.memory_space<vmem>>[vector<16xi32>, vector<16xi32>], vector<16xf32>,
          %mul3A_519 = arith.mulf %gather3A_518, %get3A_477 : vector<16xf32>
          %add3A_520 = arith.addf %add3A_471, %mul3A_519 : vector<16xf32>
          %mul3A_521 = arith.constant 16 : i32
          %mul3A_522 = arith.muli %scan3A_281, %mul3A_521 : i32
          %get3A_523 = arith.constant 5 : i32
          %get3A_524 = arith.index_cast %get3A_523 : i32 to index
          %get3A_525 = arith.index_cast %mul3A_522 : i32 to index
          %get3A_526 = tpu.vector_load %arg24[%get3A_524, %get3A_525] {strides = array<i32>} : memref<8x256xf32, #tpu.memory_space<vmem>>, vector<16xf32>,
          %add3A_527 = arith.constant 1280 : i32
          %add3A_528 = vector.broadcast %add3A_527 : i32 to vector<16xi32>
          %add3A_529 = arith.addi %add3A_285, %add3A_528 : vector<16xi32>
          %broadcast_in_dim3A_530 = arith.constant 0 : i32
          %broadcast_in_dim3A_531 = vector.broadcast %broadcast_in_dim3A_530 : i32 to vector<16xi32>
          %gather3A_532 = tpu.vector_load_idx %arg20[%add3A_529, %broadcast_in_dim3A_531] : memref<2048x8xf32, #tpu.memory_space<vmem>>[vector<16xi32>, vector<16xi32>], vector<16xf32>,
          %mul3A_533 = arith.mulf %gather3A_532, %get3A_526 : vector<16xf32>
          %add3A_534 = arith.addf %add3A_485, %mul3A_533 : vector<16xf32>
          %broadcast_in_dim3A_535 = arith.constant 1 : i32
          %broadcast_in_dim3A_536 = vector.broadcast %broadcast_in_dim3A_535 : i32 to vector<16xi32>
          %gather3A_537 = tpu.vector_load_idx %arg20[%add3A_529, %broadcast_in_dim3A_536] : memref<2048x8xf32, #tpu.memory_space<vmem>>[vector<16xi32>, vector<16xi32>], vector<16xf32>,
          %mul3A_538 = arith.mulf %gather3A_537, %get3A_526 : vector<16xf32>
          %add3A_539 = arith.addf %add3A_490, %mul3A_538 : vector<16xf32>
          %broadcast_in_dim3A_540 = arith.constant 2 : i32
          %broadcast_in_dim3A_541 = vector.broadcast %broadcast_in_dim3A_540 : i32 to vector<16xi32>
          %gather3A_542 = tpu.vector_load_idx %arg20[%add3A_529, %broadcast_in_dim3A_541] : memref<2048x8xf32, #tpu.memory_space<vmem>>[vector<16xi32>, vector<16xi32>], vector<16xf32>,
          %mul3A_543 = arith.mulf %gather3A_542, %get3A_526 : vector<16xf32>
          %add3A_544 = arith.addf %add3A_495, %mul3A_543 : vector<16xf32>
          %broadcast_in_dim3A_545 = arith.constant 3 : i32
          %broadcast_in_dim3A_546 = vector.broadcast %broadcast_in_dim3A_545 : i32 to vector<16xi32>
          %gather3A_547 = tpu.vector_load_idx %arg20[%add3A_529, %broadcast_in_dim3A_546] : memref<2048x8xf32, #tpu.memory_space<vmem>>[vector<16xi32>, vector<16xi32>], vector<16xf32>,
          %mul3A_548 = arith.mulf %gather3A_547, %get3A_526 : vector<16xf32>
          %add3A_549 = arith.addf %add3A_500, %mul3A_548 : vector<16xf32>
          %broadcast_in_dim3A_550 = arith.constant 4 : i32
          %broadcast_in_dim3A_551 = vector.broadcast %broadcast_in_dim3A_550 : i32 to vector<16xi32>
          %gather3A_552 = tpu.vector_load_idx %arg20[%add3A_529, %broadcast_in_dim3A_551] : memref<2048x8xf32, #tpu.memory_space<vmem>>[vector<16xi32>, vector<16xi32>], vector<16xf32>,
          %mul3A_553 = arith.mulf %gather3A_552, %get3A_526 : vector<16xf32>
          %add3A_554 = arith.addf %add3A_505, %mul3A_553 : vector<16xf32>
          %broadcast_in_dim3A_555 = arith.constant 5 : i32
          %broadcast_in_dim3A_556 = vector.broadcast %broadcast_in_dim3A_555 : i32 to vector<16xi32>
          %gather3A_557 = tpu.vector_load_idx %arg20[%add3A_529, %broadcast_in_dim3A_556] : memref<2048x8xf32, #tpu.memory_space<vmem>>[vector<16xi32>, vector<16xi32>], vector<16xf32>,
          %mul3A_558 = arith.mulf %gather3A_557, %get3A_526 : vector<16xf32>
          %add3A_559 = arith.addf %add3A_510, %mul3A_558 : vector<16xf32>
          %broadcast_in_dim3A_560 = arith.constant 6 : i32
          %broadcast_in_dim3A_561 = vector.broadcast %broadcast_in_dim3A_560 : i32 to vector<16xi32>
          %gather3A_562 = tpu.vector_load_idx %arg20[%add3A_529, %broadcast_in_dim3A_561] : memref<2048x8xf32, #tpu.memory_space<vmem>>[vector<16xi32>, vector<16xi32>], vector<16xf32>,
          %mul3A_563 = arith.mulf %gather3A_562, %get3A_526 : vector<16xf32>
          %add3A_564 = arith.addf %add3A_515, %mul3A_563 : vector<16xf32>
          %broadcast_in_dim3A_565 = arith.constant 7 : i32
          %broadcast_in_dim3A_566 = vector.broadcast %broadcast_in_dim3A_565 : i32 to vector<16xi32>
          %gather3A_567 = tpu.vector_load_idx %arg20[%add3A_529, %broadcast_in_dim3A_566] : memref<2048x8xf32, #tpu.memory_space<vmem>>[vector<16xi32>, vector<16xi32>], vector<16xf32>,
          %mul3A_568 = arith.mulf %gather3A_567, %get3A_526 : vector<16xf32>
          %add3A_569 = arith.addf %add3A_520, %mul3A_568 : vector<16xf32>
          %mul3A_570 = arith.constant 16 : i32
          %mul3A_571 = arith.muli %scan3A_281, %mul3A_570 : i32
          %get3A_572 = arith.constant 6 : i32
          %get3A_573 = arith.index_cast %get3A_572 : i32 to index
          %get3A_574 = arith.index_cast %mul3A_571 : i32 to index
          %get3A_575 = tpu.vector_load %arg24[%get3A_573, %get3A_574] {strides = array<i32>} : memref<8x256xf32, #tpu.memory_space<vmem>>, vector<16xf32>,
          %add3A_576 = arith.constant 1536 : i32
          %add3A_577 = vector.broadcast %add3A_576 : i32 to vector<16xi32>
          %add3A_578 = arith.addi %add3A_285, %add3A_577 : vector<16xi32>
          %broadcast_in_dim3A_579 = arith.constant 0 : i32
          %broadcast_in_dim3A_580 = vector.broadcast %broadcast_in_dim3A_579 : i32 to vector<16xi32>
          %gather3A_581 = tpu.vector_load_idx %arg20[%add3A_578, %broadcast_in_dim3A_580] : memref<2048x8xf32, #tpu.memory_space<vmem>>[vector<16xi32>, vector<16xi32>], vector<16xf32>,
          %mul3A_582 = arith.mulf %gather3A_581, %get3A_575 : vector<16xf32>
          %add3A_583 = arith.addf %add3A_534, %mul3A_582 : vector<16xf32>
          %broadcast_in_dim3A_584 = arith.constant 1 : i32
          %broadcast_in_dim3A_585 = vector.broadcast %broadcast_in_dim3A_584 : i32 to vector<16xi32>
          %gather3A_586 = tpu.vector_load_idx %arg20[%add3A_578, %broadcast_in_dim3A_585] : memref<2048x8xf32, #tpu.memory_space<vmem>>[vector<16xi32>, vector<16xi32>], vector<16xf32>,
          %mul3A_587 = arith.mulf %gather3A_586, %get3A_575 : vector<16xf32>
          %add3A_588 = arith.addf %add3A_539, %mul3A_587 : vector<16xf32>
          %broadcast_in_dim3A_589 = arith.constant 2 : i32
          %broadcast_in_dim3A_590 = vector.broadcast %broadcast_in_dim3A_589 : i32 to vector<16xi32>
          %gather3A_591 = tpu.vector_load_idx %arg20[%add3A_578, %broadcast_in_dim3A_590] : memref<2048x8xf32, #tpu.memory_space<vmem>>[vector<16xi32>, vector<16xi32>], vector<16xf32>,
          %mul3A_592 = arith.mulf %gather3A_591, %get3A_575 : vector<16xf32>
          %add3A_593 = arith.addf %add3A_544, %mul3A_592 : vector<16xf32>
          %broadcast_in_dim3A_594 = arith.constant 3 : i32
          %broadcast_in_dim3A_595 = vector.broadcast %broadcast_in_dim3A_594 : i32 to vector<16xi32>
          %gather3A_596 = tpu.vector_load_idx %arg20[%add3A_578, %broadcast_in_dim3A_595] : memref<2048x8xf32, #tpu.memory_space<vmem>>[vector<16xi32>, vector<16xi32>], vector<16xf32>,
          %mul3A_597 = arith.mulf %gather3A_596, %get3A_575 : vector<16xf32>
          %add3A_598 = arith.addf %add3A_549, %mul3A_597 : vector<16xf32>
          %broadcast_in_dim3A_599 = arith.constant 4 : i32
          %broadcast_in_dim3A_600 = vector.broadcast %broadcast_in_dim3A_599 : i32 to vector<16xi32>
          %gather3A_601 = tpu.vector_load_idx %arg20[%add3A_578, %broadcast_in_dim3A_600] : memref<2048x8xf32, #tpu.memory_space<vmem>>[vector<16xi32>, vector<16xi32>], vector<16xf32>,
          %mul3A_602 = arith.mulf %gather3A_601, %get3A_575 : vector<16xf32>
          %add3A_603 = arith.addf %add3A_554, %mul3A_602 : vector<16xf32>
          %broadcast_in_dim3A_604 = arith.constant 5 : i32
          %broadcast_in_dim3A_605 = vector.broadcast %broadcast_in_dim3A_604 : i32 to vector<16xi32>
          %gather3A_606 = tpu.vector_load_idx %arg20[%add3A_578, %broadcast_in_dim3A_605] : memref<2048x8xf32, #tpu.memory_space<vmem>>[vector<16xi32>, vector<16xi32>], vector<16xf32>,
          %mul3A_607 = arith.mulf %gather3A_606, %get3A_575 : vector<16xf32>
          %add3A_608 = arith.addf %add3A_559, %mul3A_607 : vector<16xf32>
          %broadcast_in_dim3A_609 = arith.constant 6 : i32
          %broadcast_in_dim3A_610 = vector.broadcast %broadcast_in_dim3A_609 : i32 to vector<16xi32>
          %gather3A_611 = tpu.vector_load_idx %arg20[%add3A_578, %broadcast_in_dim3A_610] : memref<2048x8xf32, #tpu.memory_space<vmem>>[vector<16xi32>, vector<16xi32>], vector<16xf32>,
          %mul3A_612 = arith.mulf %gather3A_611, %get3A_575 : vector<16xf32>
          %add3A_613 = arith.addf %add3A_564, %mul3A_612 : vector<16xf32>
          %broadcast_in_dim3A_614 = arith.constant 7 : i32
          %broadcast_in_dim3A_615 = vector.broadcast %broadcast_in_dim3A_614 : i32 to vector<16xi32>
          %gather3A_616 = tpu.vector_load_idx %arg20[%add3A_578, %broadcast_in_dim3A_615] : memref<2048x8xf32, #tpu.memory_space<vmem>>[vector<16xi32>, vector<16xi32>], vector<16xf32>,
          %mul3A_617 = arith.mulf %gather3A_616, %get3A_575 : vector<16xf32>
          %add3A_618 = arith.addf %add3A_569, %mul3A_617 : vector<16xf32>
          %mul3A_619 = arith.constant 16 : i32
          %mul3A_620 = arith.muli %scan3A_281, %mul3A_619 : i32
          %get3A_621 = arith.constant 7 : i32
          %get3A_622 = arith.index_cast %get3A_621 : i32 to index
          %get3A_623 = arith.index_cast %mul3A_620 : i32 to index
          %get3A_624 = tpu.vector_load %arg24[%get3A_622, %get3A_623] {strides = array<i32>} : memref<8x256xf32, #tpu.memory_space<vmem>>, vector<16xf32>,
          %add3A_625 = arith.constant 1792 : i32
          %add3A_626 = vector.broadcast %add3A_625 : i32 to vector<16xi32>
          %add3A_627 = arith.addi %add3A_285, %add3A_626 : vector<16xi32>
          %broadcast_in_dim3A_628 = arith.constant 0 : i32
          %broadcast_in_dim3A_629 = vector.broadcast %broadcast_in_dim3A_628 : i32 to vector<16xi32>
          %gather3A_630 = tpu.vector_load_idx %arg20[%add3A_627, %broadcast_in_dim3A_629] : memref<2048x8xf32, #tpu.memory_space<vmem>>[vector<16xi32>, vector<16xi32>], vector<16xf32>,
          %mul3A_631 = arith.mulf %gather3A_630, %get3A_624 : vector<16xf32>
          %add3A_632 = arith.addf %add3A_583, %mul3A_631 : vector<16xf32>
          %broadcast_in_dim3A_633 = arith.constant 1 : i32
          %broadcast_in_dim3A_634 = vector.broadcast %broadcast_in_dim3A_633 : i32 to vector<16xi32>
          %gather3A_635 = tpu.vector_load_idx %arg20[%add3A_627, %broadcast_in_dim3A_634] : memref<2048x8xf32, #tpu.memory_space<vmem>>[vector<16xi32>, vector<16xi32>], vector<16xf32>,
          %mul3A_636 = arith.mulf %gather3A_635, %get3A_624 : vector<16xf32>
          %add3A_637 = arith.addf %add3A_588, %mul3A_636 : vector<16xf32>
          %broadcast_in_dim3A_638 = arith.constant 2 : i32
          %broadcast_in_dim3A_639 = vector.broadcast %broadcast_in_dim3A_638 : i32 to vector<16xi32>
          %gather3A_640 = tpu.vector_load_idx %arg20[%add3A_627, %broadcast_in_dim3A_639] : memref<2048x8xf32, #tpu.memory_space<vmem>>[vector<16xi32>, vector<16xi32>], vector<16xf32>,
          %mul3A_641 = arith.mulf %gather3A_640, %get3A_624 : vector<16xf32>
          %add3A_642 = arith.addf %add3A_593, %mul3A_641 : vector<16xf32>
          %broadcast_in_dim3A_643 = arith.constant 3 : i32
          %broadcast_in_dim3A_644 = vector.broadcast %broadcast_in_dim3A_643 : i32 to vector<16xi32>
          %gather3A_645 = tpu.vector_load_idx %arg20[%add3A_627, %broadcast_in_dim3A_644] : memref<2048x8xf32, #tpu.memory_space<vmem>>[vector<16xi32>, vector<16xi32>], vector<16xf32>,
          %mul3A_646 = arith.mulf %gather3A_645, %get3A_624 : vector<16xf32>
          %add3A_647 = arith.addf %add3A_598, %mul3A_646 : vector<16xf32>
          %broadcast_in_dim3A_648 = arith.constant 4 : i32
          %broadcast_in_dim3A_649 = vector.broadcast %broadcast_in_dim3A_648 : i32 to vector<16xi32>
          %gather3A_650 = tpu.vector_load_idx %arg20[%add3A_627, %broadcast_in_dim3A_649] : memref<2048x8xf32, #tpu.memory_space<vmem>>[vector<16xi32>, vector<16xi32>], vector<16xf32>,
          %mul3A_651 = arith.mulf %gather3A_650, %get3A_624 : vector<16xf32>
          %add3A_652 = arith.addf %add3A_603, %mul3A_651 : vector<16xf32>
          %broadcast_in_dim3A_653 = arith.constant 5 : i32
          %broadcast_in_dim3A_654 = vector.broadcast %broadcast_in_dim3A_653 : i32 to vector<16xi32>
          %gather3A_655 = tpu.vector_load_idx %arg20[%add3A_627, %broadcast_in_dim3A_654] : memref<2048x8xf32, #tpu.memory_space<vmem>>[vector<16xi32>, vector<16xi32>], vector<16xf32>,
          %mul3A_656 = arith.mulf %gather3A_655, %get3A_624 : vector<16xf32>
          %add3A_657 = arith.addf %add3A_608, %mul3A_656 : vector<16xf32>
          %broadcast_in_dim3A_658 = arith.constant 6 : i32
          %broadcast_in_dim3A_659 = vector.broadcast %broadcast_in_dim3A_658 : i32 to vector<16xi32>
          %gather3A_660 = tpu.vector_load_idx %arg20[%add3A_627, %broadcast_in_dim3A_659] : memref<2048x8xf32, #tpu.memory_space<vmem>>[vector<16xi32>, vector<16xi32>], vector<16xf32>,
          %mul3A_661 = arith.mulf %gather3A_660, %get3A_624 : vector<16xf32>
          %add3A_662 = arith.addf %add3A_613, %mul3A_661 : vector<16xf32>
          %broadcast_in_dim3A_663 = arith.constant 7 : i32
          %broadcast_in_dim3A_664 = vector.broadcast %broadcast_in_dim3A_663 : i32 to vector<16xi32>
          %gather3A_665 = tpu.vector_load_idx %arg20[%add3A_627, %broadcast_in_dim3A_664] : memref<2048x8xf32, #tpu.memory_space<vmem>>[vector<16xi32>, vector<16xi32>], vector<16xf32>,
          %mul3A_666 = arith.mulf %gather3A_665, %get3A_624 : vector<16xf32>
          %add3A_667 = arith.addf %add3A_618, %mul3A_666 : vector<16xf32>
          %and3A_668 = arith.constant 7 : i32
          %and3A_669 = arith.andi %scan3A_281, %and3A_668 : i32
          %mul3A_670 = arith.constant 16 : i32
          %mul3A_671 = arith.muli %and3A_669, %mul3A_670 : i32
          %add3A_672 = vector.broadcast %mul3A_671 : i32 to vector<16xi32>
          %add3A_673 = arith.addi %add3A_672, %iota3A : vector<16xi32>
          %shift_right_arithmetic3A_674 = arith.constant 3 : i32
          %shift_right_arithmetic3A_675 = arith.shrsi %scan3A_281, %shift_right_arithmetic3A_674 : i32
          %mul3A_676 = arith.constant 8 : i32
          %mul3A_677 = arith.muli %shift_right_arithmetic3A_675, %mul3A_676 : i32
          %broadcast_in_dim3A_678 = arith.constant 16 : i32
          %broadcast_in_dim3A_679 = vector.broadcast %broadcast_in_dim3A_678 : i32 to vector<16xi32>
          %add3A_680 = vector.broadcast %mul3A_677 : i32 to vector<16xi32>
          %add3A_681 = arith.addi %broadcast_in_dim3A_679, %add3A_680 : vector<16xi32>
          tpu.vector_store_idx %arg27[%add3A_681, %add3A_673], %add3A_632 : memref<32x128xf32, #tpu.memory_space<vmem>>[vector<16xi32>, vector<16xi32>], vector<16xf32>,
          %broadcast_in_dim3A_682 = arith.constant 17 : i32
          %broadcast_in_dim3A_683 = vector.broadcast %broadcast_in_dim3A_682 : i32 to vector<16xi32>
          %add3A_684 = vector.broadcast %mul3A_677 : i32 to vector<16xi32>
          %add3A_685 = arith.addi %broadcast_in_dim3A_683, %add3A_684 : vector<16xi32>
          tpu.vector_store_idx %arg27[%add3A_685, %add3A_673], %add3A_637 : memref<32x128xf32, #tpu.memory_space<vmem>>[vector<16xi32>, vector<16xi32>], vector<16xf32>,
          %broadcast_in_dim3A_686 = arith.constant 18 : i32
          %broadcast_in_dim3A_687 = vector.broadcast %broadcast_in_dim3A_686 : i32 to vector<16xi32>
          %add3A_688 = vector.broadcast %mul3A_677 : i32 to vector<16xi32>
          %add3A_689 = arith.addi %broadcast_in_dim3A_687, %add3A_688 : vector<16xi32>
          tpu.vector_store_idx %arg27[%add3A_689, %add3A_673], %add3A_642 : memref<32x128xf32, #tpu.memory_space<vmem>>[vector<16xi32>, vector<16xi32>], vector<16xf32>,
          %broadcast_in_dim3A_690 = arith.constant 19 : i32
          %broadcast_in_dim3A_691 = vector.broadcast %broadcast_in_dim3A_690 : i32 to vector<16xi32>
          %add3A_692 = vector.broadcast %mul3A_677 : i32 to vector<16xi32>
          %add3A_693 = arith.addi %broadcast_in_dim3A_691, %add3A_692 : vector<16xi32>
          tpu.vector_store_idx %arg27[%add3A_693, %add3A_673], %add3A_647 : memref<32x128xf32, #tpu.memory_space<vmem>>[vector<16xi32>, vector<16xi32>], vector<16xf32>,
          %broadcast_in_dim3A_694 = arith.constant 20 : i32
          %broadcast_in_dim3A_695 = vector.broadcast %broadcast_in_dim3A_694 : i32 to vector<16xi32>
          %add3A_696 = vector.broadcast %mul3A_677 : i32 to vector<16xi32>
          %add3A_697 = arith.addi %broadcast_in_dim3A_695, %add3A_696 : vector<16xi32>
          tpu.vector_store_idx %arg27[%add3A_697, %add3A_673], %add3A_652 : memref<32x128xf32, #tpu.memory_space<vmem>>[vector<16xi32>, vector<16xi32>], vector<16xf32>,
          %broadcast_in_dim3A_698 = arith.constant 21 : i32
          %broadcast_in_dim3A_699 = vector.broadcast %broadcast_in_dim3A_698 : i32 to vector<16xi32>
          %add3A_700 = vector.broadcast %mul3A_677 : i32 to vector<16xi32>
          %add3A_701 = arith.addi %broadcast_in_dim3A_699, %add3A_700 : vector<16xi32>
          tpu.vector_store_idx %arg27[%add3A_701, %add3A_673], %add3A_657 : memref<32x128xf32, #tpu.memory_space<vmem>>[vector<16xi32>, vector<16xi32>], vector<16xf32>,
          %broadcast_in_dim3A_702 = arith.constant 22 : i32
          %broadcast_in_dim3A_703 = vector.broadcast %broadcast_in_dim3A_702 : i32 to vector<16xi32>
          %add3A_704 = vector.broadcast %mul3A_677 : i32 to vector<16xi32>
          %add3A_705 = arith.addi %broadcast_in_dim3A_703, %add3A_704 : vector<16xi32>
          tpu.vector_store_idx %arg27[%add3A_705, %add3A_673], %add3A_662 : memref<32x128xf32, #tpu.memory_space<vmem>>[vector<16xi32>, vector<16xi32>], vector<16xf32>,
          %broadcast_in_dim3A_706 = arith.constant 23 : i32
          %broadcast_in_dim3A_707 = vector.broadcast %broadcast_in_dim3A_706 : i32 to vector<16xi32>
          %add3A_708 = vector.broadcast %mul3A_677 : i32 to vector<16xi32>
          %add3A_709 = arith.addi %broadcast_in_dim3A_707, %add3A_708 : vector<16xi32>
          tpu.vector_store_idx %arg27[%add3A_709, %add3A_673], %add3A_667 : memref<32x128xf32, #tpu.memory_space<vmem>>[vector<16xi32>, vector<16xi32>], vector<16xf32>,
        }
        %scan3A_238 = arith.constant 16 : i32
        %sub3A_239 = arith.constant 256 : i32
        %sub3A_240 = arith.subi %add3A_151, %sub3A_239 : i32
        %jit3A_241 = arith.constant 128 : i32
        %div3A_242 = arith.divsi %sub3A_240, %jit3A_241 : i32
        %sign3A_243 = arith.constant 0 : i32
        %sign3A_244 = arith.cmpi sgt, %sub3A_240, %sign3A_243 : i32
        %sign3A_245 = arith.extui %sign3A_244 : i1 to i32
        %sign3A_246 = arith.constant 0 : i32
        %sign3A_247 = arith.cmpi slt, %sub3A_240, %sign3A_246 : i32
        %sign3A_248 = arith.extui %sign3A_247 : i1 to i32
        %sign3A_249 = arith.subi %sign3A_245, %sign3A_248 : i32
        %sign3A_250 = arith.constant 0 : i32
        %sign3A_251 = arith.cmpi sgt, %jit3A_241, %sign3A_250 : i32
        %sign3A_252 = arith.extui %sign3A_251 : i1 to i32
        %sign3A_253 = arith.constant 0 : i32
        %sign3A_254 = arith.cmpi slt, %jit3A_241, %sign3A_253 : i32
        %sign3A_255 = arith.extui %sign3A_254 : i1 to i32
        %sign3A_256 = arith.subi %sign3A_252, %sign3A_255 : i32
        %ne3A_257 = arith.cmpi ne, %sign3A_249, %sign3A_256 : i32
        %rem3A_258 = arith.remsi %sub3A_240, %jit3A_241 : i32
        %ne3A_259 = arith.constant 0 : i32
        %ne3A_260 = arith.cmpi ne, %rem3A_258, %ne3A_259 : i32
        %and3A_261 = arith.andi %ne3A_257, %ne3A_260 : i1
        %sub3A_262 = arith.constant 1 : i32
        %sub3A_263 = arith.subi %div3A_242, %sub3A_262 : i32
        %select_n3A_264 = arith.select %and3A_261, %sub3A_263, %div3A_242 : i32
        %mul3A_265 = arith.constant 2 : i32
        %mul3A_266 = arith.muli %mul3A_265, %arg0 : i32
        %mul3A_267 = arith.constant 4096 : i32
        %mul3A_268 = arith.muli %mul3A_266, %mul3A_267 : i32
        %add3A_269 = arith.addi %mul3A_268, %select_n3A_264 : i32
        %mul3A_270 = arith.constant 8 : i32
        %mul3A_271 = arith.muli %add3A_269, %mul3A_270 : i32
        "tpu.region"() ({
          %run_scoped3A = tpu.sem_alloc : memref<!tpu.dma_semaphore, #tpu.memory_space<semaphore_mem>>
          %dma_start3A_281 = arith.constant 0 : i32
          %dma_start3A_282 = arith.constant 0 : i32
          %dma_start3A_283 = tpu.memref_slice %arg27[%dma_start3A_281, %dma_start3A_282] : memref<32x128xf32, #tpu.memory_space<vmem>> -> memref<16x128xf32, #tpu.memory_space<vmem>>
          %dma_start3A_284 = arith.constant 0 : i32
          %dma_start3A_285 = tpu.memref_slice %arg9[%mul3A_271, %dma_start3A_284] : memref<131072x128xf32, #tpu.memory_space<hbm>> -> memref<16x128xf32, #tpu.memory_space<hbm>>
          %dma_start3A_286 = arith.constant 0 : i32
          %dma_start3A_287 = tpu.memref_slice %arg9[%mul3A_271, %dma_start3A_286] : memref<131072x128xf32, #tpu.memory_space<hbm>> -> memref<16x128xf32, #tpu.memory_space<hbm>>
          %dma_start3A_288 = arith.constant 0 : i32
          %dma_start3A_289 = arith.constant 0 : i32
          %dma_start3A_290 = tpu.memref_slice %arg27[%dma_start3A_288, %dma_start3A_289] : memref<32x128xf32, #tpu.memory_space<vmem>> -> memref<16x128xf32, #tpu.memory_space<vmem>>
          tpu.enqueue_dma source(%dma_start3A_290 : memref<16x128xf32, #tpu.memory_space<vmem>>) target(%dma_start3A_287 : memref<16x128xf32, #tpu.memory_space<hbm>>) target_semaphore(%run_scoped3A : memref<!tpu.dma_semaphore, #tpu.memory_space<semaphore_mem>>)
          %dma_wait3A_291 = arith.constant 0 : i32
          %dma_wait3A_292 = arith.constant 0 : i32
          %dma_wait3A_293 = tpu.memref_slice %arg27[%dma_wait3A_291, %dma_wait3A_292] : memref<32x128xf32, #tpu.memory_space<vmem>> -> memref<16x128xf32, #tpu.memory_space<vmem>>
          %dma_wait3A_294 = arith.constant 0 : i32
          %dma_wait3A_295 = tpu.memref_slice %arg9[%mul3A_271, %dma_wait3A_294] : memref<131072x128xf32, #tpu.memory_space<hbm>> -> memref<16x128xf32, #tpu.memory_space<hbm>>
          %dma_wait3A_296 = arith.constant 0 : i32
          %dma_wait3A_297 = tpu.memref_slice %arg9[%mul3A_271, %dma_wait3A_296] : memref<131072x128xf32, #tpu.memory_space<hbm>> -> memref<16x128xf32, #tpu.memory_space<hbm>>
          %dma_wait3A_298 = arith.constant 0 : i32
          %dma_wait3A_299 = arith.constant 0 : i32
          %dma_wait3A_300 = tpu.memref_slice %arg27[%dma_wait3A_298, %dma_wait3A_299] : memref<32x128xf32, #tpu.memory_space<vmem>> -> memref<16x128xf32, #tpu.memory_space<vmem>>
          tpu.wait_dma2 semaphore(%run_scoped3A : memref<!tpu.dma_semaphore, #tpu.memory_space<semaphore_mem>>) src(%dma_wait3A_300 : memref<16x128xf32, #tpu.memory_space<vmem>>) dst(%dma_wait3A_297 : memref<16x128xf32, #tpu.memory_space<hbm>>)
          tpu.yield
        }) : () -> ()
        %mul3A_272 = arith.constant 2 : i32
        %mul3A_273 = arith.muli %mul3A_272, %arg0 : i32
        %add3A_274 = arith.constant 1 : i32
        %add3A_275 = arith.addi %mul3A_273, %add3A_274 : i32
        %mul3A_276 = arith.constant 4096 : i32
        %mul3A_277 = arith.muli %add3A_275, %mul3A_276 : i32
        %add3A_278 = arith.addi %mul3A_277, %select_n3A_264 : i32
        %mul3A_279 = arith.constant 8 : i32
        %mul3A_280 = arith.muli %add3A_278, %mul3A_279 : i32
        "tpu.region"() ({
          %run_scoped3A = tpu.sem_alloc : memref<!tpu.dma_semaphore, #tpu.memory_space<semaphore_mem>>
          %dma_start3A_281 = arith.constant 16 : i32
          %dma_start3A_282 = arith.constant 0 : i32
          %dma_start3A_283 = tpu.memref_slice %arg27[%dma_start3A_281, %dma_start3A_282] : memref<32x128xf32, #tpu.memory_space<vmem>> -> memref<16x128xf32, #tpu.memory_space<vmem>>
          %dma_start3A_284 = arith.constant 0 : i32
          %dma_start3A_285 = tpu.memref_slice %arg9[%mul3A_280, %dma_start3A_284] : memref<131072x128xf32, #tpu.memory_space<hbm>> -> memref<16x128xf32, #tpu.memory_space<hbm>>
          %dma_start3A_286 = arith.constant 0 : i32
          %dma_start3A_287 = tpu.memref_slice %arg9[%mul3A_280, %dma_start3A_286] : memref<131072x128xf32, #tpu.memory_space<hbm>> -> memref<16x128xf32, #tpu.memory_space<hbm>>
          %dma_start3A_288 = arith.constant 16 : i32
          %dma_start3A_289 = arith.constant 0 : i32
          %dma_start3A_290 = tpu.memref_slice %arg27[%dma_start3A_288, %dma_start3A_289] : memref<32x128xf32, #tpu.memory_space<vmem>> -> memref<16x128xf32, #tpu.memory_space<vmem>>
          tpu.enqueue_dma source(%dma_start3A_290 : memref<16x128xf32, #tpu.memory_space<vmem>>) target(%dma_start3A_287 : memref<16x128xf32, #tpu.memory_space<hbm>>) target_semaphore(%run_scoped3A : memref<!tpu.dma_semaphore, #tpu.memory_space<semaphore_mem>>)
          %dma_wait3A_291 = arith.constant 16 : i32
          %dma_wait3A_292 = arith.constant 0 : i32
          %dma_wait3A_293 = tpu.memref_slice %arg27[%dma_wait3A_291, %dma_wait3A_292] : memref<32x128xf32, #tpu.memory_space<vmem>> -> memref<16x128xf32, #tpu.memory_space<vmem>>
          %dma_wait3A_294 = arith.constant 0 : i32
          %dma_wait3A_295 = tpu.memref_slice %arg9[%mul3A_280, %dma_wait3A_294] : memref<131072x128xf32, #tpu.memory_space<hbm>> -> memref<16x128xf32, #tpu.memory_space<hbm>>
          %dma_wait3A_296 = arith.constant 0 : i32
          %dma_wait3A_297 = tpu.memref_slice %arg9[%mul3A_280, %dma_wait3A_296] : memref<131072x128xf32, #tpu.memory_space<hbm>> -> memref<16x128xf32, #tpu.memory_space<hbm>>
          %dma_wait3A_298 = arith.constant 16 : i32
          %dma_wait3A_299 = arith.constant 0 : i32
          %dma_wait3A_300 = tpu.memref_slice %arg27[%dma_wait3A_298, %dma_wait3A_299] : memref<32x128xf32, #tpu.memory_space<vmem>> -> memref<16x128xf32, #tpu.memory_space<vmem>>
          tpu.wait_dma2 semaphore(%run_scoped3A : memref<!tpu.dma_semaphore, #tpu.memory_space<semaphore_mem>>) src(%dma_wait3A_300 : memref<16x128xf32, #tpu.memory_space<vmem>>) dst(%dma_wait3A_297 : memref<16x128xf32, #tpu.memory_space<hbm>>)
          tpu.yield
        }) : () -> ()
      } else {
      }
      %eq3A_180 = arith.constant 0 : i32
      %eq3A_181 = vector.broadcast %eq3A_180 : i32 to vector<16xi32>
      %eq3A_182 = arith.cmpi eq, %add3A_86, %eq3A_181 : vector<16xi32>
      %broadcast_in_dim3A_183 = arith.constant 5.120000e+03 : f32
      %broadcast_in_dim3A_184 = vector.broadcast %broadcast_in_dim3A_183 : f32 to vector<16xf32>
      %broadcast_in_dim3A_185 = arith.constant 1.280000e+03 : f32
      %broadcast_in_dim3A_186 = vector.broadcast %broadcast_in_dim3A_185 : f32 to vector<16xf32>
      %select_n3A_187 = arith.select %eq3A_182, %broadcast_in_dim3A_184, %broadcast_in_dim3A_186 : vector<16xi1>, vector<16xf32>
      %scan3A_188 = arith.constant 0 : i32
      %scan3A_189 = arith.constant 0 : i32
      %scan3A_190 = arith.constant 16 : i32
      %scan3A_191 = arith.addi %scan3A_189, %scan3A_190 : i32
      %scan3A_192 = arith.constant 1 : i32
      scf.for %scan3A_222 = %scan3A_189 to %scan3A_191 step %scan3A_192  : i32 {
        %mul3A_223 = arith.constant 16 : i32
        %mul3A_224 = arith.muli %scan3A_222, %mul3A_223 : i32
        %get3A = arith.index_cast %mul3A_224 : i32 to index
        %get3A_225 = tpu.vector_load %arg25[%get3A] {strides = array<i32>} : memref<768xf32, #tpu.memory_space<vmem>>, vector<16xf32>,
        %mul3A_226 = arith.mulf %get3A_225, %select_n3A_187 : vector<16xf32>
        %mul3A_227 = arith.constant 16 : i32
        %mul3A_228 = arith.muli %scan3A_222, %mul3A_227 : i32
        %add3A_229 = arith.constant 256 : i32
        %add3A_230 = arith.addi %add3A_229, %mul3A_228 : i32
        %get3A_231 = arith.index_cast %add3A_230 : i32 to index
        %get3A_232 = tpu.vector_load %arg25[%get3A_231] {strides = array<i32>} : memref<768xf32, #tpu.memory_space<vmem>>, vector<16xf32>,
        %mul3A_233 = arith.mulf %get3A_232, %select_n3A_187 : vector<16xf32>
        %mul3A_234 = arith.constant 16 : i32
        %mul3A_235 = arith.muli %scan3A_222, %mul3A_234 : i32
        %add3A_236 = arith.constant 512 : i32
        %add3A_237 = arith.addi %add3A_236, %mul3A_235 : i32
        %get3A_238 = arith.index_cast %add3A_237 : i32 to index
        %get3A_239 = tpu.vector_load %arg25[%get3A_238] {strides = array<i32>} : memref<768xf32, #tpu.memory_space<vmem>>, vector<16xf32>,
        %mul3A_240 = arith.mulf %get3A_239, %select_n3A_187 : vector<16xf32>
        %convert_element_type3A_241 = arith.fptosi %mul3A_226 : vector<16xf32> to vector<16xi32>
        %convert_element_type3A_242 = arith.fptosi %mul3A_233 : vector<16xf32> to vector<16xi32>
        %convert_element_type3A_243 = arith.fptosi %mul3A_240 : vector<16xf32> to vector<16xi32>
        %convert_element_type3A_244 = arith.sitofp %convert_element_type3A_241 : vector<16xi32> to vector<16xf32>
        %lt3A = arith.cmpf olt, %mul3A_226, %convert_element_type3A_244 : vector<16xf32>
        %sub3A_245 = arith.constant 1 : i32
        %sub3A_246 = vector.broadcast %sub3A_245 : i32 to vector<16xi32>
        %sub3A_247 = arith.subi %convert_element_type3A_241, %sub3A_246 : vector<16xi32>
        %select_n3A_248 = arith.select %lt3A, %sub3A_247, %convert_element_type3A_241 : vector<16xi1>, vector<16xi32>
        %convert_element_type3A_249 = arith.sitofp %convert_element_type3A_242 : vector<16xi32> to vector<16xf32>
        %lt3A_250 = arith.cmpf olt, %mul3A_233, %convert_element_type3A_249 : vector<16xf32>
        %sub3A_251 = arith.constant 1 : i32
        %sub3A_252 = vector.broadcast %sub3A_251 : i32 to vector<16xi32>
        %sub3A_253 = arith.subi %convert_element_type3A_242, %sub3A_252 : vector<16xi32>
        %select_n3A_254 = arith.select %lt3A_250, %sub3A_253, %convert_element_type3A_242 : vector<16xi1>, vector<16xi32>
        %convert_element_type3A_255 = arith.sitofp %convert_element_type3A_243 : vector<16xi32> to vector<16xf32>
        %lt3A_256 = arith.cmpf olt, %mul3A_240, %convert_element_type3A_255 : vector<16xf32>
        %sub3A_257 = arith.constant 1 : i32
        %sub3A_258 = vector.broadcast %sub3A_257 : i32 to vector<16xi32>
        %sub3A_259 = arith.subi %convert_element_type3A_243, %sub3A_258 : vector<16xi32>
        %select_n3A_260 = arith.select %lt3A_256, %sub3A_259, %convert_element_type3A_243 : vector<16xi1>, vector<16xi32>
        %convert_element_type3A_261 = arith.sitofp %select_n3A_248 : vector<16xi32> to vector<16xf32>
        %sub3A_262 = arith.subf %mul3A_226, %convert_element_type3A_261 : vector<16xf32>
        %convert_element_type3A_263 = arith.sitofp %select_n3A_254 : vector<16xi32> to vector<16xf32>
        %sub3A_264 = arith.subf %mul3A_233, %convert_element_type3A_263 : vector<16xf32>
        %convert_element_type3A_265 = arith.sitofp %select_n3A_260 : vector<16xi32> to vector<16xf32>
        %sub3A_266 = arith.subf %mul3A_240, %convert_element_type3A_265 : vector<16xf32>
        %sub3A_267 = arith.constant 1.000000e+00 : f32
        %sub3A_268 = vector.broadcast %sub3A_267 : f32 to vector<16xf32>
        %sub3A_269 = arith.subf %sub3A_268, %sub3A_262 : vector<16xf32>
        %sub3A_270 = arith.constant 1.000000e+00 : f32
        %sub3A_271 = vector.broadcast %sub3A_270 : f32 to vector<16xf32>
        %sub3A_272 = arith.subf %sub3A_271, %sub3A_264 : vector<16xf32>
        %sub3A_273 = arith.constant 1.000000e+00 : f32
        %sub3A_274 = vector.broadcast %sub3A_273 : f32 to vector<16xf32>
        %sub3A_275 = arith.subf %sub3A_274, %sub3A_266 : vector<16xf32>
        %add3A_276 = arith.constant 1 : i32
        %add3A_277 = vector.broadcast %add3A_276 : i32 to vector<16xi32>
        %add3A_278 = arith.addi %select_n3A_248, %add3A_277 : vector<16xi32>
        %mul3A_279 = arith.constant -1640531535 : i32
        %mul3A_280 = vector.broadcast %mul3A_279 : i32 to vector<16xi32>
        %mul3A_281 = arith.muli %select_n3A_254, %mul3A_280 : vector<16xi32>
        %mul3A_282 = arith.constant -1640531535 : i32
        %mul3A_283 = vector.broadcast %mul3A_282 : i32 to vector<16xi32>
        %mul3A_284 = arith.muli %select_n3A_254, %mul3A_283 : vector<16xi32>
        %add3A_285 = arith.constant -1640531535 : i32
        %add3A_286 = vector.broadcast %add3A_285 : i32 to vector<16xi32>
        %add3A_287 = arith.addi %mul3A_284, %add3A_286 : vector<16xi32>
        %mul3A_288 = arith.constant 805459861 : i32
        %mul3A_289 = vector.broadcast %mul3A_288 : i32 to vector<16xi32>
        %mul3A_290 = arith.muli %select_n3A_260, %mul3A_289 : vector<16xi32>
        %mul3A_291 = arith.constant 805459861 : i32
        %mul3A_292 = vector.broadcast %mul3A_291 : i32 to vector<16xi32>
        %mul3A_293 = arith.muli %select_n3A_260, %mul3A_292 : vector<16xi32>
        %add3A_294 = arith.constant 805459861 : i32
        %add3A_295 = vector.broadcast %add3A_294 : i32 to vector<16xi32>
        %add3A_296 = arith.addi %mul3A_293, %add3A_295 : vector<16xi32>
        %mul3A_297 = arith.constant 16 : i32
        %mul3A_298 = arith.muli %scan3A_222, %mul3A_297 : i32
        %add3A_299 = vector.broadcast %mul3A_298 : i32 to vector<16xi32>
        %add3A_300 = arith.addi %add3A_299, %iota3A : vector<16xi32>
        %xor3A = arith.xori %select_n3A_248, %mul3A_281 : vector<16xi32>
        %xor3A_301 = arith.xori %xor3A, %mul3A_290 : vector<16xi32>
        %and3A_302 = arith.constant 524287 : i32
        %and3A_303 = vector.broadcast %and3A_302 : i32 to vector<16xi32>
        %and3A_304 = arith.andi %xor3A_301, %and3A_303 : vector<16xi32>
        %add3A_305 = arith.constant 0 : i32
        %add3A_306 = vector.broadcast %add3A_305 : i32 to vector<16xi32>
        %add3A_307 = arith.addi %add3A_300, %add3A_306 : vector<16xi32>
        tpu.vector_store_idx %arg22[%add3A_307], %and3A_304 : memref<2048xi32, #tpu.memory_space<vmem>>[vector<16xi32>], vector<16xi32>,
        %broadcast_in_dim3A_308 = arith.constant 0 : i32
        %broadcast_in_dim3A_309 = vector.broadcast %broadcast_in_dim3A_308 : i32 to vector<16xi32>
        %mul3A_310 = arith.mulf %sub3A_269, %sub3A_272 : vector<16xf32>
        %mul3A_311 = arith.mulf %mul3A_310, %sub3A_275 : vector<16xf32>
        tpu.vector_store_idx %arg24[%broadcast_in_dim3A_309, %add3A_300], %mul3A_311 : memref<8x256xf32, #tpu.memory_space<vmem>>[vector<16xi32>, vector<16xi32>], vector<16xf32>,
        %xor3A_312 = arith.xori %select_n3A_248, %mul3A_281 : vector<16xi32>
        %xor3A_313 = arith.xori %xor3A_312, %add3A_296 : vector<16xi32>
        %and3A_314 = arith.constant 524287 : i32
        %and3A_315 = vector.broadcast %and3A_314 : i32 to vector<16xi32>
        %and3A_316 = arith.andi %xor3A_313, %and3A_315 : vector<16xi32>
        %add3A_317 = arith.constant 256 : i32
        %add3A_318 = vector.broadcast %add3A_317 : i32 to vector<16xi32>
        %add3A_319 = arith.addi %add3A_300, %add3A_318 : vector<16xi32>
        tpu.vector_store_idx %arg22[%add3A_319], %and3A_316 : memref<2048xi32, #tpu.memory_space<vmem>>[vector<16xi32>], vector<16xi32>,
        %broadcast_in_dim3A_320 = arith.constant 1 : i32
        %broadcast_in_dim3A_321 = vector.broadcast %broadcast_in_dim3A_320 : i32 to vector<16xi32>
        %mul3A_322 = arith.mulf %sub3A_269, %sub3A_272 : vector<16xf32>
        %mul3A_323 = arith.mulf %mul3A_322, %sub3A_266 : vector<16xf32>
        tpu.vector_store_idx %arg24[%broadcast_in_dim3A_321, %add3A_300], %mul3A_323 : memref<8x256xf32, #tpu.memory_space<vmem>>[vector<16xi32>, vector<16xi32>], vector<16xf32>,
        %xor3A_324 = arith.xori %select_n3A_248, %add3A_287 : vector<16xi32>
        %xor3A_325 = arith.xori %xor3A_324, %mul3A_290 : vector<16xi32>
        %and3A_326 = arith.constant 524287 : i32
        %and3A_327 = vector.broadcast %and3A_326 : i32 to vector<16xi32>
        %and3A_328 = arith.andi %xor3A_325, %and3A_327 : vector<16xi32>
        %add3A_329 = arith.constant 512 : i32
        %add3A_330 = vector.broadcast %add3A_329 : i32 to vector<16xi32>
        %add3A_331 = arith.addi %add3A_300, %add3A_330 : vector<16xi32>
        tpu.vector_store_idx %arg22[%add3A_331], %and3A_328 : memref<2048xi32, #tpu.memory_space<vmem>>[vector<16xi32>], vector<16xi32>,
        %broadcast_in_dim3A_332 = arith.constant 2 : i32
        %broadcast_in_dim3A_333 = vector.broadcast %broadcast_in_dim3A_332 : i32 to vector<16xi32>
        %mul3A_334 = arith.mulf %sub3A_269, %sub3A_264 : vector<16xf32>
        %mul3A_335 = arith.mulf %mul3A_334, %sub3A_275 : vector<16xf32>
        tpu.vector_store_idx %arg24[%broadcast_in_dim3A_333, %add3A_300], %mul3A_335 : memref<8x256xf32, #tpu.memory_space<vmem>>[vector<16xi32>, vector<16xi32>], vector<16xf32>,
        %xor3A_336 = arith.xori %select_n3A_248, %add3A_287 : vector<16xi32>
        %xor3A_337 = arith.xori %xor3A_336, %add3A_296 : vector<16xi32>
        %and3A_338 = arith.constant 524287 : i32
        %and3A_339 = vector.broadcast %and3A_338 : i32 to vector<16xi32>
        %and3A_340 = arith.andi %xor3A_337, %and3A_339 : vector<16xi32>
        %add3A_341 = arith.constant 768 : i32
        %add3A_342 = vector.broadcast %add3A_341 : i32 to vector<16xi32>
        %add3A_343 = arith.addi %add3A_300, %add3A_342 : vector<16xi32>
        tpu.vector_store_idx %arg22[%add3A_343], %and3A_340 : memref<2048xi32, #tpu.memory_space<vmem>>[vector<16xi32>], vector<16xi32>,
        %broadcast_in_dim3A_344 = arith.constant 3 : i32
        %broadcast_in_dim3A_345 = vector.broadcast %broadcast_in_dim3A_344 : i32 to vector<16xi32>
        %mul3A_346 = arith.mulf %sub3A_269, %sub3A_264 : vector<16xf32>
        %mul3A_347 = arith.mulf %mul3A_346, %sub3A_266 : vector<16xf32>
        tpu.vector_store_idx %arg24[%broadcast_in_dim3A_345, %add3A_300], %mul3A_347 : memref<8x256xf32, #tpu.memory_space<vmem>>[vector<16xi32>, vector<16xi32>], vector<16xf32>,
        %xor3A_348 = arith.xori %add3A_278, %mul3A_281 : vector<16xi32>
        %xor3A_349 = arith.xori %xor3A_348, %mul3A_290 : vector<16xi32>
        %and3A_350 = arith.constant 524287 : i32
        %and3A_351 = vector.broadcast %and3A_350 : i32 to vector<16xi32>
        %and3A_352 = arith.andi %xor3A_349, %and3A_351 : vector<16xi32>
        %add3A_353 = arith.constant 1024 : i32
        %add3A_354 = vector.broadcast %add3A_353 : i32 to vector<16xi32>
        %add3A_355 = arith.addi %add3A_300, %add3A_354 : vector<16xi32>
        tpu.vector_store_idx %arg22[%add3A_355], %and3A_352 : memref<2048xi32, #tpu.memory_space<vmem>>[vector<16xi32>], vector<16xi32>,
        %broadcast_in_dim3A_356 = arith.constant 4 : i32
        %broadcast_in_dim3A_357 = vector.broadcast %broadcast_in_dim3A_356 : i32 to vector<16xi32>
        %mul3A_358 = arith.mulf %sub3A_262, %sub3A_272 : vector<16xf32>
        %mul3A_359 = arith.mulf %mul3A_358, %sub3A_275 : vector<16xf32>
        tpu.vector_store_idx %arg24[%broadcast_in_dim3A_357, %add3A_300], %mul3A_359 : memref<8x256xf32, #tpu.memory_space<vmem>>[vector<16xi32>, vector<16xi32>], vector<16xf32>,
        %xor3A_360 = arith.xori %add3A_278, %mul3A_281 : vector<16xi32>
        %xor3A_361 = arith.xori %xor3A_360, %add3A_296 : vector<16xi32>
        %and3A_362 = arith.constant 524287 : i32
        %and3A_363 = vector.broadcast %and3A_362 : i32 to vector<16xi32>
        %and3A_364 = arith.andi %xor3A_361, %and3A_363 : vector<16xi32>
        %add3A_365 = arith.constant 1280 : i32
        %add3A_366 = vector.broadcast %add3A_365 : i32 to vector<16xi32>
        %add3A_367 = arith.addi %add3A_300, %add3A_366 : vector<16xi32>
        tpu.vector_store_idx %arg22[%add3A_367], %and3A_364 : memref<2048xi32, #tpu.memory_space<vmem>>[vector<16xi32>], vector<16xi32>,
        %broadcast_in_dim3A_368 = arith.constant 5 : i32
        %broadcast_in_dim3A_369 = vector.broadcast %broadcast_in_dim3A_368 : i32 to vector<16xi32>
        %mul3A_370 = arith.mulf %sub3A_262, %sub3A_272 : vector<16xf32>
        %mul3A_371 = arith.mulf %mul3A_370, %sub3A_266 : vector<16xf32>
        tpu.vector_store_idx %arg24[%broadcast_in_dim3A_369, %add3A_300], %mul3A_371 : memref<8x256xf32, #tpu.memory_space<vmem>>[vector<16xi32>, vector<16xi32>], vector<16xf32>,
        %xor3A_372 = arith.xori %add3A_278, %add3A_287 : vector<16xi32>
        %xor3A_373 = arith.xori %xor3A_372, %mul3A_290 : vector<16xi32>
        %and3A_374 = arith.constant 524287 : i32
        %and3A_375 = vector.broadcast %and3A_374 : i32 to vector<16xi32>
        %and3A_376 = arith.andi %xor3A_373, %and3A_375 : vector<16xi32>
        %add3A_377 = arith.constant 1536 : i32
        %add3A_378 = vector.broadcast %add3A_377 : i32 to vector<16xi32>
        %add3A_379 = arith.addi %add3A_300, %add3A_378 : vector<16xi32>
        tpu.vector_store_idx %arg22[%add3A_379], %and3A_376 : memref<2048xi32, #tpu.memory_space<vmem>>[vector<16xi32>], vector<16xi32>,
        %broadcast_in_dim3A_380 = arith.constant 6 : i32
        %broadcast_in_dim3A_381 = vector.broadcast %broadcast_in_dim3A_380 : i32 to vector<16xi32>
        %mul3A_382 = arith.mulf %sub3A_262, %sub3A_264 : vector<16xf32>
        %mul3A_383 = arith.mulf %mul3A_382, %sub3A_275 : vector<16xf32>
        tpu.vector_store_idx %arg24[%broadcast_in_dim3A_381, %add3A_300], %mul3A_383 : memref<8x256xf32, #tpu.memory_space<vmem>>[vector<16xi32>, vector<16xi32>], vector<16xf32>,
        %xor3A_384 = arith.xori %add3A_278, %add3A_287 : vector<16xi32>
        %xor3A_385 = arith.xori %xor3A_384, %add3A_296 : vector<16xi32>
        %and3A_386 = arith.constant 524287 : i32
        %and3A_387 = vector.broadcast %and3A_386 : i32 to vector<16xi32>
        %and3A_388 = arith.andi %xor3A_385, %and3A_387 : vector<16xi32>
        %add3A_389 = arith.constant 1792 : i32
        %add3A_390 = vector.broadcast %add3A_389 : i32 to vector<16xi32>
        %add3A_391 = arith.addi %add3A_300, %add3A_390 : vector<16xi32>
        tpu.vector_store_idx %arg22[%add3A_391], %and3A_388 : memref<2048xi32, #tpu.memory_space<vmem>>[vector<16xi32>], vector<16xi32>,
        %broadcast_in_dim3A_392 = arith.constant 7 : i32
        %broadcast_in_dim3A_393 = vector.broadcast %broadcast_in_dim3A_392 : i32 to vector<16xi32>
        %mul3A_394 = arith.mulf %sub3A_262, %sub3A_264 : vector<16xf32>
        %mul3A_395 = arith.mulf %mul3A_394, %sub3A_266 : vector<16xf32>
        tpu.vector_store_idx %arg24[%broadcast_in_dim3A_393, %add3A_300], %mul3A_395 : memref<8x256xf32, #tpu.memory_space<vmem>>[vector<16xi32>, vector<16xi32>], vector<16xf32>,
      }
      %scan3A_193 = arith.constant 16 : i32
      %mul3A_194 = arith.constant 2 : i32
      %mul3A_195 = arith.muli %mul3A_194, %arg0 : i32
      %add3A_196 = arith.constant 0 : i32
      %add3A_197 = arith.addi %mul3A_195, %add3A_196 : i32
      %dma_wait3A_198 = arith.constant 0 : i32
      %dma_wait3A_199 = arith.constant 0 : i32
      %dma_wait3A_200 = tpu.memref_slice %arg11[%add3A_197, %dma_wait3A_198, %dma_wait3A_199] : memref<4x524288x8xf32, #tpu.memory_space<hbm>> -> memref<1x524288x8xf32, #tpu.memory_space<hbm>>
      %dma_wait3A_201 = tpu.memref_squeeze %dma_wait3A_200 : memref<1x524288x8xf32, #tpu.memory_space<hbm>> -> memref<524288x8xf32, #tpu.memory_space<hbm>>
      %dma_wait3A_202 = arith.constant 0 : i32
      %dma_wait3A_203 = arith.constant 0 : i32
      %dma_wait3A_204 = tpu.memref_slice %dma_wait3A_201[%dma_wait3A_202, %dma_wait3A_203] : memref<524288x8xf32, #tpu.memory_space<hbm>> -> memref<524288x8xf32, #tpu.memory_space<hbm>>
      tpu.wait_indirect_dma semaphore(%arg28 : memref<!tpu.dma_semaphore, #tpu.memory_space<semaphore_mem>>) src(%dma_wait3A_204 : memref<524288x8xf32, #tpu.memory_space<hbm>>) dst(%arg19 : memref<2048x8xf32, #tpu.memory_space<vmem>>)
      %scan3A_205 = arith.constant 0 : i32
      %scan3A_206 = arith.constant 0 : i32
      %scan3A_207 = arith.constant 16 : i32
      %scan3A_208 = arith.addi %scan3A_206, %scan3A_207 : i32
      %scan3A_209 = arith.constant 1 : i32
      scf.for %scan3A_222 = %scan3A_206 to %scan3A_208 step %scan3A_209  : i32 {
        %mul3A_223 = arith.constant 16 : i32
        %mul3A_224 = arith.muli %scan3A_222, %mul3A_223 : i32
        %add3A_225 = vector.broadcast %mul3A_224 : i32 to vector<16xi32>
        %add3A_226 = arith.addi %add3A_225, %iota3A : vector<16xi32>
        %mul3A_227 = arith.constant 16 : i32
        %mul3A_228 = arith.muli %scan3A_222, %mul3A_227 : i32
        %get3A = arith.constant 0 : i32
        %get3A_229 = arith.index_cast %get3A : i32 to index
        %get3A_230 = arith.index_cast %mul3A_228 : i32 to index
        %get3A_231 = tpu.vector_load %arg23[%get3A_229, %get3A_230] {strides = array<i32>} : memref<8x256xf32, #tpu.memory_space<vmem>>, vector<16xf32>,
        %add3A_232 = arith.constant 0 : i32
        %add3A_233 = vector.broadcast %add3A_232 : i32 to vector<16xi32>
        %add3A_234 = arith.addi %add3A_226, %add3A_233 : vector<16xi32>
        %broadcast_in_dim3A_235 = arith.constant 0 : i32
        %broadcast_in_dim3A_236 = vector.broadcast %broadcast_in_dim3A_235 : i32 to vector<16xi32>
        %gather3A = tpu.vector_load_idx %arg19[%add3A_234, %broadcast_in_dim3A_236] : memref<2048x8xf32, #tpu.memory_space<vmem>>[vector<16xi32>, vector<16xi32>], vector<16xf32>,
        %mul3A_237 = arith.mulf %gather3A, %get3A_231 : vector<16xf32>
        %broadcast_in_dim3A_238 = arith.constant 1 : i32
        %broadcast_in_dim3A_239 = vector.broadcast %broadcast_in_dim3A_238 : i32 to vector<16xi32>
        %gather3A_240 = tpu.vector_load_idx %arg19[%add3A_234, %broadcast_in_dim3A_239] : memref<2048x8xf32, #tpu.memory_space<vmem>>[vector<16xi32>, vector<16xi32>], vector<16xf32>,
        %mul3A_241 = arith.mulf %gather3A_240, %get3A_231 : vector<16xf32>
        %broadcast_in_dim3A_242 = arith.constant 2 : i32
        %broadcast_in_dim3A_243 = vector.broadcast %broadcast_in_dim3A_242 : i32 to vector<16xi32>
        %gather3A_244 = tpu.vector_load_idx %arg19[%add3A_234, %broadcast_in_dim3A_243] : memref<2048x8xf32, #tpu.memory_space<vmem>>[vector<16xi32>, vector<16xi32>], vector<16xf32>,
        %mul3A_245 = arith.mulf %gather3A_244, %get3A_231 : vector<16xf32>
        %broadcast_in_dim3A_246 = arith.constant 3 : i32
        %broadcast_in_dim3A_247 = vector.broadcast %broadcast_in_dim3A_246 : i32 to vector<16xi32>
        %gather3A_248 = tpu.vector_load_idx %arg19[%add3A_234, %broadcast_in_dim3A_247] : memref<2048x8xf32, #tpu.memory_space<vmem>>[vector<16xi32>, vector<16xi32>], vector<16xf32>,
        %mul3A_249 = arith.mulf %gather3A_248, %get3A_231 : vector<16xf32>
        %broadcast_in_dim3A_250 = arith.constant 4 : i32
        %broadcast_in_dim3A_251 = vector.broadcast %broadcast_in_dim3A_250 : i32 to vector<16xi32>
        %gather3A_252 = tpu.vector_load_idx %arg19[%add3A_234, %broadcast_in_dim3A_251] : memref<2048x8xf32, #tpu.memory_space<vmem>>[vector<16xi32>, vector<16xi32>], vector<16xf32>,
        %mul3A_253 = arith.mulf %gather3A_252, %get3A_231 : vector<16xf32>
        %broadcast_in_dim3A_254 = arith.constant 5 : i32
        %broadcast_in_dim3A_255 = vector.broadcast %broadcast_in_dim3A_254 : i32 to vector<16xi32>
        %gather3A_256 = tpu.vector_load_idx %arg19[%add3A_234, %broadcast_in_dim3A_255] : memref<2048x8xf32, #tpu.memory_space<vmem>>[vector<16xi32>, vector<16xi32>], vector<16xf32>,
        %mul3A_257 = arith.mulf %gather3A_256, %get3A_231 : vector<16xf32>
        %broadcast_in_dim3A_258 = arith.constant 6 : i32
        %broadcast_in_dim3A_259 = vector.broadcast %broadcast_in_dim3A_258 : i32 to vector<16xi32>
        %gather3A_260 = tpu.vector_load_idx %arg19[%add3A_234, %broadcast_in_dim3A_259] : memref<2048x8xf32, #tpu.memory_space<vmem>>[vector<16xi32>, vector<16xi32>], vector<16xf32>,
        %mul3A_261 = arith.mulf %gather3A_260, %get3A_231 : vector<16xf32>
        %broadcast_in_dim3A_262 = arith.constant 7 : i32
        %broadcast_in_dim3A_263 = vector.broadcast %broadcast_in_dim3A_262 : i32 to vector<16xi32>
        %gather3A_264 = tpu.vector_load_idx %arg19[%add3A_234, %broadcast_in_dim3A_263] : memref<2048x8xf32, #tpu.memory_space<vmem>>[vector<16xi32>, vector<16xi32>], vector<16xf32>,
        %mul3A_265 = arith.mulf %gather3A_264, %get3A_231 : vector<16xf32>
        %mul3A_266 = arith.constant 16 : i32
        %mul3A_267 = arith.muli %scan3A_222, %mul3A_266 : i32
        %get3A_268 = arith.constant 1 : i32
        %get3A_269 = arith.index_cast %get3A_268 : i32 to index
        %get3A_270 = arith.index_cast %mul3A_267 : i32 to index
        %get3A_271 = tpu.vector_load %arg23[%get3A_269, %get3A_270] {strides = array<i32>} : memref<8x256xf32, #tpu.memory_space<vmem>>, vector<16xf32>,
        %add3A_272 = arith.constant 256 : i32
        %add3A_273 = vector.broadcast %add3A_272 : i32 to vector<16xi32>
        %add3A_274 = arith.addi %add3A_226, %add3A_273 : vector<16xi32>
        %broadcast_in_dim3A_275 = arith.constant 0 : i32
        %broadcast_in_dim3A_276 = vector.broadcast %broadcast_in_dim3A_275 : i32 to vector<16xi32>
        %gather3A_277 = tpu.vector_load_idx %arg19[%add3A_274, %broadcast_in_dim3A_276] : memref<2048x8xf32, #tpu.memory_space<vmem>>[vector<16xi32>, vector<16xi32>], vector<16xf32>,
        %mul3A_278 = arith.mulf %gather3A_277, %get3A_271 : vector<16xf32>
        %add3A_279 = arith.addf %mul3A_237, %mul3A_278 : vector<16xf32>
        %broadcast_in_dim3A_280 = arith.constant 1 : i32
        %broadcast_in_dim3A_281 = vector.broadcast %broadcast_in_dim3A_280 : i32 to vector<16xi32>
        %gather3A_282 = tpu.vector_load_idx %arg19[%add3A_274, %broadcast_in_dim3A_281] : memref<2048x8xf32, #tpu.memory_space<vmem>>[vector<16xi32>, vector<16xi32>], vector<16xf32>,
        %mul3A_283 = arith.mulf %gather3A_282, %get3A_271 : vector<16xf32>
        %add3A_284 = arith.addf %mul3A_241, %mul3A_283 : vector<16xf32>
        %broadcast_in_dim3A_285 = arith.constant 2 : i32
        %broadcast_in_dim3A_286 = vector.broadcast %broadcast_in_dim3A_285 : i32 to vector<16xi32>
        %gather3A_287 = tpu.vector_load_idx %arg19[%add3A_274, %broadcast_in_dim3A_286] : memref<2048x8xf32, #tpu.memory_space<vmem>>[vector<16xi32>, vector<16xi32>], vector<16xf32>,
        %mul3A_288 = arith.mulf %gather3A_287, %get3A_271 : vector<16xf32>
        %add3A_289 = arith.addf %mul3A_245, %mul3A_288 : vector<16xf32>
        %broadcast_in_dim3A_290 = arith.constant 3 : i32
        %broadcast_in_dim3A_291 = vector.broadcast %broadcast_in_dim3A_290 : i32 to vector<16xi32>
        %gather3A_292 = tpu.vector_load_idx %arg19[%add3A_274, %broadcast_in_dim3A_291] : memref<2048x8xf32, #tpu.memory_space<vmem>>[vector<16xi32>, vector<16xi32>], vector<16xf32>,
        %mul3A_293 = arith.mulf %gather3A_292, %get3A_271 : vector<16xf32>
        %add3A_294 = arith.addf %mul3A_249, %mul3A_293 : vector<16xf32>
        %broadcast_in_dim3A_295 = arith.constant 4 : i32
        %broadcast_in_dim3A_296 = vector.broadcast %broadcast_in_dim3A_295 : i32 to vector<16xi32>
        %gather3A_297 = tpu.vector_load_idx %arg19[%add3A_274, %broadcast_in_dim3A_296] : memref<2048x8xf32, #tpu.memory_space<vmem>>[vector<16xi32>, vector<16xi32>], vector<16xf32>,
        %mul3A_298 = arith.mulf %gather3A_297, %get3A_271 : vector<16xf32>
        %add3A_299 = arith.addf %mul3A_253, %mul3A_298 : vector<16xf32>
        %broadcast_in_dim3A_300 = arith.constant 5 : i32
        %broadcast_in_dim3A_301 = vector.broadcast %broadcast_in_dim3A_300 : i32 to vector<16xi32>
        %gather3A_302 = tpu.vector_load_idx %arg19[%add3A_274, %broadcast_in_dim3A_301] : memref<2048x8xf32, #tpu.memory_space<vmem>>[vector<16xi32>, vector<16xi32>], vector<16xf32>,
        %mul3A_303 = arith.mulf %gather3A_302, %get3A_271 : vector<16xf32>
        %add3A_304 = arith.addf %mul3A_257, %mul3A_303 : vector<16xf32>
        %broadcast_in_dim3A_305 = arith.constant 6 : i32
        %broadcast_in_dim3A_306 = vector.broadcast %broadcast_in_dim3A_305 : i32 to vector<16xi32>
        %gather3A_307 = tpu.vector_load_idx %arg19[%add3A_274, %broadcast_in_dim3A_306] : memref<2048x8xf32, #tpu.memory_space<vmem>>[vector<16xi32>, vector<16xi32>], vector<16xf32>,
        %mul3A_308 = arith.mulf %gather3A_307, %get3A_271 : vector<16xf32>
        %add3A_309 = arith.addf %mul3A_261, %mul3A_308 : vector<16xf32>
        %broadcast_in_dim3A_310 = arith.constant 7 : i32
        %broadcast_in_dim3A_311 = vector.broadcast %broadcast_in_dim3A_310 : i32 to vector<16xi32>
        %gather3A_312 = tpu.vector_load_idx %arg19[%add3A_274, %broadcast_in_dim3A_311] : memref<2048x8xf32, #tpu.memory_space<vmem>>[vector<16xi32>, vector<16xi32>], vector<16xf32>,
        %mul3A_313 = arith.mulf %gather3A_312, %get3A_271 : vector<16xf32>
        %add3A_314 = arith.addf %mul3A_265, %mul3A_313 : vector<16xf32>
        %mul3A_315 = arith.constant 16 : i32
        %mul3A_316 = arith.muli %scan3A_222, %mul3A_315 : i32
        %get3A_317 = arith.constant 2 : i32
        %get3A_318 = arith.index_cast %get3A_317 : i32 to index
        %get3A_319 = arith.index_cast %mul3A_316 : i32 to index
        %get3A_320 = tpu.vector_load %arg23[%get3A_318, %get3A_319] {strides = array<i32>} : memref<8x256xf32, #tpu.memory_space<vmem>>, vector<16xf32>,
        %add3A_321 = arith.constant 512 : i32
        %add3A_322 = vector.broadcast %add3A_321 : i32 to vector<16xi32>
        %add3A_323 = arith.addi %add3A_226, %add3A_322 : vector<16xi32>
        %broadcast_in_dim3A_324 = arith.constant 0 : i32
        %broadcast_in_dim3A_325 = vector.broadcast %broadcast_in_dim3A_324 : i32 to vector<16xi32>
        %gather3A_326 = tpu.vector_load_idx %arg19[%add3A_323, %broadcast_in_dim3A_325] : memref<2048x8xf32, #tpu.memory_space<vmem>>[vector<16xi32>, vector<16xi32>], vector<16xf32>,
        %mul3A_327 = arith.mulf %gather3A_326, %get3A_320 : vector<16xf32>
        %add3A_328 = arith.addf %add3A_279, %mul3A_327 : vector<16xf32>
        %broadcast_in_dim3A_329 = arith.constant 1 : i32
        %broadcast_in_dim3A_330 = vector.broadcast %broadcast_in_dim3A_329 : i32 to vector<16xi32>
        %gather3A_331 = tpu.vector_load_idx %arg19[%add3A_323, %broadcast_in_dim3A_330] : memref<2048x8xf32, #tpu.memory_space<vmem>>[vector<16xi32>, vector<16xi32>], vector<16xf32>,
        %mul3A_332 = arith.mulf %gather3A_331, %get3A_320 : vector<16xf32>
        %add3A_333 = arith.addf %add3A_284, %mul3A_332 : vector<16xf32>
        %broadcast_in_dim3A_334 = arith.constant 2 : i32
        %broadcast_in_dim3A_335 = vector.broadcast %broadcast_in_dim3A_334 : i32 to vector<16xi32>
        %gather3A_336 = tpu.vector_load_idx %arg19[%add3A_323, %broadcast_in_dim3A_335] : memref<2048x8xf32, #tpu.memory_space<vmem>>[vector<16xi32>, vector<16xi32>], vector<16xf32>,
        %mul3A_337 = arith.mulf %gather3A_336, %get3A_320 : vector<16xf32>
        %add3A_338 = arith.addf %add3A_289, %mul3A_337 : vector<16xf32>
        %broadcast_in_dim3A_339 = arith.constant 3 : i32
        %broadcast_in_dim3A_340 = vector.broadcast %broadcast_in_dim3A_339 : i32 to vector<16xi32>
        %gather3A_341 = tpu.vector_load_idx %arg19[%add3A_323, %broadcast_in_dim3A_340] : memref<2048x8xf32, #tpu.memory_space<vmem>>[vector<16xi32>, vector<16xi32>], vector<16xf32>,
        %mul3A_342 = arith.mulf %gather3A_341, %get3A_320 : vector<16xf32>
        %add3A_343 = arith.addf %add3A_294, %mul3A_342 : vector<16xf32>
        %broadcast_in_dim3A_344 = arith.constant 4 : i32
        %broadcast_in_dim3A_345 = vector.broadcast %broadcast_in_dim3A_344 : i32 to vector<16xi32>
        %gather3A_346 = tpu.vector_load_idx %arg19[%add3A_323, %broadcast_in_dim3A_345] : memref<2048x8xf32, #tpu.memory_space<vmem>>[vector<16xi32>, vector<16xi32>], vector<16xf32>,
        %mul3A_347 = arith.mulf %gather3A_346, %get3A_320 : vector<16xf32>
        %add3A_348 = arith.addf %add3A_299, %mul3A_347 : vector<16xf32>
        %broadcast_in_dim3A_349 = arith.constant 5 : i32
        %broadcast_in_dim3A_350 = vector.broadcast %broadcast_in_dim3A_349 : i32 to vector<16xi32>
        %gather3A_351 = tpu.vector_load_idx %arg19[%add3A_323, %broadcast_in_dim3A_350] : memref<2048x8xf32, #tpu.memory_space<vmem>>[vector<16xi32>, vector<16xi32>], vector<16xf32>,
        %mul3A_352 = arith.mulf %gather3A_351, %get3A_320 : vector<16xf32>
        %add3A_353 = arith.addf %add3A_304, %mul3A_352 : vector<16xf32>
        %broadcast_in_dim3A_354 = arith.constant 6 : i32
        %broadcast_in_dim3A_355 = vector.broadcast %broadcast_in_dim3A_354 : i32 to vector<16xi32>
        %gather3A_356 = tpu.vector_load_idx %arg19[%add3A_323, %broadcast_in_dim3A_355] : memref<2048x8xf32, #tpu.memory_space<vmem>>[vector<16xi32>, vector<16xi32>], vector<16xf32>,
        %mul3A_357 = arith.mulf %gather3A_356, %get3A_320 : vector<16xf32>
        %add3A_358 = arith.addf %add3A_309, %mul3A_357 : vector<16xf32>
        %broadcast_in_dim3A_359 = arith.constant 7 : i32
        %broadcast_in_dim3A_360 = vector.broadcast %broadcast_in_dim3A_359 : i32 to vector<16xi32>
        %gather3A_361 = tpu.vector_load_idx %arg19[%add3A_323, %broadcast_in_dim3A_360] : memref<2048x8xf32, #tpu.memory_space<vmem>>[vector<16xi32>, vector<16xi32>], vector<16xf32>,
        %mul3A_362 = arith.mulf %gather3A_361, %get3A_320 : vector<16xf32>
        %add3A_363 = arith.addf %add3A_314, %mul3A_362 : vector<16xf32>
        %mul3A_364 = arith.constant 16 : i32
        %mul3A_365 = arith.muli %scan3A_222, %mul3A_364 : i32
        %get3A_366 = arith.constant 3 : i32
        %get3A_367 = arith.index_cast %get3A_366 : i32 to index
        %get3A_368 = arith.index_cast %mul3A_365 : i32 to index
        %get3A_369 = tpu.vector_load %arg23[%get3A_367, %get3A_368] {strides = array<i32>} : memref<8x256xf32, #tpu.memory_space<vmem>>, vector<16xf32>,
        %add3A_370 = arith.constant 768 : i32
        %add3A_371 = vector.broadcast %add3A_370 : i32 to vector<16xi32>
        %add3A_372 = arith.addi %add3A_226, %add3A_371 : vector<16xi32>
        %broadcast_in_dim3A_373 = arith.constant 0 : i32
        %broadcast_in_dim3A_374 = vector.broadcast %broadcast_in_dim3A_373 : i32 to vector<16xi32>
        %gather3A_375 = tpu.vector_load_idx %arg19[%add3A_372, %broadcast_in_dim3A_374] : memref<2048x8xf32, #tpu.memory_space<vmem>>[vector<16xi32>, vector<16xi32>], vector<16xf32>,
        %mul3A_376 = arith.mulf %gather3A_375, %get3A_369 : vector<16xf32>
        %add3A_377 = arith.addf %add3A_328, %mul3A_376 : vector<16xf32>
        %broadcast_in_dim3A_378 = arith.constant 1 : i32
        %broadcast_in_dim3A_379 = vector.broadcast %broadcast_in_dim3A_378 : i32 to vector<16xi32>
        %gather3A_380 = tpu.vector_load_idx %arg19[%add3A_372, %broadcast_in_dim3A_379] : memref<2048x8xf32, #tpu.memory_space<vmem>>[vector<16xi32>, vector<16xi32>], vector<16xf32>,
        %mul3A_381 = arith.mulf %gather3A_380, %get3A_369 : vector<16xf32>
        %add3A_382 = arith.addf %add3A_333, %mul3A_381 : vector<16xf32>
        %broadcast_in_dim3A_383 = arith.constant 2 : i32
        %broadcast_in_dim3A_384 = vector.broadcast %broadcast_in_dim3A_383 : i32 to vector<16xi32>
        %gather3A_385 = tpu.vector_load_idx %arg19[%add3A_372, %broadcast_in_dim3A_384] : memref<2048x8xf32, #tpu.memory_space<vmem>>[vector<16xi32>, vector<16xi32>], vector<16xf32>,
        %mul3A_386 = arith.mulf %gather3A_385, %get3A_369 : vector<16xf32>
        %add3A_387 = arith.addf %add3A_338, %mul3A_386 : vector<16xf32>
        %broadcast_in_dim3A_388 = arith.constant 3 : i32
        %broadcast_in_dim3A_389 = vector.broadcast %broadcast_in_dim3A_388 : i32 to vector<16xi32>
        %gather3A_390 = tpu.vector_load_idx %arg19[%add3A_372, %broadcast_in_dim3A_389] : memref<2048x8xf32, #tpu.memory_space<vmem>>[vector<16xi32>, vector<16xi32>], vector<16xf32>,
        %mul3A_391 = arith.mulf %gather3A_390, %get3A_369 : vector<16xf32>
        %add3A_392 = arith.addf %add3A_343, %mul3A_391 : vector<16xf32>
        %broadcast_in_dim3A_393 = arith.constant 4 : i32
        %broadcast_in_dim3A_394 = vector.broadcast %broadcast_in_dim3A_393 : i32 to vector<16xi32>
        %gather3A_395 = tpu.vector_load_idx %arg19[%add3A_372, %broadcast_in_dim3A_394] : memref<2048x8xf32, #tpu.memory_space<vmem>>[vector<16xi32>, vector<16xi32>], vector<16xf32>,
        %mul3A_396 = arith.mulf %gather3A_395, %get3A_369 : vector<16xf32>
        %add3A_397 = arith.addf %add3A_348, %mul3A_396 : vector<16xf32>
        %broadcast_in_dim3A_398 = arith.constant 5 : i32
        %broadcast_in_dim3A_399 = vector.broadcast %broadcast_in_dim3A_398 : i32 to vector<16xi32>
        %gather3A_400 = tpu.vector_load_idx %arg19[%add3A_372, %broadcast_in_dim3A_399] : memref<2048x8xf32, #tpu.memory_space<vmem>>[vector<16xi32>, vector<16xi32>], vector<16xf32>,
        %mul3A_401 = arith.mulf %gather3A_400, %get3A_369 : vector<16xf32>
        %add3A_402 = arith.addf %add3A_353, %mul3A_401 : vector<16xf32>
        %broadcast_in_dim3A_403 = arith.constant 6 : i32
        %broadcast_in_dim3A_404 = vector.broadcast %broadcast_in_dim3A_403 : i32 to vector<16xi32>
        %gather3A_405 = tpu.vector_load_idx %arg19[%add3A_372, %broadcast_in_dim3A_404] : memref<2048x8xf32, #tpu.memory_space<vmem>>[vector<16xi32>, vector<16xi32>], vector<16xf32>,
        %mul3A_406 = arith.mulf %gather3A_405, %get3A_369 : vector<16xf32>
        %add3A_407 = arith.addf %add3A_358, %mul3A_406 : vector<16xf32>
        %broadcast_in_dim3A_408 = arith.constant 7 : i32
        %broadcast_in_dim3A_409 = vector.broadcast %broadcast_in_dim3A_408 : i32 to vector<16xi32>
        %gather3A_410 = tpu.vector_load_idx %arg19[%add3A_372, %broadcast_in_dim3A_409] : memref<2048x8xf32, #tpu.memory_space<vmem>>[vector<16xi32>, vector<16xi32>], vector<16xf32>,
        %mul3A_411 = arith.mulf %gather3A_410, %get3A_369 : vector<16xf32>
        %add3A_412 = arith.addf %add3A_363, %mul3A_411 : vector<16xf32>
        %mul3A_413 = arith.constant 16 : i32
        %mul3A_414 = arith.muli %scan3A_222, %mul3A_413 : i32
        %get3A_415 = arith.constant 4 : i32
        %get3A_416 = arith.index_cast %get3A_415 : i32 to index
        %get3A_417 = arith.index_cast %mul3A_414 : i32 to index
        %get3A_418 = tpu.vector_load %arg23[%get3A_416, %get3A_417] {strides = array<i32>} : memref<8x256xf32, #tpu.memory_space<vmem>>, vector<16xf32>,
        %add3A_419 = arith.constant 1024 : i32
        %add3A_420 = vector.broadcast %add3A_419 : i32 to vector<16xi32>
        %add3A_421 = arith.addi %add3A_226, %add3A_420 : vector<16xi32>
        %broadcast_in_dim3A_422 = arith.constant 0 : i32
        %broadcast_in_dim3A_423 = vector.broadcast %broadcast_in_dim3A_422 : i32 to vector<16xi32>
        %gather3A_424 = tpu.vector_load_idx %arg19[%add3A_421, %broadcast_in_dim3A_423] : memref<2048x8xf32, #tpu.memory_space<vmem>>[vector<16xi32>, vector<16xi32>], vector<16xf32>,
        %mul3A_425 = arith.mulf %gather3A_424, %get3A_418 : vector<16xf32>
        %add3A_426 = arith.addf %add3A_377, %mul3A_425 : vector<16xf32>
        %broadcast_in_dim3A_427 = arith.constant 1 : i32
        %broadcast_in_dim3A_428 = vector.broadcast %broadcast_in_dim3A_427 : i32 to vector<16xi32>
        %gather3A_429 = tpu.vector_load_idx %arg19[%add3A_421, %broadcast_in_dim3A_428] : memref<2048x8xf32, #tpu.memory_space<vmem>>[vector<16xi32>, vector<16xi32>], vector<16xf32>,
        %mul3A_430 = arith.mulf %gather3A_429, %get3A_418 : vector<16xf32>
        %add3A_431 = arith.addf %add3A_382, %mul3A_430 : vector<16xf32>
        %broadcast_in_dim3A_432 = arith.constant 2 : i32
        %broadcast_in_dim3A_433 = vector.broadcast %broadcast_in_dim3A_432 : i32 to vector<16xi32>
        %gather3A_434 = tpu.vector_load_idx %arg19[%add3A_421, %broadcast_in_dim3A_433] : memref<2048x8xf32, #tpu.memory_space<vmem>>[vector<16xi32>, vector<16xi32>], vector<16xf32>,
        %mul3A_435 = arith.mulf %gather3A_434, %get3A_418 : vector<16xf32>
        %add3A_436 = arith.addf %add3A_387, %mul3A_435 : vector<16xf32>
        %broadcast_in_dim3A_437 = arith.constant 3 : i32
        %broadcast_in_dim3A_438 = vector.broadcast %broadcast_in_dim3A_437 : i32 to vector<16xi32>
        %gather3A_439 = tpu.vector_load_idx %arg19[%add3A_421, %broadcast_in_dim3A_438] : memref<2048x8xf32, #tpu.memory_space<vmem>>[vector<16xi32>, vector<16xi32>], vector<16xf32>,
        %mul3A_440 = arith.mulf %gather3A_439, %get3A_418 : vector<16xf32>
        %add3A_441 = arith.addf %add3A_392, %mul3A_440 : vector<16xf32>
        %broadcast_in_dim3A_442 = arith.constant 4 : i32
        %broadcast_in_dim3A_443 = vector.broadcast %broadcast_in_dim3A_442 : i32 to vector<16xi32>
        %gather3A_444 = tpu.vector_load_idx %arg19[%add3A_421, %broadcast_in_dim3A_443] : memref<2048x8xf32, #tpu.memory_space<vmem>>[vector<16xi32>, vector<16xi32>], vector<16xf32>,
        %mul3A_445 = arith.mulf %gather3A_444, %get3A_418 : vector<16xf32>
        %add3A_446 = arith.addf %add3A_397, %mul3A_445 : vector<16xf32>
        %broadcast_in_dim3A_447 = arith.constant 5 : i32
        %broadcast_in_dim3A_448 = vector.broadcast %broadcast_in_dim3A_447 : i32 to vector<16xi32>
        %gather3A_449 = tpu.vector_load_idx %arg19[%add3A_421, %broadcast_in_dim3A_448] : memref<2048x8xf32, #tpu.memory_space<vmem>>[vector<16xi32>, vector<16xi32>], vector<16xf32>,
        %mul3A_450 = arith.mulf %gather3A_449, %get3A_418 : vector<16xf32>
        %add3A_451 = arith.addf %add3A_402, %mul3A_450 : vector<16xf32>
        %broadcast_in_dim3A_452 = arith.constant 6 : i32
        %broadcast_in_dim3A_453 = vector.broadcast %broadcast_in_dim3A_452 : i32 to vector<16xi32>
        %gather3A_454 = tpu.vector_load_idx %arg19[%add3A_421, %broadcast_in_dim3A_453] : memref<2048x8xf32, #tpu.memory_space<vmem>>[vector<16xi32>, vector<16xi32>], vector<16xf32>,
        %mul3A_455 = arith.mulf %gather3A_454, %get3A_418 : vector<16xf32>
        %add3A_456 = arith.addf %add3A_407, %mul3A_455 : vector<16xf32>
        %broadcast_in_dim3A_457 = arith.constant 7 : i32
        %broadcast_in_dim3A_458 = vector.broadcast %broadcast_in_dim3A_457 : i32 to vector<16xi32>
        %gather3A_459 = tpu.vector_load_idx %arg19[%add3A_421, %broadcast_in_dim3A_458] : memref<2048x8xf32, #tpu.memory_space<vmem>>[vector<16xi32>, vector<16xi32>], vector<16xf32>,
        %mul3A_460 = arith.mulf %gather3A_459, %get3A_418 : vector<16xf32>
        %add3A_461 = arith.addf %add3A_412, %mul3A_460 : vector<16xf32>
        %mul3A_462 = arith.constant 16 : i32
        %mul3A_463 = arith.muli %scan3A_222, %mul3A_462 : i32
        %get3A_464 = arith.constant 5 : i32
        %get3A_465 = arith.index_cast %get3A_464 : i32 to index
        %get3A_466 = arith.index_cast %mul3A_463 : i32 to index
        %get3A_467 = tpu.vector_load %arg23[%get3A_465, %get3A_466] {strides = array<i32>} : memref<8x256xf32, #tpu.memory_space<vmem>>, vector<16xf32>,
        %add3A_468 = arith.constant 1280 : i32
        %add3A_469 = vector.broadcast %add3A_468 : i32 to vector<16xi32>
        %add3A_470 = arith.addi %add3A_226, %add3A_469 : vector<16xi32>
        %broadcast_in_dim3A_471 = arith.constant 0 : i32
        %broadcast_in_dim3A_472 = vector.broadcast %broadcast_in_dim3A_471 : i32 to vector<16xi32>
        %gather3A_473 = tpu.vector_load_idx %arg19[%add3A_470, %broadcast_in_dim3A_472] : memref<2048x8xf32, #tpu.memory_space<vmem>>[vector<16xi32>, vector<16xi32>], vector<16xf32>,
        %mul3A_474 = arith.mulf %gather3A_473, %get3A_467 : vector<16xf32>
        %add3A_475 = arith.addf %add3A_426, %mul3A_474 : vector<16xf32>
        %broadcast_in_dim3A_476 = arith.constant 1 : i32
        %broadcast_in_dim3A_477 = vector.broadcast %broadcast_in_dim3A_476 : i32 to vector<16xi32>
        %gather3A_478 = tpu.vector_load_idx %arg19[%add3A_470, %broadcast_in_dim3A_477] : memref<2048x8xf32, #tpu.memory_space<vmem>>[vector<16xi32>, vector<16xi32>], vector<16xf32>,
        %mul3A_479 = arith.mulf %gather3A_478, %get3A_467 : vector<16xf32>
        %add3A_480 = arith.addf %add3A_431, %mul3A_479 : vector<16xf32>
        %broadcast_in_dim3A_481 = arith.constant 2 : i32
        %broadcast_in_dim3A_482 = vector.broadcast %broadcast_in_dim3A_481 : i32 to vector<16xi32>
        %gather3A_483 = tpu.vector_load_idx %arg19[%add3A_470, %broadcast_in_dim3A_482] : memref<2048x8xf32, #tpu.memory_space<vmem>>[vector<16xi32>, vector<16xi32>], vector<16xf32>,
        %mul3A_484 = arith.mulf %gather3A_483, %get3A_467 : vector<16xf32>
        %add3A_485 = arith.addf %add3A_436, %mul3A_484 : vector<16xf32>
        %broadcast_in_dim3A_486 = arith.constant 3 : i32
        %broadcast_in_dim3A_487 = vector.broadcast %broadcast_in_dim3A_486 : i32 to vector<16xi32>
        %gather3A_488 = tpu.vector_load_idx %arg19[%add3A_470, %broadcast_in_dim3A_487] : memref<2048x8xf32, #tpu.memory_space<vmem>>[vector<16xi32>, vector<16xi32>], vector<16xf32>,
        %mul3A_489 = arith.mulf %gather3A_488, %get3A_467 : vector<16xf32>
        %add3A_490 = arith.addf %add3A_441, %mul3A_489 : vector<16xf32>
        %broadcast_in_dim3A_491 = arith.constant 4 : i32
        %broadcast_in_dim3A_492 = vector.broadcast %broadcast_in_dim3A_491 : i32 to vector<16xi32>
        %gather3A_493 = tpu.vector_load_idx %arg19[%add3A_470, %broadcast_in_dim3A_492] : memref<2048x8xf32, #tpu.memory_space<vmem>>[vector<16xi32>, vector<16xi32>], vector<16xf32>,
        %mul3A_494 = arith.mulf %gather3A_493, %get3A_467 : vector<16xf32>
        %add3A_495 = arith.addf %add3A_446, %mul3A_494 : vector<16xf32>
        %broadcast_in_dim3A_496 = arith.constant 5 : i32
        %broadcast_in_dim3A_497 = vector.broadcast %broadcast_in_dim3A_496 : i32 to vector<16xi32>
        %gather3A_498 = tpu.vector_load_idx %arg19[%add3A_470, %broadcast_in_dim3A_497] : memref<2048x8xf32, #tpu.memory_space<vmem>>[vector<16xi32>, vector<16xi32>], vector<16xf32>,
        %mul3A_499 = arith.mulf %gather3A_498, %get3A_467 : vector<16xf32>
        %add3A_500 = arith.addf %add3A_451, %mul3A_499 : vector<16xf32>
        %broadcast_in_dim3A_501 = arith.constant 6 : i32
        %broadcast_in_dim3A_502 = vector.broadcast %broadcast_in_dim3A_501 : i32 to vector<16xi32>
        %gather3A_503 = tpu.vector_load_idx %arg19[%add3A_470, %broadcast_in_dim3A_502] : memref<2048x8xf32, #tpu.memory_space<vmem>>[vector<16xi32>, vector<16xi32>], vector<16xf32>,
        %mul3A_504 = arith.mulf %gather3A_503, %get3A_467 : vector<16xf32>
        %add3A_505 = arith.addf %add3A_456, %mul3A_504 : vector<16xf32>
        %broadcast_in_dim3A_506 = arith.constant 7 : i32
        %broadcast_in_dim3A_507 = vector.broadcast %broadcast_in_dim3A_506 : i32 to vector<16xi32>
        %gather3A_508 = tpu.vector_load_idx %arg19[%add3A_470, %broadcast_in_dim3A_507] : memref<2048x8xf32, #tpu.memory_space<vmem>>[vector<16xi32>, vector<16xi32>], vector<16xf32>,
        %mul3A_509 = arith.mulf %gather3A_508, %get3A_467 : vector<16xf32>
        %add3A_510 = arith.addf %add3A_461, %mul3A_509 : vector<16xf32>
        %mul3A_511 = arith.constant 16 : i32
        %mul3A_512 = arith.muli %scan3A_222, %mul3A_511 : i32
        %get3A_513 = arith.constant 6 : i32
        %get3A_514 = arith.index_cast %get3A_513 : i32 to index
        %get3A_515 = arith.index_cast %mul3A_512 : i32 to index
        %get3A_516 = tpu.vector_load %arg23[%get3A_514, %get3A_515] {strides = array<i32>} : memref<8x256xf32, #tpu.memory_space<vmem>>, vector<16xf32>,
        %add3A_517 = arith.constant 1536 : i32
        %add3A_518 = vector.broadcast %add3A_517 : i32 to vector<16xi32>
        %add3A_519 = arith.addi %add3A_226, %add3A_518 : vector<16xi32>
        %broadcast_in_dim3A_520 = arith.constant 0 : i32
        %broadcast_in_dim3A_521 = vector.broadcast %broadcast_in_dim3A_520 : i32 to vector<16xi32>
        %gather3A_522 = tpu.vector_load_idx %arg19[%add3A_519, %broadcast_in_dim3A_521] : memref<2048x8xf32, #tpu.memory_space<vmem>>[vector<16xi32>, vector<16xi32>], vector<16xf32>,
        %mul3A_523 = arith.mulf %gather3A_522, %get3A_516 : vector<16xf32>
        %add3A_524 = arith.addf %add3A_475, %mul3A_523 : vector<16xf32>
        %broadcast_in_dim3A_525 = arith.constant 1 : i32
        %broadcast_in_dim3A_526 = vector.broadcast %broadcast_in_dim3A_525 : i32 to vector<16xi32>
        %gather3A_527 = tpu.vector_load_idx %arg19[%add3A_519, %broadcast_in_dim3A_526] : memref<2048x8xf32, #tpu.memory_space<vmem>>[vector<16xi32>, vector<16xi32>], vector<16xf32>,
        %mul3A_528 = arith.mulf %gather3A_527, %get3A_516 : vector<16xf32>
        %add3A_529 = arith.addf %add3A_480, %mul3A_528 : vector<16xf32>
        %broadcast_in_dim3A_530 = arith.constant 2 : i32
        %broadcast_in_dim3A_531 = vector.broadcast %broadcast_in_dim3A_530 : i32 to vector<16xi32>
        %gather3A_532 = tpu.vector_load_idx %arg19[%add3A_519, %broadcast_in_dim3A_531] : memref<2048x8xf32, #tpu.memory_space<vmem>>[vector<16xi32>, vector<16xi32>], vector<16xf32>,
        %mul3A_533 = arith.mulf %gather3A_532, %get3A_516 : vector<16xf32>
        %add3A_534 = arith.addf %add3A_485, %mul3A_533 : vector<16xf32>
        %broadcast_in_dim3A_535 = arith.constant 3 : i32
        %broadcast_in_dim3A_536 = vector.broadcast %broadcast_in_dim3A_535 : i32 to vector<16xi32>
        %gather3A_537 = tpu.vector_load_idx %arg19[%add3A_519, %broadcast_in_dim3A_536] : memref<2048x8xf32, #tpu.memory_space<vmem>>[vector<16xi32>, vector<16xi32>], vector<16xf32>,
        %mul3A_538 = arith.mulf %gather3A_537, %get3A_516 : vector<16xf32>
        %add3A_539 = arith.addf %add3A_490, %mul3A_538 : vector<16xf32>
        %broadcast_in_dim3A_540 = arith.constant 4 : i32
        %broadcast_in_dim3A_541 = vector.broadcast %broadcast_in_dim3A_540 : i32 to vector<16xi32>
        %gather3A_542 = tpu.vector_load_idx %arg19[%add3A_519, %broadcast_in_dim3A_541] : memref<2048x8xf32, #tpu.memory_space<vmem>>[vector<16xi32>, vector<16xi32>], vector<16xf32>,
        %mul3A_543 = arith.mulf %gather3A_542, %get3A_516 : vector<16xf32>
        %add3A_544 = arith.addf %add3A_495, %mul3A_543 : vector<16xf32>
        %broadcast_in_dim3A_545 = arith.constant 5 : i32
        %broadcast_in_dim3A_546 = vector.broadcast %broadcast_in_dim3A_545 : i32 to vector<16xi32>
        %gather3A_547 = tpu.vector_load_idx %arg19[%add3A_519, %broadcast_in_dim3A_546] : memref<2048x8xf32, #tpu.memory_space<vmem>>[vector<16xi32>, vector<16xi32>], vector<16xf32>,
        %mul3A_548 = arith.mulf %gather3A_547, %get3A_516 : vector<16xf32>
        %add3A_549 = arith.addf %add3A_500, %mul3A_548 : vector<16xf32>
        %broadcast_in_dim3A_550 = arith.constant 6 : i32
        %broadcast_in_dim3A_551 = vector.broadcast %broadcast_in_dim3A_550 : i32 to vector<16xi32>
        %gather3A_552 = tpu.vector_load_idx %arg19[%add3A_519, %broadcast_in_dim3A_551] : memref<2048x8xf32, #tpu.memory_space<vmem>>[vector<16xi32>, vector<16xi32>], vector<16xf32>,
        %mul3A_553 = arith.mulf %gather3A_552, %get3A_516 : vector<16xf32>
        %add3A_554 = arith.addf %add3A_505, %mul3A_553 : vector<16xf32>
        %broadcast_in_dim3A_555 = arith.constant 7 : i32
        %broadcast_in_dim3A_556 = vector.broadcast %broadcast_in_dim3A_555 : i32 to vector<16xi32>
        %gather3A_557 = tpu.vector_load_idx %arg19[%add3A_519, %broadcast_in_dim3A_556] : memref<2048x8xf32, #tpu.memory_space<vmem>>[vector<16xi32>, vector<16xi32>], vector<16xf32>,
        %mul3A_558 = arith.mulf %gather3A_557, %get3A_516 : vector<16xf32>
        %add3A_559 = arith.addf %add3A_510, %mul3A_558 : vector<16xf32>
        %mul3A_560 = arith.constant 16 : i32
        %mul3A_561 = arith.muli %scan3A_222, %mul3A_560 : i32
        %get3A_562 = arith.constant 7 : i32
        %get3A_563 = arith.index_cast %get3A_562 : i32 to index
        %get3A_564 = arith.index_cast %mul3A_561 : i32 to index
        %get3A_565 = tpu.vector_load %arg23[%get3A_563, %get3A_564] {strides = array<i32>} : memref<8x256xf32, #tpu.memory_space<vmem>>, vector<16xf32>,
        %add3A_566 = arith.constant 1792 : i32
        %add3A_567 = vector.broadcast %add3A_566 : i32 to vector<16xi32>
        %add3A_568 = arith.addi %add3A_226, %add3A_567 : vector<16xi32>
        %broadcast_in_dim3A_569 = arith.constant 0 : i32
        %broadcast_in_dim3A_570 = vector.broadcast %broadcast_in_dim3A_569 : i32 to vector<16xi32>
        %gather3A_571 = tpu.vector_load_idx %arg19[%add3A_568, %broadcast_in_dim3A_570] : memref<2048x8xf32, #tpu.memory_space<vmem>>[vector<16xi32>, vector<16xi32>], vector<16xf32>,
        %mul3A_572 = arith.mulf %gather3A_571, %get3A_565 : vector<16xf32>
        %add3A_573 = arith.addf %add3A_524, %mul3A_572 : vector<16xf32>
        %broadcast_in_dim3A_574 = arith.constant 1 : i32
        %broadcast_in_dim3A_575 = vector.broadcast %broadcast_in_dim3A_574 : i32 to vector<16xi32>
        %gather3A_576 = tpu.vector_load_idx %arg19[%add3A_568, %broadcast_in_dim3A_575] : memref<2048x8xf32, #tpu.memory_space<vmem>>[vector<16xi32>, vector<16xi32>], vector<16xf32>,
        %mul3A_577 = arith.mulf %gather3A_576, %get3A_565 : vector<16xf32>
        %add3A_578 = arith.addf %add3A_529, %mul3A_577 : vector<16xf32>
        %broadcast_in_dim3A_579 = arith.constant 2 : i32
        %broadcast_in_dim3A_580 = vector.broadcast %broadcast_in_dim3A_579 : i32 to vector<16xi32>
        %gather3A_581 = tpu.vector_load_idx %arg19[%add3A_568, %broadcast_in_dim3A_580] : memref<2048x8xf32, #tpu.memory_space<vmem>>[vector<16xi32>, vector<16xi32>], vector<16xf32>,
        %mul3A_582 = arith.mulf %gather3A_581, %get3A_565 : vector<16xf32>
        %add3A_583 = arith.addf %add3A_534, %mul3A_582 : vector<16xf32>
        %broadcast_in_dim3A_584 = arith.constant 3 : i32
        %broadcast_in_dim3A_585 = vector.broadcast %broadcast_in_dim3A_584 : i32 to vector<16xi32>
        %gather3A_586 = tpu.vector_load_idx %arg19[%add3A_568, %broadcast_in_dim3A_585] : memref<2048x8xf32, #tpu.memory_space<vmem>>[vector<16xi32>, vector<16xi32>], vector<16xf32>,
        %mul3A_587 = arith.mulf %gather3A_586, %get3A_565 : vector<16xf32>
        %add3A_588 = arith.addf %add3A_539, %mul3A_587 : vector<16xf32>
        %broadcast_in_dim3A_589 = arith.constant 4 : i32
        %broadcast_in_dim3A_590 = vector.broadcast %broadcast_in_dim3A_589 : i32 to vector<16xi32>
        %gather3A_591 = tpu.vector_load_idx %arg19[%add3A_568, %broadcast_in_dim3A_590] : memref<2048x8xf32, #tpu.memory_space<vmem>>[vector<16xi32>, vector<16xi32>], vector<16xf32>,
        %mul3A_592 = arith.mulf %gather3A_591, %get3A_565 : vector<16xf32>
        %add3A_593 = arith.addf %add3A_544, %mul3A_592 : vector<16xf32>
        %broadcast_in_dim3A_594 = arith.constant 5 : i32
        %broadcast_in_dim3A_595 = vector.broadcast %broadcast_in_dim3A_594 : i32 to vector<16xi32>
        %gather3A_596 = tpu.vector_load_idx %arg19[%add3A_568, %broadcast_in_dim3A_595] : memref<2048x8xf32, #tpu.memory_space<vmem>>[vector<16xi32>, vector<16xi32>], vector<16xf32>,
        %mul3A_597 = arith.mulf %gather3A_596, %get3A_565 : vector<16xf32>
        %add3A_598 = arith.addf %add3A_549, %mul3A_597 : vector<16xf32>
        %broadcast_in_dim3A_599 = arith.constant 6 : i32
        %broadcast_in_dim3A_600 = vector.broadcast %broadcast_in_dim3A_599 : i32 to vector<16xi32>
        %gather3A_601 = tpu.vector_load_idx %arg19[%add3A_568, %broadcast_in_dim3A_600] : memref<2048x8xf32, #tpu.memory_space<vmem>>[vector<16xi32>, vector<16xi32>], vector<16xf32>,
        %mul3A_602 = arith.mulf %gather3A_601, %get3A_565 : vector<16xf32>
        %add3A_603 = arith.addf %add3A_554, %mul3A_602 : vector<16xf32>
        %broadcast_in_dim3A_604 = arith.constant 7 : i32
        %broadcast_in_dim3A_605 = vector.broadcast %broadcast_in_dim3A_604 : i32 to vector<16xi32>
        %gather3A_606 = tpu.vector_load_idx %arg19[%add3A_568, %broadcast_in_dim3A_605] : memref<2048x8xf32, #tpu.memory_space<vmem>>[vector<16xi32>, vector<16xi32>], vector<16xf32>,
        %mul3A_607 = arith.mulf %gather3A_606, %get3A_565 : vector<16xf32>
        %add3A_608 = arith.addf %add3A_559, %mul3A_607 : vector<16xf32>
        %and3A_609 = arith.constant 7 : i32
        %and3A_610 = arith.andi %scan3A_222, %and3A_609 : i32
        %mul3A_611 = arith.constant 16 : i32
        %mul3A_612 = arith.muli %and3A_610, %mul3A_611 : i32
        %add3A_613 = vector.broadcast %mul3A_612 : i32 to vector<16xi32>
        %add3A_614 = arith.addi %add3A_613, %iota3A : vector<16xi32>
        %shift_right_arithmetic3A_615 = arith.constant 3 : i32
        %shift_right_arithmetic3A_616 = arith.shrsi %scan3A_222, %shift_right_arithmetic3A_615 : i32
        %mul3A_617 = arith.constant 8 : i32
        %mul3A_618 = arith.muli %shift_right_arithmetic3A_616, %mul3A_617 : i32
        %broadcast_in_dim3A_619 = arith.constant 0 : i32
        %broadcast_in_dim3A_620 = vector.broadcast %broadcast_in_dim3A_619 : i32 to vector<16xi32>
        %add3A_621 = vector.broadcast %mul3A_618 : i32 to vector<16xi32>
        %add3A_622 = arith.addi %broadcast_in_dim3A_620, %add3A_621 : vector<16xi32>
        tpu.vector_store_idx %arg27[%add3A_622, %add3A_614], %add3A_573 : memref<32x128xf32, #tpu.memory_space<vmem>>[vector<16xi32>, vector<16xi32>], vector<16xf32>,
        %broadcast_in_dim3A_623 = arith.constant 1 : i32
        %broadcast_in_dim3A_624 = vector.broadcast %broadcast_in_dim3A_623 : i32 to vector<16xi32>
        %add3A_625 = vector.broadcast %mul3A_618 : i32 to vector<16xi32>
        %add3A_626 = arith.addi %broadcast_in_dim3A_624, %add3A_625 : vector<16xi32>
        tpu.vector_store_idx %arg27[%add3A_626, %add3A_614], %add3A_578 : memref<32x128xf32, #tpu.memory_space<vmem>>[vector<16xi32>, vector<16xi32>], vector<16xf32>,
        %broadcast_in_dim3A_627 = arith.constant 2 : i32
        %broadcast_in_dim3A_628 = vector.broadcast %broadcast_in_dim3A_627 : i32 to vector<16xi32>
        %add3A_629 = vector.broadcast %mul3A_618 : i32 to vector<16xi32>
        %add3A_630 = arith.addi %broadcast_in_dim3A_628, %add3A_629 : vector<16xi32>
        tpu.vector_store_idx %arg27[%add3A_630, %add3A_614], %add3A_583 : memref<32x128xf32, #tpu.memory_space<vmem>>[vector<16xi32>, vector<16xi32>], vector<16xf32>,
        %broadcast_in_dim3A_631 = arith.constant 3 : i32
        %broadcast_in_dim3A_632 = vector.broadcast %broadcast_in_dim3A_631 : i32 to vector<16xi32>
        %add3A_633 = vector.broadcast %mul3A_618 : i32 to vector<16xi32>
        %add3A_634 = arith.addi %broadcast_in_dim3A_632, %add3A_633 : vector<16xi32>
        tpu.vector_store_idx %arg27[%add3A_634, %add3A_614], %add3A_588 : memref<32x128xf32, #tpu.memory_space<vmem>>[vector<16xi32>, vector<16xi32>], vector<16xf32>,
        %broadcast_in_dim3A_635 = arith.constant 4 : i32
        %broadcast_in_dim3A_636 = vector.broadcast %broadcast_in_dim3A_635 : i32 to vector<16xi32>
        %add3A_637 = vector.broadcast %mul3A_618 : i32 to vector<16xi32>
        %add3A_638 = arith.addi %broadcast_in_dim3A_636, %add3A_637 : vector<16xi32>
        tpu.vector_store_idx %arg27[%add3A_638, %add3A_614], %add3A_593 : memref<32x128xf32, #tpu.memory_space<vmem>>[vector<16xi32>, vector<16xi32>], vector<16xf32>,
        %broadcast_in_dim3A_639 = arith.constant 5 : i32
        %broadcast_in_dim3A_640 = vector.broadcast %broadcast_in_dim3A_639 : i32 to vector<16xi32>
        %add3A_641 = vector.broadcast %mul3A_618 : i32 to vector<16xi32>
        %add3A_642 = arith.addi %broadcast_in_dim3A_640, %add3A_641 : vector<16xi32>
        tpu.vector_store_idx %arg27[%add3A_642, %add3A_614], %add3A_598 : memref<32x128xf32, #tpu.memory_space<vmem>>[vector<16xi32>, vector<16xi32>], vector<16xf32>,
        %broadcast_in_dim3A_643 = arith.constant 6 : i32
        %broadcast_in_dim3A_644 = vector.broadcast %broadcast_in_dim3A_643 : i32 to vector<16xi32>
        %add3A_645 = vector.broadcast %mul3A_618 : i32 to vector<16xi32>
        %add3A_646 = arith.addi %broadcast_in_dim3A_644, %add3A_645 : vector<16xi32>
        tpu.vector_store_idx %arg27[%add3A_646, %add3A_614], %add3A_603 : memref<32x128xf32, #tpu.memory_space<vmem>>[vector<16xi32>, vector<16xi32>], vector<16xf32>,
        %broadcast_in_dim3A_647 = arith.constant 7 : i32
        %broadcast_in_dim3A_648 = vector.broadcast %broadcast_in_dim3A_647 : i32 to vector<16xi32>
        %add3A_649 = vector.broadcast %mul3A_618 : i32 to vector<16xi32>
        %add3A_650 = arith.addi %broadcast_in_dim3A_648, %add3A_649 : vector<16xi32>
        tpu.vector_store_idx %arg27[%add3A_650, %add3A_614], %add3A_608 : memref<32x128xf32, #tpu.memory_space<vmem>>[vector<16xi32>, vector<16xi32>], vector<16xf32>,
      }
      %scan3A_210 = arith.constant 16 : i32
      %mul3A_211 = arith.constant 2 : i32
      %mul3A_212 = arith.muli %mul3A_211, %arg0 : i32
      %add3A_213 = arith.constant 1 : i32
      %add3A_214 = arith.addi %mul3A_212, %add3A_213 : i32
      %dma_start3A_215 = arith.constant 0 : i32
      %dma_start3A_216 = arith.constant 0 : i32
      %dma_start3A_217 = tpu.memref_slice %arg11[%add3A_214, %dma_start3A_215, %dma_start3A_216] : memref<4x524288x8xf32, #tpu.memory_space<hbm>> -> memref<1x524288x8xf32, #tpu.memory_space<hbm>>
      %dma_start3A_218 = tpu.memref_squeeze %dma_start3A_217 : memref<1x524288x8xf32, #tpu.memory_space<hbm>> -> memref<524288x8xf32, #tpu.memory_space<hbm>>
      %dma_start3A_219 = arith.constant 0 : i32
      %dma_start3A_220 = arith.constant 0 : i32
      %dma_start3A_221 = tpu.memref_slice %dma_start3A_218[%dma_start3A_219, %dma_start3A_220] : memref<524288x8xf32, #tpu.memory_space<hbm>> -> memref<524288x8xf32, #tpu.memory_space<hbm>>
      tpu.enqueue_indirect_dma source(%dma_start3A_221 : memref<524288x8xf32, #tpu.memory_space<hbm>>) target(%arg20 : memref<2048x8xf32, #tpu.memory_space<vmem>>) offsets(%arg22 : memref<2048xi32, #tpu.memory_space<vmem>>) semaphore(%arg29 : memref<!tpu.dma_semaphore, #tpu.memory_space<semaphore_mem>>)
    }
    %scan3A_92 = arith.constant 128 : i32
    %mul3A_93 = arith.constant 2 : i32
    %mul3A_94 = arith.muli %mul3A_93, %arg0 : i32
    %add3A_95 = arith.constant 1 : i32
    %add3A_96 = arith.addi %mul3A_94, %add3A_95 : i32
    %dma_wait3A = arith.constant 0 : i32
    %dma_wait3A_97 = arith.constant 0 : i32
    %dma_wait3A_98 = tpu.memref_slice %arg11[%add3A_96, %dma_wait3A, %dma_wait3A_97] : memref<4x524288x8xf32, #tpu.memory_space<hbm>> -> memref<1x524288x8xf32, #tpu.memory_space<hbm>>
    %dma_wait3A_99 = tpu.memref_squeeze %dma_wait3A_98 : memref<1x524288x8xf32, #tpu.memory_space<hbm>> -> memref<524288x8xf32, #tpu.memory_space<hbm>>
    %dma_wait3A_100 = arith.constant 0 : i32
    %dma_wait3A_101 = arith.constant 0 : i32
    %dma_wait3A_102 = tpu.memref_slice %dma_wait3A_99[%dma_wait3A_100, %dma_wait3A_101] : memref<524288x8xf32, #tpu.memory_space<hbm>> -> memref<524288x8xf32, #tpu.memory_space<hbm>>
    tpu.wait_indirect_dma semaphore(%arg29 : memref<!tpu.dma_semaphore, #tpu.memory_space<semaphore_mem>>) src(%dma_wait3A_102 : memref<524288x8xf32, #tpu.memory_space<hbm>>) dst(%arg20 : memref<2048x8xf32, #tpu.memory_space<vmem>>)
    %scan3A_103 = arith.constant 0 : i32
    %scan3A_104 = arith.constant 0 : i32
    %scan3A_105 = arith.constant 16 : i32
    %scan3A_106 = arith.addi %scan3A_104, %scan3A_105 : i32
    %scan3A_107 = arith.constant 1 : i32
    scf.for %scan3A_146 = %scan3A_104 to %scan3A_106 step %scan3A_107  : i32 {
      %mul3A_147 = arith.constant 16 : i32
      %mul3A_148 = arith.muli %scan3A_146, %mul3A_147 : i32
      %add3A_149 = vector.broadcast %mul3A_148 : i32 to vector<16xi32>
      %add3A_150 = arith.addi %add3A_149, %iota3A : vector<16xi32>
      %mul3A_151 = arith.constant 16 : i32
      %mul3A_152 = arith.muli %scan3A_146, %mul3A_151 : i32
      %get3A = arith.constant 0 : i32
      %get3A_153 = arith.index_cast %get3A : i32 to index
      %get3A_154 = arith.index_cast %mul3A_152 : i32 to index
      %get3A_155 = tpu.vector_load %arg24[%get3A_153, %get3A_154] {strides = array<i32>} : memref<8x256xf32, #tpu.memory_space<vmem>>, vector<16xf32>,
      %add3A_156 = arith.constant 0 : i32
      %add3A_157 = vector.broadcast %add3A_156 : i32 to vector<16xi32>
      %add3A_158 = arith.addi %add3A_150, %add3A_157 : vector<16xi32>
      %broadcast_in_dim3A_159 = arith.constant 0 : i32
      %broadcast_in_dim3A_160 = vector.broadcast %broadcast_in_dim3A_159 : i32 to vector<16xi32>
      %gather3A = tpu.vector_load_idx %arg20[%add3A_158, %broadcast_in_dim3A_160] : memref<2048x8xf32, #tpu.memory_space<vmem>>[vector<16xi32>, vector<16xi32>], vector<16xf32>,
      %mul3A_161 = arith.mulf %gather3A, %get3A_155 : vector<16xf32>
      %broadcast_in_dim3A_162 = arith.constant 1 : i32
      %broadcast_in_dim3A_163 = vector.broadcast %broadcast_in_dim3A_162 : i32 to vector<16xi32>
      %gather3A_164 = tpu.vector_load_idx %arg20[%add3A_158, %broadcast_in_dim3A_163] : memref<2048x8xf32, #tpu.memory_space<vmem>>[vector<16xi32>, vector<16xi32>], vector<16xf32>,
      %mul3A_165 = arith.mulf %gather3A_164, %get3A_155 : vector<16xf32>
      %broadcast_in_dim3A_166 = arith.constant 2 : i32
      %broadcast_in_dim3A_167 = vector.broadcast %broadcast_in_dim3A_166 : i32 to vector<16xi32>
      %gather3A_168 = tpu.vector_load_idx %arg20[%add3A_158, %broadcast_in_dim3A_167] : memref<2048x8xf32, #tpu.memory_space<vmem>>[vector<16xi32>, vector<16xi32>], vector<16xf32>,
      %mul3A_169 = arith.mulf %gather3A_168, %get3A_155 : vector<16xf32>
      %broadcast_in_dim3A_170 = arith.constant 3 : i32
      %broadcast_in_dim3A_171 = vector.broadcast %broadcast_in_dim3A_170 : i32 to vector<16xi32>
      %gather3A_172 = tpu.vector_load_idx %arg20[%add3A_158, %broadcast_in_dim3A_171] : memref<2048x8xf32, #tpu.memory_space<vmem>>[vector<16xi32>, vector<16xi32>], vector<16xf32>,
      %mul3A_173 = arith.mulf %gather3A_172, %get3A_155 : vector<16xf32>
      %broadcast_in_dim3A_174 = arith.constant 4 : i32
      %broadcast_in_dim3A_175 = vector.broadcast %broadcast_in_dim3A_174 : i32 to vector<16xi32>
      %gather3A_176 = tpu.vector_load_idx %arg20[%add3A_158, %broadcast_in_dim3A_175] : memref<2048x8xf32, #tpu.memory_space<vmem>>[vector<16xi32>, vector<16xi32>], vector<16xf32>,
      %mul3A_177 = arith.mulf %gather3A_176, %get3A_155 : vector<16xf32>
      %broadcast_in_dim3A_178 = arith.constant 5 : i32
      %broadcast_in_dim3A_179 = vector.broadcast %broadcast_in_dim3A_178 : i32 to vector<16xi32>
      %gather3A_180 = tpu.vector_load_idx %arg20[%add3A_158, %broadcast_in_dim3A_179] : memref<2048x8xf32, #tpu.memory_space<vmem>>[vector<16xi32>, vector<16xi32>], vector<16xf32>,
      %mul3A_181 = arith.mulf %gather3A_180, %get3A_155 : vector<16xf32>
      %broadcast_in_dim3A_182 = arith.constant 6 : i32
      %broadcast_in_dim3A_183 = vector.broadcast %broadcast_in_dim3A_182 : i32 to vector<16xi32>
      %gather3A_184 = tpu.vector_load_idx %arg20[%add3A_158, %broadcast_in_dim3A_183] : memref<2048x8xf32, #tpu.memory_space<vmem>>[vector<16xi32>, vector<16xi32>], vector<16xf32>,
      %mul3A_185 = arith.mulf %gather3A_184, %get3A_155 : vector<16xf32>
      %broadcast_in_dim3A_186 = arith.constant 7 : i32
      %broadcast_in_dim3A_187 = vector.broadcast %broadcast_in_dim3A_186 : i32 to vector<16xi32>
      %gather3A_188 = tpu.vector_load_idx %arg20[%add3A_158, %broadcast_in_dim3A_187] : memref<2048x8xf32, #tpu.memory_space<vmem>>[vector<16xi32>, vector<16xi32>], vector<16xf32>,
      %mul3A_189 = arith.mulf %gather3A_188, %get3A_155 : vector<16xf32>
      %mul3A_190 = arith.constant 16 : i32
      %mul3A_191 = arith.muli %scan3A_146, %mul3A_190 : i32
      %get3A_192 = arith.constant 1 : i32
      %get3A_193 = arith.index_cast %get3A_192 : i32 to index
      %get3A_194 = arith.index_cast %mul3A_191 : i32 to index
      %get3A_195 = tpu.vector_load %arg24[%get3A_193, %get3A_194] {strides = array<i32>} : memref<8x256xf32, #tpu.memory_space<vmem>>, vector<16xf32>,
      %add3A_196 = arith.constant 256 : i32
      %add3A_197 = vector.broadcast %add3A_196 : i32 to vector<16xi32>
      %add3A_198 = arith.addi %add3A_150, %add3A_197 : vector<16xi32>
      %broadcast_in_dim3A_199 = arith.constant 0 : i32
      %broadcast_in_dim3A_200 = vector.broadcast %broadcast_in_dim3A_199 : i32 to vector<16xi32>
      %gather3A_201 = tpu.vector_load_idx %arg20[%add3A_198, %broadcast_in_dim3A_200] : memref<2048x8xf32, #tpu.memory_space<vmem>>[vector<16xi32>, vector<16xi32>], vector<16xf32>,
      %mul3A_202 = arith.mulf %gather3A_201, %get3A_195 : vector<16xf32>
      %add3A_203 = arith.addf %mul3A_161, %mul3A_202 : vector<16xf32>
      %broadcast_in_dim3A_204 = arith.constant 1 : i32
      %broadcast_in_dim3A_205 = vector.broadcast %broadcast_in_dim3A_204 : i32 to vector<16xi32>
      %gather3A_206 = tpu.vector_load_idx %arg20[%add3A_198, %broadcast_in_dim3A_205] : memref<2048x8xf32, #tpu.memory_space<vmem>>[vector<16xi32>, vector<16xi32>], vector<16xf32>,
      %mul3A_207 = arith.mulf %gather3A_206, %get3A_195 : vector<16xf32>
      %add3A_208 = arith.addf %mul3A_165, %mul3A_207 : vector<16xf32>
      %broadcast_in_dim3A_209 = arith.constant 2 : i32
      %broadcast_in_dim3A_210 = vector.broadcast %broadcast_in_dim3A_209 : i32 to vector<16xi32>
      %gather3A_211 = tpu.vector_load_idx %arg20[%add3A_198, %broadcast_in_dim3A_210] : memref<2048x8xf32, #tpu.memory_space<vmem>>[vector<16xi32>, vector<16xi32>], vector<16xf32>,
      %mul3A_212 = arith.mulf %gather3A_211, %get3A_195 : vector<16xf32>
      %add3A_213 = arith.addf %mul3A_169, %mul3A_212 : vector<16xf32>
      %broadcast_in_dim3A_214 = arith.constant 3 : i32
      %broadcast_in_dim3A_215 = vector.broadcast %broadcast_in_dim3A_214 : i32 to vector<16xi32>
      %gather3A_216 = tpu.vector_load_idx %arg20[%add3A_198, %broadcast_in_dim3A_215] : memref<2048x8xf32, #tpu.memory_space<vmem>>[vector<16xi32>, vector<16xi32>], vector<16xf32>,
      %mul3A_217 = arith.mulf %gather3A_216, %get3A_195 : vector<16xf32>
      %add3A_218 = arith.addf %mul3A_173, %mul3A_217 : vector<16xf32>
      %broadcast_in_dim3A_219 = arith.constant 4 : i32
      %broadcast_in_dim3A_220 = vector.broadcast %broadcast_in_dim3A_219 : i32 to vector<16xi32>
      %gather3A_221 = tpu.vector_load_idx %arg20[%add3A_198, %broadcast_in_dim3A_220] : memref<2048x8xf32, #tpu.memory_space<vmem>>[vector<16xi32>, vector<16xi32>], vector<16xf32>,
      %mul3A_222 = arith.mulf %gather3A_221, %get3A_195 : vector<16xf32>
      %add3A_223 = arith.addf %mul3A_177, %mul3A_222 : vector<16xf32>
      %broadcast_in_dim3A_224 = arith.constant 5 : i32
      %broadcast_in_dim3A_225 = vector.broadcast %broadcast_in_dim3A_224 : i32 to vector<16xi32>
      %gather3A_226 = tpu.vector_load_idx %arg20[%add3A_198, %broadcast_in_dim3A_225] : memref<2048x8xf32, #tpu.memory_space<vmem>>[vector<16xi32>, vector<16xi32>], vector<16xf32>,
      %mul3A_227 = arith.mulf %gather3A_226, %get3A_195 : vector<16xf32>
      %add3A_228 = arith.addf %mul3A_181, %mul3A_227 : vector<16xf32>
      %broadcast_in_dim3A_229 = arith.constant 6 : i32
      %broadcast_in_dim3A_230 = vector.broadcast %broadcast_in_dim3A_229 : i32 to vector<16xi32>
      %gather3A_231 = tpu.vector_load_idx %arg20[%add3A_198, %broadcast_in_dim3A_230] : memref<2048x8xf32, #tpu.memory_space<vmem>>[vector<16xi32>, vector<16xi32>], vector<16xf32>,
      %mul3A_232 = arith.mulf %gather3A_231, %get3A_195 : vector<16xf32>
      %add3A_233 = arith.addf %mul3A_185, %mul3A_232 : vector<16xf32>
      %broadcast_in_dim3A_234 = arith.constant 7 : i32
      %broadcast_in_dim3A_235 = vector.broadcast %broadcast_in_dim3A_234 : i32 to vector<16xi32>
      %gather3A_236 = tpu.vector_load_idx %arg20[%add3A_198, %broadcast_in_dim3A_235] : memref<2048x8xf32, #tpu.memory_space<vmem>>[vector<16xi32>, vector<16xi32>], vector<16xf32>,
      %mul3A_237 = arith.mulf %gather3A_236, %get3A_195 : vector<16xf32>
      %add3A_238 = arith.addf %mul3A_189, %mul3A_237 : vector<16xf32>
      %mul3A_239 = arith.constant 16 : i32
      %mul3A_240 = arith.muli %scan3A_146, %mul3A_239 : i32
      %get3A_241 = arith.constant 2 : i32
      %get3A_242 = arith.index_cast %get3A_241 : i32 to index
      %get3A_243 = arith.index_cast %mul3A_240 : i32 to index
      %get3A_244 = tpu.vector_load %arg24[%get3A_242, %get3A_243] {strides = array<i32>} : memref<8x256xf32, #tpu.memory_space<vmem>>, vector<16xf32>,
      %add3A_245 = arith.constant 512 : i32
      %add3A_246 = vector.broadcast %add3A_245 : i32 to vector<16xi32>
      %add3A_247 = arith.addi %add3A_150, %add3A_246 : vector<16xi32>
      %broadcast_in_dim3A_248 = arith.constant 0 : i32
      %broadcast_in_dim3A_249 = vector.broadcast %broadcast_in_dim3A_248 : i32 to vector<16xi32>
      %gather3A_250 = tpu.vector_load_idx %arg20[%add3A_247, %broadcast_in_dim3A_249] : memref<2048x8xf32, #tpu.memory_space<vmem>>[vector<16xi32>, vector<16xi32>], vector<16xf32>,
      %mul3A_251 = arith.mulf %gather3A_250, %get3A_244 : vector<16xf32>
      %add3A_252 = arith.addf %add3A_203, %mul3A_251 : vector<16xf32>
      %broadcast_in_dim3A_253 = arith.constant 1 : i32
      %broadcast_in_dim3A_254 = vector.broadcast %broadcast_in_dim3A_253 : i32 to vector<16xi32>
      %gather3A_255 = tpu.vector_load_idx %arg20[%add3A_247, %broadcast_in_dim3A_254] : memref<2048x8xf32, #tpu.memory_space<vmem>>[vector<16xi32>, vector<16xi32>], vector<16xf32>,
      %mul3A_256 = arith.mulf %gather3A_255, %get3A_244 : vector<16xf32>
      %add3A_257 = arith.addf %add3A_208, %mul3A_256 : vector<16xf32>
      %broadcast_in_dim3A_258 = arith.constant 2 : i32
      %broadcast_in_dim3A_259 = vector.broadcast %broadcast_in_dim3A_258 : i32 to vector<16xi32>
      %gather3A_260 = tpu.vector_load_idx %arg20[%add3A_247, %broadcast_in_dim3A_259] : memref<2048x8xf32, #tpu.memory_space<vmem>>[vector<16xi32>, vector<16xi32>], vector<16xf32>,
      %mul3A_261 = arith.mulf %gather3A_260, %get3A_244 : vector<16xf32>
      %add3A_262 = arith.addf %add3A_213, %mul3A_261 : vector<16xf32>
      %broadcast_in_dim3A_263 = arith.constant 3 : i32
      %broadcast_in_dim3A_264 = vector.broadcast %broadcast_in_dim3A_263 : i32 to vector<16xi32>
      %gather3A_265 = tpu.vector_load_idx %arg20[%add3A_247, %broadcast_in_dim3A_264] : memref<2048x8xf32, #tpu.memory_space<vmem>>[vector<16xi32>, vector<16xi32>], vector<16xf32>,
      %mul3A_266 = arith.mulf %gather3A_265, %get3A_244 : vector<16xf32>
      %add3A_267 = arith.addf %add3A_218, %mul3A_266 : vector<16xf32>
      %broadcast_in_dim3A_268 = arith.constant 4 : i32
      %broadcast_in_dim3A_269 = vector.broadcast %broadcast_in_dim3A_268 : i32 to vector<16xi32>
      %gather3A_270 = tpu.vector_load_idx %arg20[%add3A_247, %broadcast_in_dim3A_269] : memref<2048x8xf32, #tpu.memory_space<vmem>>[vector<16xi32>, vector<16xi32>], vector<16xf32>,
      %mul3A_271 = arith.mulf %gather3A_270, %get3A_244 : vector<16xf32>
      %add3A_272 = arith.addf %add3A_223, %mul3A_271 : vector<16xf32>
      %broadcast_in_dim3A_273 = arith.constant 5 : i32
      %broadcast_in_dim3A_274 = vector.broadcast %broadcast_in_dim3A_273 : i32 to vector<16xi32>
      %gather3A_275 = tpu.vector_load_idx %arg20[%add3A_247, %broadcast_in_dim3A_274] : memref<2048x8xf32, #tpu.memory_space<vmem>>[vector<16xi32>, vector<16xi32>], vector<16xf32>,
      %mul3A_276 = arith.mulf %gather3A_275, %get3A_244 : vector<16xf32>
      %add3A_277 = arith.addf %add3A_228, %mul3A_276 : vector<16xf32>
      %broadcast_in_dim3A_278 = arith.constant 6 : i32
      %broadcast_in_dim3A_279 = vector.broadcast %broadcast_in_dim3A_278 : i32 to vector<16xi32>
      %gather3A_280 = tpu.vector_load_idx %arg20[%add3A_247, %broadcast_in_dim3A_279] : memref<2048x8xf32, #tpu.memory_space<vmem>>[vector<16xi32>, vector<16xi32>], vector<16xf32>,
      %mul3A_281 = arith.mulf %gather3A_280, %get3A_244 : vector<16xf32>
      %add3A_282 = arith.addf %add3A_233, %mul3A_281 : vector<16xf32>
      %broadcast_in_dim3A_283 = arith.constant 7 : i32
      %broadcast_in_dim3A_284 = vector.broadcast %broadcast_in_dim3A_283 : i32 to vector<16xi32>
      %gather3A_285 = tpu.vector_load_idx %arg20[%add3A_247, %broadcast_in_dim3A_284] : memref<2048x8xf32, #tpu.memory_space<vmem>>[vector<16xi32>, vector<16xi32>], vector<16xf32>,
      %mul3A_286 = arith.mulf %gather3A_285, %get3A_244 : vector<16xf32>
      %add3A_287 = arith.addf %add3A_238, %mul3A_286 : vector<16xf32>
      %mul3A_288 = arith.constant 16 : i32
      %mul3A_289 = arith.muli %scan3A_146, %mul3A_288 : i32
      %get3A_290 = arith.constant 3 : i32
      %get3A_291 = arith.index_cast %get3A_290 : i32 to index
      %get3A_292 = arith.index_cast %mul3A_289 : i32 to index
      %get3A_293 = tpu.vector_load %arg24[%get3A_291, %get3A_292] {strides = array<i32>} : memref<8x256xf32, #tpu.memory_space<vmem>>, vector<16xf32>,
      %add3A_294 = arith.constant 768 : i32
      %add3A_295 = vector.broadcast %add3A_294 : i32 to vector<16xi32>
      %add3A_296 = arith.addi %add3A_150, %add3A_295 : vector<16xi32>
      %broadcast_in_dim3A_297 = arith.constant 0 : i32
      %broadcast_in_dim3A_298 = vector.broadcast %broadcast_in_dim3A_297 : i32 to vector<16xi32>
      %gather3A_299 = tpu.vector_load_idx %arg20[%add3A_296, %broadcast_in_dim3A_298] : memref<2048x8xf32, #tpu.memory_space<vmem>>[vector<16xi32>, vector<16xi32>], vector<16xf32>,
      %mul3A_300 = arith.mulf %gather3A_299, %get3A_293 : vector<16xf32>
      %add3A_301 = arith.addf %add3A_252, %mul3A_300 : vector<16xf32>
      %broadcast_in_dim3A_302 = arith.constant 1 : i32
      %broadcast_in_dim3A_303 = vector.broadcast %broadcast_in_dim3A_302 : i32 to vector<16xi32>
      %gather3A_304 = tpu.vector_load_idx %arg20[%add3A_296, %broadcast_in_dim3A_303] : memref<2048x8xf32, #tpu.memory_space<vmem>>[vector<16xi32>, vector<16xi32>], vector<16xf32>,
      %mul3A_305 = arith.mulf %gather3A_304, %get3A_293 : vector<16xf32>
      %add3A_306 = arith.addf %add3A_257, %mul3A_305 : vector<16xf32>
      %broadcast_in_dim3A_307 = arith.constant 2 : i32
      %broadcast_in_dim3A_308 = vector.broadcast %broadcast_in_dim3A_307 : i32 to vector<16xi32>
      %gather3A_309 = tpu.vector_load_idx %arg20[%add3A_296, %broadcast_in_dim3A_308] : memref<2048x8xf32, #tpu.memory_space<vmem>>[vector<16xi32>, vector<16xi32>], vector<16xf32>,
      %mul3A_310 = arith.mulf %gather3A_309, %get3A_293 : vector<16xf32>
      %add3A_311 = arith.addf %add3A_262, %mul3A_310 : vector<16xf32>
      %broadcast_in_dim3A_312 = arith.constant 3 : i32
      %broadcast_in_dim3A_313 = vector.broadcast %broadcast_in_dim3A_312 : i32 to vector<16xi32>
      %gather3A_314 = tpu.vector_load_idx %arg20[%add3A_296, %broadcast_in_dim3A_313] : memref<2048x8xf32, #tpu.memory_space<vmem>>[vector<16xi32>, vector<16xi32>], vector<16xf32>,
      %mul3A_315 = arith.mulf %gather3A_314, %get3A_293 : vector<16xf32>
      %add3A_316 = arith.addf %add3A_267, %mul3A_315 : vector<16xf32>
      %broadcast_in_dim3A_317 = arith.constant 4 : i32
      %broadcast_in_dim3A_318 = vector.broadcast %broadcast_in_dim3A_317 : i32 to vector<16xi32>
      %gather3A_319 = tpu.vector_load_idx %arg20[%add3A_296, %broadcast_in_dim3A_318] : memref<2048x8xf32, #tpu.memory_space<vmem>>[vector<16xi32>, vector<16xi32>], vector<16xf32>,
      %mul3A_320 = arith.mulf %gather3A_319, %get3A_293 : vector<16xf32>
      %add3A_321 = arith.addf %add3A_272, %mul3A_320 : vector<16xf32>
      %broadcast_in_dim3A_322 = arith.constant 5 : i32
      %broadcast_in_dim3A_323 = vector.broadcast %broadcast_in_dim3A_322 : i32 to vector<16xi32>
      %gather3A_324 = tpu.vector_load_idx %arg20[%add3A_296, %broadcast_in_dim3A_323] : memref<2048x8xf32, #tpu.memory_space<vmem>>[vector<16xi32>, vector<16xi32>], vector<16xf32>,
      %mul3A_325 = arith.mulf %gather3A_324, %get3A_293 : vector<16xf32>
      %add3A_326 = arith.addf %add3A_277, %mul3A_325 : vector<16xf32>
      %broadcast_in_dim3A_327 = arith.constant 6 : i32
      %broadcast_in_dim3A_328 = vector.broadcast %broadcast_in_dim3A_327 : i32 to vector<16xi32>
      %gather3A_329 = tpu.vector_load_idx %arg20[%add3A_296, %broadcast_in_dim3A_328] : memref<2048x8xf32, #tpu.memory_space<vmem>>[vector<16xi32>, vector<16xi32>], vector<16xf32>,
      %mul3A_330 = arith.mulf %gather3A_329, %get3A_293 : vector<16xf32>
      %add3A_331 = arith.addf %add3A_282, %mul3A_330 : vector<16xf32>
      %broadcast_in_dim3A_332 = arith.constant 7 : i32
      %broadcast_in_dim3A_333 = vector.broadcast %broadcast_in_dim3A_332 : i32 to vector<16xi32>
      %gather3A_334 = tpu.vector_load_idx %arg20[%add3A_296, %broadcast_in_dim3A_333] : memref<2048x8xf32, #tpu.memory_space<vmem>>[vector<16xi32>, vector<16xi32>], vector<16xf32>,
      %mul3A_335 = arith.mulf %gather3A_334, %get3A_293 : vector<16xf32>
      %add3A_336 = arith.addf %add3A_287, %mul3A_335 : vector<16xf32>
      %mul3A_337 = arith.constant 16 : i32
      %mul3A_338 = arith.muli %scan3A_146, %mul3A_337 : i32
      %get3A_339 = arith.constant 4 : i32
      %get3A_340 = arith.index_cast %get3A_339 : i32 to index
      %get3A_341 = arith.index_cast %mul3A_338 : i32 to index
      %get3A_342 = tpu.vector_load %arg24[%get3A_340, %get3A_341] {strides = array<i32>} : memref<8x256xf32, #tpu.memory_space<vmem>>, vector<16xf32>,
      %add3A_343 = arith.constant 1024 : i32
      %add3A_344 = vector.broadcast %add3A_343 : i32 to vector<16xi32>
      %add3A_345 = arith.addi %add3A_150, %add3A_344 : vector<16xi32>
      %broadcast_in_dim3A_346 = arith.constant 0 : i32
      %broadcast_in_dim3A_347 = vector.broadcast %broadcast_in_dim3A_346 : i32 to vector<16xi32>
      %gather3A_348 = tpu.vector_load_idx %arg20[%add3A_345, %broadcast_in_dim3A_347] : memref<2048x8xf32, #tpu.memory_space<vmem>>[vector<16xi32>, vector<16xi32>], vector<16xf32>,
      %mul3A_349 = arith.mulf %gather3A_348, %get3A_342 : vector<16xf32>
      %add3A_350 = arith.addf %add3A_301, %mul3A_349 : vector<16xf32>
      %broadcast_in_dim3A_351 = arith.constant 1 : i32
      %broadcast_in_dim3A_352 = vector.broadcast %broadcast_in_dim3A_351 : i32 to vector<16xi32>
      %gather3A_353 = tpu.vector_load_idx %arg20[%add3A_345, %broadcast_in_dim3A_352] : memref<2048x8xf32, #tpu.memory_space<vmem>>[vector<16xi32>, vector<16xi32>], vector<16xf32>,
      %mul3A_354 = arith.mulf %gather3A_353, %get3A_342 : vector<16xf32>
      %add3A_355 = arith.addf %add3A_306, %mul3A_354 : vector<16xf32>
      %broadcast_in_dim3A_356 = arith.constant 2 : i32
      %broadcast_in_dim3A_357 = vector.broadcast %broadcast_in_dim3A_356 : i32 to vector<16xi32>
      %gather3A_358 = tpu.vector_load_idx %arg20[%add3A_345, %broadcast_in_dim3A_357] : memref<2048x8xf32, #tpu.memory_space<vmem>>[vector<16xi32>, vector<16xi32>], vector<16xf32>,
      %mul3A_359 = arith.mulf %gather3A_358, %get3A_342 : vector<16xf32>
      %add3A_360 = arith.addf %add3A_311, %mul3A_359 : vector<16xf32>
      %broadcast_in_dim3A_361 = arith.constant 3 : i32
      %broadcast_in_dim3A_362 = vector.broadcast %broadcast_in_dim3A_361 : i32 to vector<16xi32>
      %gather3A_363 = tpu.vector_load_idx %arg20[%add3A_345, %broadcast_in_dim3A_362] : memref<2048x8xf32, #tpu.memory_space<vmem>>[vector<16xi32>, vector<16xi32>], vector<16xf32>,
      %mul3A_364 = arith.mulf %gather3A_363, %get3A_342 : vector<16xf32>
      %add3A_365 = arith.addf %add3A_316, %mul3A_364 : vector<16xf32>
      %broadcast_in_dim3A_366 = arith.constant 4 : i32
      %broadcast_in_dim3A_367 = vector.broadcast %broadcast_in_dim3A_366 : i32 to vector<16xi32>
      %gather3A_368 = tpu.vector_load_idx %arg20[%add3A_345, %broadcast_in_dim3A_367] : memref<2048x8xf32, #tpu.memory_space<vmem>>[vector<16xi32>, vector<16xi32>], vector<16xf32>,
      %mul3A_369 = arith.mulf %gather3A_368, %get3A_342 : vector<16xf32>
      %add3A_370 = arith.addf %add3A_321, %mul3A_369 : vector<16xf32>
      %broadcast_in_dim3A_371 = arith.constant 5 : i32
      %broadcast_in_dim3A_372 = vector.broadcast %broadcast_in_dim3A_371 : i32 to vector<16xi32>
      %gather3A_373 = tpu.vector_load_idx %arg20[%add3A_345, %broadcast_in_dim3A_372] : memref<2048x8xf32, #tpu.memory_space<vmem>>[vector<16xi32>, vector<16xi32>], vector<16xf32>,
      %mul3A_374 = arith.mulf %gather3A_373, %get3A_342 : vector<16xf32>
      %add3A_375 = arith.addf %add3A_326, %mul3A_374 : vector<16xf32>
      %broadcast_in_dim3A_376 = arith.constant 6 : i32
      %broadcast_in_dim3A_377 = vector.broadcast %broadcast_in_dim3A_376 : i32 to vector<16xi32>
      %gather3A_378 = tpu.vector_load_idx %arg20[%add3A_345, %broadcast_in_dim3A_377] : memref<2048x8xf32, #tpu.memory_space<vmem>>[vector<16xi32>, vector<16xi32>], vector<16xf32>,
      %mul3A_379 = arith.mulf %gather3A_378, %get3A_342 : vector<16xf32>
      %add3A_380 = arith.addf %add3A_331, %mul3A_379 : vector<16xf32>
      %broadcast_in_dim3A_381 = arith.constant 7 : i32
      %broadcast_in_dim3A_382 = vector.broadcast %broadcast_in_dim3A_381 : i32 to vector<16xi32>
      %gather3A_383 = tpu.vector_load_idx %arg20[%add3A_345, %broadcast_in_dim3A_382] : memref<2048x8xf32, #tpu.memory_space<vmem>>[vector<16xi32>, vector<16xi32>], vector<16xf32>,
      %mul3A_384 = arith.mulf %gather3A_383, %get3A_342 : vector<16xf32>
      %add3A_385 = arith.addf %add3A_336, %mul3A_384 : vector<16xf32>
      %mul3A_386 = arith.constant 16 : i32
      %mul3A_387 = arith.muli %scan3A_146, %mul3A_386 : i32
      %get3A_388 = arith.constant 5 : i32
      %get3A_389 = arith.index_cast %get3A_388 : i32 to index
      %get3A_390 = arith.index_cast %mul3A_387 : i32 to index
      %get3A_391 = tpu.vector_load %arg24[%get3A_389, %get3A_390] {strides = array<i32>} : memref<8x256xf32, #tpu.memory_space<vmem>>, vector<16xf32>,
      %add3A_392 = arith.constant 1280 : i32
      %add3A_393 = vector.broadcast %add3A_392 : i32 to vector<16xi32>
      %add3A_394 = arith.addi %add3A_150, %add3A_393 : vector<16xi32>
      %broadcast_in_dim3A_395 = arith.constant 0 : i32
      %broadcast_in_dim3A_396 = vector.broadcast %broadcast_in_dim3A_395 : i32 to vector<16xi32>
      %gather3A_397 = tpu.vector_load_idx %arg20[%add3A_394, %broadcast_in_dim3A_396] : memref<2048x8xf32, #tpu.memory_space<vmem>>[vector<16xi32>, vector<16xi32>], vector<16xf32>,
      %mul3A_398 = arith.mulf %gather3A_397, %get3A_391 : vector<16xf32>
      %add3A_399 = arith.addf %add3A_350, %mul3A_398 : vector<16xf32>
      %broadcast_in_dim3A_400 = arith.constant 1 : i32
      %broadcast_in_dim3A_401 = vector.broadcast %broadcast_in_dim3A_400 : i32 to vector<16xi32>
      %gather3A_402 = tpu.vector_load_idx %arg20[%add3A_394, %broadcast_in_dim3A_401] : memref<2048x8xf32, #tpu.memory_space<vmem>>[vector<16xi32>, vector<16xi32>], vector<16xf32>,
      %mul3A_403 = arith.mulf %gather3A_402, %get3A_391 : vector<16xf32>
      %add3A_404 = arith.addf %add3A_355, %mul3A_403 : vector<16xf32>
      %broadcast_in_dim3A_405 = arith.constant 2 : i32
      %broadcast_in_dim3A_406 = vector.broadcast %broadcast_in_dim3A_405 : i32 to vector<16xi32>
      %gather3A_407 = tpu.vector_load_idx %arg20[%add3A_394, %broadcast_in_dim3A_406] : memref<2048x8xf32, #tpu.memory_space<vmem>>[vector<16xi32>, vector<16xi32>], vector<16xf32>,
      %mul3A_408 = arith.mulf %gather3A_407, %get3A_391 : vector<16xf32>
      %add3A_409 = arith.addf %add3A_360, %mul3A_408 : vector<16xf32>
      %broadcast_in_dim3A_410 = arith.constant 3 : i32
      %broadcast_in_dim3A_411 = vector.broadcast %broadcast_in_dim3A_410 : i32 to vector<16xi32>
      %gather3A_412 = tpu.vector_load_idx %arg20[%add3A_394, %broadcast_in_dim3A_411] : memref<2048x8xf32, #tpu.memory_space<vmem>>[vector<16xi32>, vector<16xi32>], vector<16xf32>,
      %mul3A_413 = arith.mulf %gather3A_412, %get3A_391 : vector<16xf32>
      %add3A_414 = arith.addf %add3A_365, %mul3A_413 : vector<16xf32>
      %broadcast_in_dim3A_415 = arith.constant 4 : i32
      %broadcast_in_dim3A_416 = vector.broadcast %broadcast_in_dim3A_415 : i32 to vector<16xi32>
      %gather3A_417 = tpu.vector_load_idx %arg20[%add3A_394, %broadcast_in_dim3A_416] : memref<2048x8xf32, #tpu.memory_space<vmem>>[vector<16xi32>, vector<16xi32>], vector<16xf32>,
      %mul3A_418 = arith.mulf %gather3A_417, %get3A_391 : vector<16xf32>
      %add3A_419 = arith.addf %add3A_370, %mul3A_418 : vector<16xf32>
      %broadcast_in_dim3A_420 = arith.constant 5 : i32
      %broadcast_in_dim3A_421 = vector.broadcast %broadcast_in_dim3A_420 : i32 to vector<16xi32>
      %gather3A_422 = tpu.vector_load_idx %arg20[%add3A_394, %broadcast_in_dim3A_421] : memref<2048x8xf32, #tpu.memory_space<vmem>>[vector<16xi32>, vector<16xi32>], vector<16xf32>,
      %mul3A_423 = arith.mulf %gather3A_422, %get3A_391 : vector<16xf32>
      %add3A_424 = arith.addf %add3A_375, %mul3A_423 : vector<16xf32>
      %broadcast_in_dim3A_425 = arith.constant 6 : i32
      %broadcast_in_dim3A_426 = vector.broadcast %broadcast_in_dim3A_425 : i32 to vector<16xi32>
      %gather3A_427 = tpu.vector_load_idx %arg20[%add3A_394, %broadcast_in_dim3A_426] : memref<2048x8xf32, #tpu.memory_space<vmem>>[vector<16xi32>, vector<16xi32>], vector<16xf32>,
      %mul3A_428 = arith.mulf %gather3A_427, %get3A_391 : vector<16xf32>
      %add3A_429 = arith.addf %add3A_380, %mul3A_428 : vector<16xf32>
      %broadcast_in_dim3A_430 = arith.constant 7 : i32
      %broadcast_in_dim3A_431 = vector.broadcast %broadcast_in_dim3A_430 : i32 to vector<16xi32>
      %gather3A_432 = tpu.vector_load_idx %arg20[%add3A_394, %broadcast_in_dim3A_431] : memref<2048x8xf32, #tpu.memory_space<vmem>>[vector<16xi32>, vector<16xi32>], vector<16xf32>,
      %mul3A_433 = arith.mulf %gather3A_432, %get3A_391 : vector<16xf32>
      %add3A_434 = arith.addf %add3A_385, %mul3A_433 : vector<16xf32>
      %mul3A_435 = arith.constant 16 : i32
      %mul3A_436 = arith.muli %scan3A_146, %mul3A_435 : i32
      %get3A_437 = arith.constant 6 : i32
      %get3A_438 = arith.index_cast %get3A_437 : i32 to index
      %get3A_439 = arith.index_cast %mul3A_436 : i32 to index
      %get3A_440 = tpu.vector_load %arg24[%get3A_438, %get3A_439] {strides = array<i32>} : memref<8x256xf32, #tpu.memory_space<vmem>>, vector<16xf32>,
      %add3A_441 = arith.constant 1536 : i32
      %add3A_442 = vector.broadcast %add3A_441 : i32 to vector<16xi32>
      %add3A_443 = arith.addi %add3A_150, %add3A_442 : vector<16xi32>
      %broadcast_in_dim3A_444 = arith.constant 0 : i32
      %broadcast_in_dim3A_445 = vector.broadcast %broadcast_in_dim3A_444 : i32 to vector<16xi32>
      %gather3A_446 = tpu.vector_load_idx %arg20[%add3A_443, %broadcast_in_dim3A_445] : memref<2048x8xf32, #tpu.memory_space<vmem>>[vector<16xi32>, vector<16xi32>], vector<16xf32>,
      %mul3A_447 = arith.mulf %gather3A_446, %get3A_440 : vector<16xf32>
      %add3A_448 = arith.addf %add3A_399, %mul3A_447 : vector<16xf32>
      %broadcast_in_dim3A_449 = arith.constant 1 : i32
      %broadcast_in_dim3A_450 = vector.broadcast %broadcast_in_dim3A_449 : i32 to vector<16xi32>
      %gather3A_451 = tpu.vector_load_idx %arg20[%add3A_443, %broadcast_in_dim3A_450] : memref<2048x8xf32, #tpu.memory_space<vmem>>[vector<16xi32>, vector<16xi32>], vector<16xf32>,
      %mul3A_452 = arith.mulf %gather3A_451, %get3A_440 : vector<16xf32>
      %add3A_453 = arith.addf %add3A_404, %mul3A_452 : vector<16xf32>
      %broadcast_in_dim3A_454 = arith.constant 2 : i32
      %broadcast_in_dim3A_455 = vector.broadcast %broadcast_in_dim3A_454 : i32 to vector<16xi32>
      %gather3A_456 = tpu.vector_load_idx %arg20[%add3A_443, %broadcast_in_dim3A_455] : memref<2048x8xf32, #tpu.memory_space<vmem>>[vector<16xi32>, vector<16xi32>], vector<16xf32>,
      %mul3A_457 = arith.mulf %gather3A_456, %get3A_440 : vector<16xf32>
      %add3A_458 = arith.addf %add3A_409, %mul3A_457 : vector<16xf32>
      %broadcast_in_dim3A_459 = arith.constant 3 : i32
      %broadcast_in_dim3A_460 = vector.broadcast %broadcast_in_dim3A_459 : i32 to vector<16xi32>
      %gather3A_461 = tpu.vector_load_idx %arg20[%add3A_443, %broadcast_in_dim3A_460] : memref<2048x8xf32, #tpu.memory_space<vmem>>[vector<16xi32>, vector<16xi32>], vector<16xf32>,
      %mul3A_462 = arith.mulf %gather3A_461, %get3A_440 : vector<16xf32>
      %add3A_463 = arith.addf %add3A_414, %mul3A_462 : vector<16xf32>
      %broadcast_in_dim3A_464 = arith.constant 4 : i32
      %broadcast_in_dim3A_465 = vector.broadcast %broadcast_in_dim3A_464 : i32 to vector<16xi32>
      %gather3A_466 = tpu.vector_load_idx %arg20[%add3A_443, %broadcast_in_dim3A_465] : memref<2048x8xf32, #tpu.memory_space<vmem>>[vector<16xi32>, vector<16xi32>], vector<16xf32>,
      %mul3A_467 = arith.mulf %gather3A_466, %get3A_440 : vector<16xf32>
      %add3A_468 = arith.addf %add3A_419, %mul3A_467 : vector<16xf32>
      %broadcast_in_dim3A_469 = arith.constant 5 : i32
      %broadcast_in_dim3A_470 = vector.broadcast %broadcast_in_dim3A_469 : i32 to vector<16xi32>
      %gather3A_471 = tpu.vector_load_idx %arg20[%add3A_443, %broadcast_in_dim3A_470] : memref<2048x8xf32, #tpu.memory_space<vmem>>[vector<16xi32>, vector<16xi32>], vector<16xf32>,
      %mul3A_472 = arith.mulf %gather3A_471, %get3A_440 : vector<16xf32>
      %add3A_473 = arith.addf %add3A_424, %mul3A_472 : vector<16xf32>
      %broadcast_in_dim3A_474 = arith.constant 6 : i32
      %broadcast_in_dim3A_475 = vector.broadcast %broadcast_in_dim3A_474 : i32 to vector<16xi32>
      %gather3A_476 = tpu.vector_load_idx %arg20[%add3A_443, %broadcast_in_dim3A_475] : memref<2048x8xf32, #tpu.memory_space<vmem>>[vector<16xi32>, vector<16xi32>], vector<16xf32>,
      %mul3A_477 = arith.mulf %gather3A_476, %get3A_440 : vector<16xf32>
      %add3A_478 = arith.addf %add3A_429, %mul3A_477 : vector<16xf32>
      %broadcast_in_dim3A_479 = arith.constant 7 : i32
      %broadcast_in_dim3A_480 = vector.broadcast %broadcast_in_dim3A_479 : i32 to vector<16xi32>
      %gather3A_481 = tpu.vector_load_idx %arg20[%add3A_443, %broadcast_in_dim3A_480] : memref<2048x8xf32, #tpu.memory_space<vmem>>[vector<16xi32>, vector<16xi32>], vector<16xf32>,
      %mul3A_482 = arith.mulf %gather3A_481, %get3A_440 : vector<16xf32>
      %add3A_483 = arith.addf %add3A_434, %mul3A_482 : vector<16xf32>
      %mul3A_484 = arith.constant 16 : i32
      %mul3A_485 = arith.muli %scan3A_146, %mul3A_484 : i32
      %get3A_486 = arith.constant 7 : i32
      %get3A_487 = arith.index_cast %get3A_486 : i32 to index
      %get3A_488 = arith.index_cast %mul3A_485 : i32 to index
      %get3A_489 = tpu.vector_load %arg24[%get3A_487, %get3A_488] {strides = array<i32>} : memref<8x256xf32, #tpu.memory_space<vmem>>, vector<16xf32>,
      %add3A_490 = arith.constant 1792 : i32
      %add3A_491 = vector.broadcast %add3A_490 : i32 to vector<16xi32>
      %add3A_492 = arith.addi %add3A_150, %add3A_491 : vector<16xi32>
      %broadcast_in_dim3A_493 = arith.constant 0 : i32
      %broadcast_in_dim3A_494 = vector.broadcast %broadcast_in_dim3A_493 : i32 to vector<16xi32>
      %gather3A_495 = tpu.vector_load_idx %arg20[%add3A_492, %broadcast_in_dim3A_494] : memref<2048x8xf32, #tpu.memory_space<vmem>>[vector<16xi32>, vector<16xi32>], vector<16xf32>,
      %mul3A_496 = arith.mulf %gather3A_495, %get3A_489 : vector<16xf32>
      %add3A_497 = arith.addf %add3A_448, %mul3A_496 : vector<16xf32>
      %broadcast_in_dim3A_498 = arith.constant 1 : i32
      %broadcast_in_dim3A_499 = vector.broadcast %broadcast_in_dim3A_498 : i32 to vector<16xi32>
      %gather3A_500 = tpu.vector_load_idx %arg20[%add3A_492, %broadcast_in_dim3A_499] : memref<2048x8xf32, #tpu.memory_space<vmem>>[vector<16xi32>, vector<16xi32>], vector<16xf32>,
      %mul3A_501 = arith.mulf %gather3A_500, %get3A_489 : vector<16xf32>
      %add3A_502 = arith.addf %add3A_453, %mul3A_501 : vector<16xf32>
      %broadcast_in_dim3A_503 = arith.constant 2 : i32
      %broadcast_in_dim3A_504 = vector.broadcast %broadcast_in_dim3A_503 : i32 to vector<16xi32>
      %gather3A_505 = tpu.vector_load_idx %arg20[%add3A_492, %broadcast_in_dim3A_504] : memref<2048x8xf32, #tpu.memory_space<vmem>>[vector<16xi32>, vector<16xi32>], vector<16xf32>,
      %mul3A_506 = arith.mulf %gather3A_505, %get3A_489 : vector<16xf32>
      %add3A_507 = arith.addf %add3A_458, %mul3A_506 : vector<16xf32>
      %broadcast_in_dim3A_508 = arith.constant 3 : i32
      %broadcast_in_dim3A_509 = vector.broadcast %broadcast_in_dim3A_508 : i32 to vector<16xi32>
      %gather3A_510 = tpu.vector_load_idx %arg20[%add3A_492, %broadcast_in_dim3A_509] : memref<2048x8xf32, #tpu.memory_space<vmem>>[vector<16xi32>, vector<16xi32>], vector<16xf32>,
      %mul3A_511 = arith.mulf %gather3A_510, %get3A_489 : vector<16xf32>
      %add3A_512 = arith.addf %add3A_463, %mul3A_511 : vector<16xf32>
      %broadcast_in_dim3A_513 = arith.constant 4 : i32
      %broadcast_in_dim3A_514 = vector.broadcast %broadcast_in_dim3A_513 : i32 to vector<16xi32>
      %gather3A_515 = tpu.vector_load_idx %arg20[%add3A_492, %broadcast_in_dim3A_514] : memref<2048x8xf32, #tpu.memory_space<vmem>>[vector<16xi32>, vector<16xi32>], vector<16xf32>,
      %mul3A_516 = arith.mulf %gather3A_515, %get3A_489 : vector<16xf32>
      %add3A_517 = arith.addf %add3A_468, %mul3A_516 : vector<16xf32>
      %broadcast_in_dim3A_518 = arith.constant 5 : i32
      %broadcast_in_dim3A_519 = vector.broadcast %broadcast_in_dim3A_518 : i32 to vector<16xi32>
      %gather3A_520 = tpu.vector_load_idx %arg20[%add3A_492, %broadcast_in_dim3A_519] : memref<2048x8xf32, #tpu.memory_space<vmem>>[vector<16xi32>, vector<16xi32>], vector<16xf32>,
      %mul3A_521 = arith.mulf %gather3A_520, %get3A_489 : vector<16xf32>
      %add3A_522 = arith.addf %add3A_473, %mul3A_521 : vector<16xf32>
      %broadcast_in_dim3A_523 = arith.constant 6 : i32
      %broadcast_in_dim3A_524 = vector.broadcast %broadcast_in_dim3A_523 : i32 to vector<16xi32>
      %gather3A_525 = tpu.vector_load_idx %arg20[%add3A_492, %broadcast_in_dim3A_524] : memref<2048x8xf32, #tpu.memory_space<vmem>>[vector<16xi32>, vector<16xi32>], vector<16xf32>,
      %mul3A_526 = arith.mulf %gather3A_525, %get3A_489 : vector<16xf32>
      %add3A_527 = arith.addf %add3A_478, %mul3A_526 : vector<16xf32>
      %broadcast_in_dim3A_528 = arith.constant 7 : i32
      %broadcast_in_dim3A_529 = vector.broadcast %broadcast_in_dim3A_528 : i32 to vector<16xi32>
      %gather3A_530 = tpu.vector_load_idx %arg20[%add3A_492, %broadcast_in_dim3A_529] : memref<2048x8xf32, #tpu.memory_space<vmem>>[vector<16xi32>, vector<16xi32>], vector<16xf32>,
      %mul3A_531 = arith.mulf %gather3A_530, %get3A_489 : vector<16xf32>
      %add3A_532 = arith.addf %add3A_483, %mul3A_531 : vector<16xf32>
      %and3A_533 = arith.constant 7 : i32
      %and3A_534 = arith.andi %scan3A_146, %and3A_533 : i32
      %mul3A_535 = arith.constant 16 : i32
      %mul3A_536 = arith.muli %and3A_534, %mul3A_535 : i32
      %add3A_537 = vector.broadcast %mul3A_536 : i32 to vector<16xi32>
      %add3A_538 = arith.addi %add3A_537, %iota3A : vector<16xi32>
      %shift_right_arithmetic3A_539 = arith.constant 3 : i32
      %shift_right_arithmetic3A_540 = arith.shrsi %scan3A_146, %shift_right_arithmetic3A_539 : i32
      %mul3A_541 = arith.constant 8 : i32
      %mul3A_542 = arith.muli %shift_right_arithmetic3A_540, %mul3A_541 : i32
      %broadcast_in_dim3A_543 = arith.constant 16 : i32
      %broadcast_in_dim3A_544 = vector.broadcast %broadcast_in_dim3A_543 : i32 to vector<16xi32>
      %add3A_545 = vector.broadcast %mul3A_542 : i32 to vector<16xi32>
      %add3A_546 = arith.addi %broadcast_in_dim3A_544, %add3A_545 : vector<16xi32>
      tpu.vector_store_idx %arg27[%add3A_546, %add3A_538], %add3A_497 : memref<32x128xf32, #tpu.memory_space<vmem>>[vector<16xi32>, vector<16xi32>], vector<16xf32>,
      %broadcast_in_dim3A_547 = arith.constant 17 : i32
      %broadcast_in_dim3A_548 = vector.broadcast %broadcast_in_dim3A_547 : i32 to vector<16xi32>
      %add3A_549 = vector.broadcast %mul3A_542 : i32 to vector<16xi32>
      %add3A_550 = arith.addi %broadcast_in_dim3A_548, %add3A_549 : vector<16xi32>
      tpu.vector_store_idx %arg27[%add3A_550, %add3A_538], %add3A_502 : memref<32x128xf32, #tpu.memory_space<vmem>>[vector<16xi32>, vector<16xi32>], vector<16xf32>,
      %broadcast_in_dim3A_551 = arith.constant 18 : i32
      %broadcast_in_dim3A_552 = vector.broadcast %broadcast_in_dim3A_551 : i32 to vector<16xi32>
      %add3A_553 = vector.broadcast %mul3A_542 : i32 to vector<16xi32>
      %add3A_554 = arith.addi %broadcast_in_dim3A_552, %add3A_553 : vector<16xi32>
      tpu.vector_store_idx %arg27[%add3A_554, %add3A_538], %add3A_507 : memref<32x128xf32, #tpu.memory_space<vmem>>[vector<16xi32>, vector<16xi32>], vector<16xf32>,
      %broadcast_in_dim3A_555 = arith.constant 19 : i32
      %broadcast_in_dim3A_556 = vector.broadcast %broadcast_in_dim3A_555 : i32 to vector<16xi32>
      %add3A_557 = vector.broadcast %mul3A_542 : i32 to vector<16xi32>
      %add3A_558 = arith.addi %broadcast_in_dim3A_556, %add3A_557 : vector<16xi32>
      tpu.vector_store_idx %arg27[%add3A_558, %add3A_538], %add3A_512 : memref<32x128xf32, #tpu.memory_space<vmem>>[vector<16xi32>, vector<16xi32>], vector<16xf32>,
      %broadcast_in_dim3A_559 = arith.constant 20 : i32
      %broadcast_in_dim3A_560 = vector.broadcast %broadcast_in_dim3A_559 : i32 to vector<16xi32>
      %add3A_561 = vector.broadcast %mul3A_542 : i32 to vector<16xi32>
      %add3A_562 = arith.addi %broadcast_in_dim3A_560, %add3A_561 : vector<16xi32>
      tpu.vector_store_idx %arg27[%add3A_562, %add3A_538], %add3A_517 : memref<32x128xf32, #tpu.memory_space<vmem>>[vector<16xi32>, vector<16xi32>], vector<16xf32>,
      %broadcast_in_dim3A_563 = arith.constant 21 : i32
      %broadcast_in_dim3A_564 = vector.broadcast %broadcast_in_dim3A_563 : i32 to vector<16xi32>
      %add3A_565 = vector.broadcast %mul3A_542 : i32 to vector<16xi32>
      %add3A_566 = arith.addi %broadcast_in_dim3A_564, %add3A_565 : vector<16xi32>
      tpu.vector_store_idx %arg27[%add3A_566, %add3A_538], %add3A_522 : memref<32x128xf32, #tpu.memory_space<vmem>>[vector<16xi32>, vector<16xi32>], vector<16xf32>,
      %broadcast_in_dim3A_567 = arith.constant 22 : i32
      %broadcast_in_dim3A_568 = vector.broadcast %broadcast_in_dim3A_567 : i32 to vector<16xi32>
      %add3A_569 = vector.broadcast %mul3A_542 : i32 to vector<16xi32>
      %add3A_570 = arith.addi %broadcast_in_dim3A_568, %add3A_569 : vector<16xi32>
      tpu.vector_store_idx %arg27[%add3A_570, %add3A_538], %add3A_527 : memref<32x128xf32, #tpu.memory_space<vmem>>[vector<16xi32>, vector<16xi32>], vector<16xf32>,
      %broadcast_in_dim3A_571 = arith.constant 23 : i32
      %broadcast_in_dim3A_572 = vector.broadcast %broadcast_in_dim3A_571 : i32 to vector<16xi32>
      %add3A_573 = vector.broadcast %mul3A_542 : i32 to vector<16xi32>
      %add3A_574 = arith.addi %broadcast_in_dim3A_572, %add3A_573 : vector<16xi32>
      tpu.vector_store_idx %arg27[%add3A_574, %add3A_538], %add3A_532 : memref<32x128xf32, #tpu.memory_space<vmem>>[vector<16xi32>, vector<16xi32>], vector<16xf32>,
    }
    %scan3A_108 = arith.constant 16 : i32
    %mul3A_109 = arith.constant 32768 : i32
    %mul3A_110 = arith.muli %arg1, %mul3A_109 : i32
    %add3A_111 = arith.constant 32512 : i32
    %add3A_112 = arith.addi %mul3A_110, %add3A_111 : i32
    %jit3A = arith.constant 128 : i32
    %div3A = arith.divsi %add3A_112, %jit3A : i32
    %sign3A = arith.constant 0 : i32
    %sign3A_113 = arith.cmpi sgt, %add3A_112, %sign3A : i32
    %sign3A_114 = arith.extui %sign3A_113 : i1 to i32
    %sign3A_115 = arith.constant 0 : i32
    %sign3A_116 = arith.cmpi slt, %add3A_112, %sign3A_115 : i32
    %sign3A_117 = arith.extui %sign3A_116 : i1 to i32
    %sign3A_118 = arith.subi %sign3A_114, %sign3A_117 : i32
    %sign3A_119 = arith.constant 0 : i32
    %sign3A_120 = arith.cmpi sgt, %jit3A, %sign3A_119 : i32
    %sign3A_121 = arith.extui %sign3A_120 : i1 to i32
    %sign3A_122 = arith.constant 0 : i32
    %sign3A_123 = arith.cmpi slt, %jit3A, %sign3A_122 : i32
    %sign3A_124 = arith.extui %sign3A_123 : i1 to i32
    %sign3A_125 = arith.subi %sign3A_121, %sign3A_124 : i32
    %ne3A = arith.cmpi ne, %sign3A_118, %sign3A_125 : i32
    %rem3A = arith.remsi %add3A_112, %jit3A : i32
    %ne3A_126 = arith.constant 0 : i32
    %ne3A_127 = arith.cmpi ne, %rem3A, %ne3A_126 : i32
    %and3A_128 = arith.andi %ne3A, %ne3A_127 : i1
    %sub3A = arith.constant 1 : i32
    %sub3A_129 = arith.subi %div3A, %sub3A : i32
    %select_n3A = arith.select %and3A_128, %sub3A_129, %div3A : i32
    %mul3A_130 = arith.constant 2 : i32
    %mul3A_131 = arith.muli %mul3A_130, %arg0 : i32
    %mul3A_132 = arith.constant 4096 : i32
    %mul3A_133 = arith.muli %mul3A_131, %mul3A_132 : i32
    %add3A_134 = arith.addi %mul3A_133, %select_n3A : i32
    %mul3A_135 = arith.constant 8 : i32
    %mul3A_136 = arith.muli %add3A_134, %mul3A_135 : i32
    "tpu.region"() ({
      %run_scoped3A = tpu.sem_alloc : memref<!tpu.dma_semaphore, #tpu.memory_space<semaphore_mem>>
      %dma_start3A = arith.constant 0 : i32
      %dma_start3A_146 = arith.constant 0 : i32
      %dma_start3A_147 = tpu.memref_slice %arg27[%dma_start3A, %dma_start3A_146] : memref<32x128xf32, #tpu.memory_space<vmem>> -> memref<16x128xf32, #tpu.memory_space<vmem>>
      %dma_start3A_148 = arith.constant 0 : i32
      %dma_start3A_149 = tpu.memref_slice %arg9[%mul3A_136, %dma_start3A_148] : memref<131072x128xf32, #tpu.memory_space<hbm>> -> memref<16x128xf32, #tpu.memory_space<hbm>>
      %dma_start3A_150 = arith.constant 0 : i32
      %dma_start3A_151 = tpu.memref_slice %arg9[%mul3A_136, %dma_start3A_150] : memref<131072x128xf32, #tpu.memory_space<hbm>> -> memref<16x128xf32, #tpu.memory_space<hbm>>
      %dma_start3A_152 = arith.constant 0 : i32
      %dma_start3A_153 = arith.constant 0 : i32
      %dma_start3A_154 = tpu.memref_slice %arg27[%dma_start3A_152, %dma_start3A_153] : memref<32x128xf32, #tpu.memory_space<vmem>> -> memref<16x128xf32, #tpu.memory_space<vmem>>
      tpu.enqueue_dma source(%dma_start3A_154 : memref<16x128xf32, #tpu.memory_space<vmem>>) target(%dma_start3A_151 : memref<16x128xf32, #tpu.memory_space<hbm>>) target_semaphore(%run_scoped3A : memref<!tpu.dma_semaphore, #tpu.memory_space<semaphore_mem>>)
      %dma_wait3A_155 = arith.constant 0 : i32
      %dma_wait3A_156 = arith.constant 0 : i32
      %dma_wait3A_157 = tpu.memref_slice %arg27[%dma_wait3A_155, %dma_wait3A_156] : memref<32x128xf32, #tpu.memory_space<vmem>> -> memref<16x128xf32, #tpu.memory_space<vmem>>
      %dma_wait3A_158 = arith.constant 0 : i32
      %dma_wait3A_159 = tpu.memref_slice %arg9[%mul3A_136, %dma_wait3A_158] : memref<131072x128xf32, #tpu.memory_space<hbm>> -> memref<16x128xf32, #tpu.memory_space<hbm>>
      %dma_wait3A_160 = arith.constant 0 : i32
      %dma_wait3A_161 = tpu.memref_slice %arg9[%mul3A_136, %dma_wait3A_160] : memref<131072x128xf32, #tpu.memory_space<hbm>> -> memref<16x128xf32, #tpu.memory_space<hbm>>
      %dma_wait3A_162 = arith.constant 0 : i32
      %dma_wait3A_163 = arith.constant 0 : i32
      %dma_wait3A_164 = tpu.memref_slice %arg27[%dma_wait3A_162, %dma_wait3A_163] : memref<32x128xf32, #tpu.memory_space<vmem>> -> memref<16x128xf32, #tpu.memory_space<vmem>>
      tpu.wait_dma2 semaphore(%run_scoped3A : memref<!tpu.dma_semaphore, #tpu.memory_space<semaphore_mem>>) src(%dma_wait3A_164 : memref<16x128xf32, #tpu.memory_space<vmem>>) dst(%dma_wait3A_161 : memref<16x128xf32, #tpu.memory_space<hbm>>)
      tpu.yield
    }) : () -> ()
    %mul3A_137 = arith.constant 2 : i32
    %mul3A_138 = arith.muli %mul3A_137, %arg0 : i32
    %add3A_139 = arith.constant 1 : i32
    %add3A_140 = arith.addi %mul3A_138, %add3A_139 : i32
    %mul3A_141 = arith.constant 4096 : i32
    %mul3A_142 = arith.muli %add3A_140, %mul3A_141 : i32
    %add3A_143 = arith.addi %mul3A_142, %select_n3A : i32
    %mul3A_144 = arith.constant 8 : i32
    %mul3A_145 = arith.muli %add3A_143, %mul3A_144 : i32
    "tpu.region"() ({
      %run_scoped3A = tpu.sem_alloc : memref<!tpu.dma_semaphore, #tpu.memory_space<semaphore_mem>>
      %dma_start3A = arith.constant 16 : i32
      %dma_start3A_146 = arith.constant 0 : i32
      %dma_start3A_147 = tpu.memref_slice %arg27[%dma_start3A, %dma_start3A_146] : memref<32x128xf32, #tpu.memory_space<vmem>> -> memref<16x128xf32, #tpu.memory_space<vmem>>
      %dma_start3A_148 = arith.constant 0 : i32
      %dma_start3A_149 = tpu.memref_slice %arg9[%mul3A_145, %dma_start3A_148] : memref<131072x128xf32, #tpu.memory_space<hbm>> -> memref<16x128xf32, #tpu.memory_space<hbm>>
      %dma_start3A_150 = arith.constant 0 : i32
      %dma_start3A_151 = tpu.memref_slice %arg9[%mul3A_145, %dma_start3A_150] : memref<131072x128xf32, #tpu.memory_space<hbm>> -> memref<16x128xf32, #tpu.memory_space<hbm>>
      %dma_start3A_152 = arith.constant 16 : i32
      %dma_start3A_153 = arith.constant 0 : i32
      %dma_start3A_154 = tpu.memref_slice %arg27[%dma_start3A_152, %dma_start3A_153] : memref<32x128xf32, #tpu.memory_space<vmem>> -> memref<16x128xf32, #tpu.memory_space<vmem>>
      tpu.enqueue_dma source(%dma_start3A_154 : memref<16x128xf32, #tpu.memory_space<vmem>>) target(%dma_start3A_151 : memref<16x128xf32, #tpu.memory_space<hbm>>) target_semaphore(%run_scoped3A : memref<!tpu.dma_semaphore, #tpu.memory_space<semaphore_mem>>)
      %dma_wait3A_155 = arith.constant 16 : i32
      %dma_wait3A_156 = arith.constant 0 : i32
      %dma_wait3A_157 = tpu.memref_slice %arg27[%dma_wait3A_155, %dma_wait3A_156] : memref<32x128xf32, #tpu.memory_space<vmem>> -> memref<16x128xf32, #tpu.memory_space<vmem>>
      %dma_wait3A_158 = arith.constant 0 : i32
      %dma_wait3A_159 = tpu.memref_slice %arg9[%mul3A_145, %dma_wait3A_158] : memref<131072x128xf32, #tpu.memory_space<hbm>> -> memref<16x128xf32, #tpu.memory_space<hbm>>
      %dma_wait3A_160 = arith.constant 0 : i32
      %dma_wait3A_161 = tpu.memref_slice %arg9[%mul3A_145, %dma_wait3A_160] : memref<131072x128xf32, #tpu.memory_space<hbm>> -> memref<16x128xf32, #tpu.memory_space<hbm>>
      %dma_wait3A_162 = arith.constant 16 : i32
      %dma_wait3A_163 = arith.constant 0 : i32
      %dma_wait3A_164 = tpu.memref_slice %arg27[%dma_wait3A_162, %dma_wait3A_163] : memref<32x128xf32, #tpu.memory_space<vmem>> -> memref<16x128xf32, #tpu.memory_space<vmem>>
      tpu.wait_dma2 semaphore(%run_scoped3A : memref<!tpu.dma_semaphore, #tpu.memory_space<semaphore_mem>>) src(%dma_wait3A_164 : memref<16x128xf32, #tpu.memory_space<vmem>>) dst(%dma_wait3A_161 : memref<16x128xf32, #tpu.memory_space<hbm>>)
      tpu.yield
    }) : () -> ()
    return
  }
}

</mosaic_0001>

<sc_bundles>
// kernel: kernel.3.cloned.1.call-start
scs
__scs_entry_jumppad:
0x0: {  	(pc) =	sbr.rel $0x88, $3  }
0x1: {  	(tag) =	ssettag $0x0;
	lr =	simm.s32 $0x1  }
0x2: {  	[smem:$0x3F97] =	sst lr;
	_ =	strace $0xD0000000  }
0x3: {  	_ = 	snop  }
0x4: {  	_ = 	snop  }
0x5: {  	_ = 	snop  }
0x6: {  	_ = 	snop  }
0x7: {  	_ = 	snop  }
__scs_overlays_trampoline_lowered:
0x8: {  	[smem:$0x3FA6] =	sst s0  }
0x9: {  	[smem:$0x3FA7] =	sst s1  }
0xa: {  	[smem:$0x3FA8] =	sst s2  }
0xb: {  	[smem:$0x3FA9] =	sst s3  }
0xc: {  	[smem:$0x3FAA] =	sst s4  }
0xd: {  	[smem:$0x3FAB] =	sst s5  }
0xe: {  	[smem:$0x3FAC] =	sst s6  }
0xf: {  	[smem:$0x3FAD] =	sst s7  }
0x10: {  	[smem:$0x3FAE] =	sst s8  }
0x11: {  	[smem:$0x3FAF] =	sst s9;
	s0 =	simm.s32 @!p0 $0x0  }
0x12: {  	s1 =	sld [smem:$0x3F95];
	s0 =	simm.s32 @p0 $0x1  }
0x13: {  	[smem:$0x3FB0] =	sst s0;
	s0 =	simm.s32 @!p1 $0x0  }
0x14: {  	s2 =	sld [smem:$0x3F94];
	s0 =	simm.s32 @p1 $0x1  }
0x15: {  	[smem:$0x3FB1] =	sst s0;
	s0 =	simm.s32 @!p2 $0x0  }
0x16: {  	s3 =	sld [smem:$0x3FDB];
	s0 =	simm.s32 @p2 $0x1  }
0x17: {  	s4 =	simm.s32 $0x1BF5;
	[smem:$0x3FB3] =	sst s0  }
0x18: {  	s0 =	sld [smem:$0x3F96];
	_ =	swait.ge [sflag:s4], $0x0  }
0x19: {  	s7 =	sld [smem:$0x3F97]  }
0x1a: {  	s8 =	sadd.s32 $0xFFFFE003, lr  }
0x1b: {  	s9 =	sadd.s32 $0xFFFFFEF7, lr;
	s5 =	simm.s32 $0xFFFFFFFF;
	p2 =	slt.u32 s8, $0xFFFFF086  }
0x1c: {  	p1 =	slt.u32 s9, $0xF7A;
	s5 =	simm.s32 @!p2 $0x0  }
0x1d: {  	s5 =	simm.s32 @p1 $0x1;
	p0 =	seq.s32 s7, s2  }
0x1e: {  	s7 =	smul.u32 @!p0 $0xF7A, s2;
	p2 =	seq.s32 @!p0 s5, $0x0  }
0x1f: {  	s9 =	smul.u32 $0xF7A, s1;
	s8 =	simm.s32 @!p0 $0x1BF5;
	p2 =	por !p2, p0  }
0x20: {  	[sflag:s8] =	ssyncset.s32 @!p0 $0xFFFFF086;
	s6 =	sadd.s32 @!p0 s3, s7;
	s7 =	simm.s32 @!p0 $0x108  }
0x21: {  	s3 =	sadd.s32 s3, s9;
	s6 =	sadd.s32 @!p0 $0x88, s6;
	s7 =	simm.s32 @p2 $0x1082  }
0x22: {  	[simem:s7], [sflag:s8] =	dma.local @!p0 [hbm:s6], $0xF7A  }
0x23: {  	s9 =	sor.u32 $0xD0000000, s2;
	s6 =	simm.s32 $0x108;
	_ =	swait.ge @!p0 [sflag:s8], $0x0  }
0x24: {  	s3 =	sadd.s32 $0x88, s3;
	s6 =	simm.s32 @!p1 $0x1082;
	[sflag:s4] =	ssyncset.s32 $0xFFFFF086  }
0x25: {  	[simem:s6], [sflag:s4] =	dma.local [hbm:s3], $0xF7A  }
0x26: {  	[smem:$0x3F97] =	sst s1;
	(tag) =	ssettag s2;
	_ =	strace s9  }
0x27: {  	s1 =	sld [smem:$0x3FA7]  }
0x28: {  	s2 =	sld [smem:$0x3FA8]  }
0x29: {  	s4 =	sld [smem:$0x3FAA]  }
0x2a: {  	p0 =	seq.s32 s5, $0x0;
	s5 =	sld [smem:$0x3FAB]  }
0x2b: {  	s6 =	sld [smem:$0x3FAC]  }
0x2c: {  	s7 =	sld [smem:$0x3FAD]  }
0x2d: {  	s3 =	simm.s32 $0x108;
	s8 =	sld [smem:$0x3FAE]  }
0x2e: {  	s3 =	simm.s32 @!p0 $0x1082;
	s9 =	sld [smem:$0x3FAF]  }
0x2f: {  	lr =	sadd.s32 s0, s3;
	s0 =	sld [smem:$0x3FA6]  }
0x30: {  	s3 =	sld [smem:$0x3FA9]  }
0x31: {  	[smem:$0x3FB2] =	sst s10  }
0x32: {  	s10 =	sld [smem:$0x3FB0];
	_ =	sdelay $0x3  }
0x33: {  	p0 =	seq.s32 s10, $0x1;
	s10 =	sld [smem:$0x3FB2];
	_ =	sdelay $0x3  }
0x34: {  	[smem:$0x3FB2] =	sst s10  }
0x35: {  	s10 =	sld [smem:$0x3FB1];
	_ =	sdelay $0x3  }
0x36: {  	p1 =	seq.s32 s10, $0x1;
	s10 =	sld [smem:$0x3FB2];
	_ =	sdelay $0x3  }
0x37: {  	[smem:$0x3FB2] =	sst s10  }
0x38: {  	s10 =	sld [smem:$0x3FB3]  }
0x39: {  	_ = 	snop;
	(pc) =	sbr.ind lr, $3  }
0x3a: {  	_ = 	snop  }
0x3b: {  	_ = 	snop  }
0x3c: {  	p2 =	seq.s32 s10, $0x1;
	s10 =	sld [smem:$0x3FB2]  }
0x3d: {  	_ =	shalt  }
0x3e: {  	_ =	shalt  }
0x3f: {  	_ =	shalt  }
0x40: {  	_ =	shalt  }
0x41: {  	_ =	shalt  }
0x42: {  	_ =	shalt  }
0x43: {  	_ =	shalt  }
0x44: {  	_ =	shalt  }
0x45: {  	_ =	shalt  }
0x46: {  	_ =	shalt  }
0x47: {  	_ =	shalt  }
0x48: {  	_ =	shalt  }
0x49: {  	_ =	shalt  }
0x4a: {  	_ =	shalt  }
0x4b: {  	_ =	shalt  }
0x4c: {  	_ =	shalt  }
0x4d: {  	_ =	shalt  }
0x4e: {  	_ =	shalt  }
0x4f: {  	_ =	shalt  }
0x50: {  	_ =	shalt  }
0x51: {  	_ =	shalt  }
0x52: {  	_ =	shalt  }
0x53: {  	_ =	shalt  }
0x54: {  	_ =	shalt  }
0x55: {  	_ =	shalt  }
0x56: {  	_ =	shalt  }
0x57: {  	_ =	shalt  }
0x58: {  	_ =	shalt  }
0x59: {  	_ =	shalt  }
0x5a: {  	_ =	shalt  }
0x5b: {  	_ =	shalt  }
0x5c: {  	_ =	shalt  }
0x5d: {  	_ =	shalt  }
0x5e: {  	_ =	shalt  }
0x5f: {  	_ =	shalt  }
0x60: {  	_ =	shalt  }
0x61: {  	_ =	shalt  }
0x62: {  	_ =	shalt  }
0x63: {  	_ =	shalt  }
0x64: {  	_ =	shalt  }
0x65: {  	_ =	shalt  }
0x66: {  	_ =	shalt  }
0x67: {  	_ =	shalt  }
0x68: {  	_ =	shalt  }
0x69: {  	_ =	shalt  }
0x6a: {  	_ =	shalt  }
0x6b: {  	_ =	shalt  }
0x6c: {  	_ =	shalt  }
0x6d: {  	_ =	shalt  }
0x6e: {  	_ =	shalt  }
0x6f: {  	_ =	shalt  }
0x70: {  	_ =	shalt  }
0x71: {  	_ =	shalt  }
0x72: {  	_ =	shalt  }
0x73: {  	_ =	shalt  }
0x74: {  	_ =	shalt  }
0x75: {  	_ =	shalt  }
0x76: {  	_ =	shalt  }
0x77: {  	_ =	shalt  }
0x78: {  	_ =	shalt  }
0x79: {  	_ =	shalt  }
0x7a: {  	_ =	shalt  }
0x7b: {  	_ =	shalt  }
0x7c: {  	_ =	shalt  }
0x7d: {  	_ =	shalt  }
0x7e: {  	_ =	shalt  }
0x7f: {  	_ =	shalt  }
0x80: {  	_ =	shalt  }
0x81: {  	_ =	shalt  }
0x82: {  	_ =	shalt  }
0x83: {  	_ =	shalt  }
0x84: {  	_ =	shalt  }
0x85: {  	_ =	shalt  }
0x86: {  	_ =	shalt  }
0x87: {  	_ =	shalt  }
.Lfunc_end0:
.L_simem_size_0:
called_computation_lowered:
.L_overlay_start_0:
0x88: {  	s2 =	sld [smem:$0x3FD9]  }
0x89: {  	s3 =	sld [smem:$0x3FFE];
	_ =	sdelay $0x1  }
0x8a: {  	s1 =	srdreg.scid  }
0x8b: {  	s0 =	sand.u32 $0x1, s1  }
0x8c: {  	s17 =	sshll.u32 s0, $0xA;
	s2 =	sadd.s32 s3, s2  }
0x8d: {  	s3 =	sadd.s32 s2, s17  }
0x8e: {  	[smem:$0x3FBE] =	sst s3  }
0x8f: {  	_ = 	snop  }
0x90: {  	s3 =	sld [smem:$0x3FD0];
	(tm) =	ssettm $0x1  }
0x91: {  	s4 =	sld [smem:$0x3FFB];
	_ =	sdelay $0x3  }
0x92: {  	_ =	strace s4  }
0x93: {  	s4 =	sld [smem:$0x3FFC];
	_ =	sdelay $0x3  }
0x94: {  	_ =	strace s4  }
0x95: {  	s4 =	sld [smem:$0x3FFD];
	_ =	sdelay $0x3  }
0x96: {  	_ =	strace s4  }
0x97: {  	_ =	strace $0x8FFFFFFF  }
0x98: {  	s18 =	sld [smem:$0x3FDB];
	_ =	sdelay $0x1  }
0x99: {  	s5 =	simm.s32 $_scs_section_size  }
0x9a: {  	s6 =	simm.s32 $_size__tile_overlayer_lowered;
	s7 =	simm.s32 $_tile_overlayer_lowered  }
0x9b: {  	s21 =	simm.s32 $0x1BFF;
	s20 =	sshll.u32 s7, $0x1;
	s4 =	sadd.s32 s5, s18  }
0x9c: {  	s8 =	simm.s32 $0x0;
	s19 =	sshll.u32 s6, $0x1;
	s6 =	sadd.s32 s20, s4  }
0x9d: {  	[timem:s8], [sflag:s21] =	dma.local [hbm:s6], s19  }
0x9e: {  	_ =	swait.ge [sflag:s21], s19  }
0x9f: {  	s5 =	ssub.s32 $0x0, s19;
	[sflag:s21] =	ssyncset.done $0x0  }
0xa0: {  	[sflag:s21] =	ssyncadd.s32 s5;
	_ =	sdelay $0x1  }
0xa1: {  	s22 =	simm.s32 $0x1B8B  }
0xa2: {  	_ =	swait.ge [sflag:s22], $0x1  }
0xa3: {  	[sflag:s22] =	ssyncset.done $0x0  }
0xa4: {  	s24 =	simm.s32 $0x1B8E;
	s23 =	sld [smem:$0x3FFE];
	[sflag:s22] =	ssyncadd.s32 $0xFFFFFFFF  }
0xa5: {  	s25 =	simm.s32 $execute0_lowered;
	[smem:$0x3FD2] =	sst s24  }
0xa6: {  	s6 =	sshll.u32 s25, $0x1;
	_ =	strace $0x80000046;
	[dreg:$0x1] =	wrdreg $0xFFFFFFFF  }
0xa7: {  	s26 =	simm.s32 $_size_execute0_lowered;
	s4 =	sadd.s32 s4, s6;
	[dreg:$0x0] =	wrdreg $0x0  }
0xa8: {  	s6 =	sshll.u32 s26, $0x1;
	[dreg:$0x2] =	wrdreg s4  }
0xa9: {  	[dreg:$0x3] =	wrdreg s6  }
0xaa: {  	[dreg:$0x4] =	wrdreg $0xC0  }
0xab: {  	_ =	task [dreg:s8], $0x5FFFF  }
0xac: {  	[dreg:$0x1] =	wrdreg $0xFFFFFFFF  }
0xad: {  	[dreg:$0x0] =	wrdreg $0x60  }
0xae: {  	[dreg:$0x2] =	wrdreg s23  }
0xaf: {  	s28 =	sadd.s32 $0x800, s2;
	[dreg:$0x3] =	wrdreg s3  }
0xb0: {  	s2 =	sadd.s32 $0xC4800, s2;
	[dreg:$0x4] =	wrdreg s28  }
0xb1: {  	[dreg:$0x5] =	wrdreg s2  }
0xb2: {  	[dreg:$0x6] =	wrdreg $0x9  }
0xb3: {  	_ =	task.clear_ibuf [dreg:s8], $0x7FFFF;
	_ =	strace $0x90000046  }
0xb4: {  	s29 =	simm.s32 $0x9;
	_ =	strace $0x80000048  }
0xb5: {  	_ =	swait.ge [sflag:s29], $0x1  }
0xb6: {  	[sflag:s29] =	ssyncadd.s32 $0xFFFFFFFF  }
0xb7: {  	_ =	strace $0x90000048  }
0xb8: {  	_ =	sfence  }
0xb9: {  	s30 =	sld [smem:$0x0];
	_ =	sdelay $0x2  }
0xba: {  	s31 =	sshll.u32 s1, $0xD;
	s1 =	sshrl.u32 s1, $0x2  }
0xbb: {  	s3 =	sand.u32 $0x4000, s31;
	s1 =	sadd.s32 s1, s30  }
0xbc: {  	s0 =	sor.u32 s3, s0;
	s1 =	sshll.u32 s1, $0x11  }
0xbd: {  	s0 =	sor.u32 s1, s0  }
0xbe: {  	s0 =	sadd.s32 $0x8F2B, s0  }
0xbf: {  	[sflag:s0] =	ssyncadd.remote.s32 $0x1  }
0xc0: {  	_ =	sfence.sel $0xFFFF  }
0xc1: {  	[dreg:$0x0] =	wrdreg $0xFFFFFFFF;
	(pc) =	sbr.abs _section_cstart, $3  }
0xc2: {  	[dreg:$0x1] =	wrdreg $0xFFFFFFFF  }
0xc3: {  	_ =	task.clear_ibuf [dreg:s8], $0x2FFFF;
	_ =	strace $0x9FFFFFFF  }
0xc4: {  	(tm) =	ssettm $0x7FFFFFFF  }
0xc5: {  	_ =	shalt  }
tec
execute0_lowered:
.L_overlay_start_1:
0x0: {  	(tag) =	ssettag $0x1  }
0x1: {  	s23 =	rddreg [dreg:$0x0]  }
0x2: {  	s12 =	rddreg [dreg:$0x1]  }
0x3: {  	s15 =	rddreg [dreg:$0x2];
	s0 =	srdreg.scid;
	s5 =	simm.s32 $0x0  }
0x4: {  	s31 =	stileid.u32;
	s1 =	sand.u32 $0x1, s0;
	[smem:$0x7FF] =	sst s5  }
0x5: {  	s7 =	sadd.s32 $0x10C800, s23;
	s16 =	sshrl.u32 s31, $0x3;
	s20 =	sshll.u32 s31, $0x12  }
0x6: {  	s17 =	smul.u32 $0x30D400, s1;
	_ =	strace $0x80000047;
	s0 =	ssub.s32 $0x2, s1  }
0x7: {  	s11 =	sshll.u32 s1, $0x1;
	s6 =	sshllo.u32 s1, $0x1;
	s4 =	smul.u32 $0x310000, s1  }
0x8: {  	s21 =	sshll.u32 s1, $0x17;
	p1 =	seq.s32 s1, $0x0;
	s1 =	sshll.u32 s1, $0x14  }
0x9: {  	s2 =	sshrl.u32 s0, $0x1;
	s26 =	smul.u32 $0x188000, s6;
	[dreg:$0x11] =	wrdreg s1  }
0xa: {  	s3 =	sshrl.u32 s17, $0x3;
	s2 =	ssub.s32 s0, s2;
	[dreg:$0x6] =	wrdreg s4  }
0xb: {  	s3 =	sadd.s32 s7, s3;
	s2 =	smax.u32 s2, $0x1;
	[dreg:$0x10] =	wrdreg s26  }
0xc: {  	p0 =	sne.s32 s31, $0x0;
	s8 =	sadd.s32 $0x6180, s3;
	[dreg:$0x13] =	wrdreg s2  }
0xd: {  	s22 =	sshll.u32 s6, $0x16;
	s13 =	sadd.s32 $0xC328, s3;
	[dreg:$0x7] =	wrdreg s8  }
0xe: {  	s0 =	sand.u32 $0x7, s31;
	s14 =	sadd.s32 $0x124D0, s3;
	[dreg:$0x8] =	wrdreg s13  }
0xf: {  	s25 =	sshrl.u32 s4, $0x3;
	s9 =	sadd.s32 $0x18678, s3;
	[dreg:$0x9] =	wrdreg s14  }
0x10: {  	s19 =	sshll.u32 s0, $0x13;
	s18 =	sadd.s32 $0x1E820, s3;
	[dreg:$0xa] =	wrdreg s9  }
0x11: {  	s24 =	sadd.s32 $0x2AB70, s3;
	s8 =	sor.u32 s16, s11;
	[dreg:$0xb] =	wrdreg s18  }
0x12: {  	s11 =	sadd.s32 $0x249C8, s3;
	s9 =	sor.u32 $0x3F800, s20;
	[dreg:$0xd] =	wrdreg s24  }
0x13: {  	s3 =	sadd.s32 $0x30D18, s3;
	s18 =	sshrl.u32 s26, $0x3;
	[dreg:$0xc] =	wrdreg s11  }
0x14: {  	s10 =	sshll.u32 s8, $0x16;
	[dreg:$0xe] =	wrdreg s3;
	s11 =	smul.u32 $0x186A00, s6  }
0x15: {  	s2 =	sadd.s32 $0x30C00, s18;
	s6 =	sshll.u32 s6, $0x13;
	s16 =	sor.u32 s10, s19  }
0x16: {  	s19 =	smul.u32 $0x31000, s8;
	s8 =	sadd.s32 $0x30D40, s25;
	[dreg:$0x1c] =	wrdreg s6  }
0x17: {  	s10 =	sor.u32 s21, s9;
	s4 =	sadd.s32 @!p0 s8, s15;
	[dreg:$0xf] =	wrdreg s11  }
0x18: {  	s10 =	sshrl.u32 s10, $0x3;
	s8 =	sadd.s32 $0x124F80, s17;
	[dreg:$0x1e] =	wrdreg s4  }
0x19: {  	s14 =	sshrl.u32 s11, $0x3;
	s13 =	sadd.s32 s12, s10;
	[smem:$0x7F3] =	sst s8  }
0x1a: {  	s1 =	sadd.s32 s7, s14;
	s14 =	sadd.s32 s2, s15;
	[dreg:$0x12] =	wrdreg s13  }
0x1b: {  	s3 =	sadd.s32 $0x30C00, s25;
	s2 =	sadd.s32 $0xF4240, s17;
	[smem:$0x7E9] =	sst s14  }
0x1c: {  	s4 =	sadd.s32 s3, s15;
	[smem:$0x7F1] =	sst s2  }
0x1d: {  	s20 =	sadd.s32 $0x6180, s1;
	[smem:$0x7F2] =	sst s4  }
0x1e: {  	s21 =	sadd.s32 $0xC328, s1;
	[dreg:$0x14] =	wrdreg s20  }
0x1f: {  	s9 =	sor.u32 s9, s22;
	s22 =	sadd.s32 $0x124D0, s1;
	[dreg:$0x15] =	wrdreg s21  }
0x20: {  	s24 =	sadd.s32 $0x18678, s1;
	[dreg:$0x16] =	wrdreg s22  }
0x21: {  	s25 =	sadd.s32 $0x1E820, s1;
	[dreg:$0x17] =	wrdreg s24  }
0x22: {  	s26 =	sadd.s32 $0x249C8, s1;
	[dreg:$0x18] =	wrdreg s25  }
0x23: {  	s10 =	sadd.s32 $0x2AB70, s1;
	[dreg:$0x19] =	wrdreg s26  }
0x24: {  	s9 =	sshrl.u32 s9, $0x3;
	s1 =	sadd.s32 $0x30D18, s1;
	[dreg:$0x1a] =	wrdreg s10  }
0x25: {  	s13 =	sadd.s32 s12, s9;
	[dreg:$0x1b] =	wrdreg s1  }
0x26: {  	s9 =	sadd.s32 $0x155CC0, s17;
	[dreg:$0x1d] =	wrdreg s13  }
0x27: {  	s1 =	sadd.s32 $0x30D40, s18;
	s18 =	sadd.s32 $0x57200, s23;
	[smem:$0x7F4] =	sst s9  }
0x28: {  	s20 =	sadd.s32 $0x47200, s23;
	[smem:$0x7EA] =	sst s18  }
0x29: {  	s21 =	sadd.s32 $0x37200, s23;
	[smem:$0x7EB] =	sst s20  }
0x2a: {  	s22 =	sadd.s32 $0x30D40, s17;
	[smem:$0x7EC] =	sst s21  }
0x2b: {  	s24 =	sadd.s32 $0x61A80, s17;
	[smem:$0x7ED] =	sst s22  }
0x2c: {  	s25 =	sadd.s32 $0x927C0, s17;
	[smem:$0x7EE] =	sst s24  }
0x2d: {  	s26 =	sadd.s32 $0xC3500, s17;
	[smem:$0x7EF] =	sst s25  }
0x2e: {  	s10 =	sshll.u32 s31, $0xF;
	[smem:$0x7F0] =	sst s26  }
0x2f: {  	v2 =	vimm.f32 $1.024000000e+04;
	v3 =	vimm.s32 $0xFFEDCBA9;
	s28 =	simm.s32 $0x4;
	s1 =	sadd.s32 @!p0 s1, s15;
	[smem:$0x7F5] =	sst s10  }
0x30: {  	v4 =	vimm.f32 $5.120000000e+03;
	v5 =	vimm.s32 $0x87654321;
	v1 =	vlaneseq.u32;
	s29 =	simm.s32 $0x1C800;
	s15 =	sadd.s32 $0x30D40, s11;
	[dreg:$0x1f] =	wrdreg s1  }
0x31: {  	v8 =	vimm.s32 $0xFFFFFFFF;
	vm0 =	vcmask $0x3F3C;
	v12 =	vimm.s32 $0x0;
	s30 =	simm.s32 $0x1E300;
	s18 =	sadd.s32 $0x61A80, s11;
	[smem:$0x7F6] =	sst s15  }
0x32: {  	v6 =	vunpack.c.l.s4.s8 v3;
	v5 =	vunpack.c.l.s4.s8 v5;
	v9 =	vor.u32 $0x80000000, v1;
	s14 =	sadd.s32 $0x18800, s23;
	s20 =	sadd.s32 $0x927C0, s11;
	[smem:$0x7F7] =	sst s18  }
0x33: {  	v14 =	vor.u32 $0x100, v1;
	v16 =	vor.u32 $0x200, v1;
	v18 =	vor.u32 $0x300, v1;
	s2 =	simm.s32 $0x1B000;
	s21 =	sadd.s32 $0xC3500, s11;
	[smem:$0x7F8] =	sst s20  }
0x34: {  	v20 =	vor.u32 $0x400, v1;
	v22 =	vor.u32 $0x500, v1;
	v24 =	vor.u32 $0x600, v1;
	s13 =	sadd.s32 $0xF4000, s23;
	s22 =	sadd.s32 $0xF4240, s11;
	[smem:$0x7F9] =	sst s21  }
0x35: {  	v7 =	vmul.u32 $0x8, v1;
	v26 =	vor.u32 $0x700, v1;
	v2 =	vpsel !p1, $0x45200000, v2;
	s9 =	simm.s32 $0x1B800;
	s24 =	sadd.s32 $0x124F80, s11;
	[smem:$0x7FA] =	sst s22  }
0x36: {  	v3 =	vpsel !p1, $0x44A00000, v4;
	v4 =	vshrl.u32 v1, $0x3;
	v10 =	vunpack.c.0.s8.s32 v6;
	s25 =	sadd.s32 $0x155CC0, s11;
	s26 =	sadd.s32 s12, s6;
	[smem:$0x7FB] =	sst s24  }
0x37: {  	v11 =	vunpack.c.0.s8.s32 v5;
	v5 =	vand.u32 $0x7, v1;
	v6 =	vimm.f32 $0.0e+00;
	s12 =	smov.u32 s17;
	s6 =	simm.s32 $0x17000;
	[smem:$0x7FC] =	sst s25  }
0x38: {  	v4 =	vmul.u32 $0x8, v4;
	v13 =	vor.u32 $0xFFFFFFF8, v5;
	v15 =	vor.u32 $0x100, v5;
	s17 =	simm.s32 $0x5;
	[smem:$0x7FD] =	sst s26;
	s15 =	simm.s32 $0x13000  }
0x39: {  	v17 =	vor.u32 $0x200, v5;
	v19 =	vor.u32 $0x300, v5;
	v21 =	vor.u32 $0x400, v5;
	s18 =	simm.s32 $0x6;
	s20 =	simm.s32 $0x800;
	s21 =	simm.s32 $0x3  }
0x3a: {  	v23 =	vor.u32 $0x500, v5;
	v25 =	vor.u32 $0x600, v5;
	v27 =	vor.u32 $0x700, v5;
	s24 =	simm.s32 $0x3000;
	s22 =	simm.s32 $0x1;
	s25 =	simm.s32 $0x2  }
0x3b: {  	v0 =	vmov s0;
	v10 =	vcombine.low v11, v10;
	v11 =	vor.u32 $0x30D40, v1;
	s26 =	simm.s32 $0x1C000;
	s1 =	simm.s32 $0x0;
	[dreg:$0x5] =	wrdreg s12  }
.LBB2_1:
0x3c: {  	v28 =	vmov s5  }
0x3d: {  	v28 =	vshll.u32 v28, $0x3  }
0x3e: {  	v28 =	vor.u32 v4, v28  }
0x3f: {  	[smem:$0x7E8] =	sst s1;
	s0 =	simm.s32 $0x2;
	v28 =	vor.u32 v5, v28  }
.LBB2_2:
0x40: {  	p1 =	sne.s32 s0, $0x2BE  }
.Ltmp0:
0x41: {  	_ = 	snop;
	(pc) =	sbr.rel @p1 .LBB2_2-.Ltmp0, $4  }
0x42: {  	v29 =	vmov s0  }
0x43: {  	v29 =	vshll.u32 v29, $0x3  }
0x44: {  	v29 =	vor.u32 v4, v29  }
0x45: {  	s0 =	sadd.s32 $0x2, s0;
	[tilespmem:v28+s15+$0x0] =	vst.idx.msk $0xffff, v6;
	v28 =	vor.u32 v5, v29  }
0x46: {  	_ =	sdelay $0x3  }
0x47: {  	[tilespmem:v28+s15+$0x0] =	vst.idx.msk $0xffff, v6;
	s0 =	simm.s32 @!p0 $0x0;
	s1 =	simm.s32 @!p0 $0x13000;
	s3 =	rddreg [dreg:$0x1e]  }
0x48: {  	[hbm4b:s3+s0] =	stream.linear.scatter @!p0 [tilespmem:s1], [sflag:$0x5], $0x1600, $0x38;
	[tilespmem:$0x1F300] =	vst v63  }
0x49: {  	s3 =	simm.s32 @!p0 $0x5  }
0x4a: {  	_ =	swait.ge @!p0 [sflag:s3], $0x1600  }
0x4b: {  	[sflag:s3] =	ssyncset.done @!p0 $0x0  }
.Ltmp1:
0x4c: {  	s8 =	rddreg [dreg:$0x1f];
	[sflag:s3] =	ssyncadd.s32 @!p0 $0xFFFFEA00;
	(pc) =	sbr.rel .LBB2_4-.Ltmp1, $4  }
0x4d: {  	[hbm4b:s8+s0] =	stream.linear.scatter @!p0 [tilespmem:s1], [sflag:$0x5], $0x1600, $0x38;
	[tilespmem:$0x1F300] =	vst v63  }
0x4e: {  	_ =	swait.ge @!p0 [sflag:s3], $0x1600  }
0x4f: {  	[sflag:s3] =	ssyncset.done @!p0 $0x0  }
0x50: {  	s0 =	simm.s32 $0x0;
	[sflag:s3] =	ssyncadd.s32 @!p0 $0xFFFFEA00  }
.LBB2_12:
0x51: {  	s0 =	sadd.s32 $0x1, s0  }
0x52: {  	p1 =	sne.s32 s0, $0x19  }
.Ltmp2:
0x53: {  	_ = 	snop;
	(pc) =	sbr.rel @!p1 .LBB2_13-.Ltmp2, $1  }
0x54: {  	_ =	sdelay $0x3  }
.LBB2_4:
0x55: {  	s1 =	sshll.u32 s0, $0x4  }
0x56: {  	s1 =	sor.u32 s31, s1  }
0x57: {  	p1 =	sgt.u32 s1, $0x185  }
.Ltmp3:
0x58: {  	_ = 	snop;
	(pc) =	sbr.rel @p1 .LBB2_8-.Ltmp3, $1  }
0x59: {  	_ =	sdelay $0x3  }
0x5a: {  	s8 =	sshll.u32 s1, $0x9  }
0x5b: {  	s3 =	sadd.s32 s12, s8  }
0x5c: {  	s3 =	sshrl.u32 s3, $0x3  }
0x5d: {  	s10 =	simm.s32 $0x0;
	s11 =	simm.s32 $0x1D300;
	s3 =	sadd.s32 s7, s3  }
0x5e: {  	[tilespmem:s11], [sflag:$0x6] =	stream.linear.gather [hbm4b:s3+s10], $0x200, $0x38;
	[tilespmem:$0x1F300] =	vst v63  }
0x5f: {  	_ =	swait.ge [sflag:s18], $0x200  }
0x60: {  	s11 =	sld [smem:$0x7ED];
	_ =	sdelay $0x2  }
0x61: {  	s3 =	sadd.s32 s11, s8  }
0x62: {  	[sflag:s18] =	ssyncset.done $0x0;
	s3 =	sshrl.u32 s3, $0x3  }
0x63: {  	s4 =	simm.s32 $0x1D500;
	[sflag:s18] =	ssyncadd.s32 $0xFFFFFE00;
	s3 =	sadd.s32 s7, s3  }
0x64: {  	[tilespmem:s4], [sflag:$0x6] =	stream.linear.gather [hbm4b:s3+s10], $0x200, $0x38;
	[tilespmem:$0x1F300] =	vst v63  }
0x65: {  	_ =	swait.ge [sflag:s18], $0x200  }
0x66: {  	s11 =	sld [smem:$0x7EE];
	_ =	sdelay $0x2  }
0x67: {  	s3 =	sadd.s32 s11, s8  }
0x68: {  	[sflag:s18] =	ssyncset.done $0x0;
	s3 =	sshrl.u32 s3, $0x3  }
0x69: {  	s4 =	simm.s32 $0x1D700;
	[sflag:s18] =	ssyncadd.s32 $0xFFFFFE00;
	s3 =	sadd.s32 s7, s3  }
0x6a: {  	[tilespmem:s4], [sflag:$0x6] =	stream.linear.gather [hbm4b:s3+s10], $0x200, $0x38;
	[tilespmem:$0x1F300] =	vst v63  }
0x6b: {  	_ =	swait.ge [sflag:s18], $0x200  }
0x6c: {  	s11 =	sld [smem:$0x7EF];
	_ =	sdelay $0x2  }
0x6d: {  	s3 =	sadd.s32 s11, s8  }
0x6e: {  	[sflag:s18] =	ssyncset.done $0x0;
	s3 =	sshrl.u32 s3, $0x3  }
0x6f: {  	s4 =	simm.s32 $0x1D900;
	[sflag:s18] =	ssyncadd.s32 $0xFFFFFE00;
	s3 =	sadd.s32 s7, s3  }
0x70: {  	[tilespmem:s4], [sflag:$0x6] =	stream.linear.gather [hbm4b:s3+s10], $0x200, $0x38;
	[tilespmem:$0x1F300] =	vst v63  }
0x71: {  	_ =	swait.ge [sflag:s18], $0x200  }
0x72: {  	s11 =	sld [smem:$0x7F0];
	_ =	sdelay $0x2  }
0x73: {  	s3 =	sadd.s32 s11, s8  }
0x74: {  	[sflag:s18] =	ssyncset.done $0x0;
	s3 =	sshrl.u32 s3, $0x3  }
0x75: {  	[sflag:s18] =	ssyncadd.s32 $0xFFFFFE00;
	s4 =	sadd.s32 s7, s3;
	s3 =	simm.s32 $0x1DB00  }
0x76: {  	[tilespmem:s3], [sflag:$0x6] =	stream.linear.gather [hbm4b:s4+s10], $0x200, $0x38;
	[tilespmem:$0x1F300] =	vst v63  }
0x77: {  	_ =	swait.ge [sflag:s18], $0x200  }
0x78: {  	s4 =	sld [smem:$0x7F1];
	_ =	sdelay $0x2  }
0x79: {  	s11 =	sadd.s32 s4, s8  }
0x7a: {  	[sflag:s18] =	ssyncset.done $0x0;
	s11 =	sshrl.u32 s11, $0x3  }
0x7b: {  	[sflag:s18] =	ssyncadd.s32 $0xFFFFFE00;
	s4 =	simm.s32 $0x1DD00;
	s11 =	sadd.s32 s7, s11  }
0x7c: {  	[tilespmem:s4], [sflag:$0x6] =	stream.linear.gather [hbm4b:s11+s10], $0x200, $0x38;
	[tilespmem:$0x1F300] =	vst v63  }
0x7d: {  	_ =	swait.ge [sflag:s18], $0x200  }
0x7e: {  	s4 =	sld [smem:$0x7F3];
	_ =	sdelay $0x2  }
0x7f: {  	s11 =	sadd.s32 s4, s8  }
0x80: {  	[sflag:s18] =	ssyncset.done $0x0;
	s11 =	sshrl.u32 s11, $0x3  }
0x81: {  	[sflag:s18] =	ssyncadd.s32 $0xFFFFFE00;
	s4 =	simm.s32 $0x1DF00;
	s11 =	sadd.s32 s7, s11  }
0x82: {  	[tilespmem:s4], [sflag:$0x6] =	stream.linear.gather [hbm4b:s11+s10], $0x200, $0x38;
	[tilespmem:$0x1F300] =	vst v63  }
0x83: {  	_ =	swait.ge [sflag:s18], $0x200  }
0x84: {  	s4 =	sld [smem:$0x7F4];
	_ =	sdelay $0x2  }
0x85: {  	s8 =	sadd.s32 s4, s8  }
0x86: {  	[sflag:s18] =	ssyncset.done $0x0;
	s8 =	sshrl.u32 s8, $0x3  }
0x87: {  	s11 =	simm.s32 $0x1E100;
	[sflag:s18] =	ssyncadd.s32 $0xFFFFFE00;
	s8 =	sadd.s32 s7, s8  }
0x88: {  	[tilespmem:s11], [sflag:$0x6] =	stream.linear.gather [hbm4b:s8+s10], $0x200, $0x38;
	[tilespmem:$0x1F300] =	vst v63  }
0x89: {  	_ =	swait.ge [sflag:s18], $0x200  }
0x8a: {  	v28 =	vmov s10;
	[sflag:s18] =	ssyncset.done $0x0  }
0x8b: {  	v28 =	vshll.u32 v28, $0x3;
	[sflag:s18] =	ssyncadd.s32 $0xFFFFFE00  }
0x8c: {  	v30 =	vor.u32 v7, v28;
	v29 =	vld [tilespmem:s3+$0xFFFFF800];
	_ =	sdelay $0x4  }
0x8d: {  	[tilespmem:v30+s15+$0x0] =	vst.idx.msk $0xffff, v29  }
0x8e: {  	v29 =	vor.u32 $0x1, v30;
	v28 =	vld [tilespmem:s3+$0xFFFFFA00];
	_ =	sdelay $0x4  }
0x8f: {  	[tilespmem:v29+s15+$0x0] =	vst.idx.msk $0xffff, v28  }
0x90: {  	v29 =	vor.u32 $0x2, v30;
	v28 =	vld [tilespmem:s3+$0xFFFFFC00];
	_ =	sdelay $0x4  }
0x91: {  	[tilespmem:v29+s15+$0x0] =	vst.idx.msk $0xffff, v28  }
0x92: {  	v29 =	vor.u32 $0x3, v30;
	v28 =	vld [tilespmem:s3+$0xFFFFFE00];
	_ =	sdelay $0x4  }
0x93: {  	[tilespmem:v29+s15+$0x0] =	vst.idx.msk $0xffff, v28  }
0x94: {  	v29 =	vor.u32 $0x4, v30;
	v28 =	vld [tilespmem:s3+$0x0];
	_ =	sdelay $0x4  }
0x95: {  	[tilespmem:v29+s15+$0x0] =	vst.idx.msk $0xffff, v28  }
0x96: {  	v29 =	vor.u32 $0x5, v30;
	v28 =	vld [tilespmem:s3+$0x200];
	_ =	sdelay $0x4  }
0x97: {  	[tilespmem:v29+s15+$0x0] =	vst.idx.msk $0xffff, v28  }
0x98: {  	v29 =	vor.u32 $0x6, v30;
	v28 =	vld [tilespmem:s3+$0x400];
	_ =	sdelay $0x4  }
0x99: {  	[tilespmem:v29+s15+$0x0] =	vst.idx.msk $0xffff, v28  }
0x9a: {  	v29 =	vor.u32 $0x7, v30;
	v28 =	vld [tilespmem:s3+$0x600];
	_ =	sdelay $0x2  }
0x9b: {  	s11 =	simm.s32 $0x10  }
0x9c: {  	s8 =	simm.s32 $0x20;
	v30 =	vmov s11  }
.LBB2_6:
0x9d: {  	p1 =	sne.s32 s8, $0x1F0;
	v30 =	vshll.u32 v30, $0x3;
	[tilespmem:v29+s15+$0x0] =	vst.idx.msk $0xffff, v28;
	s3 =	sadd.s32 $0x10, s3  }
0x9e: {  	v28 =	vld [tilespmem:s3+$0xFFFFF800];
	v29 =	vor.u32 v7, v30;
	_ =	sdelay $0x4  }
0x9f: {  	[tilespmem:v29+s15+$0x0] =	vst.idx.msk $0xffff, v28  }
0xa0: {  	v30 =	vor.u32 $0x1, v29;
	v28 =	vld [tilespmem:s3+$0xFFFFFA00];
	_ =	sdelay $0x4  }
0xa1: {  	[tilespmem:v30+s15+$0x0] =	vst.idx.msk $0xffff, v28  }
0xa2: {  	v30 =	vor.u32 $0x2, v29;
	v28 =	vld [tilespmem:s3+$0xFFFFFC00];
	_ =	sdelay $0x4  }
0xa3: {  	[tilespmem:v30+s15+$0x0] =	vst.idx.msk $0xffff, v28  }
0xa4: {  	v30 =	vor.u32 $0x3, v29;
	v28 =	vld [tilespmem:s3+$0xFFFFFE00];
	_ =	sdelay $0x4  }
0xa5: {  	[tilespmem:v30+s15+$0x0] =	vst.idx.msk $0xffff, v28  }
0xa6: {  	v30 =	vor.u32 $0x4, v29;
	v28 =	vld [tilespmem:s3+$0x0];
	_ =	sdelay $0x4  }
0xa7: {  	[tilespmem:v30+s15+$0x0] =	vst.idx.msk $0xffff, v28  }
0xa8: {  	v30 =	vor.u32 $0x5, v29;
	v28 =	vld [tilespmem:s3+$0x200];
	_ =	sdelay $0x4  }
0xa9: {  	[tilespmem:v30+s15+$0x0] =	vst.idx.msk $0xffff, v28  }
0xaa: {  	v30 =	vor.u32 $0x6, v29;
	v28 =	vld [tilespmem:s3+$0x400];
	_ =	sdelay $0x4  }
0xab: {  	[tilespmem:v30+s15+$0x0] =	vst.idx.msk $0xffff, v28  }
.Ltmp4:
0xac: {  	v29 =	vor.u32 $0x7, v29;
	v28 =	vld [tilespmem:s3+$0x600];
	(pc) =	sbr.rel @p1 .LBB2_6-.Ltmp4, $2  }
0xad: {  	_ =	sdelay $0x2  }
0xae: {  	v30 =	vmov s8;
	s8 =	sadd.s32 $0x10, s8  }
0xaf: {  	_ =	sdelay $0x3  }
0xb0: {  	v30 =	vshll.u32 v30, $0x3;
	[tilespmem:v29+s15+$0x0] =	vst.idx.msk $0xffff, v28;
	s3 =	sadd.s32 $0x10, s3  }
0xb1: {  	v28 =	vld [tilespmem:s3+$0xFFFFF800];
	v29 =	vor.u32 v7, v30;
	_ =	sdelay $0x4  }
0xb2: {  	[tilespmem:v29+s15+$0x0] =	vst.idx.msk $0xffff, v28  }
0xb3: {  	v30 =	vor.u32 $0x1, v29;
	v28 =	vld [tilespmem:s3+$0xFFFFFA00];
	_ =	sdelay $0x4  }
0xb4: {  	[tilespmem:v30+s15+$0x0] =	vst.idx.msk $0xffff, v28  }
0xb5: {  	v59 =	vor.u32 $0x2, v29;
	v28 =	vld [tilespmem:s3+$0xFFFFFC00];
	_ =	sdelay $0x4  }
0xb6: {  	[tilespmem:v59+s15+$0x0] =	vst.idx.msk $0xffff, v28  }
0xb7: {  	v60 =	vor.u32 $0x3, v29;
	v28 =	vld [tilespmem:s3+$0xFFFFFE00];
	_ =	sdelay $0x4  }
0xb8: {  	[tilespmem:v60+s15+$0x0] =	vst.idx.msk $0xffff, v28  }
0xb9: {  	v61 =	vor.u32 $0x4, v29;
	v28 =	vld [tilespmem:s3+$0x0];
	_ =	sdelay $0x4  }
0xba: {  	[tilespmem:v61+s15+$0x0] =	vst.idx.msk $0xffff, v28  }
0xbb: {  	v62 =	vor.u32 $0x5, v29;
	v28 =	vld [tilespmem:s3+$0x200];
	_ =	sdelay $0x4  }
0xbc: {  	[tilespmem:v62+s15+$0x0] =	vst.idx.msk $0xffff, v28  }
0xbd: {  	v63 =	vor.u32 $0x6, v29;
	v28 =	vld [tilespmem:s3+$0x400];
	_ =	sdelay $0x4  }
0xbe: {  	[tilespmem:v63+s15+$0x0] =	vst.idx.msk $0xffff, v28  }
0xbf: {  	v29 =	vor.u32 $0x7, v29;
	v28 =	vld [tilespmem:s3+$0x600];
	_ =	sdelay $0x1  }
0xc0: {  	s1 =	sshll.u32 s1, $0xC;
	s10 =	rddreg [dreg:$0x6]  }
0xc1: {  	s1 =	sadd.s32 s10, s1  }
0xc2: {  	s11 =	rddreg [dreg:$0x2];
	s1 =	sshrl.u32 s1, $0x3  }
.Ltmp5:
0xc3: {  	s1 =	sadd.s32 s1, s11;
	[tilespmem:v29+s15+$0x0] =	vst.idx.msk $0xffff, v28;
	(pc) =	sbr.rel .LBB2_12-.Ltmp5, $4  }
0xc4: {  	[hbm4b:s1+s5] =	stream.linear.scatter [tilespmem:s15], [sflag:$0x6], $0x1000, $0x38;
	[tilespmem:$0x1F300] =	vst v63  }
0xc5: {  	_ =	swait.ge [sflag:s18], $0x1000  }
0xc6: {  	[sflag:s18] =	ssyncset.done $0x0  }
0xc7: {  	[sflag:s18] =	ssyncadd.s32 $0xFFFFF000  }
.LBB2_8:
0xc8: {  	p1 =	sne.s32 s1, $0x186  }
.Ltmp6:
0xc9: {  	_ = 	snop;
	(pc) =	sbr.rel @p1 .LBB2_12-.Ltmp6, $1  }
0xca: {  	_ =	sdelay $0x3  }
0xcb: {  	s3 =	simm.s32 $0x0;
	s1 =	rddreg [dreg:$0x7];
	s8 =	simm.s32 $0x1D300  }
0xcc: {  	[tilespmem:s8], [sflag:$0x6] =	stream.linear.gather [hbm4b:s1+s3], $0x200, $0x38;
	[tilespmem:$0x1F300] =	vst v63  }
0xcd: {  	_ =	swait.ge [sflag:s18], $0x200  }
0xce: {  	[sflag:s18] =	ssyncset.done $0x0  }
0xcf: {  	s4 =	simm.s32 $0x1D500;
	s11 =	rddreg [dreg:$0x8];
	[sflag:s18] =	ssyncadd.s32 $0xFFFFFE00  }
0xd0: {  	[tilespmem:s4], [sflag:$0x6] =	stream.linear.gather [hbm4b:s11+s3], $0x200, $0x38;
	[tilespmem:$0x1F300] =	vst v63  }
0xd1: {  	_ =	swait.ge [sflag:s18], $0x200  }
0xd2: {  	[sflag:s18] =	ssyncset.done $0x0  }
0xd3: {  	s10 =	simm.s32 $0x1D700;
	s8 =	rddreg [dreg:$0x9];
	[sflag:s18] =	ssyncadd.s32 $0xFFFFFE00  }
0xd4: {  	[tilespmem:s10], [sflag:$0x6] =	stream.linear.gather [hbm4b:s8+s3], $0x200, $0x38;
	[tilespmem:$0x1F300] =	vst v63  }
0xd5: {  	_ =	swait.ge [sflag:s18], $0x200  }
0xd6: {  	[sflag:s18] =	ssyncset.done $0x0  }
0xd7: {  	s4 =	simm.s32 $0x1D900;
	s11 =	rddreg [dreg:$0xa];
	[sflag:s18] =	ssyncadd.s32 $0xFFFFFE00  }
0xd8: {  	[tilespmem:s4], [sflag:$0x6] =	stream.linear.gather [hbm4b:s11+s3], $0x200, $0x38;
	[tilespmem:$0x1F300] =	vst v63  }
0xd9: {  	_ =	swait.ge [sflag:s18], $0x200  }
0xda: {  	[sflag:s18] =	ssyncset.done $0x0  }
0xdb: {  	s1 =	simm.s32 $0x1DB00;
	s10 =	rddreg [dreg:$0xb];
	[sflag:s18] =	ssyncadd.s32 $0xFFFFFE00  }
0xdc: {  	[tilespmem:s1], [sflag:$0x6] =	stream.linear.gather [hbm4b:s10+s3], $0x200, $0x38;
	[tilespmem:$0x1F300] =	vst v63  }
0xdd: {  	_ =	swait.ge [sflag:s18], $0x200  }
0xde: {  	[sflag:s18] =	ssyncset.done $0x0  }
0xdf: {  	s4 =	simm.s32 $0x1DD00;
	s11 =	rddreg [dreg:$0xc];
	[sflag:s18] =	ssyncadd.s32 $0xFFFFFE00  }
0xe0: {  	[tilespmem:s4], [sflag:$0x6] =	stream.linear.gather [hbm4b:s11+s3], $0x200, $0x38;
	[tilespmem:$0x1F300] =	vst v63  }
0xe1: {  	_ =	swait.ge [sflag:s18], $0x200  }
0xe2: {  	[sflag:s18] =	ssyncset.done $0x0  }
0xe3: {  	s11 =	simm.s32 $0x1DF00;
	s10 =	rddreg [dreg:$0xd];
	[sflag:s18] =	ssyncadd.s32 $0xFFFFFE00  }
0xe4: {  	[tilespmem:s11], [sflag:$0x6] =	stream.linear.gather [hbm4b:s10+s3], $0x200, $0x38;
	[tilespmem:$0x1F300] =	vst v63  }
0xe5: {  	_ =	swait.ge [sflag:s18], $0x200  }
0xe6: {  	[sflag:s18] =	ssyncset.done $0x0  }
0xe7: {  	s10 =	simm.s32 $0x1E100;
	s4 =	rddreg [dreg:$0xe];
	[sflag:s18] =	ssyncadd.s32 $0xFFFFFE00  }
0xe8: {  	[tilespmem:s10], [sflag:$0x6] =	stream.linear.gather [hbm4b:s4+s3], $0x200, $0x38;
	[tilespmem:$0x1F300] =	vst v63  }
0xe9: {  	_ =	swait.ge [sflag:s18], $0x200  }
0xea: {  	v28 =	vmov s3;
	[sflag:s18] =	ssyncset.done $0x0  }
0xeb: {  	v28 =	vshll.u32 v28, $0x3;
	[sflag:s18] =	ssyncadd.s32 $0xFFFFFE00  }
0xec: {  	v30 =	vor.u32 v7, v28;
	v29 =	vld [tilespmem:s1+$0xFFFFF800];
	_ =	sdelay $0x4  }
0xed: {  	[tilespmem:v30+s15+$0x0] =	vst.idx.msk $0xffff, v29  }
0xee: {  	v29 =	vor.u32 $0x1, v30;
	v28 =	vld [tilespmem:s1+$0xFFFFFA00];
	_ =	sdelay $0x4  }
0xef: {  	[tilespmem:v29+s15+$0x0] =	vst.idx.msk $0xffff, v28  }
0xf0: {  	v29 =	vor.u32 $0x2, v30;
	v28 =	vld [tilespmem:s1+$0xFFFFFC00];
	_ =	sdelay $0x4  }
0xf1: {  	[tilespmem:v29+s15+$0x0] =	vst.idx.msk $0xffff, v28  }
0xf2: {  	v29 =	vor.u32 $0x3, v30;
	v28 =	vld [tilespmem:s1+$0xFFFFFE00];
	_ =	sdelay $0x4  }
0xf3: {  	[tilespmem:v29+s15+$0x0] =	vst.idx.msk $0xffff, v28  }
0xf4: {  	v29 =	vor.u32 $0x4, v30;
	v28 =	vld [tilespmem:s1+$0x0];
	_ =	sdelay $0x4  }
0xf5: {  	[tilespmem:v29+s15+$0x0] =	vst.idx.msk $0xffff, v28  }
0xf6: {  	v29 =	vor.u32 $0x5, v30;
	v28 =	vld [tilespmem:s1+$0x200];
	_ =	sdelay $0x4  }
0xf7: {  	[tilespmem:v29+s15+$0x0] =	vst.idx.msk $0xffff, v28  }
0xf8: {  	v29 =	vor.u32 $0x6, v30;
	v28 =	vld [tilespmem:s1+$0x400];
	_ =	sdelay $0x4  }
0xf9: {  	[tilespmem:v29+s15+$0x0] =	vst.idx.msk $0xffff, v28  }
0xfa: {  	v29 =	vor.u32 $0x7, v30;
	v28 =	vld [tilespmem:s1+$0x600];
	_ =	sdelay $0x2  }
0xfb: {  	s11 =	simm.s32 $0x10  }
0xfc: {  	s3 =	simm.s32 $0x20;
	v30 =	vmov s11  }
.LBB2_10:
0xfd: {  	p1 =	sne.s32 s3, $0x130;
	v30 =	vshll.u32 v30, $0x3;
	[tilespmem:v29+s15+$0x0] =	vst.idx.msk $0xffff, v28;
	s1 =	sadd.s32 $0x10, s1  }
0xfe: {  	v28 =	vld [tilespmem:s1+$0xFFFFF800];
	v29 =	vor.u32 v7, v30;
	_ =	sdelay $0x4  }
0xff: {  	[tilespmem:v29+s15+$0x0] =	vst.idx.msk $0xffff, v28  }
0x100: {  	v30 =	vor.u32 $0x1, v29;
	v28 =	vld [tilespmem:s1+$0xFFFFFA00];
	_ =	sdelay $0x4  }
0x101: {  	[tilespmem:v30+s15+$0x0] =	vst.idx.msk $0xffff, v28  }
0x102: {  	v30 =	vor.u32 $0x2, v29;
	v28 =	vld [tilespmem:s1+$0xFFFFFC00];
	_ =	sdelay $0x4  }
0x103: {  	[tilespmem:v30+s15+$0x0] =	vst.idx.msk $0xffff, v28  }
0x104: {  	v30 =	vor.u32 $0x3, v29;
	v28 =	vld [tilespmem:s1+$0xFFFFFE00];
	_ =	sdelay $0x4  }
0x105: {  	[tilespmem:v30+s15+$0x0] =	vst.idx.msk $0xffff, v28  }
0x106: {  	v30 =	vor.u32 $0x4, v29;
	v28 =	vld [tilespmem:s1+$0x0];
	_ =	sdelay $0x4  }
0x107: {  	[tilespmem:v30+s15+$0x0] =	vst.idx.msk $0xffff, v28  }
0x108: {  	v30 =	vor.u32 $0x5, v29;
	v28 =	vld [tilespmem:s1+$0x200];
	_ =	sdelay $0x4  }
0x109: {  	[tilespmem:v30+s15+$0x0] =	vst.idx.msk $0xffff, v28  }
0x10a: {  	v30 =	vor.u32 $0x6, v29;
	v28 =	vld [tilespmem:s1+$0x400];
	_ =	sdelay $0x4  }
0x10b: {  	[tilespmem:v30+s15+$0x0] =	vst.idx.msk $0xffff, v28  }
.Ltmp7:
0x10c: {  	v29 =	vor.u32 $0x7, v29;
	v28 =	vld [tilespmem:s1+$0x600];
	(pc) =	sbr.rel @p1 .LBB2_10-.Ltmp7, $2  }
0x10d: {  	_ =	sdelay $0x2  }
0x10e: {  	v30 =	vmov s3;
	s3 =	sadd.s32 $0x10, s3  }
0x10f: {  	_ =	sdelay $0x3  }
0x110: {  	v30 =	vshll.u32 v30, $0x3;
	[tilespmem:v29+s15+$0x0] =	vst.idx.msk $0xffff, v28;
	s1 =	sadd.s32 $0x10, s1  }
0x111: {  	v28 =	vld [tilespmem:s1+$0xFFFFF800];
	v29 =	vor.u32 v7, v30;
	_ =	sdelay $0x4  }
0x112: {  	[tilespmem:v29+s15+$0x0] =	vst.idx.msk $0xffff, v28  }
0x113: {  	v30 =	vor.u32 $0x1, v29;
	v28 =	vld [tilespmem:s1+$0xFFFFFA00];
	_ =	sdelay $0x4  }
0x114: {  	[tilespmem:v30+s15+$0x0] =	vst.idx.msk $0xffff, v28  }
0x115: {  	v59 =	vor.u32 $0x2, v29;
	v28 =	vld [tilespmem:s1+$0xFFFFFC00];
	_ =	sdelay $0x4  }
0x116: {  	[tilespmem:v59+s15+$0x0] =	vst.idx.msk $0xffff, v28  }
0x117: {  	v60 =	vor.u32 $0x3, v29;
	v28 =	vld [tilespmem:s1+$0xFFFFFE00];
	_ =	sdelay $0x4  }
0x118: {  	[tilespmem:v60+s15+$0x0] =	vst.idx.msk $0xffff, v28  }
0x119: {  	v61 =	vor.u32 $0x4, v29;
	v28 =	vld [tilespmem:s1+$0x0];
	_ =	sdelay $0x4  }
0x11a: {  	[tilespmem:v61+s15+$0x0] =	vst.idx.msk $0xffff, v28  }
0x11b: {  	v62 =	vor.u32 $0x5, v29;
	v28 =	vld [tilespmem:s1+$0x200];
	_ =	sdelay $0x4  }
0x11c: {  	[tilespmem:v62+s15+$0x0] =	vst.idx.msk $0xffff, v28  }
0x11d: {  	v63 =	vor.u32 $0x6, v29;
	v28 =	vld [tilespmem:s1+$0x400];
	_ =	sdelay $0x4  }
0x11e: {  	[tilespmem:v63+s15+$0x0] =	vst.idx.msk $0xffff, v28  }
0x11f: {  	v29 =	vor.u32 $0x7, v29;
	v28 =	vld [tilespmem:s1+$0x600];
	_ =	sdelay $0x2  }
0x120: {  	s11 =	sld [smem:$0x7F2];
	_ =	sdelay $0x1  }
.Ltmp8:
0x121: {  	[tilespmem:v29+s15+$0x0] =	vst.idx.msk $0xffff, v28;
	(pc) =	sbr.rel .LBB2_12-.Ltmp8, $4  }
0x122: {  	[hbm4b:s11+s5] =	stream.linear.scatter [tilespmem:s15], [sflag:$0x5], $0xA00, $0x38;
	[tilespmem:$0x1F300] =	vst v63  }
0x123: {  	_ =	swait.ge [sflag:s17], $0xA00  }
0x124: {  	[sflag:s17] =	ssyncset.done $0x0  }
0x125: {  	[sflag:s17] =	ssyncadd.s32 $0xFFFFF600  }
.LBB2_13:
.Ltmp9:
0x126: {  	(pc) =	sbr.rel .LBB2_14-.Ltmp9, $2  }
0x127: {  	_ =	sdelay $0x2  }
0x128: {  	s0 =	simm.s32 $0x0  }
.LBB2_22:
0x129: {  	s0 =	sadd.s32 $0x1, s0  }
0x12a: {  	p1 =	sne.s32 s0, $0x19  }
.Ltmp10:
0x12b: {  	_ = 	snop;
	(pc) =	sbr.rel @!p1 .LBB2_23-.Ltmp10, $1  }
0x12c: {  	_ =	sdelay $0x3  }
.LBB2_14:
0x12d: {  	s1 =	sshll.u32 s0, $0x4  }
0x12e: {  	s1 =	sor.u32 s31, s1  }
0x12f: {  	p1 =	sgt.u32 s1, $0x185  }
.Ltmp11:
0x130: {  	_ = 	snop;
	(pc) =	sbr.rel @p1 .LBB2_18-.Ltmp11, $1  }
0x131: {  	_ =	sdelay $0x3  }
0x132: {  	s8 =	sshll.u32 s1, $0x9;
	s3 =	rddreg [dreg:$0xf]  }
0x133: {  	s3 =	sadd.s32 s3, s8  }
0x134: {  	s3 =	sshrl.u32 s3, $0x3  }
0x135: {  	s10 =	simm.s32 $0x0;
	s11 =	simm.s32 $0x1D300;
	s3 =	sadd.s32 s7, s3  }
0x136: {  	[tilespmem:s11], [sflag:$0x6] =	stream.linear.gather [hbm4b:s3+s10], $0x200, $0x38;
	[tilespmem:$0x1F300] =	vst v63  }
0x137: {  	_ =	swait.ge [sflag:s18], $0x200  }
0x138: {  	s12 =	sld [smem:$0x7F6];
	_ =	sdelay $0x2  }
0x139: {  	s3 =	sadd.s32 s12, s8  }
0x13a: {  	[sflag:s18] =	ssyncset.done $0x0;
	s3 =	sshrl.u32 s3, $0x3  }
0x13b: {  	s4 =	simm.s32 $0x1D500;
	[sflag:s18] =	ssyncadd.s32 $0xFFFFFE00;
	s3 =	sadd.s32 s7, s3  }
0x13c: {  	[tilespmem:s4], [sflag:$0x6] =	stream.linear.gather [hbm4b:s3+s10], $0x200, $0x38;
	[tilespmem:$0x1F300] =	vst v63  }
0x13d: {  	_ =	swait.ge [sflag:s18], $0x200  }
0x13e: {  	s12 =	sld [smem:$0x7F7];
	_ =	sdelay $0x2  }
0x13f: {  	s3 =	sadd.s32 s12, s8  }
0x140: {  	[sflag:s18] =	ssyncset.done $0x0;
	s3 =	sshrl.u32 s3, $0x3  }
0x141: {  	s4 =	simm.s32 $0x1D700;
	[sflag:s18] =	ssyncadd.s32 $0xFFFFFE00;
	s3 =	sadd.s32 s7, s3  }
0x142: {  	[tilespmem:s4], [sflag:$0x6] =	stream.linear.gather [hbm4b:s3+s10], $0x200, $0x38;
	[tilespmem:$0x1F300] =	vst v63  }
0x143: {  	_ =	swait.ge [sflag:s18], $0x200  }
0x144: {  	s12 =	sld [smem:$0x7F8];
	_ =	sdelay $0x2  }
0x145: {  	s3 =	sadd.s32 s12, s8  }
0x146: {  	[sflag:s18] =	ssyncset.done $0x0;
	s3 =	sshrl.u32 s3, $0x3  }
0x147: {  	s4 =	simm.s32 $0x1D900;
	[sflag:s18] =	ssyncadd.s32 $0xFFFFFE00;
	s3 =	sadd.s32 s7, s3  }
0x148: {  	[tilespmem:s4], [sflag:$0x6] =	stream.linear.gather [hbm4b:s3+s10], $0x200, $0x38;
	[tilespmem:$0x1F300] =	vst v63  }
0x149: {  	_ =	swait.ge [sflag:s18], $0x200  }
0x14a: {  	s12 =	sld [smem:$0x7F9];
	_ =	sdelay $0x2  }
0x14b: {  	s3 =	sadd.s32 s12, s8  }
0x14c: {  	[sflag:s18] =	ssyncset.done $0x0;
	s3 =	sshrl.u32 s3, $0x3  }
0x14d: {  	[sflag:s18] =	ssyncadd.s32 $0xFFFFFE00;
	s4 =	sadd.s32 s7, s3;
	s3 =	simm.s32 $0x1DB00  }
0x14e: {  	[tilespmem:s3], [sflag:$0x6] =	stream.linear.gather [hbm4b:s4+s10], $0x200, $0x38;
	[tilespmem:$0x1F300] =	vst v63  }
0x14f: {  	_ =	swait.ge [sflag:s18], $0x200  }
0x150: {  	s12 =	sld [smem:$0x7FA];
	_ =	sdelay $0x2  }
0x151: {  	s11 =	sadd.s32 s12, s8  }
0x152: {  	[sflag:s18] =	ssyncset.done $0x0;
	s11 =	sshrl.u32 s11, $0x3  }
0x153: {  	s4 =	simm.s32 $0x1DD00;
	[sflag:s18] =	ssyncadd.s32 $0xFFFFFE00;
	s11 =	sadd.s32 s7, s11  }
0x154: {  	[tilespmem:s4], [sflag:$0x6] =	stream.linear.gather [hbm4b:s11+s10], $0x200, $0x38;
	[tilespmem:$0x1F300] =	vst v63  }
0x155: {  	_ =	swait.ge [sflag:s18], $0x200  }
0x156: {  	s4 =	sld [smem:$0x7FB];
	_ =	sdelay $0x2  }
0x157: {  	s11 =	sadd.s32 s4, s8  }
0x158: {  	[sflag:s18] =	ssyncset.done $0x0;
	s11 =	sshrl.u32 s11, $0x3  }
0x159: {  	s12 =	simm.s32 $0x1DF00;
	[sflag:s18] =	ssyncadd.s32 $0xFFFFFE00;
	s11 =	sadd.s32 s7, s11  }
0x15a: {  	[tilespmem:s12], [sflag:$0x6] =	stream.linear.gather [hbm4b:s11+s10], $0x200, $0x38;
	[tilespmem:$0x1F300] =	vst v63  }
0x15b: {  	_ =	swait.ge [sflag:s18], $0x200  }
0x15c: {  	s4 =	sld [smem:$0x7FC];
	_ =	sdelay $0x2  }
0x15d: {  	s8 =	sadd.s32 s4, s8  }
0x15e: {  	[sflag:s18] =	ssyncset.done $0x0;
	s8 =	sshrl.u32 s8, $0x3  }
0x15f: {  	s11 =	simm.s32 $0x1E100;
	[sflag:s18] =	ssyncadd.s32 $0xFFFFFE00;
	s8 =	sadd.s32 s7, s8  }
0x160: {  	[tilespmem:s11], [sflag:$0x6] =	stream.linear.gather [hbm4b:s8+s10], $0x200, $0x38;
	[tilespmem:$0x1F300] =	vst v63  }
0x161: {  	_ =	swait.ge [sflag:s18], $0x200  }
0x162: {  	v28 =	vmov s10;
	[sflag:s18] =	ssyncset.done $0x0  }
0x163: {  	v28 =	vshll.u32 v28, $0x3;
	[sflag:s18] =	ssyncadd.s32 $0xFFFFFE00  }
0x164: {  	v30 =	vor.u32 v7, v28;
	v29 =	vld [tilespmem:s3+$0xFFFFF800];
	_ =	sdelay $0x4  }
0x165: {  	[tilespmem:v30+s15+$0x0] =	vst.idx.msk $0xffff, v29  }
0x166: {  	v29 =	vor.u32 $0x1, v30;
	v28 =	vld [tilespmem:s3+$0xFFFFFA00];
	_ =	sdelay $0x4  }
0x167: {  	[tilespmem:v29+s15+$0x0] =	vst.idx.msk $0xffff, v28  }
0x168: {  	v29 =	vor.u32 $0x2, v30;
	v28 =	vld [tilespmem:s3+$0xFFFFFC00];
	_ =	sdelay $0x4  }
0x169: {  	[tilespmem:v29+s15+$0x0] =	vst.idx.msk $0xffff, v28  }
0x16a: {  	v29 =	vor.u32 $0x3, v30;
	v28 =	vld [tilespmem:s3+$0xFFFFFE00];
	_ =	sdelay $0x4  }
0x16b: {  	[tilespmem:v29+s15+$0x0] =	vst.idx.msk $0xffff, v28  }
0x16c: {  	v29 =	vor.u32 $0x4, v30;
	v28 =	vld [tilespmem:s3+$0x0];
	_ =	sdelay $0x4  }
0x16d: {  	[tilespmem:v29+s15+$0x0] =	vst.idx.msk $0xffff, v28  }
0x16e: {  	v29 =	vor.u32 $0x5, v30;
	v28 =	vld [tilespmem:s3+$0x200];
	_ =	sdelay $0x4  }
0x16f: {  	[tilespmem:v29+s15+$0x0] =	vst.idx.msk $0xffff, v28  }
0x170: {  	v29 =	vor.u32 $0x6, v30;
	v28 =	vld [tilespmem:s3+$0x400];
	_ =	sdelay $0x4  }
0x171: {  	[tilespmem:v29+s15+$0x0] =	vst.idx.msk $0xffff, v28  }
0x172: {  	v29 =	vor.u32 $0x7, v30;
	v28 =	vld [tilespmem:s3+$0x600];
	_ =	sdelay $0x2  }
0x173: {  	s12 =	simm.s32 $0x10  }
0x174: {  	s8 =	simm.s32 $0x20;
	v30 =	vmov s12  }
.LBB2_16:
0x175: {  	p1 =	sne.s32 s8, $0x1F0;
	v30 =	vshll.u32 v30, $0x3;
	[tilespmem:v29+s15+$0x0] =	vst.idx.msk $0xffff, v28;
	s3 =	sadd.s32 $0x10, s3  }
0x176: {  	v28 =	vld [tilespmem:s3+$0xFFFFF800];
	v29 =	vor.u32 v7, v30;
	_ =	sdelay $0x4  }
0x177: {  	[tilespmem:v29+s15+$0x0] =	vst.idx.msk $0xffff, v28  }
0x178: {  	v30 =	vor.u32 $0x1, v29;
	v28 =	vld [tilespmem:s3+$0xFFFFFA00];
	_ =	sdelay $0x4  }
0x179: {  	[tilespmem:v30+s15+$0x0] =	vst.idx.msk $0xffff, v28  }
0x17a: {  	v30 =	vor.u32 $0x2, v29;
	v28 =	vld [tilespmem:s3+$0xFFFFFC00];
	_ =	sdelay $0x4  }
0x17b: {  	[tilespmem:v30+s15+$0x0] =	vst.idx.msk $0xffff, v28  }
0x17c: {  	v30 =	vor.u32 $0x3, v29;
	v28 =	vld [tilespmem:s3+$0xFFFFFE00];
	_ =	sdelay $0x4  }
0x17d: {  	[tilespmem:v30+s15+$0x0] =	vst.idx.msk $0xffff, v28  }
0x17e: {  	v30 =	vor.u32 $0x4, v29;
	v28 =	vld [tilespmem:s3+$0x0];
	_ =	sdelay $0x4  }
0x17f: {  	[tilespmem:v30+s15+$0x0] =	vst.idx.msk $0xffff, v28  }
0x180: {  	v30 =	vor.u32 $0x5, v29;
	v28 =	vld [tilespmem:s3+$0x200];
	_ =	sdelay $0x4  }
0x181: {  	[tilespmem:v30+s15+$0x0] =	vst.idx.msk $0xffff, v28  }
0x182: {  	v30 =	vor.u32 $0x6, v29;
	v28 =	vld [tilespmem:s3+$0x400];
	_ =	sdelay $0x4  }
0x183: {  	[tilespmem:v30+s15+$0x0] =	vst.idx.msk $0xffff, v28  }
.Ltmp12:
0x184: {  	v29 =	vor.u32 $0x7, v29;
	v28 =	vld [tilespmem:s3+$0x600];
	(pc) =	sbr.rel @p1 .LBB2_16-.Ltmp12, $2  }
0x185: {  	_ =	sdelay $0x2  }
0x186: {  	v30 =	vmov s8;
	s8 =	sadd.s32 $0x10, s8  }
0x187: {  	_ =	sdelay $0x3  }
0x188: {  	v30 =	vshll.u32 v30, $0x3;
	[tilespmem:v29+s15+$0x0] =	vst.idx.msk $0xffff, v28;
	s3 =	sadd.s32 $0x10, s3  }
0x189: {  	v28 =	vld [tilespmem:s3+$0xFFFFF800];
	v29 =	vor.u32 v7, v30;
	_ =	sdelay $0x4  }
0x18a: {  	[tilespmem:v29+s15+$0x0] =	vst.idx.msk $0xffff, v28  }
0x18b: {  	v30 =	vor.u32 $0x1, v29;
	v28 =	vld [tilespmem:s3+$0xFFFFFA00];
	_ =	sdelay $0x4  }
0x18c: {  	[tilespmem:v30+s15+$0x0] =	vst.idx.msk $0xffff, v28  }
0x18d: {  	v59 =	vor.u32 $0x2, v29;
	v28 =	vld [tilespmem:s3+$0xFFFFFC00];
	_ =	sdelay $0x4  }
0x18e: {  	[tilespmem:v59+s15+$0x0] =	vst.idx.msk $0xffff, v28  }
0x18f: {  	v60 =	vor.u32 $0x3, v29;
	v28 =	vld [tilespmem:s3+$0xFFFFFE00];
	_ =	sdelay $0x4  }
0x190: {  	[tilespmem:v60+s15+$0x0] =	vst.idx.msk $0xffff, v28  }
0x191: {  	v61 =	vor.u32 $0x4, v29;
	v28 =	vld [tilespmem:s3+$0x0];
	_ =	sdelay $0x4  }
0x192: {  	[tilespmem:v61+s15+$0x0] =	vst.idx.msk $0xffff, v28  }
0x193: {  	v62 =	vor.u32 $0x5, v29;
	v28 =	vld [tilespmem:s3+$0x200];
	_ =	sdelay $0x4  }
0x194: {  	[tilespmem:v62+s15+$0x0] =	vst.idx.msk $0xffff, v28  }
0x195: {  	v63 =	vor.u32 $0x6, v29;
	v28 =	vld [tilespmem:s3+$0x400];
	_ =	sdelay $0x4  }
0x196: {  	[tilespmem:v63+s15+$0x0] =	vst.idx.msk $0xffff, v28  }
0x197: {  	v29 =	vor.u32 $0x7, v29;
	v28 =	vld [tilespmem:s3+$0x600];
	_ =	sdelay $0x1  }
0x198: {  	s1 =	sshll.u32 s1, $0xC;
	s11 =	rddreg [dreg:$0x10]  }
0x199: {  	s1 =	sadd.s32 s11, s1  }
0x19a: {  	s12 =	rddreg [dreg:$0x2];
	s1 =	sshrl.u32 s1, $0x3  }
.Ltmp13:
0x19b: {  	s1 =	sadd.s32 s1, s12;
	[tilespmem:v29+s15+$0x0] =	vst.idx.msk $0xffff, v28;
	(pc) =	sbr.rel .LBB2_22-.Ltmp13, $4  }
0x19c: {  	[hbm4b:s1+s5] =	stream.linear.scatter [tilespmem:s15], [sflag:$0x6], $0x1000, $0x38;
	[tilespmem:$0x1F300] =	vst v63  }
0x19d: {  	_ =	swait.ge [sflag:s18], $0x1000  }
0x19e: {  	[sflag:s18] =	ssyncset.done $0x0  }
0x19f: {  	[sflag:s18] =	ssyncadd.s32 $0xFFFFF000  }
.LBB2_18:
0x1a0: {  	p1 =	sne.s32 s1, $0x186  }
.Ltmp14:
0x1a1: {  	_ = 	snop;
	(pc) =	sbr.rel @p1 .LBB2_22-.Ltmp14, $1  }
0x1a2: {  	_ =	sdelay $0x3  }
0x1a3: {  	s3 =	simm.s32 $0x0;
	s1 =	rddreg [dreg:$0x14];
	s8 =	simm.s32 $0x1D300  }
0x1a4: {  	[tilespmem:s8], [sflag:$0x6] =	stream.linear.gather [hbm4b:s1+s3], $0x200, $0x38;
	[tilespmem:$0x1F300] =	vst v63  }
0x1a5: {  	_ =	swait.ge [sflag:s18], $0x200  }
0x1a6: {  	[sflag:s18] =	ssyncset.done $0x0  }
0x1a7: {  	s4 =	simm.s32 $0x1D500;
	s12 =	rddreg [dreg:$0x15];
	[sflag:s18] =	ssyncadd.s32 $0xFFFFFE00  }
0x1a8: {  	[tilespmem:s4], [sflag:$0x6] =	stream.linear.gather [hbm4b:s12+s3], $0x200, $0x38;
	[tilespmem:$0x1F300] =	vst v63  }
0x1a9: {  	_ =	swait.ge [sflag:s18], $0x200  }
0x1aa: {  	[sflag:s18] =	ssyncset.done $0x0  }
0x1ab: {  	s10 =	simm.s32 $0x1D700;
	s8 =	rddreg [dreg:$0x16];
	[sflag:s18] =	ssyncadd.s32 $0xFFFFFE00  }
0x1ac: {  	[tilespmem:s10], [sflag:$0x6] =	stream.linear.gather [hbm4b:s8+s3], $0x200, $0x38;
	[tilespmem:$0x1F300] =	vst v63  }
0x1ad: {  	_ =	swait.ge [sflag:s18], $0x200  }
0x1ae: {  	[sflag:s18] =	ssyncset.done $0x0  }
0x1af: {  	s12 =	simm.s32 $0x1D900;
	s11 =	rddreg [dreg:$0x17];
	[sflag:s18] =	ssyncadd.s32 $0xFFFFFE00  }
0x1b0: {  	[tilespmem:s12], [sflag:$0x6] =	stream.linear.gather [hbm4b:s11+s3], $0x200, $0x38;
	[tilespmem:$0x1F300] =	vst v63  }
0x1b1: {  	_ =	swait.ge [sflag:s18], $0x200  }
0x1b2: {  	[sflag:s18] =	ssyncset.done $0x0  }
0x1b3: {  	s1 =	simm.s32 $0x1DB00;
	s4 =	rddreg [dreg:$0x18];
	[sflag:s18] =	ssyncadd.s32 $0xFFFFFE00  }
0x1b4: {  	[tilespmem:s1], [sflag:$0x6] =	stream.linear.gather [hbm4b:s4+s3], $0x200, $0x38;
	[tilespmem:$0x1F300] =	vst v63  }
0x1b5: {  	_ =	swait.ge [sflag:s18], $0x200  }
0x1b6: {  	[sflag:s18] =	ssyncset.done $0x0  }
0x1b7: {  	s4 =	simm.s32 $0x1DD00;
	s10 =	rddreg [dreg:$0x19];
	[sflag:s18] =	ssyncadd.s32 $0xFFFFFE00  }
0x1b8: {  	[tilespmem:s4], [sflag:$0x6] =	stream.linear.gather [hbm4b:s10+s3], $0x200, $0x38;
	[tilespmem:$0x1F300] =	vst v63  }
0x1b9: {  	_ =	swait.ge [sflag:s18], $0x200  }
0x1ba: {  	[sflag:s18] =	ssyncset.done $0x0  }
0x1bb: {  	s12 =	simm.s32 $0x1DF00;
	s11 =	rddreg [dreg:$0x1a];
	[sflag:s18] =	ssyncadd.s32 $0xFFFFFE00  }
0x1bc: {  	[tilespmem:s12], [sflag:$0x6] =	stream.linear.gather [hbm4b:s11+s3], $0x200, $0x38;
	[tilespmem:$0x1F300] =	vst v63  }
0x1bd: {  	_ =	swait.ge [sflag:s18], $0x200  }
0x1be: {  	[sflag:s18] =	ssyncset.done $0x0  }
0x1bf: {  	s11 =	simm.s32 $0x1E100;
	s10 =	rddreg [dreg:$0x1b];
	[sflag:s18] =	ssyncadd.s32 $0xFFFFFE00  }
0x1c0: {  	[tilespmem:s11], [sflag:$0x6] =	stream.linear.gather [hbm4b:s10+s3], $0x200, $0x38;
	[tilespmem:$0x1F300] =	vst v63  }
0x1c1: {  	_ =	swait.ge [sflag:s18], $0x200  }
0x1c2: {  	v28 =	vmov s3;
	[sflag:s18] =	ssyncset.done $0x0  }
0x1c3: {  	v28 =	vshll.u32 v28, $0x3;
	[sflag:s18] =	ssyncadd.s32 $0xFFFFFE00  }
0x1c4: {  	v30 =	vor.u32 v7, v28;
	v29 =	vld [tilespmem:s1+$0xFFFFF800];
	_ =	sdelay $0x4  }
0x1c5: {  	[tilespmem:v30+s15+$0x0] =	vst.idx.msk $0xffff, v29  }
0x1c6: {  	v29 =	vor.u32 $0x1, v30;
	v28 =	vld [tilespmem:s1+$0xFFFFFA00];
	_ =	sdelay $0x4  }
0x1c7: {  	[tilespmem:v29+s15+$0x0] =	vst.idx.msk $0xffff, v28  }
0x1c8: {  	v29 =	vor.u32 $0x2, v30;
	v28 =	vld [tilespmem:s1+$0xFFFFFC00];
	_ =	sdelay $0x4  }
0x1c9: {  	[tilespmem:v29+s15+$0x0] =	vst.idx.msk $0xffff, v28  }
0x1ca: {  	v29 =	vor.u32 $0x3, v30;
	v28 =	vld [tilespmem:s1+$0xFFFFFE00];
	_ =	sdelay $0x4  }
0x1cb: {  	[tilespmem:v29+s15+$0x0] =	vst.idx.msk $0xffff, v28  }
0x1cc: {  	v29 =	vor.u32 $0x4, v30;
	v28 =	vld [tilespmem:s1+$0x0];
	_ =	sdelay $0x4  }
0x1cd: {  	[tilespmem:v29+s15+$0x0] =	vst.idx.msk $0xffff, v28  }
0x1ce: {  	v29 =	vor.u32 $0x5, v30;
	v28 =	vld [tilespmem:s1+$0x200];
	_ =	sdelay $0x4  }
0x1cf: {  	[tilespmem:v29+s15+$0x0] =	vst.idx.msk $0xffff, v28  }
0x1d0: {  	v29 =	vor.u32 $0x6, v30;
	v28 =	vld [tilespmem:s1+$0x400];
	_ =	sdelay $0x4  }
0x1d1: {  	[tilespmem:v29+s15+$0x0] =	vst.idx.msk $0xffff, v28  }
0x1d2: {  	v29 =	vor.u32 $0x7, v30;
	v28 =	vld [tilespmem:s1+$0x600];
	_ =	sdelay $0x2  }
0x1d3: {  	s12 =	simm.s32 $0x10  }
0x1d4: {  	s3 =	simm.s32 $0x20;
	v30 =	vmov s12  }
.LBB2_20:
0x1d5: {  	p1 =	sne.s32 s3, $0x130;
	v30 =	vshll.u32 v30, $0x3;
	[tilespmem:v29+s15+$0x0] =	vst.idx.msk $0xffff, v28;
	s1 =	sadd.s32 $0x10, s1  }
0x1d6: {  	v28 =	vld [tilespmem:s1+$0xFFFFF800];
	v29 =	vor.u32 v7, v30;
	_ =	sdelay $0x4  }
0x1d7: {  	[tilespmem:v29+s15+$0x0] =	vst.idx.msk $0xffff, v28  }
0x1d8: {  	v30 =	vor.u32 $0x1, v29;
	v28 =	vld [tilespmem:s1+$0xFFFFFA00];
	_ =	sdelay $0x4  }
0x1d9: {  	[tilespmem:v30+s15+$0x0] =	vst.idx.msk $0xffff, v28  }
0x1da: {  	v30 =	vor.u32 $0x2, v29;
	v28 =	vld [tilespmem:s1+$0xFFFFFC00];
	_ =	sdelay $0x4  }
0x1db: {  	[tilespmem:v30+s15+$0x0] =	vst.idx.msk $0xffff, v28  }
0x1dc: {  	v30 =	vor.u32 $0x3, v29;
	v28 =	vld [tilespmem:s1+$0xFFFFFE00];
	_ =	sdelay $0x4  }
0x1dd: {  	[tilespmem:v30+s15+$0x0] =	vst.idx.msk $0xffff, v28  }
0x1de: {  	v30 =	vor.u32 $0x4, v29;
	v28 =	vld [tilespmem:s1+$0x0];
	_ =	sdelay $0x4  }
0x1df: {  	[tilespmem:v30+s15+$0x0] =	vst.idx.msk $0xffff, v28  }
0x1e0: {  	v30 =	vor.u32 $0x5, v29;
	v28 =	vld [tilespmem:s1+$0x200];
	_ =	sdelay $0x4  }
0x1e1: {  	[tilespmem:v30+s15+$0x0] =	vst.idx.msk $0xffff, v28  }
0x1e2: {  	v30 =	vor.u32 $0x6, v29;
	v28 =	vld [tilespmem:s1+$0x400];
	_ =	sdelay $0x4  }
0x1e3: {  	[tilespmem:v30+s15+$0x0] =	vst.idx.msk $0xffff, v28  }
.Ltmp15:
0x1e4: {  	v29 =	vor.u32 $0x7, v29;
	v28 =	vld [tilespmem:s1+$0x600];
	(pc) =	sbr.rel @p1 .LBB2_20-.Ltmp15, $2  }
0x1e5: {  	_ =	sdelay $0x2  }
0x1e6: {  	v30 =	vmov s3;
	s3 =	sadd.s32 $0x10, s3  }
0x1e7: {  	_ =	sdelay $0x3  }
0x1e8: {  	v30 =	vshll.u32 v30, $0x3;
	[tilespmem:v29+s15+$0x0] =	vst.idx.msk $0xffff, v28;
	s1 =	sadd.s32 $0x10, s1  }
0x1e9: {  	v28 =	vld [tilespmem:s1+$0xFFFFF800];
	v29 =	vor.u32 v7, v30;
	_ =	sdelay $0x4  }
0x1ea: {  	[tilespmem:v29+s15+$0x0] =	vst.idx.msk $0xffff, v28  }
0x1eb: {  	v30 =	vor.u32 $0x1, v29;
	v28 =	vld [tilespmem:s1+$0xFFFFFA00];
	_ =	sdelay $0x4  }
0x1ec: {  	[tilespmem:v30+s15+$0x0] =	vst.idx.msk $0xffff, v28  }
0x1ed: {  	v59 =	vor.u32 $0x2, v29;
	v28 =	vld [tilespmem:s1+$0xFFFFFC00];
	_ =	sdelay $0x4  }
0x1ee: {  	[tilespmem:v59+s15+$0x0] =	vst.idx.msk $0xffff, v28  }
0x1ef: {  	v60 =	vor.u32 $0x3, v29;
	v28 =	vld [tilespmem:s1+$0xFFFFFE00];
	_ =	sdelay $0x4  }
0x1f0: {  	[tilespmem:v60+s15+$0x0] =	vst.idx.msk $0xffff, v28  }
0x1f1: {  	v61 =	vor.u32 $0x4, v29;
	v28 =	vld [tilespmem:s1+$0x0];
	_ =	sdelay $0x4  }
0x1f2: {  	[tilespmem:v61+s15+$0x0] =	vst.idx.msk $0xffff, v28  }
0x1f3: {  	v62 =	vor.u32 $0x5, v29;
	v28 =	vld [tilespmem:s1+$0x200];
	_ =	sdelay $0x4  }
0x1f4: {  	[tilespmem:v62+s15+$0x0] =	vst.idx.msk $0xffff, v28  }
0x1f5: {  	v63 =	vor.u32 $0x6, v29;
	v28 =	vld [tilespmem:s1+$0x400];
	_ =	sdelay $0x4  }
0x1f6: {  	[tilespmem:v63+s15+$0x0] =	vst.idx.msk $0xffff, v28  }
0x1f7: {  	v29 =	vor.u32 $0x7, v29;
	v28 =	vld [tilespmem:s1+$0x600];
	_ =	sdelay $0x2  }
0x1f8: {  	s12 =	sld [smem:$0x7E9];
	_ =	sdelay $0x1  }
.Ltmp16:
0x1f9: {  	[tilespmem:v29+s15+$0x0] =	vst.idx.msk $0xffff, v28;
	(pc) =	sbr.rel .LBB2_22-.Ltmp16, $4  }
0x1fa: {  	[hbm4b:s12+s5] =	stream.linear.scatter [tilespmem:s15], [sflag:$0x5], $0xA00, $0x38;
	[tilespmem:$0x1F300] =	vst v63  }
0x1fb: {  	_ =	swait.ge [sflag:s17], $0xA00  }
0x1fc: {  	[sflag:s17] =	ssyncset.done $0x0  }
0x1fd: {  	[sflag:s17] =	ssyncadd.s32 $0xFFFFF600  }
.LBB2_23:
0x1fe: {  	[bflag:$0x0] =	sbarrier.arrive $0xFFFF;
	s0 =	simm.s32 $0x0;
	s1 =	simm.s32 $0x0  }
.LBB2_24:
0x1ff: {  	p1 =	sne.s32 s1, $0x3FFC0  }
.Ltmp17:
0x200: {  	_ = 	snop;
	(pc) =	sbr.rel @p1 .LBB2_24-.Ltmp17, $3  }
0x201: {  	_ =	sdelay $0x1  }
0x202: {  	s3 =	sshra.s32 s1, $0x2  }
0x203: {  	s1 =	sadd.s32 $0x40, s1;
	[tilespmem:s3+$0x3000] =	vst v8  }
0x204: {  	s1 =	simm.s32 $0x800  }
0x205: {  	s3 =	simm.s32 $0x0;
	s4 =	simm.s32 $0x1000;
	s31 =	simm.s32 $0x1800  }
.LBB2_26:
0x206: {  	s8 =	sshll.u32 s3, $0xC  }
0x207: {  	s8 =	sadd.s32 s19, s8  }
0x208: {  	s10 =	sshrl.u32 s8, $0x3  }
0x209: {  	s12 =	simm.s32 $0x0;
	s11 =	sadd.s32 s13, s10  }
0x20a: {  	[tilespmem:s12], [sflag:$0x3] =	stream.linear.gather [hbm4b:s11+s12], $0x800, $0x38;
	[tilespmem:$0x1F300] =	vst v63  }
0x20b: {  	s8 =	sadd.s32 $0x800, s8;
	s11 =	sadd.s32 s14, s10  }
0x20c: {  	[tilespmem:s20], [sflag:$0x3] =	stream.linear.gather [hbm4b:s11+s12], $0x800, $0x38;
	[tilespmem:$0x1F300] =	vst v63  }
0x20d: {  	s8 =	sshrl.u32 s8, $0x3;
	s10 =	sadd.s32 s23, s10  }
0x20e: {  	[tilespmem:s4], [sflag:$0x3] =	stream.linear.gather [hbm4b:s10+s12], $0x800, $0x38;
	[tilespmem:$0x1F300] =	vst v63  }
0x20f: {  	s11 =	sadd.s32 s13, s8  }
0x210: {  	[tilespmem:s31], [sflag:$0x4] =	stream.linear.gather [hbm4b:s11+s12], $0x800, $0x38;
	[tilespmem:$0x1F300] =	vst v63  }
0x211: {  	s10 =	sadd.s32 s14, s8;
	s11 =	simm.s32 $0x2000  }
0x212: {  	[tilespmem:s11], [sflag:$0x4] =	stream.linear.gather [hbm4b:s10+s12], $0x800, $0x38;
	[tilespmem:$0x1F300] =	vst v63  }
0x213: {  	s8 =	sadd.s32 s23, s8;
	s11 =	simm.s32 $0x2800  }
0x214: {  	[tilespmem:s11], [sflag:$0x4] =	stream.linear.gather [hbm4b:s8+s12], $0x800, $0x38;
	[tilespmem:$0x1F300] =	vst v63  }
0x215: {  	_ =	swait.ge [sflag:s21], $0x800  }
0x216: {  	[sflag:s21] =	ssyncset.done $0x0  }
0x217: {  	[sflag:s21] =	ssyncadd.s32 $0xFFFFF800  }
0x218: {  	_ =	swait.ge [sflag:s21], $0x800  }
0x219: {  	[sflag:s21] =	ssyncset.done $0x0  }
0x21a: {  	[sflag:s21] =	ssyncadd.s32 $0xFFFFF800  }
0x21b: {  	_ =	swait.ge [sflag:s21], $0x800  }
0x21c: {  	[sflag:s21] =	ssyncset.done $0x0  }
0x21d: {  	s12 =	simm.s32 $0x0;
	[sflag:s21] =	ssyncadd.s32 $0xFFFFF800  }
0x21e: {  	v28 =	vld [tilespmem:s12+$0x800]  }
0x21f: {  	v29 =	vld [tilespmem:s12+$0x1000]  }
0x220: {  	v30 =	vld [tilespmem:s12+$0x0];
	_ =	sdelay $0x2  }
0x221: {  	v28 =	vmul.u32 $0x779B1, v28  }
0x222: {  	v29 =	vmul.u32 $0x25795, v29  }
0x223: {  	v28 =	vxor.u32 v30, v28  }
0x224: {  	v28 =	vxor.u32 v29, v28  }
0x225: {  	v29 =	vshrl.u32 v28, $0x10  }
0x226: {  	v61 =	vmov s0;
	v28 =	vshll.u32 v28, $0x4;
	v29 =	vand.u32 $0x7, v29  }
0x227: {  	vm2 =	vlt.u32 v61, $0x30D40;
	v28 =	vand.u32 $0xFFFF0, v28;
	vm1 =	veq.s32 v29, v0  }
0x228: {  	v28 =	vor.u32 v9, v28;
	vm1 =	vmand vm2, vm1  }
0x229: {  	v29 =	vor.u32 s0, v1;
	v28 =	vnsel vm1, $0xFFFFFFFF, v28  }
0x22a: {  	(xrf1) =	vsort.ascd.msk.u32 $0xffff, v28, v29;
	_ =	sdelay $0xd  }
0x22b: {  	v28, v29, _ =	vpop (xrf1)  }
0x22c: {  	v62 =	vshra.s32 v28, $0x4  }
0x22d: {  	v31 =	vxor.u32 $0xF8000000, v62  }
0x22e: {  	v32 =	vperm.xlane v31, v10;
	_ =	sdelay $0x1  }
0x22f: {  	vm1 =	vne.s32 v31, v32  }
0x230: {  	vm2 =	vne.s32 v28, $0xFFFFFFFF;
	vm1 =	vmor vm1, vm0  }
0x231: {  	v28 =	vand.u32 $0xFFFF, v62;
	vm1 =	vmand vm2, vm1  }
0x232: {  	v28 =	vnsel vm1, $0x0, v28;
	_ =	sdelay $0x4  }
0x233: {  	v63 =	vld.idx.msk [tilespmem:v28+s24+$0x0], vm1;
	_ =	sdelay $0x4  }
0x234: {  	vm2 =	vgt.s32 v63, v29  }
0x235: {  	v29 =	vsel vm2, v63, v29  }
0x236: {  	s10 =	simm.s32 $0x80;
	s11 =	simm.s32 $0x10;
	s8 =	smov.u32 s0;
	[tilespmem:v28+s24+$0x0] =	vst.idx.msk vm1, v29  }
.LBB2_27:
0x237: {  	p1 =	sne.s32 s10, $0x1FC0;
	v28 =	vld [tilespmem:s11+$0x800]  }
0x238: {  	v29 =	vld [tilespmem:s11+$0x1000]  }
0x239: {  	v30 =	vld [tilespmem:s11+$0x0];
	_ =	sdelay $0x2  }
0x23a: {  	v28 =	vmul.u32 $0x779B1, v28  }
0x23b: {  	v29 =	vmul.u32 $0x25795, v29  }
0x23c: {  	v28 =	vxor.u32 v30, v28  }
0x23d: {  	v28 =	vxor.u32 v29, v28  }
0x23e: {  	s8 =	sadd.s32 $0x10, s8;
	v29 =	vshrl.u32 v28, $0x10  }
0x23f: {  	v30 =	vmov s8;
	v28 =	vshll.u32 v28, $0x4;
	v29 =	vand.u32 $0x7, v29  }
0x240: {  	vm2 =	vlt.u32 v30, $0x30D40;
	v28 =	vand.u32 $0xFFFF0, v28;
	vm1 =	veq.s32 v29, v0  }
0x241: {  	v28 =	vor.u32 v9, v28;
	vm1 =	vmand vm2, vm1  }
0x242: {  	v29 =	vor.u32 s8, v1;
	v28 =	vnsel vm1, $0xFFFFFFFF, v28  }
0x243: {  	(xrf1) =	vsort.ascd.msk.u32 $0xffff, v28, v29;
	_ =	sdelay $0xd  }
0x244: {  	v28, v29, _ =	vpop (xrf1)  }
0x245: {  	v30 =	vshra.s32 v28, $0x4  }
0x246: {  	v31 =	vxor.u32 $0xF8000000, v30  }
0x247: {  	v32 =	vperm.xlane v31, v10;
	_ =	sdelay $0x1  }
0x248: {  	vm1 =	vne.s32 v31, v32  }
0x249: {  	vm2 =	vne.s32 v28, $0xFFFFFFFF;
	vm1 =	vmor vm1, vm0  }
0x24a: {  	v28 =	vand.u32 $0xFFFF, v30;
	vm1 =	vmand vm2, vm1  }
0x24b: {  	v28 =	vnsel vm1, $0x0, v28;
	_ =	sdelay $0x4  }
0x24c: {  	v30 =	vld.idx.msk [tilespmem:v28+s24+$0x0], vm1;
	_ =	sdelay $0x3  }
.Ltmp18:
0x24d: {  	(pc) =	sbr.rel @p1 .LBB2_27-.Ltmp18, $4  }
0x24e: {  	_ = 	snop  }
0x24f: {  	vm2 =	vgt.s32 v30, v29  }
0x250: {  	v29 =	vsel vm2, v30, v29  }
0x251: {  	s11 =	sshra.s32 s10, $0x2;
	s10 =	sadd.s32 $0x40, s10;
	[tilespmem:v28+s24+$0x0] =	vst.idx.msk vm1, v29  }
0x252: {  	v28 =	vld [tilespmem:s11+$0x800]  }
0x253: {  	v29 =	vld [tilespmem:s11+$0x1000]  }
0x254: {  	v30 =	vld [tilespmem:s11+$0x0];
	_ =	sdelay $0x2  }
0x255: {  	v28 =	vmul.u32 $0x779B1, v28  }
0x256: {  	v29 =	vmul.u32 $0x25795, v29  }
0x257: {  	v28 =	vxor.u32 v30, v28  }
0x258: {  	v28 =	vxor.u32 v29, v28  }
0x259: {  	s8 =	sadd.s32 $0x10, s8;
	v29 =	vshrl.u32 v28, $0x10  }
0x25a: {  	v55 =	vmov s8;
	v28 =	vshll.u32 v28, $0x4;
	v29 =	vand.u32 $0x7, v29  }
0x25b: {  	vm2 =	vlt.u32 v55, $0x30D40;
	v28 =	vand.u32 $0xFFFF0, v28;
	vm1 =	veq.s32 v29, v0  }
0x25c: {  	v28 =	vor.u32 v9, v28;
	vm1 =	vmand vm2, vm1  }
0x25d: {  	v29 =	vor.u32 s8, v1;
	v28 =	vnsel vm1, $0xFFFFFFFF, v28  }
0x25e: {  	(xrf1) =	vsort.ascd.msk.u32 $0xffff, v28, v29;
	_ =	sdelay $0xd  }
0x25f: {  	v28, v29, _ =	vpop (xrf1)  }
0x260: {  	v56 =	vshra.s32 v28, $0x4  }
0x261: {  	v31 =	vxor.u32 $0xF8000000, v56  }
0x262: {  	v32 =	vperm.xlane v31, v10;
	_ =	sdelay $0x1  }
0x263: {  	vm1 =	vne.s32 v31, v32  }
0x264: {  	vm2 =	vne.s32 v28, $0xFFFFFFFF;
	vm1 =	vmor vm1, vm0  }
0x265: {  	v28 =	vand.u32 $0xFFFF, v56;
	vm1 =	vmand vm2, vm1  }
0x266: {  	v28 =	vnsel vm1, $0x0, v28;
	_ =	sdelay $0x4  }
0x267: {  	v57 =	vld.idx.msk [tilespmem:v28+s24+$0x0], vm1;
	_ =	sdelay $0x4  }
0x268: {  	vm2 =	vgt.s32 v57, v29  }
0x269: {  	v29 =	vsel vm2, v57, v29  }
0x26a: {  	[tilespmem:v28+s24+$0x0] =	vst.idx.msk vm1, v29  }
0x26b: {  	_ =	swait.ge [sflag:s28], $0x800  }
0x26c: {  	[sflag:s28] =	ssyncset.done $0x0  }
0x26d: {  	[sflag:s28] =	ssyncadd.s32 $0xFFFFF800  }
0x26e: {  	_ =	swait.ge [sflag:s28], $0x800  }
0x26f: {  	[sflag:s28] =	ssyncset.done $0x0  }
0x270: {  	[sflag:s28] =	ssyncadd.s32 $0xFFFFF800  }
0x271: {  	_ =	swait.ge [sflag:s28], $0x800  }
0x272: {  	[sflag:s28] =	ssyncset.done $0x0  }
0x273: {  	s12 =	simm.s32 $0x0;
	[sflag:s28] =	ssyncadd.s32 $0xFFFFF800  }
0x274: {  	v28 =	vld [tilespmem:s12+$0x2000]  }
0x275: {  	v29 =	vld [tilespmem:s12+$0x2800]  }
0x276: {  	v58 =	vld [tilespmem:s12+$0x1800];
	_ =	sdelay $0x2  }
0x277: {  	v28 =	vmul.u32 $0x779B1, v28  }
0x278: {  	v29 =	vmul.u32 $0x25795, v29  }
0x279: {  	v28 =	vxor.u32 v58, v28  }
0x27a: {  	v28 =	vxor.u32 v29, v28  }
0x27b: {  	v29 =	vshrl.u32 v28, $0x10  }
0x27c: {  	v59 =	vmov s1;
	v28 =	vshll.u32 v28, $0x4;
	v29 =	vand.u32 $0x7, v29  }
0x27d: {  	vm2 =	vlt.u32 v59, $0x30D40;
	v28 =	vand.u32 $0xFFFF0, v28;
	vm1 =	veq.s32 v29, v0  }
0x27e: {  	v28 =	vor.u32 v9, v28;
	vm1 =	vmand vm2, vm1  }
0x27f: {  	v29 =	vor.u32 s1, v1;
	v28 =	vnsel vm1, $0xFFFFFFFF, v28  }
0x280: {  	(xrf1) =	vsort.ascd.msk.u32 $0xffff, v28, v29;
	_ =	sdelay $0xd  }
0x281: {  	v28, v29, _ =	vpop (xrf1)  }
0x282: {  	v60 =	vshra.s32 v28, $0x4  }
0x283: {  	v61 =	vxor.u32 $0xF8000000, v60  }
0x284: {  	v62 =	vperm.xlane v61, v10;
	_ =	sdelay $0x1  }
0x285: {  	vm1 =	vne.s32 v61, v62  }
0x286: {  	vm2 =	vne.s32 v28, $0xFFFFFFFF;
	vm1 =	vmor vm1, vm0  }
0x287: {  	v28 =	vand.u32 $0xFFFF, v60;
	vm1 =	vmand vm2, vm1  }
0x288: {  	v28 =	vnsel vm1, $0x0, v28;
	_ =	sdelay $0x4  }
0x289: {  	v63 =	vld.idx.msk [tilespmem:v28+s24+$0x0], vm1;
	_ =	sdelay $0x4  }
0x28a: {  	vm2 =	vgt.s32 v63, v29  }
0x28b: {  	v29 =	vsel vm2, v63, v29  }
0x28c: {  	s11 =	simm.s32 $0x10;
	s10 =	simm.s32 $0x80;
	s8 =	smov.u32 s1;
	[tilespmem:v28+s24+$0x0] =	vst.idx.msk vm1, v29  }
.LBB2_29:
0x28d: {  	p1 =	sne.s32 s10, $0x1FC0;
	v28 =	vld [tilespmem:s11+$0x2000]  }
0x28e: {  	v29 =	vld [tilespmem:s11+$0x2800]  }
0x28f: {  	v30 =	vld [tilespmem:s11+$0x1800];
	_ =	sdelay $0x2  }
0x290: {  	v28 =	vmul.u32 $0x779B1, v28  }
0x291: {  	v29 =	vmul.u32 $0x25795, v29  }
0x292: {  	v28 =	vxor.u32 v30, v28  }
0x293: {  	v28 =	vxor.u32 v29, v28  }
0x294: {  	s8 =	sadd.s32 $0x10, s8;
	v29 =	vshrl.u32 v28, $0x10  }
0x295: {  	v30 =	vmov s8;
	v28 =	vshll.u32 v28, $0x4;
	v29 =	vand.u32 $0x7, v29  }
0x296: {  	vm2 =	vlt.u32 v30, $0x30D40;
	v28 =	vand.u32 $0xFFFF0, v28;
	vm1 =	veq.s32 v29, v0  }
0x297: {  	v28 =	vor.u32 v9, v28;
	vm1 =	vmand vm2, vm1  }
0x298: {  	v29 =	vor.u32 s8, v1;
	v28 =	vnsel vm1, $0xFFFFFFFF, v28  }
0x299: {  	(xrf1) =	vsort.ascd.msk.u32 $0xffff, v28, v29;
	_ =	sdelay $0xd  }
0x29a: {  	v28, v29, _ =	vpop (xrf1)  }
0x29b: {  	v30 =	vshra.s32 v28, $0x4  }
0x29c: {  	v31 =	vxor.u32 $0xF8000000, v30  }
0x29d: {  	v32 =	vperm.xlane v31, v10;
	_ =	sdelay $0x1  }
0x29e: {  	vm1 =	vne.s32 v31, v32  }
0x29f: {  	vm2 =	vne.s32 v28, $0xFFFFFFFF;
	vm1 =	vmor vm1, vm0  }
0x2a0: {  	v28 =	vand.u32 $0xFFFF, v30;
	vm1 =	vmand vm2, vm1  }
0x2a1: {  	v28 =	vnsel vm1, $0x0, v28;
	_ =	sdelay $0x4  }
0x2a2: {  	v30 =	vld.idx.msk [tilespmem:v28+s24+$0x0], vm1;
	_ =	sdelay $0x3  }
.Ltmp19:
0x2a3: {  	(pc) =	sbr.rel @p1 .LBB2_29-.Ltmp19, $4  }
0x2a4: {  	_ = 	snop  }
0x2a5: {  	vm2 =	vgt.s32 v30, v29  }
0x2a6: {  	v29 =	vsel vm2, v30, v29  }
0x2a7: {  	s11 =	sshra.s32 s10, $0x2;
	s10 =	sadd.s32 $0x40, s10;
	[tilespmem:v28+s24+$0x0] =	vst.idx.msk vm1, v29  }
0x2a8: {  	v28 =	vld [tilespmem:s11+$0x2000]  }
0x2a9: {  	v29 =	vld [tilespmem:s11+$0x2800]  }
0x2aa: {  	v30 =	vld [tilespmem:s11+$0x1800];
	_ =	sdelay $0x2  }
0x2ab: {  	v28 =	vmul.u32 $0x779B1, v28  }
0x2ac: {  	v29 =	vmul.u32 $0x25795, v29  }
0x2ad: {  	v28 =	vxor.u32 v30, v28  }
0x2ae: {  	v28 =	vxor.u32 v29, v28  }
0x2af: {  	s8 =	sadd.s32 $0x10, s8;
	v29 =	vshrl.u32 v28, $0x10  }
0x2b0: {  	v61 =	vmov s8;
	v28 =	vshll.u32 v28, $0x4;
	v29 =	vand.u32 $0x7, v29  }
0x2b1: {  	vm2 =	vlt.u32 v61, $0x30D40;
	v28 =	vand.u32 $0xFFFF0, v28;
	vm1 =	veq.s32 v29, v0  }
0x2b2: {  	v28 =	vor.u32 v9, v28;
	vm1 =	vmand vm2, vm1  }
0x2b3: {  	v29 =	vor.u32 s8, v1;
	v28 =	vnsel vm1, $0xFFFFFFFF, v28  }
0x2b4: {  	(xrf1) =	vsort.ascd.msk.u32 $0xffff, v28, v29;
	_ =	sdelay $0xd  }
0x2b5: {  	v28, v29, _ =	vpop (xrf1)  }
0x2b6: {  	v62 =	vshra.s32 v28, $0x4  }
0x2b7: {  	v31 =	vxor.u32 $0xF8000000, v62  }
0x2b8: {  	v32 =	vperm.xlane v31, v10;
	_ =	sdelay $0x1  }
0x2b9: {  	vm1 =	vne.s32 v31, v32  }
0x2ba: {  	vm2 =	vne.s32 v28, $0xFFFFFFFF;
	vm1 =	vmor vm1, vm0  }
0x2bb: {  	v28 =	vand.u32 $0xFFFF, v62;
	vm1 =	vmand vm2, vm1  }
0x2bc: {  	v28 =	vnsel vm1, $0x0, v28;
	_ =	sdelay $0x4  }
0x2bd: {  	v63 =	vld.idx.msk [tilespmem:v28+s24+$0x0], vm1  }
0x2be: {  	s3 =	sadd.s32 $0x1, s3  }
0x2bf: {  	p1 =	sne.s32 s3, $0x31  }
.Ltmp20:
0x2c0: {  	_ = 	snop;
	(pc) =	sbr.rel @p1 .LBB2_26-.Ltmp20, $4  }
0x2c1: {  	_ = 	snop  }
0x2c2: {  	vm2 =	vgt.s32 v63, v29  }
0x2c3: {  	v29 =	vsel vm2, v63, v29  }
0x2c4: {  	s0 =	sadd.s32 $0x1000, s0;
	s1 =	sadd.s32 $0x1000, s1;
	[tilespmem:v28+s24+$0x0] =	vst.idx.msk vm1, v29  }
0x2c5: {  	s0 =	simm.s32 $0x0;
	s1 =	simm.s32 $0x3000;
	s3 =	simm.s32 $0x3800  }
.LBB2_32:
0x2c6: {  	v28 =	vld [tilespmem:s1+$0x0];
	s10 =	simm.s32 $0x10;
	s8 =	simm.s32 $0x0;
	s11 =	smov.u32 s1  }
.LBB2_33:
0x2c7: {  	p1 =	sne.s32 s10, $0x7F0  }
0x2c8: {  	v29 =	vor.u32 s8, v1;
	_ =	sdelay $0x1  }
.Ltmp21:
0x2c9: {  	s12 =	sand.u32 $0x1F0, s8;
	s8 =	smov.u32 s10;
	(pc) =	sbr.rel @p1 .LBB2_33-.Ltmp21, $4  }
0x2ca: {  	v30 =	vadd.s32 s12, v11;
	vm1 =	vlt.s32 v28, $0x0  }
0x2cb: {  	v28 =	vsel vm1, v30, v28  }
0x2cc: {  	s11 =	sadd.s32 $0x10, s11;
	[tilespmem:v29+s2+$0x0] =	vst.idx.msk $0xffff, v28  }
0x2cd: {  	s10 =	sadd.s32 $0x10, s10;
	v28 =	vld [tilespmem:s11+$0x0]  }
0x2ce: {  	_ = 	snop  }
0x2cf: {  	v29 =	vor.u32 s8, v1;
	_ =	sdelay $0x1  }
0x2d0: {  	s31 =	sand.u32 $0x1F0, s8  }
0x2d1: {  	v30 =	vadd.s32 s31, v11;
	vm1 =	vlt.s32 v28, $0x0  }
0x2d2: {  	s4 =	rddreg [dreg:$0x2];
	v28 =	vsel vm1, v30, v28  }
0x2d3: {  	s8 =	sshllo.u32 s0, $0x1;
	s10 =	sadd.s32 s19, s4;
	[tilespmem:v29+s2+$0x0] =	vst.idx.msk $0xffff, v28  }
0x2d4: {  	[tilespmem:s15], [sflag:$0x1] =	stream.indirect.gather [hbm4b:s10+s20], $0x8, s2, s20, $0xb8;
	[tilespmem:$0x1F300] =	vst v63  }
0x2d5: {  	s11 =	simm.s32 $0x0;
	s12 =	simm.s32 $0x10;
	s23 =	smov.u32 s3;
	v28 =	vld [tilespmem:s3+$0x0]  }
.LBB2_35:
0x2d6: {  	p1 =	sne.s32 s12, $0x7F0  }
0x2d7: {  	v29 =	vor.u32 s11, v1;
	_ =	sdelay $0x1  }
.Ltmp22:
0x2d8: {  	s31 =	sand.u32 $0x1F0, s11;
	s11 =	smov.u32 s12;
	(pc) =	sbr.rel @p1 .LBB2_35-.Ltmp22, $4  }
0x2d9: {  	v30 =	vadd.s32 s31, v11;
	vm1 =	vlt.s32 v28, $0x0  }
0x2da: {  	v28 =	vsel vm1, v30, v28  }
0x2db: {  	s23 =	sadd.s32 $0x10, s23;
	[tilespmem:v29+s9+$0x0] =	vst.idx.msk $0xffff, v28  }
0x2dc: {  	s12 =	sadd.s32 $0x10, s12;
	v28 =	vld [tilespmem:s23+$0x0]  }
0x2dd: {  	_ = 	snop  }
0x2de: {  	v29 =	vor.u32 s11, v1;
	_ =	sdelay $0x1  }
0x2df: {  	s12 =	sand.u32 $0x1F0, s11  }
0x2e0: {  	v30 =	vadd.s32 s12, v11;
	vm1 =	vlt.s32 v28, $0x0  }
0x2e1: {  	v28 =	vsel vm1, v30, v28  }
0x2e2: {  	[tilespmem:v29+s9+$0x0] =	vst.idx.msk $0xffff, v28  }
0x2e3: {  	[tilespmem:s6], [sflag:$0x2] =	stream.indirect.gather [hbm4b:s10+s20], $0x8, s9, s20, $0xb8;
	[tilespmem:$0x1F300] =	vst v63  }
0x2e4: {  	_ =	swait.ge [sflag:s22], $0x4000  }
0x2e5: {  	s23 =	sshll.u32 s0, $0xF;
	[sflag:s22] =	ssyncset.done $0x0  }
0x2e6: {  	s10 =	sadd.s32 s16, s23;
	[sflag:s22] =	ssyncadd.s32 $0xFFFFC000  }
0x2e7: {  	s10 =	sshrl.u32 s10, $0x3;
	s31 =	rddreg [dreg:$0x3]  }
0x2e8: {  	s10 =	sadd.s32 s10, s31  }
0x2e9: {  	[hbm4b:s10+s5] =	stream.linear.scatter [tilespmem:s15], [sflag:$0x5], $0x4000, $0x38;
	[tilespmem:$0x1F300] =	vst v63  }
0x2ea: {  	_ =	swait.ge [sflag:s17], $0x4000  }
0x2eb: {  	[sflag:s17] =	ssyncset.done $0x0  }
0x2ec: {  	s8 =	sshll.u32 s8, $0xE;
	[sflag:s17] =	ssyncadd.s32 $0xFFFFC000  }
0x2ed: {  	s0 =	sadd.s32 $0x1, s0;
	s8 =	sadd.s32 s16, s8;
	_ =	swait.ge [sflag:s25], $0x4000  }
0x2ee: {  	p1 =	sne.s32 s0, $0x10;
	s8 =	sshrl.u32 s8, $0x3;
	[sflag:s25] =	ssyncset.done $0x0  }
.Ltmp23:
0x2ef: {  	s8 =	sadd.s32 s8, s31;
	[sflag:s25] =	ssyncadd.s32 $0xFFFFC000;
	(pc) =	sbr.rel @p1 .LBB2_32-.Ltmp23, $4  }
0x2f0: {  	[hbm4b:s8+s5] =	stream.linear.scatter [tilespmem:s6], [sflag:$0x5], $0x4000, $0x38;
	[tilespmem:$0x1F300] =	vst v63  }
0x2f1: {  	_ =	swait.ge [sflag:s17], $0x4000  }
0x2f2: {  	[sflag:s17] =	ssyncset.done $0x0  }
0x2f3: {  	s1 =	sadd.s32 $0x1000, s1;
	s3 =	sadd.s32 $0x1000, s3;
	[sflag:s17] =	ssyncadd.s32 $0xFFFFC000  }
0x2f4: {  	[bflag:$0x0] =	sbarrier.arrive $0xFFFF  }
0x2f5: {  	s1 =	rddreg [dreg:$0x3]  }
0x2f6: {  	s0 =	rddreg [dreg:$0x1c]  }
0x2f7: {  	s31 =	stileid.u32;
	s3 =	rddreg [dreg:$0x11];
	s0 =	sadd.s32 s0, s1  }
0x2f8: {  	s23 =	sadd.s32 s3, s1;
	s3 =	simm.s32 $0x0;
	s1 =	simm.s32 $0x0  }
.LBB2_38:
0x2f9: {  	s10 =	sld [smem:$0x7F5];
	_ =	sdelay $0x1  }
0x2fa: {  	s8 =	sshll.u32 s1, $0x8;
	s11 =	sld [smem:$0x7EA]  }
0x2fb: {  	s8 =	sadd.s32 s10, s8  }
0x2fc: {  	s10 =	sshrl.u32 s8, $0x3  }
0x2fd: {  	s4 =	simm.s32 $0x1D000;
	s11 =	sadd.s32 s11, s10  }
0x2fe: {  	[tilespmem:s4], [sflag:$0x5] =	stream.linear.gather [hbm4b:s11+s3], $0x100, $0x38;
	[tilespmem:$0x1F300] =	vst v63  }
0x2ff: {  	_ =	swait.ge [sflag:s17], $0x100  }
0x300: {  	s4 =	sld [smem:$0x7EB];
	_ =	sdelay $0x1  }
0x301: {  	[sflag:s17] =	ssyncset.done $0x0  }
0x302: {  	s12 =	simm.s32 $0x1D100;
	[sflag:s17] =	ssyncadd.s32 $0xFFFFFF00;
	s11 =	sadd.s32 s4, s10  }
0x303: {  	[tilespmem:s12], [sflag:$0x5] =	stream.linear.gather [hbm4b:s11+s3], $0x100, $0x38;
	[tilespmem:$0x1F300] =	vst v63  }
0x304: {  	_ =	swait.ge [sflag:s17], $0x100  }
0x305: {  	s12 =	sld [smem:$0x7EC];
	_ =	sdelay $0x1  }
0x306: {  	[sflag:s17] =	ssyncset.done $0x0  }
0x307: {  	[sflag:s17] =	ssyncadd.s32 $0xFFFFFF00;
	s11 =	sadd.s32 s12, s10;
	s10 =	simm.s32 $0x1D200  }
0x308: {  	[tilespmem:s10], [sflag:$0x5] =	stream.linear.gather [hbm4b:s11+s3], $0x100, $0x38;
	[tilespmem:$0x1F300] =	vst v63  }
0x309: {  	_ =	swait.ge [sflag:s17], $0x100  }
0x30a: {  	[sflag:s17] =	ssyncset.done $0x0  }
0x30b: {  	[sflag:s17] =	ssyncadd.s32 $0xFFFFFF00  }
0x30c: {  	v28 =	vld [tilespmem:s10+$0xFFFFFE00]  }
0x30d: {  	v29 =	vld [tilespmem:s10+$0xFFFFFF00]  }
0x30e: {  	v30 =	vld [tilespmem:s10+$0x0];
	_ =	sdelay $0x3  }
0x30f: {  	v28 =	vmul.f32 v28, v2;
	v29 =	vmul.f32 v29, v2  }
0x310: {  	v30 =	vmul.f32 v30, v2  }
0x311: {  	v31 =	vtrunc.f32 v28;
	v34 =	vtrunc.f32 v29  }
0x312: {  	v55 =	vtrunc.f32 v30;
	vm1 =	vlt.f32 v28, v31;
	v31 =	vcvt.f32.s32 v31  }
0x313: {  	v35 =	vcvt.f32.s32 v34;
	vm2 =	vlt.f32 v29, v34;
	v38 =	vcvt.f32.s32 v55  }
0x314: {  	v36 =	vsel vm1, $0xFFFFFFFF, v12;
	v37 =	vsel vm2, $0xFFFFFFFF, v12;
	vm1 =	vlt.f32 v30, v55  }
0x315: {  	v31 =	vadd.s32 v31, v36;
	v56 =	vadd.s32 v35, v37;
	v57 =	vsel vm1, $0xFFFFFFFF, v12  }
0x316: {  	v36 =	vcvt.s32.f32 v31;
	v35 =	vadd.s32 v38, v57;
	v37 =	vcvt.s32.f32 v56  }
0x317: {  	v32 =	vor.u32 s3, v14;
	v33 =	vor.u32 s3, v16;
	v59 =	vcvt.s32.f32 v35  }
0x318: {  	v58 =	vor.u32 s3, v1;
	v28 =	vsub.f32 v28, v36;
	v29 =	vsub.f32 v29, v37  }
0x319: {  	v51 =	vor.u32 s3, v18;
	v34 =	vmul.u32 $0x9E3779B1, v56;
	v30 =	vsub.f32 v30, v59  }
0x31a: {  	v38 =	vand.u32 v13, v58;
	v40 =	vsub.f32 $1.000000000e+00, v28;
	v41 =	vsub.f32 $1.000000000e+00, v29  }
0x31b: {  	v35 =	vmul.u32 $0x30025795, v35;
	v37 =	vand.u32 $0xF8, v58;
	v60 =	vxor.u32 v31, v34  }
0x31c: {  	v42 =	vadd.s32 $0x9E3779B1, v34;
	v45 =	vsub.f32 $1.000000000e+00, v30;
	v46 =	vmul.f32 v41, v40  }
0x31d: {  	v39 =	vor.u32 v17, v37;
	v44 =	vxor.u32 v35, v60;
	v47 =	vor.u32 v15, v37  }
0x31e: {  	v43 =	vadd.s32 $0x30025795, v35;
	v44 =	vand.u32 $0x7FFFF, v44;
	v49 =	vmul.f32 v45, v46  }
0x31f: {  	v63 =	vor.u32 s3, v20;
	v48 =	vxor.u32 v31, v42;
	v36 =	vxor.u32 v60, v43;
	[tilespmem:v38+s2+$0x0] =	vst.idx.msk $0xffff, v44  }
0x320: {  	v36 =	vand.u32 $0x7FFFF, v36;
	v40 =	vmul.f32 v29, v40;
	v46 =	vmul.f32 v46, v30;
	[tilespmem:v38+s26+$0x0] =	vst.idx.msk $0xffff, v49  }
0x321: {  	v31 =	vadd.s32 $0x1, v31;
	v61 =	vxor.u32 v35, v48;
	v49 =	vor.u32 v19, v37;
	[tilespmem:v32+s2+$0x0] =	vst.idx.msk $0xffff, v36  }
0x322: {  	v54 =	vor.u32 v21, v37;
	v53 =	vand.u32 $0x7FFFF, v61;
	v50 =	vmul.f32 v45, v40;
	[tilespmem:v47+s26+$0x0] =	vst.idx.msk $0xffff, v46  }
0x323: {  	v56 =	vor.u32 s3, v22;
	v62 =	vxor.u32 v43, v48;
	v34 =	vxor.u32 v31, v34;
	[tilespmem:v33+s2+$0x0] =	vst.idx.msk $0xffff, v53  }
0x324: {  	v52 =	vmul.f32 v41, v28;
	v40 =	vmul.f32 v30, v40;
	v38 =	vand.u32 $0x7FFFF, v62;
	[tilespmem:v39+s26+$0x0] =	vst.idx.msk $0xffff, v50  }
0x325: {  	v58 =	vor.u32 v23, v37;
	v59 =	vor.u32 s3, v24;
	v57 =	vxor.u32 v35, v34;
	[tilespmem:v51+s2+$0x0] =	vst.idx.msk $0xffff, v38  }
0x326: {  	v31 =	vxor.u32 v31, v42;
	v60 =	vand.u32 $0x7FFFF, v57;
	v55 =	vmul.f32 v45, v52;
	[tilespmem:v49+s26+$0x0] =	vst.idx.msk $0xffff, v40  }
0x327: {  	v34 =	vxor.u32 v34, v43;
	v61 =	vor.u32 v25, v37;
	[tilespmem:v63+s2+$0x0] =	vst.idx.msk $0xffff, v60  }
0x328: {  	v62 =	vmul.f32 v29, v28;
	v28 =	vand.u32 $0x7FFFF, v34;
	v36 =	vmul.f32 v52, v30;
	[tilespmem:v54+s26+$0x0] =	vst.idx.msk $0xffff, v55  }
0x329: {  	v29 =	vxor.u32 v35, v31;
	[tilespmem:v56+s2+$0x0] =	vst.idx.msk $0xffff, v28  }
0x32a: {  	v29 =	vand.u32 $0x7FFFF, v29;
	v28 =	vor.u32 s3, v26;
	[tilespmem:v58+s26+$0x0] =	vst.idx.msk $0xffff, v36  }
0x32b: {  	v63 =	vmul.f32 v45, v62;
	[tilespmem:v59+s2+$0x0] =	vst.idx.msk $0xffff, v29;
	v29 =	vor.u32 v27, v37  }
0x32c: {  	v31 =	vxor.u32 v43, v31  }
0x32d: {  	s11 =	simm.s32 $0x10;
	v31 =	vand.u32 $0x7FFFF, v31;
	v30 =	vmul.f32 v30, v62;
	[tilespmem:v61+s26+$0x0] =	vst.idx.msk $0xffff, v63  }
.LBB2_39:
0x32e: {  	p1 =	sne.s32 s11, $0xF0  }
0x32f: {  	[tilespmem:v28+s2+$0x0] =	vst.idx.msk $0xffff, v31;
	s10 =	sadd.s32 $0x10, s10;
	s12 =	smov.u32 s11;
	s11 =	sadd.s32 $0x10, s11  }
0x330: {  	[tilespmem:v29+s26+$0x0] =	vst.idx.msk $0xffff, v30  }
0x331: {  	v28 =	vld [tilespmem:s10+$0xFFFFFE00]  }
0x332: {  	v29 =	vld [tilespmem:s10+$0xFFFFFF00];
	_ =	sdelay $0x1  }
0x333: {  	v30 =	vld [tilespmem:s10+$0x0];
	_ =	sdelay $0x1  }
0x334: {  	v28 =	vmul.f32 v28, v2  }
0x335: {  	v31 =	vor.u32 s12, v20;
	v29 =	vmul.f32 v29, v2  }
0x336: {  	v33 =	vor.u32 s12, v14;
	v34 =	vor.u32 s12, v16;
	v32 =	vtrunc.f32 v28  }
0x337: {  	v30 =	vmul.f32 v30, v2;
	v35 =	vtrunc.f32 v29;
	vm1 =	vlt.f32 v28, v32  }
0x338: {  	v32 =	vcvt.f32.s32 v32;
	v36 =	vcvt.f32.s32 v35;
	vm2 =	vlt.f32 v29, v35  }
0x339: {  	v37 =	vsel vm1, $0xFFFFFFFF, v12;
	v35 =	vtrunc.f32 v30;
	v38 =	vsel vm2, $0xFFFFFFFF, v12  }
0x33a: {  	v32 =	vadd.s32 v32, v37;
	v39 =	vcvt.f32.s32 v35;
	vm1 =	vlt.f32 v30, v35  }
0x33b: {  	v35 =	vadd.s32 v36, v38;
	v37 =	vcvt.s32.f32 v32;
	v36 =	vsel vm1, $0xFFFFFFFF, v12  }
0x33c: {  	v38 =	vcvt.s32.f32 v35;
	v36 =	vadd.s32 v39, v36;
	v39 =	vor.u32 s12, v1  }
0x33d: {  	v35 =	vmul.u32 $0x9E3779B1, v35;
	v28 =	vsub.f32 v28, v37;
	v37 =	vcvt.s32.f32 v36  }
0x33e: {  	v29 =	vsub.f32 v29, v38;
	v36 =	vmul.u32 $0x30025795, v36;
	v38 =	vand.u32 $0xF8, v39  }
0x33f: {  	v40 =	vor.u32 v17, v38;
	v30 =	vsub.f32 v30, v37;
	v37 =	vxor.u32 v32, v35  }
0x340: {  	v39 =	vand.u32 v13, v39;
	v41 =	vsub.f32 $1.000000000e+00, v28;
	v42 =	vsub.f32 $1.000000000e+00, v29  }
0x341: {  	v43 =	vadd.s32 $0x9E3779B1, v35;
	v44 =	vadd.s32 $0x30025795, v36;
	v45 =	vxor.u32 v36, v37  }
0x342: {  	v46 =	vsub.f32 $1.000000000e+00, v30;
	v47 =	vmul.f32 v42, v41;
	v41 =	vmul.f32 v29, v41  }
0x343: {  	v48 =	vor.u32 v15, v38;
	v49 =	vxor.u32 v32, v43;
	v37 =	vxor.u32 v37, v44  }
0x344: {  	v45 =	vand.u32 $0x7FFFF, v45;
	v50 =	vmul.f32 v46, v47;
	v47 =	vmul.f32 v47, v30  }
0x345: {  	v52 =	vor.u32 s12, v18;
	v51 =	vmul.f32 v46, v41;
	[tilespmem:v39+s2+$0x0] =	vst.idx.msk $0xffff, v45;
	v45 =	vxor.u32 v36, v49  }
0x346: {  	v37 =	vand.u32 $0x7FFFF, v37;
	v41 =	vmul.f32 v30, v41;
	[tilespmem:v39+s26+$0x0] =	vst.idx.msk $0xffff, v50;
	v39 =	vxor.u32 v44, v49  }
0x347: {  	v32 =	vadd.s32 $0x1, v32;
	[tilespmem:v33+s2+$0x0] =	vst.idx.msk $0xffff, v37;
	v33 =	vor.u32 v19, v38;
	v37 =	vmul.f32 v42, v28  }
0x348: {  	v35 =	vxor.u32 v32, v35;
	v42 =	vand.u32 $0x7FFFF, v45;
	v45 =	vor.u32 v21, v38;
	[tilespmem:v48+s26+$0x0] =	vst.idx.msk $0xffff, v47  }
0x349: {  	[tilespmem:v34+s2+$0x0] =	vst.idx.msk $0xffff, v42;
	v34 =	vmul.f32 v46, v37;
	v42 =	vor.u32 s12, v22;
	v37 =	vmul.f32 v37, v30  }
0x34a: {  	v39 =	vand.u32 $0x7FFFF, v39;
	v47 =	vor.u32 v23, v38;
	[tilespmem:v40+s26+$0x0] =	vst.idx.msk $0xffff, v51;
	v40 =	vxor.u32 v36, v35  }
0x34b: {  	v32 =	vxor.u32 v32, v43;
	v35 =	vxor.u32 v35, v44;
	[tilespmem:v52+s2+$0x0] =	vst.idx.msk $0xffff, v39;
	v39 =	vor.u32 s12, v24  }
0x34c: {  	v36 =	vxor.u32 v36, v32;
	[tilespmem:v33+s26+$0x0] =	vst.idx.msk $0xffff, v41;
	v33 =	vand.u32 $0x7FFFF, v40;
	v40 =	vor.u32 v25, v38  }
0x34d: {  	v32 =	vxor.u32 v44, v32;
	[tilespmem:v31+s2+$0x0] =	vst.idx.msk $0xffff, v33;
	v31 =	vmul.f32 v29, v28;
	v28 =	vor.u32 s12, v26  }
.Ltmp24:
0x34e: {  	v33 =	vand.u32 $0x7FFFF, v35;
	v29 =	vor.u32 v27, v38;
	[tilespmem:v45+s26+$0x0] =	vst.idx.msk $0xffff, v34;
	(pc) =	sbr.rel @p1 .LBB2_39-.Ltmp24, $4  }
0x34f: {  	[tilespmem:v42+s2+$0x0] =	vst.idx.msk $0xffff, v33;
	v33 =	vmul.f32 v46, v31;
	v30 =	vmul.f32 v30, v31  }
0x350: {  	v31 =	vand.u32 $0x7FFFF, v36;
	[tilespmem:v47+s26+$0x0] =	vst.idx.msk $0xffff, v37  }
0x351: {  	[tilespmem:v39+s2+$0x0] =	vst.idx.msk $0xffff, v31  }
0x352: {  	v31 =	vand.u32 $0x7FFFF, v32;
	[tilespmem:v40+s26+$0x0] =	vst.idx.msk $0xffff, v33  }
0x353: {  	_ = 	snop  }
0x354: {  	p1 =	seq.s32 s1, $0x0  }
.Ltmp25:
0x355: {  	_ = 	snop;
	(pc) =	sbr.rel @p1 .LBB2_44-.Ltmp25, $4  }
0x356: {  	_ = 	snop  }
0x357: {  	[tilespmem:v28+s2+$0x0] =	vst.idx.msk $0xffff, v31  }
0x358: {  	[tilespmem:v29+s26+$0x0] =	vst.idx.msk $0xffff, v30  }
0x359: {  	[tilespmem:s15], [sflag:$0x1] =	stream.indirect.gather [hbm4b:s23+s20], $0x8, s2, s20, $0xb8;
	[tilespmem:$0x1F300] =	vst v63  }
0x35a: {  	_ =	swait.ge [sflag:s25], $0x4000  }
0x35b: {  	s10 =	simm.s32 $0x0;
	[sflag:s25] =	ssyncset.done $0x0  }
0x35c: {  	s11 =	simm.s32 $0x1CC00;
	s12 =	simm.s32 $0x0;
	[sflag:s25] =	ssyncadd.s32 $0xFFFFC000  }
.LBB2_42:
0x35d: {  	v28 =	vmov s10  }
0x35e: {  	v28 =	vshll.u32 v28, $0x3  }
0x35f: {  	v38 =	vor.u32 $0x800, v7;
	v29 =	vor.u32 v7, v28  }
0x360: {  	v47 =	vor.u32 $0x1000, v7;
	v38 =	vor.u32 v38, v28  }
0x361: {  	v33 =	vld [tilespmem:s11+$0xFFFFFC00];
	v47 =	vor.u32 v47, v28  }
0x362: {  	v42 =	vld [tilespmem:s11+$0xFFFFFD00];
	v30 =	vor.u32 $0x1, v29  }
0x363: {  	v51 =	vld [tilespmem:s11+$0xFFFFFE00];
	v31 =	vor.u32 $0x2, v29  }
0x364: {  	v32 =	vor.u32 $0x3, v29;
	v35 =	vld.idx.msk [tilespmem:v29+s6+$0x0], $0xffff  }
0x365: {  	v34 =	vor.u32 $0x4, v29;
	v44 =	vld.idx.msk [tilespmem:v38+s6+$0x0], $0xffff  }
0x366: {  	v36 =	vor.u32 $0x5, v29;
	v53 =	vld.idx.msk [tilespmem:v47+s6+$0x0], $0xffff  }
0x367: {  	v37 =	vor.u32 $0x6, v29;
	v30 =	vld.idx.msk [tilespmem:v30+s6+$0x0], $0xffff  }
0x368: {  	v39 =	vor.u32 $0x1, v38;
	v31 =	vld.idx.msk [tilespmem:v31+s6+$0x0], $0xffff  }
0x369: {  	v40 =	vor.u32 $0x2, v38;
	v32 =	vld.idx.msk [tilespmem:v32+s6+$0x0], $0xffff  }
0x36a: {  	v41 =	vor.u32 $0x3, v38;
	v34 =	vld.idx.msk [tilespmem:v34+s6+$0x0], $0xffff  }
0x36b: {  	v43 =	vor.u32 $0x4, v38;
	v36 =	vld.idx.msk [tilespmem:v36+s6+$0x0], $0xffff  }
0x36c: {  	v45 =	vor.u32 $0x5, v38;
	v37 =	vld.idx.msk [tilespmem:v37+s6+$0x0], $0xffff  }
0x36d: {  	v46 =	vor.u32 $0x6, v38;
	v39 =	vld.idx.msk [tilespmem:v39+s6+$0x0], $0xffff  }
0x36e: {  	v48 =	vor.u32 $0x1, v47;
	v40 =	vld.idx.msk [tilespmem:v40+s6+$0x0], $0xffff  }
0x36f: {  	v29 =	vor.u32 $0x7, v29;
	v41 =	vld.idx.msk [tilespmem:v41+s6+$0x0], $0xffff  }
0x370: {  	v49 =	vor.u32 $0x2, v47;
	v43 =	vld.idx.msk [tilespmem:v43+s6+$0x0], $0xffff  }
0x371: {  	v50 =	vor.u32 $0x3, v47;
	v45 =	vld.idx.msk [tilespmem:v45+s6+$0x0], $0xffff  }
0x372: {  	v38 =	vor.u32 $0x7, v38;
	v46 =	vld.idx.msk [tilespmem:v46+s6+$0x0], $0xffff  }
0x373: {  	v54 =	vor.u32 $0x5, v47;
	v48 =	vld.idx.msk [tilespmem:v48+s6+$0x0], $0xffff  }
0x374: {  	v55 =	vor.u32 $0x6, v47;
	v29 =	vld.idx.msk [tilespmem:v29+s6+$0x0], $0xffff;
	v35 =	vmul.f32 v35, v33;
	v44 =	vmul.f32 v44, v42  }
0x375: {  	v52 =	vor.u32 $0x4, v47;
	v49 =	vld.idx.msk [tilespmem:v49+s6+$0x0], $0xffff;
	v57 =	vmul.f32 v53, v51;
	v30 =	vmul.f32 v30, v33  }
0x376: {  	v47 =	vor.u32 $0x7, v47;
	v50 =	vld.idx.msk [tilespmem:v50+s6+$0x0], $0xffff;
	v31 =	vmul.f32 v31, v33;
	v32 =	vmul.f32 v32, v33  }
0x377: {  	v38 =	vld.idx.msk [tilespmem:v38+s6+$0x0], $0xffff;
	v34 =	vmul.f32 v34, v33;
	v36 =	vmul.f32 v36, v33  }
0x378: {  	v56 =	vor.u32 $0x1800, v7;
	v37 =	vmul.f32 v37, v33;
	v59 =	vmul.f32 v40, v42;
	v40 =	vld.idx.msk [tilespmem:v54+s6+$0x0], $0xffff  }
0x379: {  	v54 =	vld.idx.msk [tilespmem:v55+s6+$0x0], $0xffff;
	v29 =	vmul.f32 v29, v33;
	v33 =	vadd.f32 v44, v35;
	v44 =	vor.u32 v56, v28  }
0x37a: {  	v39 =	vmul.f32 v39, v42;
	v41 =	vmul.f32 v41, v42;
	v35 =	vld.idx.msk [tilespmem:v52+s6+$0x0], $0xffff;
	v52 =	vor.u32 $0x1, v44  }
0x37b: {  	v43 =	vmul.f32 v43, v42;
	v60 =	vmul.f32 v45, v42;
	v45 =	vld.idx.msk [tilespmem:v47+s6+$0x0], $0xffff;
	v55 =	vor.u32 $0x2, v44  }
0x37c: {  	v63 =	vmul.f32 v46, v42;
	v47 =	vld [tilespmem:s11+$0x0];
	v30 =	vadd.f32 v39, v30;
	v61 =	vor.u32 $0x3, v44  }
0x37d: {  	v31 =	vadd.f32 v59, v31;
	v32 =	vadd.f32 v41, v32;
	v41 =	vld [tilespmem:s11+$0xFFFFFF00];
	v62 =	vor.u32 $0x4, v44  }
0x37e: {  	v36 =	vadd.f32 v60, v36;
	v38 =	vmul.f32 v38, v42;
	v56 =	vor.u32 $0x5, v44;
	v46 =	vld.idx.msk [tilespmem:v44+s6+$0x0], $0xffff  }
0x37f: {  	v59 =	vmul.f32 v48, v51;
	v60 =	vor.u32 $0x2000, v7;
	v58 =	vor.u32 $0x6, v44;
	v52 =	vld.idx.msk [tilespmem:v52+s6+$0x0], $0xffff  }
0x380: {  	v34 =	vadd.f32 v43, v34;
	v29 =	vadd.f32 v38, v29;
	v38 =	vor.u32 v60, v28;
	v48 =	vld.idx.msk [tilespmem:v55+s6+$0x0], $0xffff  }
0x381: {  	v37 =	vadd.f32 v63, v37;
	v30 =	vadd.f32 v59, v30;
	v63 =	vor.u32 $0x1, v38;
	v42 =	vld.idx.msk [tilespmem:v61+s6+$0x0], $0xffff  }
0x382: {  	v59 =	vmul.f32 v54, v51;
	v33 =	vadd.f32 v57, v33;
	v57 =	vor.u32 $0x2, v38;
	v43 =	vld.idx.msk [tilespmem:v62+s6+$0x0], $0xffff  }
0x383: {  	v45 =	vmul.f32 v45, v51;
	v44 =	vor.u32 $0x7, v44;
	v61 =	vmul.f32 v49, v51;
	v49 =	vld.idx.msk [tilespmem:v56+s6+$0x0], $0xffff  }
0x384: {  	v60 =	vor.u32 $0x4, v38;
	v56 =	vmul.f32 v40, v51;
	v40 =	vld.idx.msk [tilespmem:v58+s6+$0x0], $0xffff;
	v58 =	vor.u32 $0x3, v38  }
0x385: {  	v37 =	vadd.f32 v59, v37;
	v35 =	vmul.f32 v35, v51;
	v62 =	vmul.f32 v50, v51;
	v51 =	vld.idx.msk [tilespmem:v38+s6+$0x0], $0xffff  }
0x386: {  	v29 =	vadd.f32 v45, v29;
	v31 =	vadd.f32 v61, v31;
	v61 =	vor.u32 $0x5, v38;
	v50 =	vld.idx.msk [tilespmem:v63+s6+$0x0], $0xffff  }
0x387: {  	v34 =	vadd.f32 v35, v34;
	v32 =	vadd.f32 v62, v32;
	v63 =	vor.u32 $0x6, v38;
	v45 =	vld.idx.msk [tilespmem:v57+s6+$0x0], $0xffff  }
0x388: {  	v36 =	vadd.f32 v56, v36;
	v38 =	vor.u32 $0x7, v38;
	v35 =	vld.idx.msk [tilespmem:v44+s6+$0x0], $0xffff;
	v46 =	vmul.f32 v46, v41  }
0x389: {  	v56 =	vor.u32 $0x2800, v7;
	v57 =	vmul.f32 v48, v41;
	v44 =	vld.idx.msk [tilespmem:v58+s6+$0x0], $0xffff;
	v42 =	vmul.f32 v42, v41  }
0x38a: {  	v43 =	vmul.f32 v43, v41;
	v48 =	vld.idx.msk [tilespmem:v60+s6+$0x0], $0xffff;
	v33 =	vadd.f32 v46, v33;
	v46 =	vor.u32 v56, v28  }
0x38b: {  	v62 =	vmul.f32 v52, v41;
	v58 =	vmul.f32 v49, v41;
	v49 =	vld.idx.msk [tilespmem:v61+s6+$0x0], $0xffff;
	v59 =	vor.u32 $0x1, v46  }
0x38c: {  	v32 =	vadd.f32 v42, v32;
	v34 =	vadd.f32 v43, v34;
	v42 =	vld.idx.msk [tilespmem:v63+s6+$0x0], $0xffff;
	v43 =	vor.u32 $0x2, v46  }
0x38d: {  	v60 =	vmul.f32 v40, v41;
	v30 =	vadd.f32 v62, v30;
	v38 =	vld.idx.msk [tilespmem:v38+s6+$0x0], $0xffff;
	v40 =	vor.u32 $0x3, v46  }
0x38e: {  	v31 =	vadd.f32 v57, v31;
	v61 =	vmul.f32 v51, v47;
	v51 =	vld [tilespmem:s11+$0x100];
	v52 =	vor.u32 $0x4, v46  }
0x38f: {  	v36 =	vadd.f32 v58, v36;
	v62 =	vmul.f32 v50, v47;
	v63 =	vor.u32 $0x5, v46;
	v57 =	vld.idx.msk [tilespmem:v46+s6+$0x0], $0xffff  }
0x390: {  	v37 =	vadd.f32 v60, v37;
	v58 =	vor.u32 $0x6, v46;
	v60 =	vor.u32 $0x7, v46;
	v53 =	vld.idx.msk [tilespmem:v59+s6+$0x0], $0xffff  }
0x391: {  	v35 =	vmul.f32 v35, v41;
	v33 =	vadd.f32 v61, v33;
	v30 =	vadd.f32 v62, v30;
	v43 =	vld.idx.msk [tilespmem:v43+s6+$0x0], $0xffff  }
0x392: {  	v61 =	vor.u32 $0x3000, v7;
	v44 =	vmul.f32 v44, v47;
	v48 =	vmul.f32 v48, v47;
	v40 =	vld.idx.msk [tilespmem:v40+s6+$0x0], $0xffff  }
0x393: {  	v29 =	vadd.f32 v35, v29;
	v46 =	vor.u32 v61, v28;
	v62 =	vmul.f32 v49, v47;
	v49 =	vld.idx.msk [tilespmem:v52+s6+$0x0], $0xffff  }
0x394: {  	v59 =	vmul.f32 v45, v47;
	v32 =	vadd.f32 v44, v32;
	v44 =	vld.idx.msk [tilespmem:v63+s6+$0x0], $0xffff;
	v63 =	vor.u32 $0x1, v46  }
0x395: {  	v34 =	vadd.f32 v48, v34;
	v55 =	vmul.f32 v42, v47;
	v41 =	vld.idx.msk [tilespmem:v58+s6+$0x0], $0xffff;
	v56 =	vor.u32 $0x2, v46  }
0x396: {  	v38 =	vmul.f32 v38, v47;
	v45 =	vld.idx.msk [tilespmem:v60+s6+$0x0], $0xffff;
	v58 =	vor.u32 $0x3, v46;
	v60 =	vor.u32 $0x5, v46  }
0x397: {  	v48 =	vor.u32 $0x800, v1;
	v31 =	vadd.f32 v59, v31;
	v36 =	vadd.f32 v62, v36  }
0x398: {  	v39 =	vld [tilespmem:s11+$0x200];
	v37 =	vadd.f32 v55, v37;
	v59 =	vor.u32 $0x4, v46;
	v29 =	vadd.f32 v38, v29  }
0x399: {  	v55 =	vor.u32 $0x3800, v7;
	v57 =	vmul.f32 v57, v51;
	v62 =	vld.idx.msk [tilespmem:v63+s6+$0x0], $0xffff;
	v63 =	vor.u32 $0x6, v46  }
0x39a: {  	v28 =	vor.u32 v55, v28;
	v38 =	vld.idx.msk [tilespmem:v46+s6+$0x0], $0xffff;
	v35 =	vmul.f32 v53, v51;
	v61 =	vmul.f32 v43, v51  }
0x39b: {  	v55 =	vor.u32 $0x4, v28;
	v40 =	vmul.f32 v40, v51;
	v49 =	vmul.f32 v49, v51;
	v42 =	vld.idx.msk [tilespmem:v56+s6+$0x0], $0xffff  }
0x39c: {  	v53 =	vmul.f32 v44, v51;
	v54 =	vld.idx.msk [tilespmem:v58+s6+$0x0], $0xffff;
	v33 =	vadd.f32 v57, v33;
	v30 =	vadd.f32 v35, v30  }
0x39d: {  	v41 =	vmul.f32 v41, v51;
	v58 =	vld.idx.msk [tilespmem:v60+s6+$0x0], $0xffff;
	v31 =	vadd.f32 v61, v31;
	v32 =	vadd.f32 v40, v32  }
0x39e: {  	v46 =	vor.u32 $0x7, v46;
	v34 =	vadd.f32 v49, v34;
	v35 =	vadd.f32 v53, v36;
	v60 =	vld.idx.msk [tilespmem:v63+s6+$0x0], $0xffff  }
0x39f: {  	v56 =	vld.idx.msk [tilespmem:v59+s6+$0x0], $0xffff;
	v57 =	vadd.f32 v41, v37;
	v59 =	vmul.f32 v45, v51;
	v61 =	vor.u32 $0x1, v28  }
0x3a0: {  	v49 =	vor.u32 $0x880, v1;
	v51 =	vor.u32 $0x900, v1;
	v38 =	vmul.f32 v38, v39  }
0x3a1: {  	v29 =	vadd.f32 v59, v29;
	v43 =	vmul.f32 v62, v39;
	v42 =	vmul.f32 v42, v39  }
0x3a2: {  	v53 =	vld.idx.msk [tilespmem:v28+s6+$0x0], $0xffff;
	v62 =	vor.u32 $0x2, v28;
	v63 =	vmul.f32 v54, v39;
	v54 =	vor.u32 $0x3, v28  }
0x3a3: {  	v46 =	vld.idx.msk [tilespmem:v46+s6+$0x0], $0xffff;
	v37 =	vmul.f32 v58, v39;
	v33 =	vadd.f32 v38, v33;
	v41 =	vmul.f32 v60, v39  }
0x3a4: {  	s31 =	sand.u32 $0x8, s12;
	v58 =	vor.u32 $0x5, v28;
	v38 =	vld [tilespmem:s11+$0x300];
	v30 =	vadd.f32 v43, v30;
	v31 =	vadd.f32 v42, v31  }
0x3a5: {  	v52 =	vmul.f32 v56, v39;
	v45 =	vld.idx.msk [tilespmem:v61+s6+$0x0], $0xffff;
	v36 =	vadd.f32 v41, v57;
	v57 =	vmov s31  }
0x3a6: {  	s4 =	sand.u32 $0x70, s10;
	v32 =	vadd.f32 v63, v32;
	v35 =	vadd.f32 v37, v35;
	v63 =	vld.idx.msk [tilespmem:v55+s6+$0x0], $0xffff;
	v37 =	vshll.u32 v57, $0x7  }
0x3a7: {  	v61 =	vor.u32 $0x6, v28;
	v28 =	vor.u32 $0x7, v28;
	v56 =	vld.idx.msk [tilespmem:v62+s6+$0x0], $0xffff;
	v37 =	vor.u32 s4, v37  }
0x3a8: {  	v55 =	vor.u32 $0xA80, v1;
	v39 =	vmul.f32 v46, v39;
	v60 =	vld.idx.msk [tilespmem:v54+s6+$0x0], $0xffff;
	v37 =	vbroadcast v37, $0x0  }
0x3a9: {  	v34 =	vadd.f32 v52, v34;
	v52 =	vor.u32 $0x980, v1;
	v59 =	vmul.f32 v53, v38  }
0x3aa: {  	v53 =	vor.u32 $0xA00, v1;
	v29 =	vadd.f32 v39, v29;
	v41 =	vor.u32 v48, v37  }
0x3ab: {  	v62 =	vmul.f32 v45, v38;
	v39 =	vld.idx.msk [tilespmem:v58+s6+$0x0], $0xffff;
	v45 =	vmul.f32 v63, v38;
	v50 =	vor.u32 v49, v37  }
0x3ac: {  	v43 =	vld.idx.msk [tilespmem:v61+s6+$0x0], $0xffff;
	v33 =	vadd.f32 v59, v33;
	v40 =	vmul.f32 v56, v38;
	v44 =	vor.u32 v51, v37  }
0x3ad: {  	v28 =	vld.idx.msk [tilespmem:v28+s6+$0x0], $0xffff;
	v30 =	vadd.f32 v62, v30;
	v42 =	vmul.f32 v60, v38;
	v46 =	vor.u32 v52, v37  }
0x3ae: {  	v56 =	vadd.f32 v45, v34;
	v31 =	vadd.f32 v40, v31;
	v54 =	vor.u32 v53, v37  }
0x3af: {  	v58 =	vor.u32 $0xB00, v1;
	v32 =	vadd.f32 v42, v32;
	v57 =	vor.u32 v55, v37;
	[tilespmem:v41+s30+$0x0] =	vst.idx.msk $0xffff, v33  }
0x3b0: {  	v60 =	vor.u32 $0xB80, v1;
	v39 =	vmul.f32 v39, v38;
	v59 =	vor.u32 v58, v37;
	[tilespmem:v50+s30+$0x0] =	vst.idx.msk $0xffff, v30  }
0x3b1: {  	p1 =	sne.s32 s12, $0xF;
	v61 =	vmul.f32 v43, v38;
	v62 =	vor.u32 v60, v37;
	[tilespmem:v44+s30+$0x0] =	vst.idx.msk $0xffff, v31  }
.Ltmp26:
0x3b2: {  	v28 =	vmul.f32 v28, v38;
	v35 =	vadd.f32 v39, v35;
	[tilespmem:v46+s30+$0x0] =	vst.idx.msk $0xffff, v32;
	(pc) =	sbr.rel @p1 .LBB2_42-.Ltmp26, $4  }
0x3b3: {  	v63 =	vadd.f32 v61, v36;
	[tilespmem:v54+s30+$0x0] =	vst.idx.msk $0xffff, v56  }
0x3b4: {  	v28 =	vadd.f32 v28, v29;
	[tilespmem:v57+s30+$0x0] =	vst.idx.msk $0xffff, v35  }
0x3b5: {  	[tilespmem:v59+s30+$0x0] =	vst.idx.msk $0xffff, v63  }
0x3b6: {  	s10 =	sadd.s32 $0x10, s10;
	s12 =	sadd.s32 $0x1, s12;
	s11 =	sadd.s32 $0x10, s11;
	[tilespmem:v62+s30+$0x0] =	vst.idx.msk $0xffff, v28  }
0x3b7: {  	s8 =	sadd.s32 $0xFFFFFF00, s8;
	s10 =	rddreg [dreg:$0x11]  }
0x3b8: {  	s10 =	sadd.s32 s10, s8  }
0x3b9: {  	s11 =	rddreg [dreg:$0x1];
	s10 =	sand.u32 $0x1FFFFF00, s10  }
0x3ba: {  	s10 =	sadd.s32 s11, s10  }
0x3bb: {  	[hbm4b:s10+s5] =	stream.linear.scatter [tilespmem:s30], [sflag:$0x5], $0x800, $0x38;
	[tilespmem:$0x1F300] =	vst v63  }
0x3bc: {  	_ =	swait.ge [sflag:s17], $0x800  }
0x3bd: {  	s12 =	sld [smem:$0x7FD];
	_ =	sdelay $0x1  }
0x3be: {  	[sflag:s17] =	ssyncset.done $0x0  }
0x3bf: {  	s4 =	simm.s32 $0x1EB00;
	[sflag:s17] =	ssyncadd.s32 $0xFFFFF800;
	s8 =	sadd.s32 s12, s8  }
0x3c0: {  	[hbm4b:s8+s5] =	stream.linear.scatter [tilespmem:s4], [sflag:$0x5], $0x800, $0x38;
	[tilespmem:$0x1F300] =	vst v63  }
0x3c1: {  	_ =	swait.ge [sflag:s17], $0x800  }
0x3c2: {  	[sflag:s17] =	ssyncset.done $0x0  }
0x3c3: {  	s31 =	stileid.u32;
	[sflag:s17] =	ssyncadd.s32 $0xFFFFF800  }
.LBB2_44:
0x3c4: {  	s8 =	simm.s32 $0x1D200  }
0x3c5: {  	v28 =	vld [tilespmem:s8+$0xFFFFFE00]  }
0x3c6: {  	v29 =	vld [tilespmem:s8+$0xFFFFFF00]  }
0x3c7: {  	v30 =	vld [tilespmem:s8+$0x0];
	_ =	sdelay $0x3  }
0x3c8: {  	v28 =	vmul.f32 v28, v3;
	v29 =	vmul.f32 v29, v3  }
0x3c9: {  	v30 =	vmul.f32 v30, v3  }
0x3ca: {  	v31 =	vtrunc.f32 v28;
	v34 =	vtrunc.f32 v29  }
0x3cb: {  	v55 =	vtrunc.f32 v30;
	vm1 =	vlt.f32 v28, v31;
	v31 =	vcvt.f32.s32 v31  }
0x3cc: {  	v35 =	vcvt.f32.s32 v34;
	vm2 =	vlt.f32 v29, v34;
	v38 =	vcvt.f32.s32 v55  }
0x3cd: {  	v36 =	vsel vm1, $0xFFFFFFFF, v12;
	v37 =	vsel vm2, $0xFFFFFFFF, v12;
	vm1 =	vlt.f32 v30, v55  }
0x3ce: {  	v31 =	vadd.s32 v31, v36;
	v56 =	vadd.s32 v35, v37;
	v57 =	vsel vm1, $0xFFFFFFFF, v12  }
0x3cf: {  	s10 =	simm.s32 $0x0;
	v36 =	vcvt.s32.f32 v31;
	v35 =	vadd.s32 v38, v57;
	v37 =	vcvt.s32.f32 v56  }
0x3d0: {  	v32 =	vor.u32 s10, v14;
	v33 =	vor.u32 s10, v16;
	v59 =	vcvt.s32.f32 v35  }
0x3d1: {  	v58 =	vor.u32 s10, v1;
	v28 =	vsub.f32 v28, v36;
	v29 =	vsub.f32 v29, v37  }
0x3d2: {  	v51 =	vor.u32 s10, v18;
	v34 =	vmul.u32 $0x9E3779B1, v56;
	v30 =	vsub.f32 v30, v59  }
0x3d3: {  	v38 =	vand.u32 v13, v58;
	v40 =	vsub.f32 $1.000000000e+00, v28;
	v41 =	vsub.f32 $1.000000000e+00, v29  }
0x3d4: {  	v35 =	vmul.u32 $0x30025795, v35;
	v37 =	vand.u32 $0xF8, v58;
	v60 =	vxor.u32 v31, v34  }
0x3d5: {  	v42 =	vadd.s32 $0x9E3779B1, v34;
	v45 =	vsub.f32 $1.000000000e+00, v30;
	v46 =	vmul.f32 v41, v40  }
0x3d6: {  	v39 =	vor.u32 v17, v37;
	v44 =	vxor.u32 v35, v60;
	v47 =	vor.u32 v15, v37  }
0x3d7: {  	v43 =	vadd.s32 $0x30025795, v35;
	v44 =	vand.u32 $0x7FFFF, v44;
	v49 =	vmul.f32 v45, v46  }
0x3d8: {  	v63 =	vor.u32 s10, v20;
	v48 =	vxor.u32 v31, v42;
	v36 =	vxor.u32 v60, v43;
	[tilespmem:v38+s9+$0x0] =	vst.idx.msk $0xffff, v44  }
0x3d9: {  	v36 =	vand.u32 $0x7FFFF, v36;
	v40 =	vmul.f32 v29, v40;
	v46 =	vmul.f32 v46, v30;
	[tilespmem:v38+s29+$0x0] =	vst.idx.msk $0xffff, v49  }
0x3da: {  	v31 =	vadd.s32 $0x1, v31;
	v61 =	vxor.u32 v35, v48;
	v49 =	vor.u32 v19, v37;
	[tilespmem:v32+s9+$0x0] =	vst.idx.msk $0xffff, v36  }
0x3db: {  	v54 =	vor.u32 v21, v37;
	v53 =	vand.u32 $0x7FFFF, v61;
	v50 =	vmul.f32 v45, v40;
	[tilespmem:v47+s29+$0x0] =	vst.idx.msk $0xffff, v46  }
0x3dc: {  	v56 =	vor.u32 s10, v22;
	v62 =	vxor.u32 v43, v48;
	v34 =	vxor.u32 v31, v34;
	[tilespmem:v33+s9+$0x0] =	vst.idx.msk $0xffff, v53  }
0x3dd: {  	v52 =	vmul.f32 v41, v28;
	v40 =	vmul.f32 v30, v40;
	v38 =	vand.u32 $0x7FFFF, v62;
	[tilespmem:v39+s29+$0x0] =	vst.idx.msk $0xffff, v50  }
0x3de: {  	v58 =	vor.u32 v23, v37;
	v59 =	vor.u32 s10, v24;
	v57 =	vxor.u32 v35, v34;
	[tilespmem:v51+s9+$0x0] =	vst.idx.msk $0xffff, v38  }
0x3df: {  	v31 =	vxor.u32 v31, v42;
	v60 =	vand.u32 $0x7FFFF, v57;
	v55 =	vmul.f32 v45, v52;
	[tilespmem:v49+s29+$0x0] =	vst.idx.msk $0xffff, v40  }
0x3e0: {  	v34 =	vxor.u32 v34, v43;
	v61 =	vor.u32 v25, v37;
	[tilespmem:v63+s9+$0x0] =	vst.idx.msk $0xffff, v60  }
0x3e1: {  	v62 =	vmul.f32 v29, v28;
	v28 =	vand.u32 $0x7FFFF, v34;
	v36 =	vmul.f32 v52, v30;
	[tilespmem:v54+s29+$0x0] =	vst.idx.msk $0xffff, v55  }
0x3e2: {  	v29 =	vxor.u32 v35, v31;
	[tilespmem:v56+s9+$0x0] =	vst.idx.msk $0xffff, v28  }
0x3e3: {  	v29 =	vand.u32 $0x7FFFF, v29;
	v28 =	vor.u32 s10, v26;
	[tilespmem:v58+s29+$0x0] =	vst.idx.msk $0xffff, v36  }
0x3e4: {  	v63 =	vmul.f32 v45, v62;
	[tilespmem:v59+s9+$0x0] =	vst.idx.msk $0xffff, v29;
	v29 =	vor.u32 v27, v37  }
0x3e5: {  	v31 =	vxor.u32 v43, v31  }
0x3e6: {  	v31 =	vand.u32 $0x7FFFF, v31;
	v30 =	vmul.f32 v30, v62;
	s10 =	simm.s32 $0x10;
	[tilespmem:v61+s29+$0x0] =	vst.idx.msk $0xffff, v63  }
.LBB2_45:
0x3e7: {  	p1 =	sne.s32 s10, $0xF0  }
0x3e8: {  	[tilespmem:v28+s9+$0x0] =	vst.idx.msk $0xffff, v31;
	s8 =	sadd.s32 $0x10, s8;
	s11 =	smov.u32 s10;
	s10 =	sadd.s32 $0x10, s10  }
0x3e9: {  	[tilespmem:v29+s29+$0x0] =	vst.idx.msk $0xffff, v30  }
0x3ea: {  	v28 =	vld [tilespmem:s8+$0xFFFFFE00]  }
0x3eb: {  	v29 =	vld [tilespmem:s8+$0xFFFFFF00];
	_ =	sdelay $0x1  }
0x3ec: {  	v30 =	vld [tilespmem:s8+$0x0];
	_ =	sdelay $0x1  }
0x3ed: {  	v28 =	vmul.f32 v28, v3  }
0x3ee: {  	v31 =	vor.u32 s11, v20;
	v29 =	vmul.f32 v29, v3  }
0x3ef: {  	v33 =	vor.u32 s11, v14;
	v34 =	vor.u32 s11, v16;
	v32 =	vtrunc.f32 v28  }
0x3f0: {  	v30 =	vmul.f32 v30, v3;
	v35 =	vtrunc.f32 v29;
	vm1 =	vlt.f32 v28, v32  }
0x3f1: {  	v32 =	vcvt.f32.s32 v32;
	v36 =	vcvt.f32.s32 v35;
	vm2 =	vlt.f32 v29, v35  }
0x3f2: {  	v37 =	vsel vm1, $0xFFFFFFFF, v12;
	v35 =	vtrunc.f32 v30;
	v38 =	vsel vm2, $0xFFFFFFFF, v12  }
0x3f3: {  	v32 =	vadd.s32 v32, v37;
	v39 =	vcvt.f32.s32 v35;
	vm1 =	vlt.f32 v30, v35  }
0x3f4: {  	v35 =	vadd.s32 v36, v38;
	v37 =	vcvt.s32.f32 v32;
	v36 =	vsel vm1, $0xFFFFFFFF, v12  }
0x3f5: {  	v38 =	vcvt.s32.f32 v35;
	v36 =	vadd.s32 v39, v36;
	v39 =	vor.u32 s11, v1  }
0x3f6: {  	v35 =	vmul.u32 $0x9E3779B1, v35;
	v28 =	vsub.f32 v28, v37;
	v37 =	vcvt.s32.f32 v36  }
0x3f7: {  	v29 =	vsub.f32 v29, v38;
	v36 =	vmul.u32 $0x30025795, v36;
	v38 =	vand.u32 $0xF8, v39  }
0x3f8: {  	v40 =	vor.u32 v17, v38;
	v30 =	vsub.f32 v30, v37;
	v37 =	vxor.u32 v32, v35  }
0x3f9: {  	v39 =	vand.u32 v13, v39;
	v41 =	vsub.f32 $1.000000000e+00, v28;
	v42 =	vsub.f32 $1.000000000e+00, v29  }
0x3fa: {  	v43 =	vadd.s32 $0x9E3779B1, v35;
	v44 =	vadd.s32 $0x30025795, v36;
	v45 =	vxor.u32 v36, v37  }
0x3fb: {  	v46 =	vsub.f32 $1.000000000e+00, v30;
	v47 =	vmul.f32 v42, v41;
	v41 =	vmul.f32 v29, v41  }
0x3fc: {  	v48 =	vor.u32 v15, v38;
	v49 =	vxor.u32 v32, v43;
	v37 =	vxor.u32 v37, v44  }
0x3fd: {  	v45 =	vand.u32 $0x7FFFF, v45;
	v50 =	vmul.f32 v46, v47;
	v47 =	vmul.f32 v47, v30  }
0x3fe: {  	v52 =	vor.u32 s11, v18;
	v51 =	vmul.f32 v46, v41;
	[tilespmem:v39+s9+$0x0] =	vst.idx.msk $0xffff, v45;
	v45 =	vxor.u32 v36, v49  }
0x3ff: {  	v37 =	vand.u32 $0x7FFFF, v37;
	v41 =	vmul.f32 v30, v41;
	[tilespmem:v39+s29+$0x0] =	vst.idx.msk $0xffff, v50;
	v39 =	vxor.u32 v44, v49  }
0x400: {  	v32 =	vadd.s32 $0x1, v32;
	[tilespmem:v33+s9+$0x0] =	vst.idx.msk $0xffff, v37;
	v33 =	vor.u32 v19, v38;
	v37 =	vmul.f32 v42, v28  }
0x401: {  	v35 =	vxor.u32 v32, v35;
	v42 =	vand.u32 $0x7FFFF, v45;
	v45 =	vor.u32 v21, v38;
	[tilespmem:v48+s29+$0x0] =	vst.idx.msk $0xffff, v47  }
0x402: {  	[tilespmem:v34+s9+$0x0] =	vst.idx.msk $0xffff, v42;
	v34 =	vmul.f32 v46, v37;
	v42 =	vor.u32 s11, v22;
	v37 =	vmul.f32 v37, v30  }
0x403: {  	v39 =	vand.u32 $0x7FFFF, v39;
	v47 =	vor.u32 v23, v38;
	[tilespmem:v40+s29+$0x0] =	vst.idx.msk $0xffff, v51;
	v40 =	vxor.u32 v36, v35  }
0x404: {  	v32 =	vxor.u32 v32, v43;
	v35 =	vxor.u32 v35, v44;
	[tilespmem:v52+s9+$0x0] =	vst.idx.msk $0xffff, v39;
	v39 =	vor.u32 s11, v24  }
0x405: {  	v36 =	vxor.u32 v36, v32;
	[tilespmem:v33+s29+$0x0] =	vst.idx.msk $0xffff, v41;
	v33 =	vand.u32 $0x7FFFF, v40;
	v40 =	vor.u32 v25, v38  }
0x406: {  	v32 =	vxor.u32 v44, v32;
	[tilespmem:v31+s9+$0x0] =	vst.idx.msk $0xffff, v33;
	v31 =	vmul.f32 v29, v28;
	v28 =	vor.u32 s11, v26  }
.Ltmp27:
0x407: {  	v33 =	vand.u32 $0x7FFFF, v35;
	v29 =	vor.u32 v27, v38;
	[tilespmem:v45+s29+$0x0] =	vst.idx.msk $0xffff, v34;
	(pc) =	sbr.rel @p1 .LBB2_45-.Ltmp27, $4  }
0x408: {  	[tilespmem:v42+s9+$0x0] =	vst.idx.msk $0xffff, v33;
	v33 =	vmul.f32 v46, v31;
	v30 =	vmul.f32 v30, v31  }
0x409: {  	v31 =	vand.u32 $0x7FFFF, v36;
	[tilespmem:v47+s29+$0x0] =	vst.idx.msk $0xffff, v37  }
0x40a: {  	[tilespmem:v39+s9+$0x0] =	vst.idx.msk $0xffff, v31  }
0x40b: {  	v31 =	vand.u32 $0x7FFFF, v32;
	[tilespmem:v40+s29+$0x0] =	vst.idx.msk $0xffff, v33  }
0x40c: {  	_ =	sdelay $0x3  }
0x40d: {  	[tilespmem:v28+s9+$0x0] =	vst.idx.msk $0xffff, v31  }
0x40e: {  	[tilespmem:v29+s29+$0x0] =	vst.idx.msk $0xffff, v30  }
0x40f: {  	_ =	swait.ge [sflag:s22], $0x4000  }
0x410: {  	s8 =	simm.s32 $0x0;
	[sflag:s22] =	ssyncset.done $0x0  }
0x411: {  	s10 =	simm.s32 $0x1C400;
	s11 =	simm.s32 $0x0;
	[sflag:s22] =	ssyncadd.s32 $0xFFFFC000  }
.LBB2_47:
0x412: {  	v28 =	vmov s8  }
0x413: {  	v35 =	vshll.u32 v28, $0x3  }
0x414: {  	v28 =	vor.u32 v7, v35  }
0x415: {  	v29 =	vor.u32 $0x1, v28  }
0x416: {  	v32 =	vld [tilespmem:s10+$0xFFFFFC00];
	v30 =	vor.u32 $0x2, v28  }
0x417: {  	v43 =	vld [tilespmem:s10+$0xFFFFFD00];
	v31 =	vor.u32 $0x3, v28  }
0x418: {  	v53 =	vld [tilespmem:s10+$0xFFFFFE00];
	v33 =	vor.u32 $0x4, v28  }
0x419: {  	v36 =	vor.u32 $0x5, v28;
	v34 =	vld.idx.msk [tilespmem:v28+s15+$0x0], $0xffff  }
0x41a: {  	v37 =	vld.idx.msk [tilespmem:v29+s15+$0x0], $0xffff;
	v29 =	vor.u32 $0x6, v28  }
0x41b: {  	v38 =	vor.u32 $0x7, v28;
	v30 =	vld.idx.msk [tilespmem:v30+s15+$0x0], $0xffff;
	v28 =	vor.u32 $0x800, v7  }
0x41c: {  	v31 =	vld.idx.msk [tilespmem:v31+s15+$0x0], $0xffff;
	v39 =	vor.u32 v28, v35  }
0x41d: {  	v33 =	vld.idx.msk [tilespmem:v33+s15+$0x0], $0xffff;
	v42 =	vor.u32 $0x3, v39  }
0x41e: {  	v36 =	vld.idx.msk [tilespmem:v36+s15+$0x0], $0xffff;
	v47 =	vor.u32 $0x6, v39  }
0x41f: {  	v41 =	vld.idx.msk [tilespmem:v29+s15+$0x0], $0xffff;
	v29 =	vor.u32 $0x2, v39  }
0x420: {  	v38 =	vld.idx.msk [tilespmem:v38+s15+$0x0], $0xffff;
	v40 =	vor.u32 $0x1, v39  }
0x421: {  	v44 =	vor.u32 $0x4, v39;
	v45 =	vld.idx.msk [tilespmem:v39+s15+$0x0], $0xffff  }
0x422: {  	v46 =	vor.u32 $0x5, v39;
	v42 =	vld.idx.msk [tilespmem:v42+s15+$0x0], $0xffff  }
0x423: {  	v39 =	vor.u32 $0x7, v39;
	v47 =	vld.idx.msk [tilespmem:v47+s15+$0x0], $0xffff  }
0x424: {  	v48 =	vld.idx.msk [tilespmem:v29+s15+$0x0], $0xffff;
	v29 =	vor.u32 $0x1000, v7  }
0x425: {  	v40 =	vld.idx.msk [tilespmem:v40+s15+$0x0], $0xffff;
	v49 =	vor.u32 v29, v35  }
0x426: {  	v44 =	vld.idx.msk [tilespmem:v44+s15+$0x0], $0xffff;
	v50 =	vor.u32 $0x1, v49  }
0x427: {  	v31 =	vmul.f32 v31, v32;
	v46 =	vld.idx.msk [tilespmem:v46+s15+$0x0], $0xffff;
	v51 =	vor.u32 $0x2, v49;
	v42 =	vmul.f32 v42, v43  }
0x428: {  	v34 =	vmul.f32 v34, v32;
	v39 =	vld.idx.msk [tilespmem:v39+s15+$0x0], $0xffff;
	v54 =	vor.u32 $0x4, v49  }
0x429: {  	v52 =	vor.u32 $0x3, v49;
	v42 =	vadd.f32 v42, v31;
	v31 =	vmul.f32 v47, v43;
	v47 =	vld [tilespmem:s10+$0xFFFFFF00]  }
0x42a: {  	v37 =	vmul.f32 v37, v32;
	v55 =	vmul.f32 v30, v32;
	v57 =	vor.u32 $0x5, v49;
	v56 =	vld.idx.msk [tilespmem:v49+s15+$0x0], $0xffff  }
0x42b: {  	v33 =	vmul.f32 v33, v32;
	v36 =	vmul.f32 v36, v32;
	v58 =	vor.u32 $0x6, v49;
	v50 =	vld.idx.msk [tilespmem:v50+s15+$0x0], $0xffff  }
0x42c: {  	v30 =	vor.u32 $0x1800, v7;
	v41 =	vmul.f32 v41, v32;
	v49 =	vor.u32 $0x7, v49;
	v51 =	vld.idx.msk [tilespmem:v51+s15+$0x0], $0xffff  }
0x42d: {  	v40 =	vmul.f32 v40, v43;
	v61 =	vmul.f32 v48, v43;
	v48 =	vld.idx.msk [tilespmem:v54+s15+$0x0], $0xffff;
	v54 =	vor.u32 v30, v35  }
0x42e: {  	v32 =	vmul.f32 v38, v32;
	v45 =	vmul.f32 v45, v43;
	v52 =	vld.idx.msk [tilespmem:v52+s15+$0x0], $0xffff;
	v62 =	vor.u32 $0x1, v54  }
0x42f: {  	v44 =	vmul.f32 v44, v43;
	v37 =	vadd.f32 v40, v37;
	v40 =	vld.idx.msk [tilespmem:v57+s15+$0x0], $0xffff;
	v63 =	vor.u32 $0x2, v54  }
0x430: {  	v46 =	vmul.f32 v46, v43;
	v38 =	vadd.f32 v61, v55;
	v55 =	vld.idx.msk [tilespmem:v58+s15+$0x0], $0xffff;
	v58 =	vor.u32 $0x3, v54  }
0x431: {  	v34 =	vadd.f32 v45, v34;
	v33 =	vadd.f32 v44, v33;
	v60 =	vor.u32 $0x5, v54;
	v49 =	vld.idx.msk [tilespmem:v49+s15+$0x0], $0xffff  }
0x432: {  	v36 =	vadd.f32 v46, v36;
	v39 =	vmul.f32 v39, v43;
	v61 =	vor.u32 $0x6, v54;
	v44 =	vld.idx.msk [tilespmem:v54+s15+$0x0], $0xffff  }
0x433: {  	v41 =	vadd.f32 v31, v41;
	v31 =	vor.u32 $0x2000, v7;
	v59 =	vor.u32 $0x4, v54;
	v43 =	vld.idx.msk [tilespmem:v62+s15+$0x0], $0xffff  }
0x434: {  	v32 =	vadd.f32 v39, v32;
	v56 =	vmul.f32 v56, v53;
	v52 =	vmul.f32 v52, v53;
	v57 =	vld.idx.msk [tilespmem:v63+s15+$0x0], $0xffff  }
0x435: {  	v54 =	vor.u32 $0x7, v54;
	v48 =	vmul.f32 v48, v53;
	v63 =	vmul.f32 v51, v53;
	v51 =	vld.idx.msk [tilespmem:v58+s15+$0x0], $0xffff  }
0x436: {  	v40 =	vmul.f32 v40, v53;
	v62 =	vmul.f32 v50, v53;
	v58 =	vor.u32 v31, v35;
	v39 =	vld.idx.msk [tilespmem:v60+s15+$0x0], $0xffff  }
0x437: {  	v34 =	vadd.f32 v56, v34;
	v45 =	vld.idx.msk [tilespmem:v61+s15+$0x0], $0xffff;
	v61 =	vmul.f32 v55, v53;
	v60 =	vor.u32 $0x1, v58  }
0x438: {  	v56 =	vld.idx.msk [tilespmem:v59+s15+$0x0], $0xffff;
	v42 =	vadd.f32 v52, v42;
	v50 =	vor.u32 $0x2, v58;
	v55 =	vor.u32 $0x3, v58  }
0x439: {  	v33 =	vadd.f32 v48, v33;
	v37 =	vadd.f32 v62, v37;
	v62 =	vmul.f32 v49, v53;
	v49 =	vld [tilespmem:s10+$0x0]  }
0x43a: {  	v36 =	vadd.f32 v40, v36;
	v38 =	vadd.f32 v63, v38;
	v63 =	vor.u32 $0x5, v58;
	v54 =	vld.idx.msk [tilespmem:v54+s15+$0x0], $0xffff  }
0x43b: {  	v40 =	vadd.f32 v61, v41;
	v53 =	vor.u32 $0x4, v58;
	v44 =	vmul.f32 v44, v47;
	v41 =	vld.idx.msk [tilespmem:v58+s15+$0x0], $0xffff  }
0x43c: {  	v48 =	vadd.f32 v62, v32;
	v43 =	vmul.f32 v43, v47;
	v46 =	vld.idx.msk [tilespmem:v60+s15+$0x0], $0xffff;
	v60 =	vor.u32 $0x6, v58  }
0x43d: {  	v61 =	vmul.f32 v57, v47;
	v51 =	vmul.f32 v51, v47;
	v50 =	vld.idx.msk [tilespmem:v50+s15+$0x0], $0xffff;
	v58 =	vor.u32 $0x7, v58  }
0x43e: {  	v32 =	vor.u32 $0x2800, v7;
	v62 =	vmul.f32 v56, v47;
	v45 =	vmul.f32 v45, v47;
	v55 =	vld.idx.msk [tilespmem:v55+s15+$0x0], $0xffff  }
0x43f: {  	v34 =	vadd.f32 v44, v34;
	v56 =	vor.u32 v32, v35;
	v37 =	vadd.f32 v43, v37;
	v44 =	vld.idx.msk [tilespmem:v63+s15+$0x0], $0xffff  }
0x440: {  	v38 =	vadd.f32 v61, v38;
	v42 =	vadd.f32 v51, v42;
	v51 =	vor.u32 $0x1, v56;
	v53 =	vld.idx.msk [tilespmem:v53+s15+$0x0], $0xffff  }
0x441: {  	v43 =	vadd.f32 v62, v33;
	v63 =	vmul.f32 v39, v47;
	v52 =	vor.u32 $0x2, v56;
	v39 =	vld.idx.msk [tilespmem:v60+s15+$0x0], $0xffff  }
0x442: {  	v57 =	vor.u32 $0x3, v56;
	v61 =	vor.u32 $0x4, v56;
	v47 =	vmul.f32 v54, v47;
	v54 =	vld.idx.msk [tilespmem:v58+s15+$0x0], $0xffff  }
0x443: {  	v40 =	vadd.f32 v45, v40;
	v62 =	vor.u32 $0x5, v56;
	v60 =	vmul.f32 v41, v49;
	v41 =	vld [tilespmem:s10+$0x100]  }
0x444: {  	v33 =	vor.u32 $0x3000, v7;
	v36 =	vadd.f32 v63, v36;
	v45 =	vadd.f32 v47, v48;
	v47 =	vld.idx.msk [tilespmem:v56+s15+$0x0], $0xffff  }
0x445: {  	v63 =	vor.u32 $0x6, v56;
	v46 =	vmul.f32 v46, v49;
	v50 =	vmul.f32 v50, v49;
	v48 =	vld [tilespmem:s10+$0x200]  }
0x446: {  	v55 =	vmul.f32 v55, v49;
	v56 =	vor.u32 $0x7, v56;
	v51 =	vld.idx.msk [tilespmem:v51+s15+$0x0], $0xffff;
	v44 =	vmul.f32 v44, v49  }
0x447: {  	v52 =	vld.idx.msk [tilespmem:v52+s15+$0x0], $0xffff;
	v34 =	vadd.f32 v60, v34;
	v37 =	vadd.f32 v46, v37;
	v60 =	vmul.f32 v53, v49  }
0x448: {  	v53 =	vld.idx.msk [tilespmem:v57+s15+$0x0], $0xffff;
	v38 =	vadd.f32 v50, v38;
	v42 =	vadd.f32 v55, v42;
	v55 =	vor.u32 v33, v35  }
0x449: {  	v50 =	vld.idx.msk [tilespmem:v61+s15+$0x0], $0xffff;
	v36 =	vadd.f32 v44, v36;
	v44 =	vor.u32 $0x2, v55;
	v43 =	vadd.f32 v60, v43  }
0x44a: {  	v46 =	vld.idx.msk [tilespmem:v62+s15+$0x0], $0xffff;
	v60 =	vor.u32 $0x4, v55;
	v39 =	vmul.f32 v39, v49;
	v61 =	vmul.f32 v54, v49  }
0x44b: {  	v47 =	vmul.f32 v47, v41;
	v49 =	vld.idx.msk [tilespmem:v63+s15+$0x0], $0xffff;
	v54 =	vor.u32 $0x1, v55;
	v62 =	vmul.f32 v51, v41  }
0x44c: {  	v63 =	vmul.f32 v52, v41;
	v39 =	vadd.f32 v39, v40;
	v40 =	vld.idx.msk [tilespmem:v56+s15+$0x0], $0xffff;
	v45 =	vadd.f32 v61, v45  }
0x44d: {  	v47 =	vadd.f32 v47, v34;
	v56 =	vor.u32 $0x3, v55;
	v52 =	vld.idx.msk [tilespmem:v55+s15+$0x0], $0xffff;
	v53 =	vmul.f32 v53, v41  }
0x44e: {  	v50 =	vmul.f32 v50, v41;
	v61 =	vor.u32 $0x5, v55;
	v34 =	vor.u32 $0x3800, v7  }
0x44f: {  	v46 =	vmul.f32 v46, v41;
	v37 =	vadd.f32 v62, v37;
	v38 =	vadd.f32 v63, v38;
	v44 =	vld.idx.msk [tilespmem:v44+s15+$0x0], $0xffff  }
0x450: {  	v63 =	vor.u32 $0x6, v55;
	v35 =	vor.u32 v34, v35;
	v42 =	vadd.f32 v53, v42;
	v62 =	vld.idx.msk [tilespmem:v54+s15+$0x0], $0xffff  }
0x451: {  	v43 =	vadd.f32 v50, v43;
	v36 =	vadd.f32 v46, v36;
	v49 =	vmul.f32 v49, v41;
	v54 =	vld [tilespmem:s10+$0x300]  }
0x452: {  	v40 =	vmul.f32 v40, v41;
	v59 =	vmul.f32 v52, v48;
	v52 =	vld.idx.msk [tilespmem:v60+s15+$0x0], $0xffff;
	v60 =	vor.u32 $0x7, v55  }
0x453: {  	s12 =	sand.u32 $0x8, s11;
	v50 =	vld.idx.msk [tilespmem:v56+s15+$0x0], $0xffff;
	v39 =	vadd.f32 v49, v39;
	v49 =	vor.u32 $0x1, v35;
	v55 =	vor.u32 $0x3, v35  }
0x454: {  	v46 =	vld.idx.msk [tilespmem:v61+s15+$0x0], $0xffff;
	v61 =	vmov s12;
	v41 =	vadd.f32 v59, v47;
	v47 =	vor.u32 $0x2, v35  }
0x455: {  	s4 =	sand.u32 $0x70, s8;
	v44 =	vmul.f32 v44, v48;
	v56 =	vshll.u32 v61, $0x7;
	v40 =	vadd.f32 v40, v45;
	v45 =	vld.idx.msk [tilespmem:v63+s15+$0x0], $0xffff  }
0x456: {  	v63 =	vor.u32 $0x4, v35;
	v56 =	vor.u32 s4, v56;
	v51 =	vmul.f32 v62, v48;
	v62 =	vld.idx.msk [tilespmem:v35+s15+$0x0], $0xffff  }
0x457: {  	v56 =	vbroadcast v56, $0x0;
	v38 =	vadd.f32 v44, v38;
	v53 =	vld.idx.msk [tilespmem:v60+s15+$0x0], $0xffff;
	v60 =	vor.u32 $0x5, v35  }
0x458: {  	v50 =	vmul.f32 v50, v48;
	v37 =	vadd.f32 v51, v37;
	v49 =	vld.idx.msk [tilespmem:v49+s15+$0x0], $0xffff;
	v51 =	vor.u32 $0x6, v35  }
0x459: {  	v35 =	vor.u32 $0x7, v35;
	v61 =	vmul.f32 v52, v48;
	v46 =	vmul.f32 v46, v48;
	v44 =	vld.idx.msk [tilespmem:v47+s15+$0x0], $0xffff  }
0x45a: {  	v52 =	vor.u32 v1, v56;
	v56 =	vor.u32 v4, v56;
	v42 =	vadd.f32 v50, v42;
	v50 =	vld.idx.msk [tilespmem:v55+s15+$0x0], $0xffff  }
0x45b: {  	v57 =	vld.idx.msk [tilespmem:v63+s15+$0x0], $0xffff;
	v63 =	vor.u32 $0x80, v5;
	v43 =	vadd.f32 v61, v43;
	v62 =	vmul.f32 v62, v54  }
0x45c: {  	v45 =	vmul.f32 v45, v48;
	v36 =	vadd.f32 v46, v36;
	v55 =	vor.u32 $0x280, v5;
	v47 =	vld.idx.msk [tilespmem:v60+s15+$0x0], $0xffff  }
0x45d: {  	v58 =	vor.u32 v63, v56;
	v41 =	vadd.f32 v62, v41;
	v60 =	vmul.f32 v49, v54;
	v49 =	vld.idx.msk [tilespmem:v51+s15+$0x0], $0xffff  }
0x45e: {  	v39 =	vadd.f32 v45, v39;
	v61 =	vmul.f32 v53, v48;
	v35 =	vld.idx.msk [tilespmem:v35+s15+$0x0], $0xffff;
	v62 =	vor.u32 v15, v56  }
0x45f: {  	v51 =	vor.u32 $0x180, v5;
	v53 =	vor.u32 v17, v56;
	[tilespmem:v52+s30+$0x0] =	vst.idx.msk $0xffff, v41;
	v37 =	vadd.f32 v60, v37  }
0x460: {  	v63 =	vmul.f32 v44, v54;
	v40 =	vadd.f32 v61, v40;
	v44 =	vor.u32 v51, v56  }
0x461: {  	v52 =	vmul.f32 v50, v54;
	v41 =	vor.u32 v55, v56;
	v60 =	vor.u32 v19, v56  }
0x462: {  	v61 =	vor.u32 $0x380, v5;
	v38 =	vadd.f32 v63, v38;
	[tilespmem:v58+s30+$0x0] =	vst.idx.msk $0xffff, v37;
	v58 =	vmul.f32 v57, v54  }
0x463: {  	v42 =	vadd.f32 v52, v42;
	v59 =	vmul.f32 v47, v54;
	v63 =	vmul.f32 v49, v54  }
0x464: {  	p1 =	sne.s32 s11, $0xF;
	[tilespmem:v62+s30+$0x0] =	vst.idx.msk $0xffff, v38;
	v43 =	vadd.f32 v58, v43;
	v62 =	vor.u32 v61, v56  }
.Ltmp28:
0x465: {  	v35 =	vmul.f32 v35, v54;
	v36 =	vadd.f32 v59, v36;
	[tilespmem:v44+s30+$0x0] =	vst.idx.msk $0xffff, v42;
	(pc) =	sbr.rel @p1 .LBB2_47-.Ltmp28, $4  }
0x466: {  	v39 =	vadd.f32 v63, v39;
	[tilespmem:v53+s30+$0x0] =	vst.idx.msk $0xffff, v43  }
0x467: {  	v35 =	vadd.f32 v35, v40;
	[tilespmem:v41+s30+$0x0] =	vst.idx.msk $0xffff, v36  }
0x468: {  	[tilespmem:v60+s30+$0x0] =	vst.idx.msk $0xffff, v39  }
0x469: {  	s8 =	sadd.s32 $0x10, s8;
	s11 =	sadd.s32 $0x1, s11;
	s10 =	sadd.s32 $0x10, s10;
	[tilespmem:v62+s30+$0x0] =	vst.idx.msk $0xffff, v35  }
0x46a: {  	s1 =	sadd.s32 $0x1, s1  }
0x46b: {  	p1 =	sne.s32 s1, $0x80  }
.Ltmp29:
0x46c: {  	_ = 	snop;
	(pc) =	sbr.rel @p1 .LBB2_38-.Ltmp29, $2  }
0x46d: {  	_ =	sdelay $0x2  }
0x46e: {  	[tilespmem:s6], [sflag:$0x2] =	stream.indirect.gather [hbm4b:s0+s20], $0x8, s9, s20, $0xb8;
	[tilespmem:$0x1F300] =	vst v63  }
0x46f: {  	_ =	swait.ge [sflag:s25], $0x4000  }
0x470: {  	[sflag:s25] =	ssyncset.done $0x0  }
0x471: {  	s0 =	simm.s32 $0x0;
	s12 =	rddreg [dreg:$0x5];
	[sflag:s25] =	ssyncadd.s32 $0xFFFFC000  }
0x472: {  	s1 =	simm.s32 $0x1CC00;
	s3 =	simm.s32 $0x0;
	s23 =	rddreg [dreg:$0x0]  }
.LBB2_50:
0x473: {  	v35 =	vmov s0  }
0x474: {  	v35 =	vshll.u32 v35, $0x3  }
0x475: {  	v36 =	vor.u32 v7, v35  }
0x476: {  	v45 =	vor.u32 v28, v35  }
0x477: {  	v40 =	vld [tilespmem:s1+$0xFFFFFC00];
	v54 =	vor.u32 v29, v35  }
0x478: {  	v49 =	vld [tilespmem:s1+$0xFFFFFD00];
	v37 =	vor.u32 $0x1, v36  }
0x479: {  	v58 =	vld [tilespmem:s1+$0xFFFFFE00];
	v38 =	vor.u32 $0x2, v36  }
0x47a: {  	v39 =	vor.u32 $0x3, v36;
	v42 =	vld.idx.msk [tilespmem:v36+s6+$0x0], $0xffff  }
0x47b: {  	v41 =	vor.u32 $0x4, v36;
	v51 =	vld.idx.msk [tilespmem:v45+s6+$0x0], $0xffff  }
0x47c: {  	v43 =	vor.u32 $0x5, v36;
	v60 =	vld.idx.msk [tilespmem:v54+s6+$0x0], $0xffff  }
0x47d: {  	v44 =	vor.u32 $0x6, v36;
	v37 =	vld.idx.msk [tilespmem:v37+s6+$0x0], $0xffff  }
0x47e: {  	v46 =	vor.u32 $0x1, v45;
	v38 =	vld.idx.msk [tilespmem:v38+s6+$0x0], $0xffff  }
0x47f: {  	v47 =	vor.u32 $0x2, v45;
	v39 =	vld.idx.msk [tilespmem:v39+s6+$0x0], $0xffff  }
0x480: {  	v48 =	vor.u32 $0x3, v45;
	v41 =	vld.idx.msk [tilespmem:v41+s6+$0x0], $0xffff  }
0x481: {  	v50 =	vor.u32 $0x4, v45;
	v43 =	vld.idx.msk [tilespmem:v43+s6+$0x0], $0xffff  }
0x482: {  	v52 =	vor.u32 $0x5, v45;
	v44 =	vld.idx.msk [tilespmem:v44+s6+$0x0], $0xffff  }
0x483: {  	v53 =	vor.u32 $0x6, v45;
	v46 =	vld.idx.msk [tilespmem:v46+s6+$0x0], $0xffff  }
0x484: {  	v55 =	vor.u32 $0x1, v54;
	v47 =	vld.idx.msk [tilespmem:v47+s6+$0x0], $0xffff  }
0x485: {  	v56 =	vor.u32 $0x2, v54;
	v48 =	vld.idx.msk [tilespmem:v48+s6+$0x0], $0xffff  }
0x486: {  	v57 =	vor.u32 $0x3, v54;
	v50 =	vld.idx.msk [tilespmem:v50+s6+$0x0], $0xffff  }
0x487: {  	v63 =	vor.u32 v30, v35;
	v59 =	vor.u32 $0x4, v54;
	v52 =	vld.idx.msk [tilespmem:v52+s6+$0x0], $0xffff  }
0x488: {  	v8 =	vor.u32 $0x3, v63;
	v53 =	vld.idx.msk [tilespmem:v53+s6+$0x0], $0xffff  }
0x489: {  	v6 =	vor.u32 $0x4, v63;
	v55 =	vld.idx.msk [tilespmem:v55+s6+$0x0], $0xffff  }
0x48a: {  	v61 =	vor.u32 $0x5, v54;
	v36 =	vor.u32 $0x7, v36;
	v56 =	vld.idx.msk [tilespmem:v56+s6+$0x0], $0xffff;
	v42 =	vmul.f32 v42, v40  }
0x48b: {  	v45 =	vor.u32 $0x7, v45;
	v57 =	vld.idx.msk [tilespmem:v57+s6+$0x0], $0xffff;
	v51 =	vmul.f32 v51, v49;
	v60 =	vmul.f32 v60, v58  }
0x48c: {  	v62 =	vor.u32 $0x6, v54;
	v59 =	vld.idx.msk [tilespmem:v59+s6+$0x0], $0xffff;
	v37 =	vmul.f32 v37, v40;
	v38 =	vmul.f32 v38, v40  }
0x48d: {  	v54 =	vor.u32 $0x7, v54;
	v8 =	vld.idx.msk [tilespmem:v8+s6+$0x0], $0xffff;
	v39 =	vmul.f32 v39, v40;
	v41 =	vmul.f32 v41, v40  }
0x48e: {  	v6 =	vld.idx.msk [tilespmem:v6+s6+$0x0], $0xffff;
	v43 =	vmul.f32 v43, v40;
	v44 =	vmul.f32 v44, v40  }
0x48f: {  	v36 =	vld.idx.msk [tilespmem:v36+s6+$0x0], $0xffff;
	v46 =	vmul.f32 v46, v49;
	v47 =	vmul.f32 v47, v49  }
0x490: {  	v45 =	vld.idx.msk [tilespmem:v45+s6+$0x0], $0xffff;
	v48 =	vmul.f32 v48, v49;
	v53 =	vmul.f32 v53, v49  }
0x491: {  	v55 =	vmul.f32 v55, v58;
	v42 =	vadd.f32 v51, v42;
	v51 =	vld.idx.msk [tilespmem:v62+s6+$0x0], $0xffff;
	v62 =	vor.u32 $0x2, v63  }
0x492: {  	v54 =	vld.idx.msk [tilespmem:v54+s6+$0x0], $0xffff;
	v37 =	vadd.f32 v46, v37;
	v46 =	vmul.f32 v50, v49;
	v38 =	vadd.f32 v47, v38  }
0x493: {  	v50 =	vld [tilespmem:s1+$0xFFFFFF00];
	v39 =	vadd.f32 v48, v39;
	v48 =	vor.u32 $0x5, v63;
	v44 =	vadd.f32 v53, v44  }
0x494: {  	v53 =	vmul.f32 v56, v58;
	v36 =	vmul.f32 v36, v40;
	v40 =	vld.idx.msk [tilespmem:v61+s6+$0x0], $0xffff;
	v61 =	vor.u32 $0x1, v63  }
0x495: {  	v47 =	vld.idx.msk [tilespmem:v63+s6+$0x0], $0xffff;
	v41 =	vadd.f32 v46, v41;
	v46 =	vmul.f32 v52, v49;
	v45 =	vmul.f32 v45, v49  }
0x496: {  	v59 =	vmul.f32 v59, v58;
	v38 =	vadd.f32 v53, v38;
	v49 =	vld.idx.msk [tilespmem:v62+s6+$0x0], $0xffff;
	v62 =	vor.u32 $0x7, v63  }
0x497: {  	v53 =	vld [tilespmem:s1+$0x0];
	v43 =	vadd.f32 v46, v43;
	v36 =	vadd.f32 v45, v36;
	v45 =	vor.u32 v31, v35  }
0x498: {  	v41 =	vadd.f32 v59, v41;
	v46 =	vld.idx.msk [tilespmem:v48+s6+$0x0], $0xffff;
	v48 =	vor.u32 $0x1, v45;
	v6 =	vmul.f32 v6, v50  }
0x499: {  	v37 =	vadd.f32 v55, v37;
	v55 =	vmul.f32 v57, v58;
	v52 =	vld.idx.msk [tilespmem:v61+s6+$0x0], $0xffff;
	v61 =	vor.u32 $0x6, v63  }
0x49a: {  	v57 =	vor.u32 $0x2, v45;
	v40 =	vmul.f32 v40, v58;
	v6 =	vadd.f32 v6, v41;
	v41 =	vld [tilespmem:s1+$0x100]  }
0x49b: {  	v42 =	vadd.f32 v60, v42;
	v39 =	vadd.f32 v55, v39;
	v55 =	vor.u32 $0x4, v45;
	v60 =	vld.idx.msk [tilespmem:v62+s6+$0x0], $0xffff  }
0x49c: {  	v63 =	vor.u32 $0x6, v45;
	v40 =	vadd.f32 v40, v43;
	v43 =	vld.idx.msk [tilespmem:v45+s6+$0x0], $0xffff  }
0x49d: {  	v54 =	vmul.f32 v54, v58;
	v62 =	vor.u32 $0x5, v45;
	v48 =	vld.idx.msk [tilespmem:v48+s6+$0x0], $0xffff  }
0x49e: {  	v47 =	vmul.f32 v47, v50;
	v56 =	vld.idx.msk [tilespmem:v61+s6+$0x0], $0xffff;
	v61 =	vor.u32 $0x3, v45;
	v52 =	vmul.f32 v52, v50  }
0x49f: {  	v51 =	vmul.f32 v51, v58;
	v8 =	vmul.f32 v8, v50;
	v57 =	vld.idx.msk [tilespmem:v57+s6+$0x0], $0xffff;
	v45 =	vor.u32 $0x7, v45  }
0x4a0: {  	v42 =	vadd.f32 v47, v42;
	v47 =	vld.idx.msk [tilespmem:v55+s6+$0x0], $0xffff;
	v37 =	vadd.f32 v52, v37;
	v52 =	vor.u32 v32, v35  }
0x4a1: {  	v44 =	vadd.f32 v51, v44;
	v46 =	vmul.f32 v46, v50;
	v58 =	vld.idx.msk [tilespmem:v63+s6+$0x0], $0xffff;
	v55 =	vor.u32 $0x1, v52  }
0x4a2: {  	v36 =	vadd.f32 v54, v36;
	v49 =	vmul.f32 v49, v50;
	v54 =	vld.idx.msk [tilespmem:v62+s6+$0x0], $0xffff;
	v59 =	vor.u32 $0x2, v52  }
0x4a3: {  	v8 =	vadd.f32 v8, v39;
	v40 =	vadd.f32 v46, v40;
	v46 =	vor.u32 $0x4, v52;
	v51 =	vld.idx.msk [tilespmem:v61+s6+$0x0], $0xffff  }
0x4a4: {  	v38 =	vadd.f32 v49, v38;
	v43 =	vmul.f32 v43, v53;
	v39 =	vld.idx.msk [tilespmem:v45+s6+$0x0], $0xffff;
	v45 =	vor.u32 $0x3, v52  }
0x4a5: {  	v49 =	vmul.f32 v56, v50;
	v50 =	vmul.f32 v60, v50;
	v60 =	vor.u32 $0x5, v52;
	v56 =	vld.idx.msk [tilespmem:v52+s6+$0x0], $0xffff  }
0x4a6: {  	v48 =	vmul.f32 v48, v53;
	v47 =	vmul.f32 v47, v53;
	v55 =	vld.idx.msk [tilespmem:v55+s6+$0x0], $0xffff  }
0x4a7: {  	v42 =	vadd.f32 v43, v42;
	v61 =	vor.u32 $0x6, v52;
	v44 =	vadd.f32 v49, v44;
	v49 =	vld.idx.msk [tilespmem:v59+s6+$0x0], $0xffff  }
0x4a8: {  	v37 =	vadd.f32 v48, v37;
	v36 =	vadd.f32 v50, v36;
	v50 =	vor.u32 $0x7, v52;
	v46 =	vld.idx.msk [tilespmem:v46+s6+$0x0], $0xffff  }
0x4a9: {  	v6 =	vadd.f32 v47, v6;
	v43 =	vld.idx.msk [tilespmem:v45+s6+$0x0], $0xffff;
	v62 =	vmul.f32 v51, v53;
	v51 =	vor.u32 v33, v35  }
0x4aa: {  	v63 =	vmul.f32 v54, v53;
	v45 =	vmul.f32 v57, v53;
	v54 =	vld.idx.msk [tilespmem:v60+s6+$0x0], $0xffff;
	v57 =	vor.u32 $0x1, v51  }
0x4ab: {  	v52 =	vmul.f32 v58, v53;
	v39 =	vmul.f32 v39, v53;
	v53 =	vld [tilespmem:s1+$0x200];
	v48 =	vor.u32 $0x2, v51  }
0x4ac: {  	v40 =	vadd.f32 v63, v40;
	v58 =	vor.u32 $0x4, v51;
	v38 =	vadd.f32 v45, v38;
	v45 =	vld.idx.msk [tilespmem:v61+s6+$0x0], $0xffff  }
0x4ad: {  	v44 =	vadd.f32 v52, v44;
	v35 =	vor.u32 v34, v35;
	v60 =	vor.u32 $0x5, v51;
	v47 =	vld.idx.msk [tilespmem:v50+s6+$0x0], $0xffff  }
0x4ae: {  	v8 =	vadd.f32 v62, v8;
	v50 =	vor.u32 $0x3, v51;
	v56 =	vmul.f32 v56, v41;
	v59 =	vld.idx.msk [tilespmem:v51+s6+$0x0], $0xffff  }
0x4af: {  	v36 =	vadd.f32 v39, v36;
	v55 =	vmul.f32 v55, v41;
	v61 =	vmul.f32 v49, v41;
	v62 =	vld.idx.msk [tilespmem:v57+s6+$0x0], $0xffff  }
0x4b0: {  	v63 =	vmul.f32 v46, v41;
	v42 =	vadd.f32 v56, v42;
	v56 =	vor.u32 $0x6, v51;
	v48 =	vld.idx.msk [tilespmem:v48+s6+$0x0], $0xffff  }
0x4b1: {  	v37 =	vadd.f32 v55, v37;
	v43 =	vmul.f32 v43, v41;
	v38 =	vadd.f32 v61, v38;
	v52 =	vld.idx.msk [tilespmem:v58+s6+$0x0], $0xffff  }
0x4b2: {  	v51 =	vor.u32 $0x7, v51;
	v57 =	vmul.f32 v54, v41;
	v60 =	vld.idx.msk [tilespmem:v60+s6+$0x0], $0xffff;
	v54 =	vor.u32 $0x1, v35  }
0x4b3: {  	v6 =	vadd.f32 v63, v6;
	v46 =	vld.idx.msk [tilespmem:v50+s6+$0x0], $0xffff;
	v58 =	vmul.f32 v45, v41;
	v41 =	vmul.f32 v47, v41  }
0x4b4: {  	v8 =	vadd.f32 v43, v8;
	v40 =	vadd.f32 v57, v40;
	v57 =	vor.u32 $0x2, v35  }
0x4b5: {  	v39 =	vadd.f32 v58, v44;
	v36 =	vadd.f32 v41, v36;
	v63 =	vld.idx.msk [tilespmem:v56+s6+$0x0], $0xffff;
	v61 =	vmul.f32 v59, v53  }
0x4b6: {  	v44 =	vld [tilespmem:s1+$0x300];
	v59 =	vor.u32 $0x3, v35;
	v62 =	vmul.f32 v62, v53;
	v55 =	vmul.f32 v48, v53  }
0x4b7: {  	v58 =	vmul.f32 v52, v53;
	v45 =	vmul.f32 v60, v53;
	v43 =	vld.idx.msk [tilespmem:v54+s6+$0x0], $0xffff;
	v54 =	vor.u32 $0x980, v1  }
0x4b8: {  	s8 =	sand.u32 $0x8, s3;
	v56 =	vld.idx.msk [tilespmem:v51+s6+$0x0], $0xffff;
	v41 =	vadd.f32 v61, v42;
	v46 =	vmul.f32 v46, v53;
	v37 =	vadd.f32 v62, v37  }
0x4b9: {  	v60 =	vld.idx.msk [tilespmem:v35+s6+$0x0], $0xffff;
	v61 =	vmov s8;
	v38 =	vadd.f32 v55, v38;
	v6 =	vadd.f32 v58, v6  }
0x4ba: {  	v40 =	vadd.f32 v45, v40;
	v62 =	vor.u32 $0x4, v35;
	v48 =	vld.idx.msk [tilespmem:v57+s6+$0x0], $0xffff;
	v57 =	vor.u32 $0x6, v35  }
0x4bb: {  	v58 =	vor.u32 $0x800, v1;
	v8 =	vadd.f32 v46, v8;
	v42 =	vmul.f32 v63, v53  }
0x4bc: {  	s11 =	sand.u32 $0x70, s0;
	v46 =	vshll.u32 v61, $0x7;
	v63 =	vor.u32 $0x5, v35;
	v35 =	vor.u32 $0x7, v35  }
0x4bd: {  	v47 =	vmul.f32 v56, v53;
	v46 =	vor.u32 s11, v46;
	v56 =	vld.idx.msk [tilespmem:v59+s6+$0x0], $0xffff;
	v59 =	vor.u32 $0x880, v1  }
0x4be: {  	v39 =	vadd.f32 v42, v39;
	v46 =	vbroadcast v46, $0x0;
	v45 =	vmul.f32 v60, v44  }
0x4bf: {  	v43 =	vmul.f32 v43, v44;
	v60 =	vor.u32 $0x900, v1;
	v36 =	vadd.f32 v47, v36;
	v49 =	vld.idx.msk [tilespmem:v62+s6+$0x0], $0xffff  }
0x4c0: {  	v47 =	vor.u32 v58, v46;
	v52 =	vor.u32 v59, v46;
	v41 =	vadd.f32 v45, v41;
	v53 =	vld.idx.msk [tilespmem:v57+s6+$0x0], $0xffff  }
0x4c1: {  	v61 =	vmul.f32 v48, v44;
	v37 =	vadd.f32 v43, v37;
	v55 =	vor.u32 v54, v46;
	v62 =	vld.idx.msk [tilespmem:v63+s6+$0x0], $0xffff  }
0x4c2: {  	v58 =	vor.u32 $0xA80, v1;
	v63 =	vor.u32 v60, v46;
	v42 =	vmul.f32 v56, v44  }
0x4c3: {  	v35 =	vld.idx.msk [tilespmem:v35+s6+$0x0], $0xffff;
	v60 =	vor.u32 $0xB00, v1;
	v38 =	vadd.f32 v61, v38;
	v56 =	vor.u32 $0xA00, v1  }
0x4c4: {  	v57 =	vor.u32 v56, v46;
	v8 =	vadd.f32 v42, v8;
	v42 =	vor.u32 v58, v46  }
0x4c5: {  	[tilespmem:v47+s30+$0x0] =	vst.idx.msk $0xffff, v41;
	v59 =	vmul.f32 v49, v44;
	v47 =	vor.u32 v60, v46  }
0x4c6: {  	v43 =	vmul.f32 v53, v44;
	[tilespmem:v52+s30+$0x0] =	vst.idx.msk $0xffff, v37;
	v61 =	vmul.f32 v62, v44;
	v62 =	vor.u32 $0xB80, v1  }
0x4c7: {  	p1 =	sne.s32 s3, $0xF;
	[tilespmem:v63+s30+$0x0] =	vst.idx.msk $0xffff, v38;
	v6 =	vadd.f32 v59, v6;
	v63 =	vor.u32 v62, v46  }
.Ltmp30:
0x4c8: {  	v35 =	vmul.f32 v35, v44;
	v38 =	vadd.f32 v61, v40;
	[tilespmem:v55+s30+$0x0] =	vst.idx.msk $0xffff, v8;
	(pc) =	sbr.rel @p1 .LBB2_50-.Ltmp30, $4  }
0x4c9: {  	v8 =	vadd.f32 v43, v39;
	[tilespmem:v57+s30+$0x0] =	vst.idx.msk $0xffff, v6  }
0x4ca: {  	v6 =	vadd.f32 v35, v36;
	[tilespmem:v42+s30+$0x0] =	vst.idx.msk $0xffff, v38  }
0x4cb: {  	[tilespmem:v47+s30+$0x0] =	vst.idx.msk $0xffff, v8  }
0x4cc: {  	s0 =	sadd.s32 $0x10, s0;
	s3 =	sadd.s32 $0x1, s3;
	s1 =	sadd.s32 $0x10, s1;
	[tilespmem:v63+s30+$0x0] =	vst.idx.msk $0xffff, v6  }
0x4cd: {  	s0 =	rddreg [dreg:$0x12]  }
0x4ce: {  	[hbm4b:s0+s5] =	stream.linear.scatter [tilespmem:s30], [sflag:$0x5], $0x800, $0x38;
	[tilespmem:$0x1F300] =	vst v63  }
0x4cf: {  	_ =	swait.ge [sflag:s17], $0x800  }
0x4d0: {  	[sflag:s17] =	ssyncset.done $0x0  }
0x4d1: {  	s1 =	simm.s32 $0x1EB00;
	s8 =	rddreg [dreg:$0x1d];
	[sflag:s17] =	ssyncadd.s32 $0xFFFFF800  }
0x4d2: {  	[hbm4b:s8+s5] =	stream.linear.scatter [tilespmem:s1], [sflag:$0x5], $0x800, $0x38;
	[tilespmem:$0x1F300] =	vst v63  }
0x4d3: {  	_ =	swait.ge [sflag:s17], $0x800  }
0x4d4: {  	s10 =	sld [smem:$0x7E8];
	_ =	sdelay $0x2  }
0x4d5: {  	s11 =	rddreg [dreg:$0x13];
	s1 =	sadd.s32 $0x1, s10  }
0x4d6: {  	p1 =	sne.s32 s1, s11  }
.Ltmp31:
0x4d7: {  	_ = 	snop;
	(pc) =	sbr.rel @p1 .LBB2_1-.Ltmp31, $3  }
0x4d8: {  	_ =	sdelay $0x1  }
0x4d9: {  	[sflag:s17] =	ssyncset.done $0x0  }
0x4da: {  	v6 =	vimm.f32 $0.0e+00;
	v8 =	vimm.s32 $0xFFFFFFFF;
	[sflag:s17] =	ssyncadd.s32 $0xFFFFF800  }
0x4db: {  	_ =	sfence.sel $0x180000  }
0x4dc: {  	[bflag:$0x0] =	sbarrier.arrive $0xFFFF  }
0x4dd: {  	_ =	strace $0x90000047  }
0x4de: {  	[bflag:$0x2] =	sbarrier.arrive $0xFFFF  }
0x4df: {  	s0 =	rddreg [dreg:$0x4]  }
0x4e0: {  	s0 =	sadd.s32 @!p0 $0x100000, s0  }
0x4e1: {  	[sflag:s0] =	ssyncadd.tile.s32 @!p0 $0x1;
	_ =	shalt  }
.Lfunc_end2:
_tile_overlayer_lowered:
.L_overlay_start_2:
0x4e2: {  	(tag) =	ssettag $0x2  }
0x4e3: {  	s0 =	rddreg [dreg:$0x0];
	s2 =	stileid.u32  }
0x4e4: {  	s1 =	rddreg [dreg:$0x1];
	p0 =	sne.s32 s2, $0x0  }
0x4e5: {  	s3 =	rddreg [dreg:$0x2];
	[bflag:$0x3] =	sbarrier.arrive $0xFFFF;
	s2 =	simm.s32 @!p0 $0x1C05  }
0x4e6: {  	[timem:s3], [sflag:s2] =	dma.local @!p0 [hbm:s0], s1  }
0x4e7: {  	s0 =	simm.s32 @!p0 $0x5  }
0x4e8: {  	_ =	swait.ge @!p0 [sflag:s0], s1  }
0x4e9: {  	s1 =	ssub.s32 @!p0 $0x0, s1;
	[sflag:s0] =	ssyncset.done @!p0 $0x0  }
0x4ea: {  	[sflag:s0] =	ssyncadd.s32 @!p0 s1  }
0x4eb: {  	[bflag:$0x3] =	sbarrier.arrive $0xFFFF  }
0x4ec: {  	_ =	shalt  }

</sc_bundles>
